<compile_context>
chip_gen: v7x
topology: tpu7x:2x2x1
jax: 0.10.2.dev20260603
libtpu: 0.0.44.dev20260713+nightly
codegen_flags: <defaults>
</compile_context>

<pallas_src>
import functools

import jax
import jax.numpy as jnp
from jax import lax
from jax.experimental import pallas as pl
from jax.experimental.pallas import tpu as pltpu
from jax.experimental.pallas import tpu_sc as plsc

_V = 100000
_B = 16384
_L = 50
_NBINS = 1000
_CD = 20
_SD = 10
_UD = 5
_DD = 5
_OD = 40

_PD = 32
_CNTCOL = 20

_NC = 2
_NS = 16
_NW = _NC * _NS
_BPW = _B // _NW
_NSUB = _BPW // 128
_NGRP = _BPW // 16


def _worker(table_ref, tok_ref, sco_ref, ups_ref, dwn_ref,
            stab_ref, utab_ref, dtab_ref, bnd_ref, out_ref,
            tok_v, gbuf, acc, outb, sco_v, ups_v, dwn_v,
            stab_v, utab_v, dtab_v, bnd_v, sem_a, sem_b, sem_c):
    wid = lax.axis_index("s") * _NC + lax.axis_index("c")
    base = wid * _BPW

    pltpu.sync_copy(tok_ref.at[wid], tok_v)
    stage = [
        pltpu.async_copy(stab_ref, stab_v, sem_c),
        pltpu.async_copy(utab_ref, utab_v, sem_c),
        pltpu.async_copy(dtab_ref, dtab_v, sem_c),
        pltpu.async_copy(bnd_ref, bnd_v, sem_c),
        pltpu.async_copy(sco_ref.at[pl.ds(base, _BPW)], sco_v, sem_c),
        pltpu.async_copy(ups_ref.at[pl.ds(base, _BPW)], ups_v, sem_c),
        pltpu.async_copy(dwn_ref.at[pl.ds(base, _BPW)], dwn_v, sem_c),
    ]

    def gather_pos(j, dst, sem):
        return [
            pltpu.async_copy(
                table_ref.at[tok_v.at[j, k]],
                dst.at[pl.ds(k * 128, 128)],
                sem,
            )
            for k in range(_NSUB)
        ]

    def accumulate(p):
        @plsc.parallel_loop(0, _BPW, 1, unroll=16)
        def _(i):
            for m in range(2):
                plsc.addupdate(
                    acc.at[i, pl.ds(m * 16, 16)],
                    gbuf[p, i, pl.ds(m * 16, 16)],
                )

    def wait_pos(sem):
        for k in range(_NSUB):
            pltpu.make_async_copy(
                table_ref.at[tok_v.at[0, k]],
                gbuf.at[0].at[pl.ds(k * 128, 128)],
                sem,
            ).wait()

    for d in gather_pos(0, acc, sem_a):
        d.wait()
    gather_pos(1, gbuf.at[1], sem_b)

    def pos_body(it, _):
        je = 2 * it + 2
        gather_pos(je, gbuf.at[0], sem_a)
        wait_pos(sem_b)
        accumulate(1)
        gather_pos(je + 1, gbuf.at[1], sem_b)
        wait_pos(sem_a)
        accumulate(0)
        return 0

    lax.fori_loop(0, (_L - 2) // 2, pos_body, 0)
    wait_pos(sem_b)
    accumulate(1)
    for d in stage:
        d.wait()

    iota = lax.iota(jnp.int32, 16)
    one = jnp.float32(1.0)

    def lookup(g, x_ref, tab_v, dim, col0, obase):
        x = x_ref[pl.ds(g * 16, 16)]
        t = x * jnp.float32(_NBINS - 1)
        j0 = jnp.clip(t.astype(jnp.int32), 0, _NBINS - 2)
        b0 = plsc.load_gather(bnd_v, [j0])
        b1 = plsc.load_gather(bnd_v, [j0 + 1])
        idx = (j0 + 1
               - (b0 > x).astype(jnp.int32)
               + (b1 <= x).astype(jnp.int32))
        ibase = idx * dim
        for d in range(dim):
            v = plsc.load_gather(tab_v, [ibase + d])
            plsc.store_scatter(outb, [obase + (col0 + d)], v)

    def fin_body(g):
        for r in range(16):
            i = g * 16 + r
            lo = acc[i, pl.ds(0, 16)]
            hi = acc[i, pl.ds(16, 16)]
            cnt = hi[_CNTCOL - 16]
            rv = jnp.broadcast_to(cnt, (16,))
            recip = one / jnp.maximum(rv, one)
            lo = lo * recip
            hi = hi * recip
            outb[pl.ds(i * _OD, 16)] = lo
            outb[pl.ds(i * _OD + 16, 16)] = hi
        obase = (g * 16 + iota) * _OD
        lookup(g, sco_v, stab_v, _SD, _CD, obase)
        lookup(g, ups_v, utab_v, _UD, _CD + _SD, obase)
        lookup(g, dwn_v, dtab_v, _DD, _CD + _SD + _UD, obase)

    plsc.parallel_loop(0, _NGRP, 1, unroll=1)(fin_body)

    pltpu.sync_copy(outb, out_ref.at[pl.ds(base * _OD, _BPW * _OD)])


@jax.jit
def _run(table_p, tokw, score, ups, downs, stab, utab, dtab, bnd):
    mesh = plsc.VectorSubcoreMesh(core_axis_name="c", subcore_axis_name="s")
    f = functools.partial(
        pl.kernel,
        out_type=jax.ShapeDtypeStruct((_B * _OD,), jnp.float32),
        mesh=mesh,
        compiler_params=pltpu.CompilerParams(
            needs_layout_passes=False, use_tc_tiling_on_sc=False),
        scratch_types=[
            pltpu.VMEM((_L, _NSUB, 128), jnp.int32),
            pltpu.VMEM((2, _BPW, _PD), jnp.float32),
            pltpu.VMEM((_BPW, _PD), jnp.float32),
            pltpu.VMEM((_BPW * _OD,), jnp.float32),
            pltpu.VMEM((_BPW,), jnp.float32),
            pltpu.VMEM((_BPW,), jnp.float32),
            pltpu.VMEM((_BPW,), jnp.float32),
            pltpu.VMEM(((_NBINS + 1) * _SD,), jnp.float32),
            pltpu.VMEM(((_NBINS + 1) * _UD,), jnp.float32),
            pltpu.VMEM(((_NBINS + 1) * _DD,), jnp.float32),
            pltpu.VMEM((_NBINS,), jnp.float32),
            pltpu.SemaphoreType.DMA,
            pltpu.SemaphoreType.DMA,
            pltpu.SemaphoreType.DMA,
        ],
    )(_worker)
    return f(table_p, tokw, score, ups, downs, stab, utab, dtab, bnd)


def kernel(tokens, score, ups, downs, comment_table,
           score_table, ups_table, downs_table):
    tokens = tokens.astype(jnp.int32)
    mask_col = (lax.iota(jnp.int32, _V) != 0).astype(jnp.float32)[:, None]
    table_p = jnp.concatenate(
        [
            comment_table.astype(jnp.float32) * mask_col,
            mask_col,
            jnp.zeros((_V, _PD - _CD - 1), jnp.float32),
        ],
        axis=1,
    )
    tokw = (
        tokens.reshape(_NW, _BPW, _L)
        .transpose(0, 2, 1)
        .reshape(_NW, _L, _NSUB, 128)
    )
    bnd = jnp.linspace(0.0, 1.0, _NBINS, dtype=jnp.float32)
    out = _run(table_p, tokw, score.astype(jnp.float32),
               ups.astype(jnp.float32), downs.astype(jnp.float32),
               score_table.astype(jnp.float32).reshape(-1),
               ups_table.astype(jnp.float32).reshape(-1),
               downs_table.astype(jnp.float32).reshape(-1), bnd)
    return out.reshape(_B, _OD)

# --- scband reference (transcript-rebuilt; emitter-appended) ---
"""Pipeline reference for scband-comment-model-51668456571067 (READ-ONLY COPY).

The authoritative reference and input builder live on the scoring server;
editing this copy changes nothing except your own understanding.
"""

import jax, jax.numpy as jnp
import numpy as np

VOCAB = 100000
B = 16384
L = 50
NUM_BINS = 1000
COMMENT_DIM = 20
SCORE_DIM = 10
UPS_DIM = 5
DOWNS_DIM = 5


def setup_inputs(seed: int = 0) -> dict:
    key = jax.random.key(seed)
    ks = jax.random.split(key, 8)
    tokens = jax.random.randint(ks[0], (B, L), 0, VOCAB, dtype=jnp.int64 if jax.config.jax_enable_x64 else jnp.int32)
    score = jax.random.uniform(ks[1], (B,), dtype=jnp.float32)
    ups = jax.random.uniform(ks[2], (B,), dtype=jnp.float32)
    downs = jax.random.uniform(ks[3], (B,), dtype=jnp.float32)
    comment_table = jax.random.normal(ks[4], (VOCAB, COMMENT_DIM), dtype=jnp.float32) * 0.05
    score_table = jax.random.normal(ks[5], (NUM_BINS + 1, SCORE_DIM), dtype=jnp.float32) * 0.05
    ups_table = jax.random.normal(ks[6], (NUM_BINS + 1, UPS_DIM), dtype=jnp.float32) * 0.05
    downs_table = jax.random.normal(ks[7], (NUM_BINS + 1, DOWNS_DIM), dtype=jnp.float32) * 0.05
    return {
        'tokens': tokens,
        'score': score,
        'ups': ups,
        'downs': downs,
        'comment_table': comment_table,
        'score_table': score_table,
        'ups_table': ups_table,
        'downs_table': downs_table,
    }


def _discretize(values, min_v, max_v):
    # tf.keras Discretization with bin_boundaries = linspace(min, max, NUM_BINS):
    # bucket i s.t. boundaries[i-1] <= x < boundaries[i]; x == boundary[j] -> j+1
    buckets = jnp.linspace(min_v, max_v, NUM_BINS)
    return jnp.searchsorted(buckets, values, side='right')


def reference(tokens, score, ups, downs, comment_table, score_table, ups_table, downs_table):
    # TextVectorization+Embedding(mask_zero=True)+GlobalAveragePooling1D:
    # token 0 is the padding/mask token, pooled average over non-masked positions
    emb = jnp.take(comment_table, tokens, axis=0)            # [B, L, 20]
    mask = (tokens != 0).astype(emb.dtype)                   # [B, L]
    summed = jnp.sum(emb * mask[..., None], axis=1)          # [B, 20]
    counts = jnp.maximum(jnp.sum(mask, axis=1, keepdims=True), 1.0)
    _comment = summed / counts

    s_idx = _discretize(score, 0.0, 1.0)
    u_idx = _discretize(ups, 0.0, 1.0)
    d_idx = _discretize(downs, 0.0, 1.0)
    _score = jnp.take(score_table, s_idx, axis=0)            # [B, 10]
    _ups = jnp.take(ups_table, u_idx, axis=0)                # [B, 5]
    _downs = jnp.take(downs_table, d_idx, axis=0)            # [B, 5]

    return jnp.concatenate([_comment, _score, _ups, _downs], axis=1)  # [B, 40]

if __name__ == "__main__":
    import jax
    _d = setup_inputs()
    print(jax.jit(kernel)(*tuple(_d.values())))

</pallas_src>

<mosaic_0001>
#map = affine_map<(d0, d1) -> (0, 0)>
#map1 = affine_map<(d0, d1) -> (0, 0, 0, 0)>
#map2 = affine_map<(d0, d1) -> (0)>
module attributes {stable_mosaic.version = 14 : i64} {
  func.func @_worker(%arg0: i32, %arg1: i32, %arg2: memref<100000x32xf32, #tpu.memory_space<hbm>>, %arg3: memref<32x50x4x128xi32, #tpu.memory_space<hbm>>, %arg4: memref<16384xf32, #tpu.memory_space<hbm>>, %arg5: memref<16384xf32, #tpu.memory_space<hbm>>, %arg6: memref<16384xf32, #tpu.memory_space<hbm>>, %arg7: memref<10010xf32, #tpu.memory_space<hbm>>, %arg8: memref<5005xf32, #tpu.memory_space<hbm>>, %arg9: memref<5005xf32, #tpu.memory_space<hbm>>, %arg10: memref<1000xf32, #tpu.memory_space<hbm>>, %arg11: memref<655360xf32, #tpu.memory_space<hbm>>, %arg12: memref<50x4x128xi32, #tpu.memory_space<vmem>>, %arg13: memref<2x512x32xf32, #tpu.memory_space<vmem>>, %arg14: memref<512x32xf32, #tpu.memory_space<vmem>>, %arg15: memref<20480xf32, #tpu.memory_space<vmem>>, %arg16: memref<512xf32, #tpu.memory_space<vmem>>, %arg17: memref<512xf32, #tpu.memory_space<vmem>>, %arg18: memref<512xf32, #tpu.memory_space<vmem>>, %arg19: memref<10010xf32, #tpu.memory_space<vmem>>, %arg20: memref<5005xf32, #tpu.memory_space<vmem>>, %arg21: memref<5005xf32, #tpu.memory_space<vmem>>, %arg22: memref<1000xf32, #tpu.memory_space<vmem>>, %arg23: memref<!tpu.dma_semaphore, #tpu.memory_space<semaphore_mem>>, %arg24: memref<!tpu.dma_semaphore, #tpu.memory_space<semaphore_mem>>, %arg25: memref<!tpu.dma_semaphore, #tpu.memory_space<semaphore_mem>>) attributes {dimension_semantics = [#tpu.dimension_semantics<core_parallel>, #tpu.dimension_semantics<subcore_parallel>], iteration_bounds = array<i64: 2, 16>, scalar_prefetch = 0 : i64, scratch_operands = 14 : i64, tpu.core_type = #tpu.core_type<sc_vector_subcore>, window_params = [{transform_indices = #map}, {transform_indices = #map1}, {transform_indices = #map2}, {transform_indices = #map2}, {transform_indices = #map2}, {transform_indices = #map2}, {transform_indices = #map2}, {transform_indices = #map2}, {transform_indices = #map2}, {transform_indices = #map2}]} {
    %mul3A = arith.constant 2 : i32
    %mul3A_0 = arith.muli %arg1, %mul3A : i32
    %add3A = arith.addi %mul3A_0, %arg0 : i32
    %mul3A_1 = arith.constant 512 : i32
    %mul3A_2 = arith.muli %add3A, %mul3A_1 : i32
    "tpu.region"() ({
      %run_scoped3A = tpu.sem_alloc : memref<!tpu.dma_semaphore, #tpu.memory_space<semaphore_mem>>
      %dma_start3A_243 = arith.constant 0 : i32
      %dma_start3A_244 = arith.constant 0 : i32
      %dma_start3A_245 = arith.constant 0 : i32
      %dma_start3A_246 = tpu.memref_slice %arg3[%add3A, %dma_start3A_243, %dma_start3A_244, %dma_start3A_245] : memref<32x50x4x128xi32, #tpu.memory_space<hbm>> -> memref<1x50x4x128xi32, #tpu.memory_space<hbm>>
      %dma_start3A_247 = tpu.memref_squeeze %dma_start3A_246 : memref<1x50x4x128xi32, #tpu.memory_space<hbm>> -> memref<50x4x128xi32, #tpu.memory_space<hbm>>
      %dma_start3A_248 = arith.constant 0 : i32
      %dma_start3A_249 = arith.constant 0 : i32
      %dma_start3A_250 = arith.constant 0 : i32
      %dma_start3A_251 = tpu.memref_slice %arg3[%add3A, %dma_start3A_248, %dma_start3A_249, %dma_start3A_250] : memref<32x50x4x128xi32, #tpu.memory_space<hbm>> -> memref<1x50x4x128xi32, #tpu.memory_space<hbm>>
      %dma_start3A_252 = tpu.memref_squeeze %dma_start3A_251 : memref<1x50x4x128xi32, #tpu.memory_space<hbm>> -> memref<50x4x128xi32, #tpu.memory_space<hbm>>
      tpu.enqueue_dma source(%dma_start3A_252 : memref<50x4x128xi32, #tpu.memory_space<hbm>>) target(%arg12 : memref<50x4x128xi32, #tpu.memory_space<vmem>>) target_semaphore(%run_scoped3A : memref<!tpu.dma_semaphore, #tpu.memory_space<semaphore_mem>>)
      %dma_wait3A_253 = arith.constant 0 : i32
      %dma_wait3A_254 = arith.constant 0 : i32
      %dma_wait3A_255 = arith.constant 0 : i32
      %dma_wait3A_256 = tpu.memref_slice %arg3[%add3A, %dma_wait3A_253, %dma_wait3A_254, %dma_wait3A_255] : memref<32x50x4x128xi32, #tpu.memory_space<hbm>> -> memref<1x50x4x128xi32, #tpu.memory_space<hbm>>
      %dma_wait3A_257 = tpu.memref_squeeze %dma_wait3A_256 : memref<1x50x4x128xi32, #tpu.memory_space<hbm>> -> memref<50x4x128xi32, #tpu.memory_space<hbm>>
      %dma_wait3A_258 = arith.constant 0 : i32
      %dma_wait3A_259 = arith.constant 0 : i32
      %dma_wait3A_260 = arith.constant 0 : i32
      %dma_wait3A_261 = tpu.memref_slice %arg3[%add3A, %dma_wait3A_258, %dma_wait3A_259, %dma_wait3A_260] : memref<32x50x4x128xi32, #tpu.memory_space<hbm>> -> memref<1x50x4x128xi32, #tpu.memory_space<hbm>>
      %dma_wait3A_262 = tpu.memref_squeeze %dma_wait3A_261 : memref<1x50x4x128xi32, #tpu.memory_space<hbm>> -> memref<50x4x128xi32, #tpu.memory_space<hbm>>
      tpu.wait_dma2 semaphore(%run_scoped3A : memref<!tpu.dma_semaphore, #tpu.memory_space<semaphore_mem>>) src(%dma_wait3A_262 : memref<50x4x128xi32, #tpu.memory_space<hbm>>) dst(%arg12 : memref<50x4x128xi32, #tpu.memory_space<vmem>>)
      tpu.yield
    }) : () -> ()
    tpu.enqueue_dma source(%arg7 : memref<10010xf32, #tpu.memory_space<hbm>>) target(%arg19 : memref<10010xf32, #tpu.memory_space<vmem>>) target_semaphore(%arg25 : memref<!tpu.dma_semaphore, #tpu.memory_space<semaphore_mem>>)
    tpu.enqueue_dma source(%arg8 : memref<5005xf32, #tpu.memory_space<hbm>>) target(%arg20 : memref<5005xf32, #tpu.memory_space<vmem>>) target_semaphore(%arg25 : memref<!tpu.dma_semaphore, #tpu.memory_space<semaphore_mem>>)
    tpu.enqueue_dma source(%arg9 : memref<5005xf32, #tpu.memory_space<hbm>>) target(%arg21 : memref<5005xf32, #tpu.memory_space<vmem>>) target_semaphore(%arg25 : memref<!tpu.dma_semaphore, #tpu.memory_space<semaphore_mem>>)
    tpu.enqueue_dma source(%arg10 : memref<1000xf32, #tpu.memory_space<hbm>>) target(%arg22 : memref<1000xf32, #tpu.memory_space<vmem>>) target_semaphore(%arg25 : memref<!tpu.dma_semaphore, #tpu.memory_space<semaphore_mem>>)
    %dma_start3A = tpu.memref_slice %arg4[%mul3A_2] : memref<16384xf32, #tpu.memory_space<hbm>> -> memref<512xf32, #tpu.memory_space<hbm>>
    %dma_start3A_3 = tpu.memref_slice %arg4[%mul3A_2] : memref<16384xf32, #tpu.memory_space<hbm>> -> memref<512xf32, #tpu.memory_space<hbm>>
    tpu.enqueue_dma source(%dma_start3A_3 : memref<512xf32, #tpu.memory_space<hbm>>) target(%arg16 : memref<512xf32, #tpu.memory_space<vmem>>) target_semaphore(%arg25 : memref<!tpu.dma_semaphore, #tpu.memory_space<semaphore_mem>>)
    %dma_start3A_4 = tpu.memref_slice %arg5[%mul3A_2] : memref<16384xf32, #tpu.memory_space<hbm>> -> memref<512xf32, #tpu.memory_space<hbm>>
    %dma_start3A_5 = tpu.memref_slice %arg5[%mul3A_2] : memref<16384xf32, #tpu.memory_space<hbm>> -> memref<512xf32, #tpu.memory_space<hbm>>
    tpu.enqueue_dma source(%dma_start3A_5 : memref<512xf32, #tpu.memory_space<hbm>>) target(%arg17 : memref<512xf32, #tpu.memory_space<vmem>>) target_semaphore(%arg25 : memref<!tpu.dma_semaphore, #tpu.memory_space<semaphore_mem>>)
    %dma_start3A_6 = tpu.memref_slice %arg6[%mul3A_2] : memref<16384xf32, #tpu.memory_space<hbm>> -> memref<512xf32, #tpu.memory_space<hbm>>
    %dma_start3A_7 = tpu.memref_slice %arg6[%mul3A_2] : memref<16384xf32, #tpu.memory_space<hbm>> -> memref<512xf32, #tpu.memory_space<hbm>>
    tpu.enqueue_dma source(%dma_start3A_7 : memref<512xf32, #tpu.memory_space<hbm>>) target(%arg18 : memref<512xf32, #tpu.memory_space<vmem>>) target_semaphore(%arg25 : memref<!tpu.dma_semaphore, #tpu.memory_space<semaphore_mem>>)
    %dma_start3A_8 = arith.constant 0 : i32
    %dma_start3A_9 = arith.constant 0 : i32
    %dma_start3A_10 = arith.constant 0 : i32
    %dma_start3A_11 = arith.constant 0 : i32
    %dma_start3A_12 = tpu.memref_slice %arg14[%dma_start3A_10, %dma_start3A_11] : memref<512x32xf32, #tpu.memory_space<vmem>> -> memref<128x32xf32, #tpu.memory_space<vmem>>
    %dma_start3A_13 = arith.constant 0 : i32
    %dma_start3A_14 = tpu.memref_slice %arg12[%dma_start3A_8, %dma_start3A_9, %dma_start3A_13] : memref<50x4x128xi32, #tpu.memory_space<vmem>> -> memref<1x1x128xi32, #tpu.memory_space<vmem>>
    %dma_start3A_15 = tpu.memref_squeeze %dma_start3A_14 : memref<1x1x128xi32, #tpu.memory_space<vmem>> -> memref<128xi32, #tpu.memory_space<vmem>>
    %dma_start3A_16 = arith.constant 0 : i32
    %dma_start3A_17 = arith.constant 0 : i32
    %dma_start3A_18 = tpu.memref_slice %arg2[%dma_start3A_16, %dma_start3A_17] : memref<100000x32xf32, #tpu.memory_space<hbm>> -> memref<100000x32xf32, #tpu.memory_space<hbm>>
    tpu.enqueue_indirect_dma source(%dma_start3A_18 : memref<100000x32xf32, #tpu.memory_space<hbm>>) target(%dma_start3A_12 : memref<128x32xf32, #tpu.memory_space<vmem>>) offsets(%dma_start3A_15 : memref<128xi32, #tpu.memory_space<vmem>>) semaphore(%arg23 : memref<!tpu.dma_semaphore, #tpu.memory_space<semaphore_mem>>)
    %dma_start3A_19 = arith.constant 0 : i32
    %dma_start3A_20 = arith.constant 1 : i32
    %dma_start3A_21 = arith.constant 128 : i32
    %dma_start3A_22 = arith.constant 0 : i32
    %dma_start3A_23 = tpu.memref_slice %arg14[%dma_start3A_21, %dma_start3A_22] : memref<512x32xf32, #tpu.memory_space<vmem>> -> memref<128x32xf32, #tpu.memory_space<vmem>>
    %dma_start3A_24 = arith.constant 0 : i32
    %dma_start3A_25 = tpu.memref_slice %arg12[%dma_start3A_19, %dma_start3A_20, %dma_start3A_24] : memref<50x4x128xi32, #tpu.memory_space<vmem>> -> memref<1x1x128xi32, #tpu.memory_space<vmem>>
    %dma_start3A_26 = tpu.memref_squeeze %dma_start3A_25 : memref<1x1x128xi32, #tpu.memory_space<vmem>> -> memref<128xi32, #tpu.memory_space<vmem>>
    %dma_start3A_27 = arith.constant 0 : i32
    %dma_start3A_28 = arith.constant 0 : i32
    %dma_start3A_29 = tpu.memref_slice %arg2[%dma_start3A_27, %dma_start3A_28] : memref<100000x32xf32, #tpu.memory_space<hbm>> -> memref<100000x32xf32, #tpu.memory_space<hbm>>
    tpu.enqueue_indirect_dma source(%dma_start3A_29 : memref<100000x32xf32, #tpu.memory_space<hbm>>) target(%dma_start3A_23 : memref<128x32xf32, #tpu.memory_space<vmem>>) offsets(%dma_start3A_26 : memref<128xi32, #tpu.memory_space<vmem>>) semaphore(%arg23 : memref<!tpu.dma_semaphore, #tpu.memory_space<semaphore_mem>>)
    %dma_start3A_30 = arith.constant 0 : i32
    %dma_start3A_31 = arith.constant 2 : i32
    %dma_start3A_32 = arith.constant 256 : i32
    %dma_start3A_33 = arith.constant 0 : i32
    %dma_start3A_34 = tpu.memref_slice %arg14[%dma_start3A_32, %dma_start3A_33] : memref<512x32xf32, #tpu.memory_space<vmem>> -> memref<128x32xf32, #tpu.memory_space<vmem>>
    %dma_start3A_35 = arith.constant 0 : i32
    %dma_start3A_36 = tpu.memref_slice %arg12[%dma_start3A_30, %dma_start3A_31, %dma_start3A_35] : memref<50x4x128xi32, #tpu.memory_space<vmem>> -> memref<1x1x128xi32, #tpu.memory_space<vmem>>
    %dma_start3A_37 = tpu.memref_squeeze %dma_start3A_36 : memref<1x1x128xi32, #tpu.memory_space<vmem>> -> memref<128xi32, #tpu.memory_space<vmem>>
    %dma_start3A_38 = arith.constant 0 : i32
    %dma_start3A_39 = arith.constant 0 : i32
    %dma_start3A_40 = tpu.memref_slice %arg2[%dma_start3A_38, %dma_start3A_39] : memref<100000x32xf32, #tpu.memory_space<hbm>> -> memref<100000x32xf32, #tpu.memory_space<hbm>>
    tpu.enqueue_indirect_dma source(%dma_start3A_40 : memref<100000x32xf32, #tpu.memory_space<hbm>>) target(%dma_start3A_34 : memref<128x32xf32, #tpu.memory_space<vmem>>) offsets(%dma_start3A_37 : memref<128xi32, #tpu.memory_space<vmem>>) semaphore(%arg23 : memref<!tpu.dma_semaphore, #tpu.memory_space<semaphore_mem>>)
    %dma_start3A_41 = arith.constant 0 : i32
    %dma_start3A_42 = arith.constant 3 : i32
    %dma_start3A_43 = arith.constant 384 : i32
    %dma_start3A_44 = arith.constant 0 : i32
    %dma_start3A_45 = tpu.memref_slice %arg14[%dma_start3A_43, %dma_start3A_44] : memref<512x32xf32, #tpu.memory_space<vmem>> -> memref<128x32xf32, #tpu.memory_space<vmem>>
    %dma_start3A_46 = arith.constant 0 : i32
    %dma_start3A_47 = tpu.memref_slice %arg12[%dma_start3A_41, %dma_start3A_42, %dma_start3A_46] : memref<50x4x128xi32, #tpu.memory_space<vmem>> -> memref<1x1x128xi32, #tpu.memory_space<vmem>>
    %dma_start3A_48 = tpu.memref_squeeze %dma_start3A_47 : memref<1x1x128xi32, #tpu.memory_space<vmem>> -> memref<128xi32, #tpu.memory_space<vmem>>
    %dma_start3A_49 = arith.constant 0 : i32
    %dma_start3A_50 = arith.constant 0 : i32
    %dma_start3A_51 = tpu.memref_slice %arg2[%dma_start3A_49, %dma_start3A_50] : memref<100000x32xf32, #tpu.memory_space<hbm>> -> memref<100000x32xf32, #tpu.memory_space<hbm>>
    tpu.enqueue_indirect_dma source(%dma_start3A_51 : memref<100000x32xf32, #tpu.memory_space<hbm>>) target(%dma_start3A_45 : memref<128x32xf32, #tpu.memory_space<vmem>>) offsets(%dma_start3A_48 : memref<128xi32, #tpu.memory_space<vmem>>) semaphore(%arg23 : memref<!tpu.dma_semaphore, #tpu.memory_space<semaphore_mem>>)
    %dma_wait3A = arith.constant 0 : i32
    %dma_wait3A_52 = arith.constant 0 : i32
    %dma_wait3A_53 = arith.constant 0 : i32
    %dma_wait3A_54 = arith.constant 0 : i32
    %dma_wait3A_55 = tpu.memref_slice %arg14[%dma_wait3A_53, %dma_wait3A_54] : memref<512x32xf32, #tpu.memory_space<vmem>> -> memref<128x32xf32, #tpu.memory_space<vmem>>
    %dma_wait3A_56 = arith.constant 0 : i32
    %dma_wait3A_57 = tpu.memref_slice %arg12[%dma_wait3A, %dma_wait3A_52, %dma_wait3A_56] : memref<50x4x128xi32, #tpu.memory_space<vmem>> -> memref<1x1x128xi32, #tpu.memory_space<vmem>>
    %dma_wait3A_58 = tpu.memref_squeeze %dma_wait3A_57 : memref<1x1x128xi32, #tpu.memory_space<vmem>> -> memref<128xi32, #tpu.memory_space<vmem>>
    %dma_wait3A_59 = arith.constant 0 : i32
    %dma_wait3A_60 = arith.constant 0 : i32
    %dma_wait3A_61 = tpu.memref_slice %arg2[%dma_wait3A_59, %dma_wait3A_60] : memref<100000x32xf32, #tpu.memory_space<hbm>> -> memref<100000x32xf32, #tpu.memory_space<hbm>>
    tpu.wait_indirect_dma semaphore(%arg23 : memref<!tpu.dma_semaphore, #tpu.memory_space<semaphore_mem>>) src(%dma_wait3A_61 : memref<100000x32xf32, #tpu.memory_space<hbm>>) dst(%dma_wait3A_55 : memref<128x32xf32, #tpu.memory_space<vmem>>)
    %dma_wait3A_62 = arith.constant 0 : i32
    %dma_wait3A_63 = arith.constant 1 : i32
    %dma_wait3A_64 = arith.constant 128 : i32
    %dma_wait3A_65 = arith.constant 0 : i32
    %dma_wait3A_66 = tpu.memref_slice %arg14[%dma_wait3A_64, %dma_wait3A_65] : memref<512x32xf32, #tpu.memory_space<vmem>> -> memref<128x32xf32, #tpu.memory_space<vmem>>
    %dma_wait3A_67 = arith.constant 0 : i32
    %dma_wait3A_68 = tpu.memref_slice %arg12[%dma_wait3A_62, %dma_wait3A_63, %dma_wait3A_67] : memref<50x4x128xi32, #tpu.memory_space<vmem>> -> memref<1x1x128xi32, #tpu.memory_space<vmem>>
    %dma_wait3A_69 = tpu.memref_squeeze %dma_wait3A_68 : memref<1x1x128xi32, #tpu.memory_space<vmem>> -> memref<128xi32, #tpu.memory_space<vmem>>
    %dma_wait3A_70 = arith.constant 0 : i32
    %dma_wait3A_71 = arith.constant 0 : i32
    %dma_wait3A_72 = tpu.memref_slice %arg2[%dma_wait3A_70, %dma_wait3A_71] : memref<100000x32xf32, #tpu.memory_space<hbm>> -> memref<100000x32xf32, #tpu.memory_space<hbm>>
    tpu.wait_indirect_dma semaphore(%arg23 : memref<!tpu.dma_semaphore, #tpu.memory_space<semaphore_mem>>) src(%dma_wait3A_72 : memref<100000x32xf32, #tpu.memory_space<hbm>>) dst(%dma_wait3A_66 : memref<128x32xf32, #tpu.memory_space<vmem>>)
    %dma_wait3A_73 = arith.constant 0 : i32
    %dma_wait3A_74 = arith.constant 2 : i32
    %dma_wait3A_75 = arith.constant 256 : i32
    %dma_wait3A_76 = arith.constant 0 : i32
    %dma_wait3A_77 = tpu.memref_slice %arg14[%dma_wait3A_75, %dma_wait3A_76] : memref<512x32xf32, #tpu.memory_space<vmem>> -> memref<128x32xf32, #tpu.memory_space<vmem>>
    %dma_wait3A_78 = arith.constant 0 : i32
    %dma_wait3A_79 = tpu.memref_slice %arg12[%dma_wait3A_73, %dma_wait3A_74, %dma_wait3A_78] : memref<50x4x128xi32, #tpu.memory_space<vmem>> -> memref<1x1x128xi32, #tpu.memory_space<vmem>>
    %dma_wait3A_80 = tpu.memref_squeeze %dma_wait3A_79 : memref<1x1x128xi32, #tpu.memory_space<vmem>> -> memref<128xi32, #tpu.memory_space<vmem>>
    %dma_wait3A_81 = arith.constant 0 : i32
    %dma_wait3A_82 = arith.constant 0 : i32
    %dma_wait3A_83 = tpu.memref_slice %arg2[%dma_wait3A_81, %dma_wait3A_82] : memref<100000x32xf32, #tpu.memory_space<hbm>> -> memref<100000x32xf32, #tpu.memory_space<hbm>>
    tpu.wait_indirect_dma semaphore(%arg23 : memref<!tpu.dma_semaphore, #tpu.memory_space<semaphore_mem>>) src(%dma_wait3A_83 : memref<100000x32xf32, #tpu.memory_space<hbm>>) dst(%dma_wait3A_77 : memref<128x32xf32, #tpu.memory_space<vmem>>)
    %dma_wait3A_84 = arith.constant 0 : i32
    %dma_wait3A_85 = arith.constant 3 : i32
    %dma_wait3A_86 = arith.constant 384 : i32
    %dma_wait3A_87 = arith.constant 0 : i32
    %dma_wait3A_88 = tpu.memref_slice %arg14[%dma_wait3A_86, %dma_wait3A_87] : memref<512x32xf32, #tpu.memory_space<vmem>> -> memref<128x32xf32, #tpu.memory_space<vmem>>
    %dma_wait3A_89 = arith.constant 0 : i32
    %dma_wait3A_90 = tpu.memref_slice %arg12[%dma_wait3A_84, %dma_wait3A_85, %dma_wait3A_89] : memref<50x4x128xi32, #tpu.memory_space<vmem>> -> memref<1x1x128xi32, #tpu.memory_space<vmem>>
    %dma_wait3A_91 = tpu.memref_squeeze %dma_wait3A_90 : memref<1x1x128xi32, #tpu.memory_space<vmem>> -> memref<128xi32, #tpu.memory_space<vmem>>
    %dma_wait3A_92 = arith.constant 0 : i32
    %dma_wait3A_93 = arith.constant 0 : i32
    %dma_wait3A_94 = tpu.memref_slice %arg2[%dma_wait3A_92, %dma_wait3A_93] : memref<100000x32xf32, #tpu.memory_space<hbm>> -> memref<100000x32xf32, #tpu.memory_space<hbm>>
    tpu.wait_indirect_dma semaphore(%arg23 : memref<!tpu.dma_semaphore, #tpu.memory_space<semaphore_mem>>) src(%dma_wait3A_94 : memref<100000x32xf32, #tpu.memory_space<hbm>>) dst(%dma_wait3A_88 : memref<128x32xf32, #tpu.memory_space<vmem>>)
    %dma_start3A_95 = arith.constant 1 : i32
    %dma_start3A_96 = arith.constant 0 : i32
    %dma_start3A_97 = arith.constant 1 : i32
    %dma_start3A_98 = arith.constant 0 : i32
    %dma_start3A_99 = arith.constant 0 : i32
    %dma_start3A_100 = tpu.memref_slice %arg13[%dma_start3A_97, %dma_start3A_98, %dma_start3A_99] : memref<2x512x32xf32, #tpu.memory_space<vmem>> -> memref<1x512x32xf32, #tpu.memory_space<vmem>>
    %dma_start3A_101 = tpu.memref_squeeze %dma_start3A_100 : memref<1x512x32xf32, #tpu.memory_space<vmem>> -> memref<512x32xf32, #tpu.memory_space<vmem>>
    %dma_start3A_102 = arith.constant 0 : i32
    %dma_start3A_103 = arith.constant 0 : i32
    %dma_start3A_104 = tpu.memref_slice %dma_start3A_101[%dma_start3A_102, %dma_start3A_103] : memref<512x32xf32, #tpu.memory_space<vmem>> -> memref<128x32xf32, #tpu.memory_space<vmem>>
    %dma_start3A_105 = arith.constant 0 : i32
    %dma_start3A_106 = tpu.memref_slice %arg12[%dma_start3A_95, %dma_start3A_96, %dma_start3A_105] : memref<50x4x128xi32, #tpu.memory_space<vmem>> -> memref<1x1x128xi32, #tpu.memory_space<vmem>>
    %dma_start3A_107 = tpu.memref_squeeze %dma_start3A_106 : memref<1x1x128xi32, #tpu.memory_space<vmem>> -> memref<128xi32, #tpu.memory_space<vmem>>
    %dma_start3A_108 = arith.constant 0 : i32
    %dma_start3A_109 = arith.constant 0 : i32
    %dma_start3A_110 = tpu.memref_slice %arg2[%dma_start3A_108, %dma_start3A_109] : memref<100000x32xf32, #tpu.memory_space<hbm>> -> memref<100000x32xf32, #tpu.memory_space<hbm>>
    tpu.enqueue_indirect_dma source(%dma_start3A_110 : memref<100000x32xf32, #tpu.memory_space<hbm>>) target(%dma_start3A_104 : memref<128x32xf32, #tpu.memory_space<vmem>>) offsets(%dma_start3A_107 : memref<128xi32, #tpu.memory_space<vmem>>) semaphore(%arg24 : memref<!tpu.dma_semaphore, #tpu.memory_space<semaphore_mem>>)
    %dma_start3A_111 = arith.constant 1 : i32
    %dma_start3A_112 = arith.constant 1 : i32
    %dma_start3A_113 = arith.constant 1 : i32
    %dma_start3A_114 = arith.constant 0 : i32
    %dma_start3A_115 = arith.constant 0 : i32
    %dma_start3A_116 = tpu.memref_slice %arg13[%dma_start3A_113, %dma_start3A_114, %dma_start3A_115] : memref<2x512x32xf32, #tpu.memory_space<vmem>> -> memref<1x512x32xf32, #tpu.memory_space<vmem>>
    %dma_start3A_117 = tpu.memref_squeeze %dma_start3A_116 : memref<1x512x32xf32, #tpu.memory_space<vmem>> -> memref<512x32xf32, #tpu.memory_space<vmem>>
    %dma_start3A_118 = arith.constant 128 : i32
    %dma_start3A_119 = arith.constant 0 : i32
    %dma_start3A_120 = tpu.memref_slice %dma_start3A_117[%dma_start3A_118, %dma_start3A_119] : memref<512x32xf32, #tpu.memory_space<vmem>> -> memref<128x32xf32, #tpu.memory_space<vmem>>
    %dma_start3A_121 = arith.constant 0 : i32
    %dma_start3A_122 = tpu.memref_slice %arg12[%dma_start3A_111, %dma_start3A_112, %dma_start3A_121] : memref<50x4x128xi32, #tpu.memory_space<vmem>> -> memref<1x1x128xi32, #tpu.memory_space<vmem>>
    %dma_start3A_123 = tpu.memref_squeeze %dma_start3A_122 : memref<1x1x128xi32, #tpu.memory_space<vmem>> -> memref<128xi32, #tpu.memory_space<vmem>>
    %dma_start3A_124 = arith.constant 0 : i32
    %dma_start3A_125 = arith.constant 0 : i32
    %dma_start3A_126 = tpu.memref_slice %arg2[%dma_start3A_124, %dma_start3A_125] : memref<100000x32xf32, #tpu.memory_space<hbm>> -> memref<100000x32xf32, #tpu.memory_space<hbm>>
    tpu.enqueue_indirect_dma source(%dma_start3A_126 : memref<100000x32xf32, #tpu.memory_space<hbm>>) target(%dma_start3A_120 : memref<128x32xf32, #tpu.memory_space<vmem>>) offsets(%dma_start3A_123 : memref<128xi32, #tpu.memory_space<vmem>>) semaphore(%arg24 : memref<!tpu.dma_semaphore, #tpu.memory_space<semaphore_mem>>)
    %dma_start3A_127 = arith.constant 1 : i32
    %dma_start3A_128 = arith.constant 2 : i32
    %dma_start3A_129 = arith.constant 1 : i32
    %dma_start3A_130 = arith.constant 0 : i32
    %dma_start3A_131 = arith.constant 0 : i32
    %dma_start3A_132 = tpu.memref_slice %arg13[%dma_start3A_129, %dma_start3A_130, %dma_start3A_131] : memref<2x512x32xf32, #tpu.memory_space<vmem>> -> memref<1x512x32xf32, #tpu.memory_space<vmem>>
    %dma_start3A_133 = tpu.memref_squeeze %dma_start3A_132 : memref<1x512x32xf32, #tpu.memory_space<vmem>> -> memref<512x32xf32, #tpu.memory_space<vmem>>
    %dma_start3A_134 = arith.constant 256 : i32
    %dma_start3A_135 = arith.constant 0 : i32
    %dma_start3A_136 = tpu.memref_slice %dma_start3A_133[%dma_start3A_134, %dma_start3A_135] : memref<512x32xf32, #tpu.memory_space<vmem>> -> memref<128x32xf32, #tpu.memory_space<vmem>>
    %dma_start3A_137 = arith.constant 0 : i32
    %dma_start3A_138 = tpu.memref_slice %arg12[%dma_start3A_127, %dma_start3A_128, %dma_start3A_137] : memref<50x4x128xi32, #tpu.memory_space<vmem>> -> memref<1x1x128xi32, #tpu.memory_space<vmem>>
    %dma_start3A_139 = tpu.memref_squeeze %dma_start3A_138 : memref<1x1x128xi32, #tpu.memory_space<vmem>> -> memref<128xi32, #tpu.memory_space<vmem>>
    %dma_start3A_140 = arith.constant 0 : i32
    %dma_start3A_141 = arith.constant 0 : i32
    %dma_start3A_142 = tpu.memref_slice %arg2[%dma_start3A_140, %dma_start3A_141] : memref<100000x32xf32, #tpu.memory_space<hbm>> -> memref<100000x32xf32, #tpu.memory_space<hbm>>
    tpu.enqueue_indirect_dma source(%dma_start3A_142 : memref<100000x32xf32, #tpu.memory_space<hbm>>) target(%dma_start3A_136 : memref<128x32xf32, #tpu.memory_space<vmem>>) offsets(%dma_start3A_139 : memref<128xi32, #tpu.memory_space<vmem>>) semaphore(%arg24 : memref<!tpu.dma_semaphore, #tpu.memory_space<semaphore_mem>>)
    %dma_start3A_143 = arith.constant 1 : i32
    %dma_start3A_144 = arith.constant 3 : i32
    %dma_start3A_145 = arith.constant 1 : i32
    %dma_start3A_146 = arith.constant 0 : i32
    %dma_start3A_147 = arith.constant 0 : i32
    %dma_start3A_148 = tpu.memref_slice %arg13[%dma_start3A_145, %dma_start3A_146, %dma_start3A_147] : memref<2x512x32xf32, #tpu.memory_space<vmem>> -> memref<1x512x32xf32, #tpu.memory_space<vmem>>
    %dma_start3A_149 = tpu.memref_squeeze %dma_start3A_148 : memref<1x512x32xf32, #tpu.memory_space<vmem>> -> memref<512x32xf32, #tpu.memory_space<vmem>>
    %dma_start3A_150 = arith.constant 384 : i32
    %dma_start3A_151 = arith.constant 0 : i32
    %dma_start3A_152 = tpu.memref_slice %dma_start3A_149[%dma_start3A_150, %dma_start3A_151] : memref<512x32xf32, #tpu.memory_space<vmem>> -> memref<128x32xf32, #tpu.memory_space<vmem>>
    %dma_start3A_153 = arith.constant 0 : i32
    %dma_start3A_154 = tpu.memref_slice %arg12[%dma_start3A_143, %dma_start3A_144, %dma_start3A_153] : memref<50x4x128xi32, #tpu.memory_space<vmem>> -> memref<1x1x128xi32, #tpu.memory_space<vmem>>
    %dma_start3A_155 = tpu.memref_squeeze %dma_start3A_154 : memref<1x1x128xi32, #tpu.memory_space<vmem>> -> memref<128xi32, #tpu.memory_space<vmem>>
    %dma_start3A_156 = arith.constant 0 : i32
    %dma_start3A_157 = arith.constant 0 : i32
    %dma_start3A_158 = tpu.memref_slice %arg2[%dma_start3A_156, %dma_start3A_157] : memref<100000x32xf32, #tpu.memory_space<hbm>> -> memref<100000x32xf32, #tpu.memory_space<hbm>>
    tpu.enqueue_indirect_dma source(%dma_start3A_158 : memref<100000x32xf32, #tpu.memory_space<hbm>>) target(%dma_start3A_152 : memref<128x32xf32, #tpu.memory_space<vmem>>) offsets(%dma_start3A_155 : memref<128xi32, #tpu.memory_space<vmem>>) semaphore(%arg24 : memref<!tpu.dma_semaphore, #tpu.memory_space<semaphore_mem>>)
    %scan3A = arith.constant 0 : i32
    %scan3A_159 = arith.constant 0 : i32
    %scan3A_160 = arith.constant 24 : i32
    %scan3A_161 = arith.addi %scan3A_159, %scan3A_160 : i32
    %scan3A_162 = arith.constant 1 : i32
    %scan3A_163 = scf.for %scan3A_243 = %scan3A_159 to %scan3A_161 step %scan3A_162 iter_args(%scan3A_244 = %scan3A) -> (i32)  : i32 {
      %mul3A_245 = arith.constant 2 : i32
      %mul3A_246 = arith.muli %mul3A_245, %scan3A_243 : i32
      %add3A_247 = arith.constant 2 : i32
      %add3A_248 = arith.addi %mul3A_246, %add3A_247 : i32
      %dma_start3A_249 = arith.constant 0 : i32
      %dma_start3A_250 = arith.constant 0 : i32
      %dma_start3A_251 = arith.constant 0 : i32
      %dma_start3A_252 = arith.constant 0 : i32
      %dma_start3A_253 = tpu.memref_slice %arg13[%dma_start3A_250, %dma_start3A_251, %dma_start3A_252] : memref<2x512x32xf32, #tpu.memory_space<vmem>> -> memref<1x512x32xf32, #tpu.memory_space<vmem>>
      %dma_start3A_254 = tpu.memref_squeeze %dma_start3A_253 : memref<1x512x32xf32, #tpu.memory_space<vmem>> -> memref<512x32xf32, #tpu.memory_space<vmem>>
      %dma_start3A_255 = arith.constant 0 : i32
      %dma_start3A_256 = arith.constant 0 : i32
      %dma_start3A_257 = tpu.memref_slice %dma_start3A_254[%dma_start3A_255, %dma_start3A_256] : memref<512x32xf32, #tpu.memory_space<vmem>> -> memref<128x32xf32, #tpu.memory_space<vmem>>
      %dma_start3A_258 = arith.constant 0 : i32
      %dma_start3A_259 = tpu.memref_slice %arg12[%add3A_248, %dma_start3A_249, %dma_start3A_258] : memref<50x4x128xi32, #tpu.memory_space<vmem>> -> memref<1x1x128xi32, #tpu.memory_space<vmem>>
      %dma_start3A_260 = tpu.memref_squeeze %dma_start3A_259 : memref<1x1x128xi32, #tpu.memory_space<vmem>> -> memref<128xi32, #tpu.memory_space<vmem>>
      %dma_start3A_261 = arith.constant 0 : i32
      %dma_start3A_262 = arith.constant 0 : i32
      %dma_start3A_263 = tpu.memref_slice %arg2[%dma_start3A_261, %dma_start3A_262] : memref<100000x32xf32, #tpu.memory_space<hbm>> -> memref<100000x32xf32, #tpu.memory_space<hbm>>
      tpu.enqueue_indirect_dma source(%dma_start3A_263 : memref<100000x32xf32, #tpu.memory_space<hbm>>) target(%dma_start3A_257 : memref<128x32xf32, #tpu.memory_space<vmem>>) offsets(%dma_start3A_260 : memref<128xi32, #tpu.memory_space<vmem>>) semaphore(%arg23 : memref<!tpu.dma_semaphore, #tpu.memory_space<semaphore_mem>>)
      %dma_start3A_264 = arith.constant 1 : i32
      %dma_start3A_265 = arith.constant 0 : i32
      %dma_start3A_266 = arith.constant 0 : i32
      %dma_start3A_267 = arith.constant 0 : i32
      %dma_start3A_268 = tpu.memref_slice %arg13[%dma_start3A_265, %dma_start3A_266, %dma_start3A_267] : memref<2x512x32xf32, #tpu.memory_space<vmem>> -> memref<1x512x32xf32, #tpu.memory_space<vmem>>
      %dma_start3A_269 = tpu.memref_squeeze %dma_start3A_268 : memref<1x512x32xf32, #tpu.memory_space<vmem>> -> memref<512x32xf32, #tpu.memory_space<vmem>>
      %dma_start3A_270 = arith.constant 128 : i32
      %dma_start3A_271 = arith.constant 0 : i32
      %dma_start3A_272 = tpu.memref_slice %dma_start3A_269[%dma_start3A_270, %dma_start3A_271] : memref<512x32xf32, #tpu.memory_space<vmem>> -> memref<128x32xf32, #tpu.memory_space<vmem>>
      %dma_start3A_273 = arith.constant 0 : i32
      %dma_start3A_274 = tpu.memref_slice %arg12[%add3A_248, %dma_start3A_264, %dma_start3A_273] : memref<50x4x128xi32, #tpu.memory_space<vmem>> -> memref<1x1x128xi32, #tpu.memory_space<vmem>>
      %dma_start3A_275 = tpu.memref_squeeze %dma_start3A_274 : memref<1x1x128xi32, #tpu.memory_space<vmem>> -> memref<128xi32, #tpu.memory_space<vmem>>
      %dma_start3A_276 = arith.constant 0 : i32
      %dma_start3A_277 = arith.constant 0 : i32
      %dma_start3A_278 = tpu.memref_slice %arg2[%dma_start3A_276, %dma_start3A_277] : memref<100000x32xf32, #tpu.memory_space<hbm>> -> memref<100000x32xf32, #tpu.memory_space<hbm>>
      tpu.enqueue_indirect_dma source(%dma_start3A_278 : memref<100000x32xf32, #tpu.memory_space<hbm>>) target(%dma_start3A_272 : memref<128x32xf32, #tpu.memory_space<vmem>>) offsets(%dma_start3A_275 : memref<128xi32, #tpu.memory_space<vmem>>) semaphore(%arg23 : memref<!tpu.dma_semaphore, #tpu.memory_space<semaphore_mem>>)
      %dma_start3A_279 = arith.constant 2 : i32
      %dma_start3A_280 = arith.constant 0 : i32
      %dma_start3A_281 = arith.constant 0 : i32
      %dma_start3A_282 = arith.constant 0 : i32
      %dma_start3A_283 = tpu.memref_slice %arg13[%dma_start3A_280, %dma_start3A_281, %dma_start3A_282] : memref<2x512x32xf32, #tpu.memory_space<vmem>> -> memref<1x512x32xf32, #tpu.memory_space<vmem>>
      %dma_start3A_284 = tpu.memref_squeeze %dma_start3A_283 : memref<1x512x32xf32, #tpu.memory_space<vmem>> -> memref<512x32xf32, #tpu.memory_space<vmem>>
      %dma_start3A_285 = arith.constant 256 : i32
      %dma_start3A_286 = arith.constant 0 : i32
      %dma_start3A_287 = tpu.memref_slice %dma_start3A_284[%dma_start3A_285, %dma_start3A_286] : memref<512x32xf32, #tpu.memory_space<vmem>> -> memref<128x32xf32, #tpu.memory_space<vmem>>
      %dma_start3A_288 = arith.constant 0 : i32
      %dma_start3A_289 = tpu.memref_slice %arg12[%add3A_248, %dma_start3A_279, %dma_start3A_288] : memref<50x4x128xi32, #tpu.memory_space<vmem>> -> memref<1x1x128xi32, #tpu.memory_space<vmem>>
      %dma_start3A_290 = tpu.memref_squeeze %dma_start3A_289 : memref<1x1x128xi32, #tpu.memory_space<vmem>> -> memref<128xi32, #tpu.memory_space<vmem>>
      %dma_start3A_291 = arith.constant 0 : i32
      %dma_start3A_292 = arith.constant 0 : i32
      %dma_start3A_293 = tpu.memref_slice %arg2[%dma_start3A_291, %dma_start3A_292] : memref<100000x32xf32, #tpu.memory_space<hbm>> -> memref<100000x32xf32, #tpu.memory_space<hbm>>
      tpu.enqueue_indirect_dma source(%dma_start3A_293 : memref<100000x32xf32, #tpu.memory_space<hbm>>) target(%dma_start3A_287 : memref<128x32xf32, #tpu.memory_space<vmem>>) offsets(%dma_start3A_290 : memref<128xi32, #tpu.memory_space<vmem>>) semaphore(%arg23 : memref<!tpu.dma_semaphore, #tpu.memory_space<semaphore_mem>>)
      %dma_start3A_294 = arith.constant 3 : i32
      %dma_start3A_295 = arith.constant 0 : i32
      %dma_start3A_296 = arith.constant 0 : i32
      %dma_start3A_297 = arith.constant 0 : i32
      %dma_start3A_298 = tpu.memref_slice %arg13[%dma_start3A_295, %dma_start3A_296, %dma_start3A_297] : memref<2x512x32xf32, #tpu.memory_space<vmem>> -> memref<1x512x32xf32, #tpu.memory_space<vmem>>
      %dma_start3A_299 = tpu.memref_squeeze %dma_start3A_298 : memref<1x512x32xf32, #tpu.memory_space<vmem>> -> memref<512x32xf32, #tpu.memory_space<vmem>>
      %dma_start3A_300 = arith.constant 384 : i32
      %dma_start3A_301 = arith.constant 0 : i32
      %dma_start3A_302 = tpu.memref_slice %dma_start3A_299[%dma_start3A_300, %dma_start3A_301] : memref<512x32xf32, #tpu.memory_space<vmem>> -> memref<128x32xf32, #tpu.memory_space<vmem>>
      %dma_start3A_303 = arith.constant 0 : i32
      %dma_start3A_304 = tpu.memref_slice %arg12[%add3A_248, %dma_start3A_294, %dma_start3A_303] : memref<50x4x128xi32, #tpu.memory_space<vmem>> -> memref<1x1x128xi32, #tpu.memory_space<vmem>>
      %dma_start3A_305 = tpu.memref_squeeze %dma_start3A_304 : memref<1x1x128xi32, #tpu.memory_space<vmem>> -> memref<128xi32, #tpu.memory_space<vmem>>
      %dma_start3A_306 = arith.constant 0 : i32
      %dma_start3A_307 = arith.constant 0 : i32
      %dma_start3A_308 = tpu.memref_slice %arg2[%dma_start3A_306, %dma_start3A_307] : memref<100000x32xf32, #tpu.memory_space<hbm>> -> memref<100000x32xf32, #tpu.memory_space<hbm>>
      tpu.enqueue_indirect_dma source(%dma_start3A_308 : memref<100000x32xf32, #tpu.memory_space<hbm>>) target(%dma_start3A_302 : memref<128x32xf32, #tpu.memory_space<vmem>>) offsets(%dma_start3A_305 : memref<128xi32, #tpu.memory_space<vmem>>) semaphore(%arg23 : memref<!tpu.dma_semaphore, #tpu.memory_space<semaphore_mem>>)
      %dma_wait3A_309 = arith.constant 0 : i32
      %dma_wait3A_310 = arith.constant 0 : i32
      %dma_wait3A_311 = arith.constant 0 : i32
      %dma_wait3A_312 = arith.constant 0 : i32
      %dma_wait3A_313 = arith.constant 0 : i32
      %dma_wait3A_314 = tpu.memref_slice %arg13[%dma_wait3A_311, %dma_wait3A_312, %dma_wait3A_313] : memref<2x512x32xf32, #tpu.memory_space<vmem>> -> memref<1x512x32xf32, #tpu.memory_space<vmem>>
      %dma_wait3A_315 = tpu.memref_squeeze %dma_wait3A_314 : memref<1x512x32xf32, #tpu.memory_space<vmem>> -> memref<512x32xf32, #tpu.memory_space<vmem>>
      %dma_wait3A_316 = arith.constant 0 : i32
      %dma_wait3A_317 = arith.constant 0 : i32
      %dma_wait3A_318 = tpu.memref_slice %dma_wait3A_315[%dma_wait3A_316, %dma_wait3A_317] : memref<512x32xf32, #tpu.memory_space<vmem>> -> memref<128x32xf32, #tpu.memory_space<vmem>>
      %dma_wait3A_319 = arith.constant 0 : i32
      %dma_wait3A_320 = tpu.memref_slice %arg12[%dma_wait3A_309, %dma_wait3A_310, %dma_wait3A_319] : memref<50x4x128xi32, #tpu.memory_space<vmem>> -> memref<1x1x128xi32, #tpu.memory_space<vmem>>
      %dma_wait3A_321 = tpu.memref_squeeze %dma_wait3A_320 : memref<1x1x128xi32, #tpu.memory_space<vmem>> -> memref<128xi32, #tpu.memory_space<vmem>>
      %dma_wait3A_322 = arith.constant 0 : i32
      %dma_wait3A_323 = arith.constant 0 : i32
      %dma_wait3A_324 = tpu.memref_slice %arg2[%dma_wait3A_322, %dma_wait3A_323] : memref<100000x32xf32, #tpu.memory_space<hbm>> -> memref<100000x32xf32, #tpu.memory_space<hbm>>
      tpu.wait_indirect_dma semaphore(%arg24 : memref<!tpu.dma_semaphore, #tpu.memory_space<semaphore_mem>>) src(%dma_wait3A_324 : memref<100000x32xf32, #tpu.memory_space<hbm>>) dst(%dma_wait3A_318 : memref<128x32xf32, #tpu.memory_space<vmem>>)
      %dma_wait3A_325 = arith.constant 0 : i32
      %dma_wait3A_326 = arith.constant 1 : i32
      %dma_wait3A_327 = arith.constant 0 : i32
      %dma_wait3A_328 = arith.constant 0 : i32
      %dma_wait3A_329 = arith.constant 0 : i32
      %dma_wait3A_330 = tpu.memref_slice %arg13[%dma_wait3A_327, %dma_wait3A_328, %dma_wait3A_329] : memref<2x512x32xf32, #tpu.memory_space<vmem>> -> memref<1x512x32xf32, #tpu.memory_space<vmem>>
      %dma_wait3A_331 = tpu.memref_squeeze %dma_wait3A_330 : memref<1x512x32xf32, #tpu.memory_space<vmem>> -> memref<512x32xf32, #tpu.memory_space<vmem>>
      %dma_wait3A_332 = arith.constant 128 : i32
      %dma_wait3A_333 = arith.constant 0 : i32
      %dma_wait3A_334 = tpu.memref_slice %dma_wait3A_331[%dma_wait3A_332, %dma_wait3A_333] : memref<512x32xf32, #tpu.memory_space<vmem>> -> memref<128x32xf32, #tpu.memory_space<vmem>>
      %dma_wait3A_335 = arith.constant 0 : i32
      %dma_wait3A_336 = tpu.memref_slice %arg12[%dma_wait3A_325, %dma_wait3A_326, %dma_wait3A_335] : memref<50x4x128xi32, #tpu.memory_space<vmem>> -> memref<1x1x128xi32, #tpu.memory_space<vmem>>
      %dma_wait3A_337 = tpu.memref_squeeze %dma_wait3A_336 : memref<1x1x128xi32, #tpu.memory_space<vmem>> -> memref<128xi32, #tpu.memory_space<vmem>>
      %dma_wait3A_338 = arith.constant 0 : i32
      %dma_wait3A_339 = arith.constant 0 : i32
      %dma_wait3A_340 = tpu.memref_slice %arg2[%dma_wait3A_338, %dma_wait3A_339] : memref<100000x32xf32, #tpu.memory_space<hbm>> -> memref<100000x32xf32, #tpu.memory_space<hbm>>
      tpu.wait_indirect_dma semaphore(%arg24 : memref<!tpu.dma_semaphore, #tpu.memory_space<semaphore_mem>>) src(%dma_wait3A_340 : memref<100000x32xf32, #tpu.memory_space<hbm>>) dst(%dma_wait3A_334 : memref<128x32xf32, #tpu.memory_space<vmem>>)
      %dma_wait3A_341 = arith.constant 0 : i32
      %dma_wait3A_342 = arith.constant 2 : i32
      %dma_wait3A_343 = arith.constant 0 : i32
      %dma_wait3A_344 = arith.constant 0 : i32
      %dma_wait3A_345 = arith.constant 0 : i32
      %dma_wait3A_346 = tpu.memref_slice %arg13[%dma_wait3A_343, %dma_wait3A_344, %dma_wait3A_345] : memref<2x512x32xf32, #tpu.memory_space<vmem>> -> memref<1x512x32xf32, #tpu.memory_space<vmem>>
      %dma_wait3A_347 = tpu.memref_squeeze %dma_wait3A_346 : memref<1x512x32xf32, #tpu.memory_space<vmem>> -> memref<512x32xf32, #tpu.memory_space<vmem>>
      %dma_wait3A_348 = arith.constant 256 : i32
      %dma_wait3A_349 = arith.constant 0 : i32
      %dma_wait3A_350 = tpu.memref_slice %dma_wait3A_347[%dma_wait3A_348, %dma_wait3A_349] : memref<512x32xf32, #tpu.memory_space<vmem>> -> memref<128x32xf32, #tpu.memory_space<vmem>>
      %dma_wait3A_351 = arith.constant 0 : i32
      %dma_wait3A_352 = tpu.memref_slice %arg12[%dma_wait3A_341, %dma_wait3A_342, %dma_wait3A_351] : memref<50x4x128xi32, #tpu.memory_space<vmem>> -> memref<1x1x128xi32, #tpu.memory_space<vmem>>
      %dma_wait3A_353 = tpu.memref_squeeze %dma_wait3A_352 : memref<1x1x128xi32, #tpu.memory_space<vmem>> -> memref<128xi32, #tpu.memory_space<vmem>>
      %dma_wait3A_354 = arith.constant 0 : i32
      %dma_wait3A_355 = arith.constant 0 : i32
      %dma_wait3A_356 = tpu.memref_slice %arg2[%dma_wait3A_354, %dma_wait3A_355] : memref<100000x32xf32, #tpu.memory_space<hbm>> -> memref<100000x32xf32, #tpu.memory_space<hbm>>
      tpu.wait_indirect_dma semaphore(%arg24 : memref<!tpu.dma_semaphore, #tpu.memory_space<semaphore_mem>>) src(%dma_wait3A_356 : memref<100000x32xf32, #tpu.memory_space<hbm>>) dst(%dma_wait3A_350 : memref<128x32xf32, #tpu.memory_space<vmem>>)
      %dma_wait3A_357 = arith.constant 0 : i32
      %dma_wait3A_358 = arith.constant 3 : i32
      %dma_wait3A_359 = arith.constant 0 : i32
      %dma_wait3A_360 = arith.constant 0 : i32
      %dma_wait3A_361 = arith.constant 0 : i32
      %dma_wait3A_362 = tpu.memref_slice %arg13[%dma_wait3A_359, %dma_wait3A_360, %dma_wait3A_361] : memref<2x512x32xf32, #tpu.memory_space<vmem>> -> memref<1x512x32xf32, #tpu.memory_space<vmem>>
      %dma_wait3A_363 = tpu.memref_squeeze %dma_wait3A_362 : memref<1x512x32xf32, #tpu.memory_space<vmem>> -> memref<512x32xf32, #tpu.memory_space<vmem>>
      %dma_wait3A_364 = arith.constant 384 : i32
      %dma_wait3A_365 = arith.constant 0 : i32
      %dma_wait3A_366 = tpu.memref_slice %dma_wait3A_363[%dma_wait3A_364, %dma_wait3A_365] : memref<512x32xf32, #tpu.memory_space<vmem>> -> memref<128x32xf32, #tpu.memory_space<vmem>>
      %dma_wait3A_367 = arith.constant 0 : i32
      %dma_wait3A_368 = tpu.memref_slice %arg12[%dma_wait3A_357, %dma_wait3A_358, %dma_wait3A_367] : memref<50x4x128xi32, #tpu.memory_space<vmem>> -> memref<1x1x128xi32, #tpu.memory_space<vmem>>
      %dma_wait3A_369 = tpu.memref_squeeze %dma_wait3A_368 : memref<1x1x128xi32, #tpu.memory_space<vmem>> -> memref<128xi32, #tpu.memory_space<vmem>>
      %dma_wait3A_370 = arith.constant 0 : i32
      %dma_wait3A_371 = arith.constant 0 : i32
      %dma_wait3A_372 = tpu.memref_slice %arg2[%dma_wait3A_370, %dma_wait3A_371] : memref<100000x32xf32, #tpu.memory_space<hbm>> -> memref<100000x32xf32, #tpu.memory_space<hbm>>
      tpu.wait_indirect_dma semaphore(%arg24 : memref<!tpu.dma_semaphore, #tpu.memory_space<semaphore_mem>>) src(%dma_wait3A_372 : memref<100000x32xf32, #tpu.memory_space<hbm>>) dst(%dma_wait3A_366 : memref<128x32xf32, #tpu.memory_space<vmem>>)
      %parallel_loop3A_373 = arith.constant 0 : i32
      %parallel_loop3A_374 = arith.constant 512 : i32
      %parallel_loop3A_375 = arith.constant 1 : i32
      scf.for %parallel_loop3A_506 = %parallel_loop3A_373 to %parallel_loop3A_374 step %parallel_loop3A_375  : i32 {
        %parallel_loop3A_507 = arith.constant 1 : i32
        %parallel_loop3A_508 = arith.index_cast %parallel_loop3A_507 : i32 to index
        %parallel_loop3A_509 = arith.index_cast %parallel_loop3A_506 : i32 to index
        %parallel_loop3A_510 = arith.constant 0 : index
        %parallel_loop3A_511 = tpu.vector_load %arg13[%parallel_loop3A_508, %parallel_loop3A_509, %parallel_loop3A_510] {strides = array<i32>} : memref<2x512x32xf32, #tpu.memory_space<vmem>>, vector<16xf32>,
        %parallel_loop3A_512 = arith.index_cast %parallel_loop3A_506 : i32 to index
        %parallel_loop3A_513 = arith.constant 0 : index
        %parallel_loop3A_514 = tpu.vector_load %arg14[%parallel_loop3A_512, %parallel_loop3A_513] {strides = array<i32>} : memref<512x32xf32, #tpu.memory_space<vmem>>, vector<16xf32>,
        tpu.vector_store %arg14[%parallel_loop3A_512, %parallel_loop3A_513], %parallel_loop3A_511 {add = true, strides = array<i32>} : memref<512x32xf32, #tpu.memory_space<vmem>>, vector<16xf32>,
        %parallel_loop3A_515 = arith.constant 1 : i32
        %parallel_loop3A_516 = arith.index_cast %parallel_loop3A_515 : i32 to index
        %parallel_loop3A_517 = arith.index_cast %parallel_loop3A_506 : i32 to index
        %parallel_loop3A_518 = arith.constant 16 : index
        %parallel_loop3A_519 = tpu.vector_load %arg13[%parallel_loop3A_516, %parallel_loop3A_517, %parallel_loop3A_518] {strides = array<i32>} : memref<2x512x32xf32, #tpu.memory_space<vmem>>, vector<16xf32>,
        %parallel_loop3A_520 = arith.index_cast %parallel_loop3A_506 : i32 to index
        %parallel_loop3A_521 = arith.constant 16 : index
        %parallel_loop3A_522 = tpu.vector_load %arg14[%parallel_loop3A_520, %parallel_loop3A_521] {strides = array<i32>} : memref<512x32xf32, #tpu.memory_space<vmem>>, vector<16xf32>,
        tpu.vector_store %arg14[%parallel_loop3A_520, %parallel_loop3A_521], %parallel_loop3A_519 {add = true, strides = array<i32>} : memref<512x32xf32, #tpu.memory_space<vmem>>, vector<16xf32>,
      } {sc.loop_unroll_factor = 16 : i64, sc.parallel_access}
      %add3A_376 = arith.constant 1 : i32
      %add3A_377 = arith.addi %add3A_248, %add3A_376 : i32
      %dma_start3A_378 = arith.constant 0 : i32
      %dma_start3A_379 = arith.constant 1 : i32
      %dma_start3A_380 = arith.constant 0 : i32
      %dma_start3A_381 = arith.constant 0 : i32
      %dma_start3A_382 = tpu.memref_slice %arg13[%dma_start3A_379, %dma_start3A_380, %dma_start3A_381] : memref<2x512x32xf32, #tpu.memory_space<vmem>> -> memref<1x512x32xf32, #tpu.memory_space<vmem>>
      %dma_start3A_383 = tpu.memref_squeeze %dma_start3A_382 : memref<1x512x32xf32, #tpu.memory_space<vmem>> -> memref<512x32xf32, #tpu.memory_space<vmem>>
      %dma_start3A_384 = arith.constant 0 : i32
      %dma_start3A_385 = arith.constant 0 : i32
      %dma_start3A_386 = tpu.memref_slice %dma_start3A_383[%dma_start3A_384, %dma_start3A_385] : memref<512x32xf32, #tpu.memory_space<vmem>> -> memref<128x32xf32, #tpu.memory_space<vmem>>
      %dma_start3A_387 = arith.constant 0 : i32
      %dma_start3A_388 = tpu.memref_slice %arg12[%add3A_377, %dma_start3A_378, %dma_start3A_387] : memref<50x4x128xi32, #tpu.memory_space<vmem>> -> memref<1x1x128xi32, #tpu.memory_space<vmem>>
      %dma_start3A_389 = tpu.memref_squeeze %dma_start3A_388 : memref<1x1x128xi32, #tpu.memory_space<vmem>> -> memref<128xi32, #tpu.memory_space<vmem>>
      %dma_start3A_390 = arith.constant 0 : i32
      %dma_start3A_391 = arith.constant 0 : i32
      %dma_start3A_392 = tpu.memref_slice %arg2[%dma_start3A_390, %dma_start3A_391] : memref<100000x32xf32, #tpu.memory_space<hbm>> -> memref<100000x32xf32, #tpu.memory_space<hbm>>
      tpu.enqueue_indirect_dma source(%dma_start3A_392 : memref<100000x32xf32, #tpu.memory_space<hbm>>) target(%dma_start3A_386 : memref<128x32xf32, #tpu.memory_space<vmem>>) offsets(%dma_start3A_389 : memref<128xi32, #tpu.memory_space<vmem>>) semaphore(%arg24 : memref<!tpu.dma_semaphore, #tpu.memory_space<semaphore_mem>>)
      %dma_start3A_393 = arith.constant 1 : i32
      %dma_start3A_394 = arith.constant 1 : i32
      %dma_start3A_395 = arith.constant 0 : i32
      %dma_start3A_396 = arith.constant 0 : i32
      %dma_start3A_397 = tpu.memref_slice %arg13[%dma_start3A_394, %dma_start3A_395, %dma_start3A_396] : memref<2x512x32xf32, #tpu.memory_space<vmem>> -> memref<1x512x32xf32, #tpu.memory_space<vmem>>
      %dma_start3A_398 = tpu.memref_squeeze %dma_start3A_397 : memref<1x512x32xf32, #tpu.memory_space<vmem>> -> memref<512x32xf32, #tpu.memory_space<vmem>>
      %dma_start3A_399 = arith.constant 128 : i32
      %dma_start3A_400 = arith.constant 0 : i32
      %dma_start3A_401 = tpu.memref_slice %dma_start3A_398[%dma_start3A_399, %dma_start3A_400] : memref<512x32xf32, #tpu.memory_space<vmem>> -> memref<128x32xf32, #tpu.memory_space<vmem>>
      %dma_start3A_402 = arith.constant 0 : i32
      %dma_start3A_403 = tpu.memref_slice %arg12[%add3A_377, %dma_start3A_393, %dma_start3A_402] : memref<50x4x128xi32, #tpu.memory_space<vmem>> -> memref<1x1x128xi32, #tpu.memory_space<vmem>>
      %dma_start3A_404 = tpu.memref_squeeze %dma_start3A_403 : memref<1x1x128xi32, #tpu.memory_space<vmem>> -> memref<128xi32, #tpu.memory_space<vmem>>
      %dma_start3A_405 = arith.constant 0 : i32
      %dma_start3A_406 = arith.constant 0 : i32
      %dma_start3A_407 = tpu.memref_slice %arg2[%dma_start3A_405, %dma_start3A_406] : memref<100000x32xf32, #tpu.memory_space<hbm>> -> memref<100000x32xf32, #tpu.memory_space<hbm>>
      tpu.enqueue_indirect_dma source(%dma_start3A_407 : memref<100000x32xf32, #tpu.memory_space<hbm>>) target(%dma_start3A_401 : memref<128x32xf32, #tpu.memory_space<vmem>>) offsets(%dma_start3A_404 : memref<128xi32, #tpu.memory_space<vmem>>) semaphore(%arg24 : memref<!tpu.dma_semaphore, #tpu.memory_space<semaphore_mem>>)
      %dma_start3A_408 = arith.constant 2 : i32
      %dma_start3A_409 = arith.constant 1 : i32
      %dma_start3A_410 = arith.constant 0 : i32
      %dma_start3A_411 = arith.constant 0 : i32
      %dma_start3A_412 = tpu.memref_slice %arg13[%dma_start3A_409, %dma_start3A_410, %dma_start3A_411] : memref<2x512x32xf32, #tpu.memory_space<vmem>> -> memref<1x512x32xf32, #tpu.memory_space<vmem>>
      %dma_start3A_413 = tpu.memref_squeeze %dma_start3A_412 : memref<1x512x32xf32, #tpu.memory_space<vmem>> -> memref<512x32xf32, #tpu.memory_space<vmem>>
      %dma_start3A_414 = arith.constant 256 : i32
      %dma_start3A_415 = arith.constant 0 : i32
      %dma_start3A_416 = tpu.memref_slice %dma_start3A_413[%dma_start3A_414, %dma_start3A_415] : memref<512x32xf32, #tpu.memory_space<vmem>> -> memref<128x32xf32, #tpu.memory_space<vmem>>
      %dma_start3A_417 = arith.constant 0 : i32
      %dma_start3A_418 = tpu.memref_slice %arg12[%add3A_377, %dma_start3A_408, %dma_start3A_417] : memref<50x4x128xi32, #tpu.memory_space<vmem>> -> memref<1x1x128xi32, #tpu.memory_space<vmem>>
      %dma_start3A_419 = tpu.memref_squeeze %dma_start3A_418 : memref<1x1x128xi32, #tpu.memory_space<vmem>> -> memref<128xi32, #tpu.memory_space<vmem>>
      %dma_start3A_420 = arith.constant 0 : i32
      %dma_start3A_421 = arith.constant 0 : i32
      %dma_start3A_422 = tpu.memref_slice %arg2[%dma_start3A_420, %dma_start3A_421] : memref<100000x32xf32, #tpu.memory_space<hbm>> -> memref<100000x32xf32, #tpu.memory_space<hbm>>
      tpu.enqueue_indirect_dma source(%dma_start3A_422 : memref<100000x32xf32, #tpu.memory_space<hbm>>) target(%dma_start3A_416 : memref<128x32xf32, #tpu.memory_space<vmem>>) offsets(%dma_start3A_419 : memref<128xi32, #tpu.memory_space<vmem>>) semaphore(%arg24 : memref<!tpu.dma_semaphore, #tpu.memory_space<semaphore_mem>>)
      %dma_start3A_423 = arith.constant 3 : i32
      %dma_start3A_424 = arith.constant 1 : i32
      %dma_start3A_425 = arith.constant 0 : i32
      %dma_start3A_426 = arith.constant 0 : i32
      %dma_start3A_427 = tpu.memref_slice %arg13[%dma_start3A_424, %dma_start3A_425, %dma_start3A_426] : memref<2x512x32xf32, #tpu.memory_space<vmem>> -> memref<1x512x32xf32, #tpu.memory_space<vmem>>
      %dma_start3A_428 = tpu.memref_squeeze %dma_start3A_427 : memref<1x512x32xf32, #tpu.memory_space<vmem>> -> memref<512x32xf32, #tpu.memory_space<vmem>>
      %dma_start3A_429 = arith.constant 384 : i32
      %dma_start3A_430 = arith.constant 0 : i32
      %dma_start3A_431 = tpu.memref_slice %dma_start3A_428[%dma_start3A_429, %dma_start3A_430] : memref<512x32xf32, #tpu.memory_space<vmem>> -> memref<128x32xf32, #tpu.memory_space<vmem>>
      %dma_start3A_432 = arith.constant 0 : i32
      %dma_start3A_433 = tpu.memref_slice %arg12[%add3A_377, %dma_start3A_423, %dma_start3A_432] : memref<50x4x128xi32, #tpu.memory_space<vmem>> -> memref<1x1x128xi32, #tpu.memory_space<vmem>>
      %dma_start3A_434 = tpu.memref_squeeze %dma_start3A_433 : memref<1x1x128xi32, #tpu.memory_space<vmem>> -> memref<128xi32, #tpu.memory_space<vmem>>
      %dma_start3A_435 = arith.constant 0 : i32
      %dma_start3A_436 = arith.constant 0 : i32
      %dma_start3A_437 = tpu.memref_slice %arg2[%dma_start3A_435, %dma_start3A_436] : memref<100000x32xf32, #tpu.memory_space<hbm>> -> memref<100000x32xf32, #tpu.memory_space<hbm>>
      tpu.enqueue_indirect_dma source(%dma_start3A_437 : memref<100000x32xf32, #tpu.memory_space<hbm>>) target(%dma_start3A_431 : memref<128x32xf32, #tpu.memory_space<vmem>>) offsets(%dma_start3A_434 : memref<128xi32, #tpu.memory_space<vmem>>) semaphore(%arg24 : memref<!tpu.dma_semaphore, #tpu.memory_space<semaphore_mem>>)
      %dma_wait3A_438 = arith.constant 0 : i32
      %dma_wait3A_439 = arith.constant 0 : i32
      %dma_wait3A_440 = arith.constant 0 : i32
      %dma_wait3A_441 = arith.constant 0 : i32
      %dma_wait3A_442 = arith.constant 0 : i32
      %dma_wait3A_443 = tpu.memref_slice %arg13[%dma_wait3A_440, %dma_wait3A_441, %dma_wait3A_442] : memref<2x512x32xf32, #tpu.memory_space<vmem>> -> memref<1x512x32xf32, #tpu.memory_space<vmem>>
      %dma_wait3A_444 = tpu.memref_squeeze %dma_wait3A_443 : memref<1x512x32xf32, #tpu.memory_space<vmem>> -> memref<512x32xf32, #tpu.memory_space<vmem>>
      %dma_wait3A_445 = arith.constant 0 : i32
      %dma_wait3A_446 = arith.constant 0 : i32
      %dma_wait3A_447 = tpu.memref_slice %dma_wait3A_444[%dma_wait3A_445, %dma_wait3A_446] : memref<512x32xf32, #tpu.memory_space<vmem>> -> memref<128x32xf32, #tpu.memory_space<vmem>>
      %dma_wait3A_448 = arith.constant 0 : i32
      %dma_wait3A_449 = tpu.memref_slice %arg12[%dma_wait3A_438, %dma_wait3A_439, %dma_wait3A_448] : memref<50x4x128xi32, #tpu.memory_space<vmem>> -> memref<1x1x128xi32, #tpu.memory_space<vmem>>
      %dma_wait3A_450 = tpu.memref_squeeze %dma_wait3A_449 : memref<1x1x128xi32, #tpu.memory_space<vmem>> -> memref<128xi32, #tpu.memory_space<vmem>>
      %dma_wait3A_451 = arith.constant 0 : i32
      %dma_wait3A_452 = arith.constant 0 : i32
      %dma_wait3A_453 = tpu.memref_slice %arg2[%dma_wait3A_451, %dma_wait3A_452] : memref<100000x32xf32, #tpu.memory_space<hbm>> -> memref<100000x32xf32, #tpu.memory_space<hbm>>
      tpu.wait_indirect_dma semaphore(%arg23 : memref<!tpu.dma_semaphore, #tpu.memory_space<semaphore_mem>>) src(%dma_wait3A_453 : memref<100000x32xf32, #tpu.memory_space<hbm>>) dst(%dma_wait3A_447 : memref<128x32xf32, #tpu.memory_space<vmem>>)
      %dma_wait3A_454 = arith.constant 0 : i32
      %dma_wait3A_455 = arith.constant 1 : i32
      %dma_wait3A_456 = arith.constant 0 : i32
      %dma_wait3A_457 = arith.constant 0 : i32
      %dma_wait3A_458 = arith.constant 0 : i32
      %dma_wait3A_459 = tpu.memref_slice %arg13[%dma_wait3A_456, %dma_wait3A_457, %dma_wait3A_458] : memref<2x512x32xf32, #tpu.memory_space<vmem>> -> memref<1x512x32xf32, #tpu.memory_space<vmem>>
      %dma_wait3A_460 = tpu.memref_squeeze %dma_wait3A_459 : memref<1x512x32xf32, #tpu.memory_space<vmem>> -> memref<512x32xf32, #tpu.memory_space<vmem>>
      %dma_wait3A_461 = arith.constant 128 : i32
      %dma_wait3A_462 = arith.constant 0 : i32
      %dma_wait3A_463 = tpu.memref_slice %dma_wait3A_460[%dma_wait3A_461, %dma_wait3A_462] : memref<512x32xf32, #tpu.memory_space<vmem>> -> memref<128x32xf32, #tpu.memory_space<vmem>>
      %dma_wait3A_464 = arith.constant 0 : i32
      %dma_wait3A_465 = tpu.memref_slice %arg12[%dma_wait3A_454, %dma_wait3A_455, %dma_wait3A_464] : memref<50x4x128xi32, #tpu.memory_space<vmem>> -> memref<1x1x128xi32, #tpu.memory_space<vmem>>
      %dma_wait3A_466 = tpu.memref_squeeze %dma_wait3A_465 : memref<1x1x128xi32, #tpu.memory_space<vmem>> -> memref<128xi32, #tpu.memory_space<vmem>>
      %dma_wait3A_467 = arith.constant 0 : i32
      %dma_wait3A_468 = arith.constant 0 : i32
      %dma_wait3A_469 = tpu.memref_slice %arg2[%dma_wait3A_467, %dma_wait3A_468] : memref<100000x32xf32, #tpu.memory_space<hbm>> -> memref<100000x32xf32, #tpu.memory_space<hbm>>
      tpu.wait_indirect_dma semaphore(%arg23 : memref<!tpu.dma_semaphore, #tpu.memory_space<semaphore_mem>>) src(%dma_wait3A_469 : memref<100000x32xf32, #tpu.memory_space<hbm>>) dst(%dma_wait3A_463 : memref<128x32xf32, #tpu.memory_space<vmem>>)
      %dma_wait3A_470 = arith.constant 0 : i32
      %dma_wait3A_471 = arith.constant 2 : i32
      %dma_wait3A_472 = arith.constant 0 : i32
      %dma_wait3A_473 = arith.constant 0 : i32
      %dma_wait3A_474 = arith.constant 0 : i32
      %dma_wait3A_475 = tpu.memref_slice %arg13[%dma_wait3A_472, %dma_wait3A_473, %dma_wait3A_474] : memref<2x512x32xf32, #tpu.memory_space<vmem>> -> memref<1x512x32xf32, #tpu.memory_space<vmem>>
      %dma_wait3A_476 = tpu.memref_squeeze %dma_wait3A_475 : memref<1x512x32xf32, #tpu.memory_space<vmem>> -> memref<512x32xf32, #tpu.memory_space<vmem>>
      %dma_wait3A_477 = arith.constant 256 : i32
      %dma_wait3A_478 = arith.constant 0 : i32
      %dma_wait3A_479 = tpu.memref_slice %dma_wait3A_476[%dma_wait3A_477, %dma_wait3A_478] : memref<512x32xf32, #tpu.memory_space<vmem>> -> memref<128x32xf32, #tpu.memory_space<vmem>>
      %dma_wait3A_480 = arith.constant 0 : i32
      %dma_wait3A_481 = tpu.memref_slice %arg12[%dma_wait3A_470, %dma_wait3A_471, %dma_wait3A_480] : memref<50x4x128xi32, #tpu.memory_space<vmem>> -> memref<1x1x128xi32, #tpu.memory_space<vmem>>
      %dma_wait3A_482 = tpu.memref_squeeze %dma_wait3A_481 : memref<1x1x128xi32, #tpu.memory_space<vmem>> -> memref<128xi32, #tpu.memory_space<vmem>>
      %dma_wait3A_483 = arith.constant 0 : i32
      %dma_wait3A_484 = arith.constant 0 : i32
      %dma_wait3A_485 = tpu.memref_slice %arg2[%dma_wait3A_483, %dma_wait3A_484] : memref<100000x32xf32, #tpu.memory_space<hbm>> -> memref<100000x32xf32, #tpu.memory_space<hbm>>
      tpu.wait_indirect_dma semaphore(%arg23 : memref<!tpu.dma_semaphore, #tpu.memory_space<semaphore_mem>>) src(%dma_wait3A_485 : memref<100000x32xf32, #tpu.memory_space<hbm>>) dst(%dma_wait3A_479 : memref<128x32xf32, #tpu.memory_space<vmem>>)
      %dma_wait3A_486 = arith.constant 0 : i32
      %dma_wait3A_487 = arith.constant 3 : i32
      %dma_wait3A_488 = arith.constant 0 : i32
      %dma_wait3A_489 = arith.constant 0 : i32
      %dma_wait3A_490 = arith.constant 0 : i32
      %dma_wait3A_491 = tpu.memref_slice %arg13[%dma_wait3A_488, %dma_wait3A_489, %dma_wait3A_490] : memref<2x512x32xf32, #tpu.memory_space<vmem>> -> memref<1x512x32xf32, #tpu.memory_space<vmem>>
      %dma_wait3A_492 = tpu.memref_squeeze %dma_wait3A_491 : memref<1x512x32xf32, #tpu.memory_space<vmem>> -> memref<512x32xf32, #tpu.memory_space<vmem>>
      %dma_wait3A_493 = arith.constant 384 : i32
      %dma_wait3A_494 = arith.constant 0 : i32
      %dma_wait3A_495 = tpu.memref_slice %dma_wait3A_492[%dma_wait3A_493, %dma_wait3A_494] : memref<512x32xf32, #tpu.memory_space<vmem>> -> memref<128x32xf32, #tpu.memory_space<vmem>>
      %dma_wait3A_496 = arith.constant 0 : i32
      %dma_wait3A_497 = tpu.memref_slice %arg12[%dma_wait3A_486, %dma_wait3A_487, %dma_wait3A_496] : memref<50x4x128xi32, #tpu.memory_space<vmem>> -> memref<1x1x128xi32, #tpu.memory_space<vmem>>
      %dma_wait3A_498 = tpu.memref_squeeze %dma_wait3A_497 : memref<1x1x128xi32, #tpu.memory_space<vmem>> -> memref<128xi32, #tpu.memory_space<vmem>>
      %dma_wait3A_499 = arith.constant 0 : i32
      %dma_wait3A_500 = arith.constant 0 : i32
      %dma_wait3A_501 = tpu.memref_slice %arg2[%dma_wait3A_499, %dma_wait3A_500] : memref<100000x32xf32, #tpu.memory_space<hbm>> -> memref<100000x32xf32, #tpu.memory_space<hbm>>
      tpu.wait_indirect_dma semaphore(%arg23 : memref<!tpu.dma_semaphore, #tpu.memory_space<semaphore_mem>>) src(%dma_wait3A_501 : memref<100000x32xf32, #tpu.memory_space<hbm>>) dst(%dma_wait3A_495 : memref<128x32xf32, #tpu.memory_space<vmem>>)
      %parallel_loop3A_502 = arith.constant 0 : i32
      %parallel_loop3A_503 = arith.constant 512 : i32
      %parallel_loop3A_504 = arith.constant 1 : i32
      scf.for %parallel_loop3A_506 = %parallel_loop3A_502 to %parallel_loop3A_503 step %parallel_loop3A_504  : i32 {
        %parallel_loop3A_507 = arith.constant 0 : i32
        %parallel_loop3A_508 = arith.index_cast %parallel_loop3A_507 : i32 to index
        %parallel_loop3A_509 = arith.index_cast %parallel_loop3A_506 : i32 to index
        %parallel_loop3A_510 = arith.constant 0 : index
        %parallel_loop3A_511 = tpu.vector_load %arg13[%parallel_loop3A_508, %parallel_loop3A_509, %parallel_loop3A_510] {strides = array<i32>} : memref<2x512x32xf32, #tpu.memory_space<vmem>>, vector<16xf32>,
        %parallel_loop3A_512 = arith.index_cast %parallel_loop3A_506 : i32 to index
        %parallel_loop3A_513 = arith.constant 0 : index
        %parallel_loop3A_514 = tpu.vector_load %arg14[%parallel_loop3A_512, %parallel_loop3A_513] {strides = array<i32>} : memref<512x32xf32, #tpu.memory_space<vmem>>, vector<16xf32>,
        tpu.vector_store %arg14[%parallel_loop3A_512, %parallel_loop3A_513], %parallel_loop3A_511 {add = true, strides = array<i32>} : memref<512x32xf32, #tpu.memory_space<vmem>>, vector<16xf32>,
        %parallel_loop3A_515 = arith.constant 0 : i32
        %parallel_loop3A_516 = arith.index_cast %parallel_loop3A_515 : i32 to index
        %parallel_loop3A_517 = arith.index_cast %parallel_loop3A_506 : i32 to index
        %parallel_loop3A_518 = arith.constant 16 : index
        %parallel_loop3A_519 = tpu.vector_load %arg13[%parallel_loop3A_516, %parallel_loop3A_517, %parallel_loop3A_518] {strides = array<i32>} : memref<2x512x32xf32, #tpu.memory_space<vmem>>, vector<16xf32>,
        %parallel_loop3A_520 = arith.index_cast %parallel_loop3A_506 : i32 to index
        %parallel_loop3A_521 = arith.constant 16 : index
        %parallel_loop3A_522 = tpu.vector_load %arg14[%parallel_loop3A_520, %parallel_loop3A_521] {strides = array<i32>} : memref<512x32xf32, #tpu.memory_space<vmem>>, vector<16xf32>,
        tpu.vector_store %arg14[%parallel_loop3A_520, %parallel_loop3A_521], %parallel_loop3A_519 {add = true, strides = array<i32>} : memref<512x32xf32, #tpu.memory_space<vmem>>, vector<16xf32>,
      } {sc.loop_unroll_factor = 16 : i64, sc.parallel_access}
      %scan3A_505 = arith.constant 0 : i32
      scf.yield %scan3A_505 : i32
    }
    %scan3A_164 = arith.constant 24 : i32
    %dma_wait3A_165 = arith.constant 0 : i32
    %dma_wait3A_166 = arith.constant 0 : i32
    %dma_wait3A_167 = arith.constant 0 : i32
    %dma_wait3A_168 = arith.constant 0 : i32
    %dma_wait3A_169 = arith.constant 0 : i32
    %dma_wait3A_170 = tpu.memref_slice %arg13[%dma_wait3A_167, %dma_wait3A_168, %dma_wait3A_169] : memref<2x512x32xf32, #tpu.memory_space<vmem>> -> memref<1x512x32xf32, #tpu.memory_space<vmem>>
    %dma_wait3A_171 = tpu.memref_squeeze %dma_wait3A_170 : memref<1x512x32xf32, #tpu.memory_space<vmem>> -> memref<512x32xf32, #tpu.memory_space<vmem>>
    %dma_wait3A_172 = arith.constant 0 : i32
    %dma_wait3A_173 = arith.constant 0 : i32
    %dma_wait3A_174 = tpu.memref_slice %dma_wait3A_171[%dma_wait3A_172, %dma_wait3A_173] : memref<512x32xf32, #tpu.memory_space<vmem>> -> memref<128x32xf32, #tpu.memory_space<vmem>>
    %dma_wait3A_175 = arith.constant 0 : i32
    %dma_wait3A_176 = tpu.memref_slice %arg12[%dma_wait3A_165, %dma_wait3A_166, %dma_wait3A_175] : memref<50x4x128xi32, #tpu.memory_space<vmem>> -> memref<1x1x128xi32, #tpu.memory_space<vmem>>
    %dma_wait3A_177 = tpu.memref_squeeze %dma_wait3A_176 : memref<1x1x128xi32, #tpu.memory_space<vmem>> -> memref<128xi32, #tpu.memory_space<vmem>>
    %dma_wait3A_178 = arith.constant 0 : i32
    %dma_wait3A_179 = arith.constant 0 : i32
    %dma_wait3A_180 = tpu.memref_slice %arg2[%dma_wait3A_178, %dma_wait3A_179] : memref<100000x32xf32, #tpu.memory_space<hbm>> -> memref<100000x32xf32, #tpu.memory_space<hbm>>
    tpu.wait_indirect_dma semaphore(%arg24 : memref<!tpu.dma_semaphore, #tpu.memory_space<semaphore_mem>>) src(%dma_wait3A_180 : memref<100000x32xf32, #tpu.memory_space<hbm>>) dst(%dma_wait3A_174 : memref<128x32xf32, #tpu.memory_space<vmem>>)
    %dma_wait3A_181 = arith.constant 0 : i32
    %dma_wait3A_182 = arith.constant 1 : i32
    %dma_wait3A_183 = arith.constant 0 : i32
    %dma_wait3A_184 = arith.constant 0 : i32
    %dma_wait3A_185 = arith.constant 0 : i32
    %dma_wait3A_186 = tpu.memref_slice %arg13[%dma_wait3A_183, %dma_wait3A_184, %dma_wait3A_185] : memref<2x512x32xf32, #tpu.memory_space<vmem>> -> memref<1x512x32xf32, #tpu.memory_space<vmem>>
    %dma_wait3A_187 = tpu.memref_squeeze %dma_wait3A_186 : memref<1x512x32xf32, #tpu.memory_space<vmem>> -> memref<512x32xf32, #tpu.memory_space<vmem>>
    %dma_wait3A_188 = arith.constant 128 : i32
    %dma_wait3A_189 = arith.constant 0 : i32
    %dma_wait3A_190 = tpu.memref_slice %dma_wait3A_187[%dma_wait3A_188, %dma_wait3A_189] : memref<512x32xf32, #tpu.memory_space<vmem>> -> memref<128x32xf32, #tpu.memory_space<vmem>>
    %dma_wait3A_191 = arith.constant 0 : i32
    %dma_wait3A_192 = tpu.memref_slice %arg12[%dma_wait3A_181, %dma_wait3A_182, %dma_wait3A_191] : memref<50x4x128xi32, #tpu.memory_space<vmem>> -> memref<1x1x128xi32, #tpu.memory_space<vmem>>
    %dma_wait3A_193 = tpu.memref_squeeze %dma_wait3A_192 : memref<1x1x128xi32, #tpu.memory_space<vmem>> -> memref<128xi32, #tpu.memory_space<vmem>>
    %dma_wait3A_194 = arith.constant 0 : i32
    %dma_wait3A_195 = arith.constant 0 : i32
    %dma_wait3A_196 = tpu.memref_slice %arg2[%dma_wait3A_194, %dma_wait3A_195] : memref<100000x32xf32, #tpu.memory_space<hbm>> -> memref<100000x32xf32, #tpu.memory_space<hbm>>
    tpu.wait_indirect_dma semaphore(%arg24 : memref<!tpu.dma_semaphore, #tpu.memory_space<semaphore_mem>>) src(%dma_wait3A_196 : memref<100000x32xf32, #tpu.memory_space<hbm>>) dst(%dma_wait3A_190 : memref<128x32xf32, #tpu.memory_space<vmem>>)
    %dma_wait3A_197 = arith.constant 0 : i32
    %dma_wait3A_198 = arith.constant 2 : i32
    %dma_wait3A_199 = arith.constant 0 : i32
    %dma_wait3A_200 = arith.constant 0 : i32
    %dma_wait3A_201 = arith.constant 0 : i32
    %dma_wait3A_202 = tpu.memref_slice %arg13[%dma_wait3A_199, %dma_wait3A_200, %dma_wait3A_201] : memref<2x512x32xf32, #tpu.memory_space<vmem>> -> memref<1x512x32xf32, #tpu.memory_space<vmem>>
    %dma_wait3A_203 = tpu.memref_squeeze %dma_wait3A_202 : memref<1x512x32xf32, #tpu.memory_space<vmem>> -> memref<512x32xf32, #tpu.memory_space<vmem>>
    %dma_wait3A_204 = arith.constant 256 : i32
    %dma_wait3A_205 = arith.constant 0 : i32
    %dma_wait3A_206 = tpu.memref_slice %dma_wait3A_203[%dma_wait3A_204, %dma_wait3A_205] : memref<512x32xf32, #tpu.memory_space<vmem>> -> memref<128x32xf32, #tpu.memory_space<vmem>>
    %dma_wait3A_207 = arith.constant 0 : i32
    %dma_wait3A_208 = tpu.memref_slice %arg12[%dma_wait3A_197, %dma_wait3A_198, %dma_wait3A_207] : memref<50x4x128xi32, #tpu.memory_space<vmem>> -> memref<1x1x128xi32, #tpu.memory_space<vmem>>
    %dma_wait3A_209 = tpu.memref_squeeze %dma_wait3A_208 : memref<1x1x128xi32, #tpu.memory_space<vmem>> -> memref<128xi32, #tpu.memory_space<vmem>>
    %dma_wait3A_210 = arith.constant 0 : i32
    %dma_wait3A_211 = arith.constant 0 : i32
    %dma_wait3A_212 = tpu.memref_slice %arg2[%dma_wait3A_210, %dma_wait3A_211] : memref<100000x32xf32, #tpu.memory_space<hbm>> -> memref<100000x32xf32, #tpu.memory_space<hbm>>
    tpu.wait_indirect_dma semaphore(%arg24 : memref<!tpu.dma_semaphore, #tpu.memory_space<semaphore_mem>>) src(%dma_wait3A_212 : memref<100000x32xf32, #tpu.memory_space<hbm>>) dst(%dma_wait3A_206 : memref<128x32xf32, #tpu.memory_space<vmem>>)
    %dma_wait3A_213 = arith.constant 0 : i32
    %dma_wait3A_214 = arith.constant 3 : i32
    %dma_wait3A_215 = arith.constant 0 : i32
    %dma_wait3A_216 = arith.constant 0 : i32
    %dma_wait3A_217 = arith.constant 0 : i32
    %dma_wait3A_218 = tpu.memref_slice %arg13[%dma_wait3A_215, %dma_wait3A_216, %dma_wait3A_217] : memref<2x512x32xf32, #tpu.memory_space<vmem>> -> memref<1x512x32xf32, #tpu.memory_space<vmem>>
    %dma_wait3A_219 = tpu.memref_squeeze %dma_wait3A_218 : memref<1x512x32xf32, #tpu.memory_space<vmem>> -> memref<512x32xf32, #tpu.memory_space<vmem>>
    %dma_wait3A_220 = arith.constant 384 : i32
    %dma_wait3A_221 = arith.constant 0 : i32
    %dma_wait3A_222 = tpu.memref_slice %dma_wait3A_219[%dma_wait3A_220, %dma_wait3A_221] : memref<512x32xf32, #tpu.memory_space<vmem>> -> memref<128x32xf32, #tpu.memory_space<vmem>>
    %dma_wait3A_223 = arith.constant 0 : i32
    %dma_wait3A_224 = tpu.memref_slice %arg12[%dma_wait3A_213, %dma_wait3A_214, %dma_wait3A_223] : memref<50x4x128xi32, #tpu.memory_space<vmem>> -> memref<1x1x128xi32, #tpu.memory_space<vmem>>
    %dma_wait3A_225 = tpu.memref_squeeze %dma_wait3A_224 : memref<1x1x128xi32, #tpu.memory_space<vmem>> -> memref<128xi32, #tpu.memory_space<vmem>>
    %dma_wait3A_226 = arith.constant 0 : i32
    %dma_wait3A_227 = arith.constant 0 : i32
    %dma_wait3A_228 = tpu.memref_slice %arg2[%dma_wait3A_226, %dma_wait3A_227] : memref<100000x32xf32, #tpu.memory_space<hbm>> -> memref<100000x32xf32, #tpu.memory_space<hbm>>
    tpu.wait_indirect_dma semaphore(%arg24 : memref<!tpu.dma_semaphore, #tpu.memory_space<semaphore_mem>>) src(%dma_wait3A_228 : memref<100000x32xf32, #tpu.memory_space<hbm>>) dst(%dma_wait3A_222 : memref<128x32xf32, #tpu.memory_space<vmem>>)
    %parallel_loop3A = arith.constant 0 : i32
    %parallel_loop3A_229 = arith.constant 512 : i32
    %parallel_loop3A_230 = arith.constant 1 : i32
    scf.for %parallel_loop3A_243 = %parallel_loop3A to %parallel_loop3A_229 step %parallel_loop3A_230  : i32 {
      %parallel_loop3A_244 = arith.constant 1 : i32
      %parallel_loop3A_245 = arith.index_cast %parallel_loop3A_244 : i32 to index
      %parallel_loop3A_246 = arith.index_cast %parallel_loop3A_243 : i32 to index
      %parallel_loop3A_247 = arith.constant 0 : index
      %parallel_loop3A_248 = tpu.vector_load %arg13[%parallel_loop3A_245, %parallel_loop3A_246, %parallel_loop3A_247] {strides = array<i32>} : memref<2x512x32xf32, #tpu.memory_space<vmem>>, vector<16xf32>,
      %parallel_loop3A_249 = arith.index_cast %parallel_loop3A_243 : i32 to index
      %parallel_loop3A_250 = arith.constant 0 : index
      %parallel_loop3A_251 = tpu.vector_load %arg14[%parallel_loop3A_249, %parallel_loop3A_250] {strides = array<i32>} : memref<512x32xf32, #tpu.memory_space<vmem>>, vector<16xf32>,
      tpu.vector_store %arg14[%parallel_loop3A_249, %parallel_loop3A_250], %parallel_loop3A_248 {add = true, strides = array<i32>} : memref<512x32xf32, #tpu.memory_space<vmem>>, vector<16xf32>,
      %parallel_loop3A_252 = arith.constant 1 : i32
      %parallel_loop3A_253 = arith.index_cast %parallel_loop3A_252 : i32 to index
      %parallel_loop3A_254 = arith.index_cast %parallel_loop3A_243 : i32 to index
      %parallel_loop3A_255 = arith.constant 16 : index
      %parallel_loop3A_256 = tpu.vector_load %arg13[%parallel_loop3A_253, %parallel_loop3A_254, %parallel_loop3A_255] {strides = array<i32>} : memref<2x512x32xf32, #tpu.memory_space<vmem>>, vector<16xf32>,
      %parallel_loop3A_257 = arith.index_cast %parallel_loop3A_243 : i32 to index
      %parallel_loop3A_258 = arith.constant 16 : index
      %parallel_loop3A_259 = tpu.vector_load %arg14[%parallel_loop3A_257, %parallel_loop3A_258] {strides = array<i32>} : memref<512x32xf32, #tpu.memory_space<vmem>>, vector<16xf32>,
      tpu.vector_store %arg14[%parallel_loop3A_257, %parallel_loop3A_258], %parallel_loop3A_256 {add = true, strides = array<i32>} : memref<512x32xf32, #tpu.memory_space<vmem>>, vector<16xf32>,
    } {sc.loop_unroll_factor = 16 : i64, sc.parallel_access}
    tpu.wait_dma2 semaphore(%arg25 : memref<!tpu.dma_semaphore, #tpu.memory_space<semaphore_mem>>) src(%arg7 : memref<10010xf32, #tpu.memory_space<hbm>>) dst(%arg19 : memref<10010xf32, #tpu.memory_space<vmem>>)
    tpu.wait_dma2 semaphore(%arg25 : memref<!tpu.dma_semaphore, #tpu.memory_space<semaphore_mem>>) src(%arg8 : memref<5005xf32, #tpu.memory_space<hbm>>) dst(%arg20 : memref<5005xf32, #tpu.memory_space<vmem>>)
    tpu.wait_dma2 semaphore(%arg25 : memref<!tpu.dma_semaphore, #tpu.memory_space<semaphore_mem>>) src(%arg9 : memref<5005xf32, #tpu.memory_space<hbm>>) dst(%arg21 : memref<5005xf32, #tpu.memory_space<vmem>>)
    tpu.wait_dma2 semaphore(%arg25 : memref<!tpu.dma_semaphore, #tpu.memory_space<semaphore_mem>>) src(%arg10 : memref<1000xf32, #tpu.memory_space<hbm>>) dst(%arg22 : memref<1000xf32, #tpu.memory_space<vmem>>)
    %dma_wait3A_231 = tpu.memref_slice %arg4[%mul3A_2] : memref<16384xf32, #tpu.memory_space<hbm>> -> memref<512xf32, #tpu.memory_space<hbm>>
    %dma_wait3A_232 = tpu.memref_slice %arg4[%mul3A_2] : memref<16384xf32, #tpu.memory_space<hbm>> -> memref<512xf32, #tpu.memory_space<hbm>>
    tpu.wait_dma2 semaphore(%arg25 : memref<!tpu.dma_semaphore, #tpu.memory_space<semaphore_mem>>) src(%dma_wait3A_232 : memref<512xf32, #tpu.memory_space<hbm>>) dst(%arg16 : memref<512xf32, #tpu.memory_space<vmem>>)
    %dma_wait3A_233 = tpu.memref_slice %arg5[%mul3A_2] : memref<16384xf32, #tpu.memory_space<hbm>> -> memref<512xf32, #tpu.memory_space<hbm>>
    %dma_wait3A_234 = tpu.memref_slice %arg5[%mul3A_2] : memref<16384xf32, #tpu.memory_space<hbm>> -> memref<512xf32, #tpu.memory_space<hbm>>
    tpu.wait_dma2 semaphore(%arg25 : memref<!tpu.dma_semaphore, #tpu.memory_space<semaphore_mem>>) src(%dma_wait3A_234 : memref<512xf32, #tpu.memory_space<hbm>>) dst(%arg17 : memref<512xf32, #tpu.memory_space<vmem>>)
    %dma_wait3A_235 = tpu.memref_slice %arg6[%mul3A_2] : memref<16384xf32, #tpu.memory_space<hbm>> -> memref<512xf32, #tpu.memory_space<hbm>>
    %dma_wait3A_236 = tpu.memref_slice %arg6[%mul3A_2] : memref<16384xf32, #tpu.memory_space<hbm>> -> memref<512xf32, #tpu.memory_space<hbm>>
    tpu.wait_dma2 semaphore(%arg25 : memref<!tpu.dma_semaphore, #tpu.memory_space<semaphore_mem>>) src(%dma_wait3A_236 : memref<512xf32, #tpu.memory_space<hbm>>) dst(%arg18 : memref<512xf32, #tpu.memory_space<vmem>>)
    %iota3A = tpu.iota {dimensions = array<i32: 0>} : vector<16xi32>
    %parallel_loop3A_237 = arith.constant 0 : i32
    %parallel_loop3A_238 = arith.constant 32 : i32
    %parallel_loop3A_239 = arith.constant 1 : i32
    %parallel_loop3A_240 = arith.constant 1.000000e+00 : f32
    scf.for %parallel_loop3A_243 = %parallel_loop3A_237 to %parallel_loop3A_238 step %parallel_loop3A_239  : i32 {
      %parallel_loop3A_244 = arith.constant 16 : i32
      %parallel_loop3A_245 = arith.muli %parallel_loop3A_243, %parallel_loop3A_244 : i32
      %parallel_loop3A_246 = arith.constant 0 : i32
      %parallel_loop3A_247 = arith.addi %parallel_loop3A_245, %parallel_loop3A_246 : i32
      %parallel_loop3A_248 = arith.index_cast %parallel_loop3A_247 : i32 to index
      %parallel_loop3A_249 = arith.constant 0 : index
      %parallel_loop3A_250 = tpu.vector_load %arg14[%parallel_loop3A_248, %parallel_loop3A_249] {strides = array<i32>} : memref<512x32xf32, #tpu.memory_space<vmem>>, vector<16xf32>,
      %parallel_loop3A_251 = arith.index_cast %parallel_loop3A_247 : i32 to index
      %parallel_loop3A_252 = arith.constant 16 : index
      %parallel_loop3A_253 = tpu.vector_load %arg14[%parallel_loop3A_251, %parallel_loop3A_252] {strides = array<i32>} : memref<512x32xf32, #tpu.memory_space<vmem>>, vector<16xf32>,
      %parallel_loop3A_254 = vector.extract_strided_slice %parallel_loop3A_253 {offsets = [4], sizes = [1], strides = [1]} : vector<16xf32> to vector<1xf32>
      %parallel_loop3A_255 = vector.extract %parallel_loop3A_254[0] : f32 from vector<1xf32>
      %parallel_loop3A_256 = vector.broadcast %parallel_loop3A_255 : f32 to vector<16xf32>
      %parallel_loop3A_257 = vector.broadcast %parallel_loop3A_240 : f32 to vector<16xf32>
      %parallel_loop3A_258 = arith.maximumf %parallel_loop3A_256, %parallel_loop3A_257 : vector<16xf32>
      %parallel_loop3A_259 = vector.broadcast %parallel_loop3A_240 : f32 to vector<16xf32>
      %parallel_loop3A_260 = arith.divf %parallel_loop3A_259, %parallel_loop3A_258 : vector<16xf32>
      %parallel_loop3A_261 = arith.mulf %parallel_loop3A_250, %parallel_loop3A_260 : vector<16xf32>
      %parallel_loop3A_262 = arith.mulf %parallel_loop3A_253, %parallel_loop3A_260 : vector<16xf32>
      %parallel_loop3A_263 = arith.constant 40 : i32
      %parallel_loop3A_264 = arith.muli %parallel_loop3A_247, %parallel_loop3A_263 : i32
      %parallel_loop3A_265 = arith.index_cast %parallel_loop3A_264 : i32 to index
      %parallel_loop3A_266 = tpu.vector_load %arg15[%parallel_loop3A_265] {strides = array<i32>} : memref<20480xf32, #tpu.memory_space<vmem>>, vector<16xf32>,
      tpu.vector_store %arg15[%parallel_loop3A_265], %parallel_loop3A_261 {strides = array<i32>} : memref<20480xf32, #tpu.memory_space<vmem>>, vector<16xf32>,
      %parallel_loop3A_267 = arith.constant 40 : i32
      %parallel_loop3A_268 = arith.muli %parallel_loop3A_247, %parallel_loop3A_267 : i32
      %parallel_loop3A_269 = arith.constant 16 : i32
      %parallel_loop3A_270 = arith.addi %parallel_loop3A_268, %parallel_loop3A_269 : i32
      %parallel_loop3A_271 = arith.index_cast %parallel_loop3A_270 : i32 to index
      %parallel_loop3A_272 = tpu.vector_load %arg15[%parallel_loop3A_271] {strides = array<i32>} : memref<20480xf32, #tpu.memory_space<vmem>>, vector<16xf32>,
      tpu.vector_store %arg15[%parallel_loop3A_271], %parallel_loop3A_262 {strides = array<i32>} : memref<20480xf32, #tpu.memory_space<vmem>>, vector<16xf32>,
      %parallel_loop3A_273 = arith.constant 16 : i32
      %parallel_loop3A_274 = arith.muli %parallel_loop3A_243, %parallel_loop3A_273 : i32
      %parallel_loop3A_275 = arith.constant 1 : i32
      %parallel_loop3A_276 = arith.addi %parallel_loop3A_274, %parallel_loop3A_275 : i32
      %parallel_loop3A_277 = arith.index_cast %parallel_loop3A_276 : i32 to index
      %parallel_loop3A_278 = arith.constant 0 : index
      %parallel_loop3A_279 = tpu.vector_load %arg14[%parallel_loop3A_277, %parallel_loop3A_278] {strides = array<i32>} : memref<512x32xf32, #tpu.memory_space<vmem>>, vector<16xf32>,
      %parallel_loop3A_280 = arith.index_cast %parallel_loop3A_276 : i32 to index
      %parallel_loop3A_281 = arith.constant 16 : index
      %parallel_loop3A_282 = tpu.vector_load %arg14[%parallel_loop3A_280, %parallel_loop3A_281] {strides = array<i32>} : memref<512x32xf32, #tpu.memory_space<vmem>>, vector<16xf32>,
      %parallel_loop3A_283 = vector.extract_strided_slice %parallel_loop3A_282 {offsets = [4], sizes = [1], strides = [1]} : vector<16xf32> to vector<1xf32>
      %parallel_loop3A_284 = vector.extract %parallel_loop3A_283[0] : f32 from vector<1xf32>
      %parallel_loop3A_285 = vector.broadcast %parallel_loop3A_284 : f32 to vector<16xf32>
      %parallel_loop3A_286 = vector.broadcast %parallel_loop3A_240 : f32 to vector<16xf32>
      %parallel_loop3A_287 = arith.maximumf %parallel_loop3A_285, %parallel_loop3A_286 : vector<16xf32>
      %parallel_loop3A_288 = vector.broadcast %parallel_loop3A_240 : f32 to vector<16xf32>
      %parallel_loop3A_289 = arith.divf %parallel_loop3A_288, %parallel_loop3A_287 : vector<16xf32>
      %parallel_loop3A_290 = arith.mulf %parallel_loop3A_279, %parallel_loop3A_289 : vector<16xf32>
      %parallel_loop3A_291 = arith.mulf %parallel_loop3A_282, %parallel_loop3A_289 : vector<16xf32>
      %parallel_loop3A_292 = arith.constant 40 : i32
      %parallel_loop3A_293 = arith.muli %parallel_loop3A_276, %parallel_loop3A_292 : i32
      %parallel_loop3A_294 = arith.index_cast %parallel_loop3A_293 : i32 to index
      %parallel_loop3A_295 = tpu.vector_load %arg15[%parallel_loop3A_294] {strides = array<i32>} : memref<20480xf32, #tpu.memory_space<vmem>>, vector<16xf32>,
      tpu.vector_store %arg15[%parallel_loop3A_294], %parallel_loop3A_290 {strides = array<i32>} : memref<20480xf32, #tpu.memory_space<vmem>>, vector<16xf32>,
      %parallel_loop3A_296 = arith.constant 40 : i32
      %parallel_loop3A_297 = arith.muli %parallel_loop3A_276, %parallel_loop3A_296 : i32
      %parallel_loop3A_298 = arith.constant 16 : i32
      %parallel_loop3A_299 = arith.addi %parallel_loop3A_297, %parallel_loop3A_298 : i32
      %parallel_loop3A_300 = arith.index_cast %parallel_loop3A_299 : i32 to index
      %parallel_loop3A_301 = tpu.vector_load %arg15[%parallel_loop3A_300] {strides = array<i32>} : memref<20480xf32, #tpu.memory_space<vmem>>, vector<16xf32>,
      tpu.vector_store %arg15[%parallel_loop3A_300], %parallel_loop3A_291 {strides = array<i32>} : memref<20480xf32, #tpu.memory_space<vmem>>, vector<16xf32>,
      %parallel_loop3A_302 = arith.constant 16 : i32
      %parallel_loop3A_303 = arith.muli %parallel_loop3A_243, %parallel_loop3A_302 : i32
      %parallel_loop3A_304 = arith.constant 2 : i32
      %parallel_loop3A_305 = arith.addi %parallel_loop3A_303, %parallel_loop3A_304 : i32
      %parallel_loop3A_306 = arith.index_cast %parallel_loop3A_305 : i32 to index
      %parallel_loop3A_307 = arith.constant 0 : index
      %parallel_loop3A_308 = tpu.vector_load %arg14[%parallel_loop3A_306, %parallel_loop3A_307] {strides = array<i32>} : memref<512x32xf32, #tpu.memory_space<vmem>>, vector<16xf32>,
      %parallel_loop3A_309 = arith.index_cast %parallel_loop3A_305 : i32 to index
      %parallel_loop3A_310 = arith.constant 16 : index
      %parallel_loop3A_311 = tpu.vector_load %arg14[%parallel_loop3A_309, %parallel_loop3A_310] {strides = array<i32>} : memref<512x32xf32, #tpu.memory_space<vmem>>, vector<16xf32>,
      %parallel_loop3A_312 = vector.extract_strided_slice %parallel_loop3A_311 {offsets = [4], sizes = [1], strides = [1]} : vector<16xf32> to vector<1xf32>
      %parallel_loop3A_313 = vector.extract %parallel_loop3A_312[0] : f32 from vector<1xf32>
      %parallel_loop3A_314 = vector.broadcast %parallel_loop3A_313 : f32 to vector<16xf32>
      %parallel_loop3A_315 = vector.broadcast %parallel_loop3A_240 : f32 to vector<16xf32>
      %parallel_loop3A_316 = arith.maximumf %parallel_loop3A_314, %parallel_loop3A_315 : vector<16xf32>
      %parallel_loop3A_317 = vector.broadcast %parallel_loop3A_240 : f32 to vector<16xf32>
      %parallel_loop3A_318 = arith.divf %parallel_loop3A_317, %parallel_loop3A_316 : vector<16xf32>
      %parallel_loop3A_319 = arith.mulf %parallel_loop3A_308, %parallel_loop3A_318 : vector<16xf32>
      %parallel_loop3A_320 = arith.mulf %parallel_loop3A_311, %parallel_loop3A_318 : vector<16xf32>
      %parallel_loop3A_321 = arith.constant 40 : i32
      %parallel_loop3A_322 = arith.muli %parallel_loop3A_305, %parallel_loop3A_321 : i32
      %parallel_loop3A_323 = arith.index_cast %parallel_loop3A_322 : i32 to index
      %parallel_loop3A_324 = tpu.vector_load %arg15[%parallel_loop3A_323] {strides = array<i32>} : memref<20480xf32, #tpu.memory_space<vmem>>, vector<16xf32>,
      tpu.vector_store %arg15[%parallel_loop3A_323], %parallel_loop3A_319 {strides = array<i32>} : memref<20480xf32, #tpu.memory_space<vmem>>, vector<16xf32>,
      %parallel_loop3A_325 = arith.constant 40 : i32
      %parallel_loop3A_326 = arith.muli %parallel_loop3A_305, %parallel_loop3A_325 : i32
      %parallel_loop3A_327 = arith.constant 16 : i32
      %parallel_loop3A_328 = arith.addi %parallel_loop3A_326, %parallel_loop3A_327 : i32
      %parallel_loop3A_329 = arith.index_cast %parallel_loop3A_328 : i32 to index
      %parallel_loop3A_330 = tpu.vector_load %arg15[%parallel_loop3A_329] {strides = array<i32>} : memref<20480xf32, #tpu.memory_space<vmem>>, vector<16xf32>,
      tpu.vector_store %arg15[%parallel_loop3A_329], %parallel_loop3A_320 {strides = array<i32>} : memref<20480xf32, #tpu.memory_space<vmem>>, vector<16xf32>,
      %parallel_loop3A_331 = arith.constant 16 : i32
      %parallel_loop3A_332 = arith.muli %parallel_loop3A_243, %parallel_loop3A_331 : i32
      %parallel_loop3A_333 = arith.constant 3 : i32
      %parallel_loop3A_334 = arith.addi %parallel_loop3A_332, %parallel_loop3A_333 : i32
      %parallel_loop3A_335 = arith.index_cast %parallel_loop3A_334 : i32 to index
      %parallel_loop3A_336 = arith.constant 0 : index
      %parallel_loop3A_337 = tpu.vector_load %arg14[%parallel_loop3A_335, %parallel_loop3A_336] {strides = array<i32>} : memref<512x32xf32, #tpu.memory_space<vmem>>, vector<16xf32>,
      %parallel_loop3A_338 = arith.index_cast %parallel_loop3A_334 : i32 to index
      %parallel_loop3A_339 = arith.constant 16 : index
      %parallel_loop3A_340 = tpu.vector_load %arg14[%parallel_loop3A_338, %parallel_loop3A_339] {strides = array<i32>} : memref<512x32xf32, #tpu.memory_space<vmem>>, vector<16xf32>,
      %parallel_loop3A_341 = vector.extract_strided_slice %parallel_loop3A_340 {offsets = [4], sizes = [1], strides = [1]} : vector<16xf32> to vector<1xf32>
      %parallel_loop3A_342 = vector.extract %parallel_loop3A_341[0] : f32 from vector<1xf32>
      %parallel_loop3A_343 = vector.broadcast %parallel_loop3A_342 : f32 to vector<16xf32>
      %parallel_loop3A_344 = vector.broadcast %parallel_loop3A_240 : f32 to vector<16xf32>
      %parallel_loop3A_345 = arith.maximumf %parallel_loop3A_343, %parallel_loop3A_344 : vector<16xf32>
      %parallel_loop3A_346 = vector.broadcast %parallel_loop3A_240 : f32 to vector<16xf32>
      %parallel_loop3A_347 = arith.divf %parallel_loop3A_346, %parallel_loop3A_345 : vector<16xf32>
      %parallel_loop3A_348 = arith.mulf %parallel_loop3A_337, %parallel_loop3A_347 : vector<16xf32>
      %parallel_loop3A_349 = arith.mulf %parallel_loop3A_340, %parallel_loop3A_347 : vector<16xf32>
      %parallel_loop3A_350 = arith.constant 40 : i32
      %parallel_loop3A_351 = arith.muli %parallel_loop3A_334, %parallel_loop3A_350 : i32
      %parallel_loop3A_352 = arith.index_cast %parallel_loop3A_351 : i32 to index
      %parallel_loop3A_353 = tpu.vector_load %arg15[%parallel_loop3A_352] {strides = array<i32>} : memref<20480xf32, #tpu.memory_space<vmem>>, vector<16xf32>,
      tpu.vector_store %arg15[%parallel_loop3A_352], %parallel_loop3A_348 {strides = array<i32>} : memref<20480xf32, #tpu.memory_space<vmem>>, vector<16xf32>,
      %parallel_loop3A_354 = arith.constant 40 : i32
      %parallel_loop3A_355 = arith.muli %parallel_loop3A_334, %parallel_loop3A_354 : i32
      %parallel_loop3A_356 = arith.constant 16 : i32
      %parallel_loop3A_357 = arith.addi %parallel_loop3A_355, %parallel_loop3A_356 : i32
      %parallel_loop3A_358 = arith.index_cast %parallel_loop3A_357 : i32 to index
      %parallel_loop3A_359 = tpu.vector_load %arg15[%parallel_loop3A_358] {strides = array<i32>} : memref<20480xf32, #tpu.memory_space<vmem>>, vector<16xf32>,
      tpu.vector_store %arg15[%parallel_loop3A_358], %parallel_loop3A_349 {strides = array<i32>} : memref<20480xf32, #tpu.memory_space<vmem>>, vector<16xf32>,
      %parallel_loop3A_360 = arith.constant 16 : i32
      %parallel_loop3A_361 = arith.muli %parallel_loop3A_243, %parallel_loop3A_360 : i32
      %parallel_loop3A_362 = arith.constant 4 : i32
      %parallel_loop3A_363 = arith.addi %parallel_loop3A_361, %parallel_loop3A_362 : i32
      %parallel_loop3A_364 = arith.index_cast %parallel_loop3A_363 : i32 to index
      %parallel_loop3A_365 = arith.constant 0 : index
      %parallel_loop3A_366 = tpu.vector_load %arg14[%parallel_loop3A_364, %parallel_loop3A_365] {strides = array<i32>} : memref<512x32xf32, #tpu.memory_space<vmem>>, vector<16xf32>,
      %parallel_loop3A_367 = arith.index_cast %parallel_loop3A_363 : i32 to index
      %parallel_loop3A_368 = arith.constant 16 : index
      %parallel_loop3A_369 = tpu.vector_load %arg14[%parallel_loop3A_367, %parallel_loop3A_368] {strides = array<i32>} : memref<512x32xf32, #tpu.memory_space<vmem>>, vector<16xf32>,
      %parallel_loop3A_370 = vector.extract_strided_slice %parallel_loop3A_369 {offsets = [4], sizes = [1], strides = [1]} : vector<16xf32> to vector<1xf32>
      %parallel_loop3A_371 = vector.extract %parallel_loop3A_370[0] : f32 from vector<1xf32>
      %parallel_loop3A_372 = vector.broadcast %parallel_loop3A_371 : f32 to vector<16xf32>
      %parallel_loop3A_373 = vector.broadcast %parallel_loop3A_240 : f32 to vector<16xf32>
      %parallel_loop3A_374 = arith.maximumf %parallel_loop3A_372, %parallel_loop3A_373 : vector<16xf32>
      %parallel_loop3A_375 = vector.broadcast %parallel_loop3A_240 : f32 to vector<16xf32>
      %parallel_loop3A_376 = arith.divf %parallel_loop3A_375, %parallel_loop3A_374 : vector<16xf32>
      %parallel_loop3A_377 = arith.mulf %parallel_loop3A_366, %parallel_loop3A_376 : vector<16xf32>
      %parallel_loop3A_378 = arith.mulf %parallel_loop3A_369, %parallel_loop3A_376 : vector<16xf32>
      %parallel_loop3A_379 = arith.constant 40 : i32
      %parallel_loop3A_380 = arith.muli %parallel_loop3A_363, %parallel_loop3A_379 : i32
      %parallel_loop3A_381 = arith.index_cast %parallel_loop3A_380 : i32 to index
      %parallel_loop3A_382 = tpu.vector_load %arg15[%parallel_loop3A_381] {strides = array<i32>} : memref<20480xf32, #tpu.memory_space<vmem>>, vector<16xf32>,
      tpu.vector_store %arg15[%parallel_loop3A_381], %parallel_loop3A_377 {strides = array<i32>} : memref<20480xf32, #tpu.memory_space<vmem>>, vector<16xf32>,
      %parallel_loop3A_383 = arith.constant 40 : i32
      %parallel_loop3A_384 = arith.muli %parallel_loop3A_363, %parallel_loop3A_383 : i32
      %parallel_loop3A_385 = arith.constant 16 : i32
      %parallel_loop3A_386 = arith.addi %parallel_loop3A_384, %parallel_loop3A_385 : i32
      %parallel_loop3A_387 = arith.index_cast %parallel_loop3A_386 : i32 to index
      %parallel_loop3A_388 = tpu.vector_load %arg15[%parallel_loop3A_387] {strides = array<i32>} : memref<20480xf32, #tpu.memory_space<vmem>>, vector<16xf32>,
      tpu.vector_store %arg15[%parallel_loop3A_387], %parallel_loop3A_378 {strides = array<i32>} : memref<20480xf32, #tpu.memory_space<vmem>>, vector<16xf32>,
      %parallel_loop3A_389 = arith.constant 16 : i32
      %parallel_loop3A_390 = arith.muli %parallel_loop3A_243, %parallel_loop3A_389 : i32
      %parallel_loop3A_391 = arith.constant 5 : i32
      %parallel_loop3A_392 = arith.addi %parallel_loop3A_390, %parallel_loop3A_391 : i32
      %parallel_loop3A_393 = arith.index_cast %parallel_loop3A_392 : i32 to index
      %parallel_loop3A_394 = arith.constant 0 : index
      %parallel_loop3A_395 = tpu.vector_load %arg14[%parallel_loop3A_393, %parallel_loop3A_394] {strides = array<i32>} : memref<512x32xf32, #tpu.memory_space<vmem>>, vector<16xf32>,
      %parallel_loop3A_396 = arith.index_cast %parallel_loop3A_392 : i32 to index
      %parallel_loop3A_397 = arith.constant 16 : index
      %parallel_loop3A_398 = tpu.vector_load %arg14[%parallel_loop3A_396, %parallel_loop3A_397] {strides = array<i32>} : memref<512x32xf32, #tpu.memory_space<vmem>>, vector<16xf32>,
      %parallel_loop3A_399 = vector.extract_strided_slice %parallel_loop3A_398 {offsets = [4], sizes = [1], strides = [1]} : vector<16xf32> to vector<1xf32>
      %parallel_loop3A_400 = vector.extract %parallel_loop3A_399[0] : f32 from vector<1xf32>
      %parallel_loop3A_401 = vector.broadcast %parallel_loop3A_400 : f32 to vector<16xf32>
      %parallel_loop3A_402 = vector.broadcast %parallel_loop3A_240 : f32 to vector<16xf32>
      %parallel_loop3A_403 = arith.maximumf %parallel_loop3A_401, %parallel_loop3A_402 : vector<16xf32>
      %parallel_loop3A_404 = vector.broadcast %parallel_loop3A_240 : f32 to vector<16xf32>
      %parallel_loop3A_405 = arith.divf %parallel_loop3A_404, %parallel_loop3A_403 : vector<16xf32>
      %parallel_loop3A_406 = arith.mulf %parallel_loop3A_395, %parallel_loop3A_405 : vector<16xf32>
      %parallel_loop3A_407 = arith.mulf %parallel_loop3A_398, %parallel_loop3A_405 : vector<16xf32>
      %parallel_loop3A_408 = arith.constant 40 : i32
      %parallel_loop3A_409 = arith.muli %parallel_loop3A_392, %parallel_loop3A_408 : i32
      %parallel_loop3A_410 = arith.index_cast %parallel_loop3A_409 : i32 to index
      %parallel_loop3A_411 = tpu.vector_load %arg15[%parallel_loop3A_410] {strides = array<i32>} : memref<20480xf32, #tpu.memory_space<vmem>>, vector<16xf32>,
      tpu.vector_store %arg15[%parallel_loop3A_410], %parallel_loop3A_406 {strides = array<i32>} : memref<20480xf32, #tpu.memory_space<vmem>>, vector<16xf32>,
      %parallel_loop3A_412 = arith.constant 40 : i32
      %parallel_loop3A_413 = arith.muli %parallel_loop3A_392, %parallel_loop3A_412 : i32
      %parallel_loop3A_414 = arith.constant 16 : i32
      %parallel_loop3A_415 = arith.addi %parallel_loop3A_413, %parallel_loop3A_414 : i32
      %parallel_loop3A_416 = arith.index_cast %parallel_loop3A_415 : i32 to index
      %parallel_loop3A_417 = tpu.vector_load %arg15[%parallel_loop3A_416] {strides = array<i32>} : memref<20480xf32, #tpu.memory_space<vmem>>, vector<16xf32>,
      tpu.vector_store %arg15[%parallel_loop3A_416], %parallel_loop3A_407 {strides = array<i32>} : memref<20480xf32, #tpu.memory_space<vmem>>, vector<16xf32>,
      %parallel_loop3A_418 = arith.constant 16 : i32
      %parallel_loop3A_419 = arith.muli %parallel_loop3A_243, %parallel_loop3A_418 : i32
      %parallel_loop3A_420 = arith.constant 6 : i32
      %parallel_loop3A_421 = arith.addi %parallel_loop3A_419, %parallel_loop3A_420 : i32
      %parallel_loop3A_422 = arith.index_cast %parallel_loop3A_421 : i32 to index
      %parallel_loop3A_423 = arith.constant 0 : index
      %parallel_loop3A_424 = tpu.vector_load %arg14[%parallel_loop3A_422, %parallel_loop3A_423] {strides = array<i32>} : memref<512x32xf32, #tpu.memory_space<vmem>>, vector<16xf32>,
      %parallel_loop3A_425 = arith.index_cast %parallel_loop3A_421 : i32 to index
      %parallel_loop3A_426 = arith.constant 16 : index
      %parallel_loop3A_427 = tpu.vector_load %arg14[%parallel_loop3A_425, %parallel_loop3A_426] {strides = array<i32>} : memref<512x32xf32, #tpu.memory_space<vmem>>, vector<16xf32>,
      %parallel_loop3A_428 = vector.extract_strided_slice %parallel_loop3A_427 {offsets = [4], sizes = [1], strides = [1]} : vector<16xf32> to vector<1xf32>
      %parallel_loop3A_429 = vector.extract %parallel_loop3A_428[0] : f32 from vector<1xf32>
      %parallel_loop3A_430 = vector.broadcast %parallel_loop3A_429 : f32 to vector<16xf32>
      %parallel_loop3A_431 = vector.broadcast %parallel_loop3A_240 : f32 to vector<16xf32>
      %parallel_loop3A_432 = arith.maximumf %parallel_loop3A_430, %parallel_loop3A_431 : vector<16xf32>
      %parallel_loop3A_433 = vector.broadcast %parallel_loop3A_240 : f32 to vector<16xf32>
      %parallel_loop3A_434 = arith.divf %parallel_loop3A_433, %parallel_loop3A_432 : vector<16xf32>
      %parallel_loop3A_435 = arith.mulf %parallel_loop3A_424, %parallel_loop3A_434 : vector<16xf32>
      %parallel_loop3A_436 = arith.mulf %parallel_loop3A_427, %parallel_loop3A_434 : vector<16xf32>
      %parallel_loop3A_437 = arith.constant 40 : i32
      %parallel_loop3A_438 = arith.muli %parallel_loop3A_421, %parallel_loop3A_437 : i32
      %parallel_loop3A_439 = arith.index_cast %parallel_loop3A_438 : i32 to index
      %parallel_loop3A_440 = tpu.vector_load %arg15[%parallel_loop3A_439] {strides = array<i32>} : memref<20480xf32, #tpu.memory_space<vmem>>, vector<16xf32>,
      tpu.vector_store %arg15[%parallel_loop3A_439], %parallel_loop3A_435 {strides = array<i32>} : memref<20480xf32, #tpu.memory_space<vmem>>, vector<16xf32>,
      %parallel_loop3A_441 = arith.constant 40 : i32
      %parallel_loop3A_442 = arith.muli %parallel_loop3A_421, %parallel_loop3A_441 : i32
      %parallel_loop3A_443 = arith.constant 16 : i32
      %parallel_loop3A_444 = arith.addi %parallel_loop3A_442, %parallel_loop3A_443 : i32
      %parallel_loop3A_445 = arith.index_cast %parallel_loop3A_444 : i32 to index
      %parallel_loop3A_446 = tpu.vector_load %arg15[%parallel_loop3A_445] {strides = array<i32>} : memref<20480xf32, #tpu.memory_space<vmem>>, vector<16xf32>,
      tpu.vector_store %arg15[%parallel_loop3A_445], %parallel_loop3A_436 {strides = array<i32>} : memref<20480xf32, #tpu.memory_space<vmem>>, vector<16xf32>,
      %parallel_loop3A_447 = arith.constant 16 : i32
      %parallel_loop3A_448 = arith.muli %parallel_loop3A_243, %parallel_loop3A_447 : i32
      %parallel_loop3A_449 = arith.constant 7 : i32
      %parallel_loop3A_450 = arith.addi %parallel_loop3A_448, %parallel_loop3A_449 : i32
      %parallel_loop3A_451 = arith.index_cast %parallel_loop3A_450 : i32 to index
      %parallel_loop3A_452 = arith.constant 0 : index
      %parallel_loop3A_453 = tpu.vector_load %arg14[%parallel_loop3A_451, %parallel_loop3A_452] {strides = array<i32>} : memref<512x32xf32, #tpu.memory_space<vmem>>, vector<16xf32>,
      %parallel_loop3A_454 = arith.index_cast %parallel_loop3A_450 : i32 to index
      %parallel_loop3A_455 = arith.constant 16 : index
      %parallel_loop3A_456 = tpu.vector_load %arg14[%parallel_loop3A_454, %parallel_loop3A_455] {strides = array<i32>} : memref<512x32xf32, #tpu.memory_space<vmem>>, vector<16xf32>,
      %parallel_loop3A_457 = vector.extract_strided_slice %parallel_loop3A_456 {offsets = [4], sizes = [1], strides = [1]} : vector<16xf32> to vector<1xf32>
      %parallel_loop3A_458 = vector.extract %parallel_loop3A_457[0] : f32 from vector<1xf32>
      %parallel_loop3A_459 = vector.broadcast %parallel_loop3A_458 : f32 to vector<16xf32>
      %parallel_loop3A_460 = vector.broadcast %parallel_loop3A_240 : f32 to vector<16xf32>
      %parallel_loop3A_461 = arith.maximumf %parallel_loop3A_459, %parallel_loop3A_460 : vector<16xf32>
      %parallel_loop3A_462 = vector.broadcast %parallel_loop3A_240 : f32 to vector<16xf32>
      %parallel_loop3A_463 = arith.divf %parallel_loop3A_462, %parallel_loop3A_461 : vector<16xf32>
      %parallel_loop3A_464 = arith.mulf %parallel_loop3A_453, %parallel_loop3A_463 : vector<16xf32>
      %parallel_loop3A_465 = arith.mulf %parallel_loop3A_456, %parallel_loop3A_463 : vector<16xf32>
      %parallel_loop3A_466 = arith.constant 40 : i32
      %parallel_loop3A_467 = arith.muli %parallel_loop3A_450, %parallel_loop3A_466 : i32
      %parallel_loop3A_468 = arith.index_cast %parallel_loop3A_467 : i32 to index
      %parallel_loop3A_469 = tpu.vector_load %arg15[%parallel_loop3A_468] {strides = array<i32>} : memref<20480xf32, #tpu.memory_space<vmem>>, vector<16xf32>,
      tpu.vector_store %arg15[%parallel_loop3A_468], %parallel_loop3A_464 {strides = array<i32>} : memref<20480xf32, #tpu.memory_space<vmem>>, vector<16xf32>,
      %parallel_loop3A_470 = arith.constant 40 : i32
      %parallel_loop3A_471 = arith.muli %parallel_loop3A_450, %parallel_loop3A_470 : i32
      %parallel_loop3A_472 = arith.constant 16 : i32
      %parallel_loop3A_473 = arith.addi %parallel_loop3A_471, %parallel_loop3A_472 : i32
      %parallel_loop3A_474 = arith.index_cast %parallel_loop3A_473 : i32 to index
      %parallel_loop3A_475 = tpu.vector_load %arg15[%parallel_loop3A_474] {strides = array<i32>} : memref<20480xf32, #tpu.memory_space<vmem>>, vector<16xf32>,
      tpu.vector_store %arg15[%parallel_loop3A_474], %parallel_loop3A_465 {strides = array<i32>} : memref<20480xf32, #tpu.memory_space<vmem>>, vector<16xf32>,
      %parallel_loop3A_476 = arith.constant 16 : i32
      %parallel_loop3A_477 = arith.muli %parallel_loop3A_243, %parallel_loop3A_476 : i32
      %parallel_loop3A_478 = arith.constant 8 : i32
      %parallel_loop3A_479 = arith.addi %parallel_loop3A_477, %parallel_loop3A_478 : i32
      %parallel_loop3A_480 = arith.index_cast %parallel_loop3A_479 : i32 to index
      %parallel_loop3A_481 = arith.constant 0 : index
      %parallel_loop3A_482 = tpu.vector_load %arg14[%parallel_loop3A_480, %parallel_loop3A_481] {strides = array<i32>} : memref<512x32xf32, #tpu.memory_space<vmem>>, vector<16xf32>,
      %parallel_loop3A_483 = arith.index_cast %parallel_loop3A_479 : i32 to index
      %parallel_loop3A_484 = arith.constant 16 : index
      %parallel_loop3A_485 = tpu.vector_load %arg14[%parallel_loop3A_483, %parallel_loop3A_484] {strides = array<i32>} : memref<512x32xf32, #tpu.memory_space<vmem>>, vector<16xf32>,
      %parallel_loop3A_486 = vector.extract_strided_slice %parallel_loop3A_485 {offsets = [4], sizes = [1], strides = [1]} : vector<16xf32> to vector<1xf32>
      %parallel_loop3A_487 = vector.extract %parallel_loop3A_486[0] : f32 from vector<1xf32>
      %parallel_loop3A_488 = vector.broadcast %parallel_loop3A_487 : f32 to vector<16xf32>
      %parallel_loop3A_489 = vector.broadcast %parallel_loop3A_240 : f32 to vector<16xf32>
      %parallel_loop3A_490 = arith.maximumf %parallel_loop3A_488, %parallel_loop3A_489 : vector<16xf32>
      %parallel_loop3A_491 = vector.broadcast %parallel_loop3A_240 : f32 to vector<16xf32>
      %parallel_loop3A_492 = arith.divf %parallel_loop3A_491, %parallel_loop3A_490 : vector<16xf32>
      %parallel_loop3A_493 = arith.mulf %parallel_loop3A_482, %parallel_loop3A_492 : vector<16xf32>
      %parallel_loop3A_494 = arith.mulf %parallel_loop3A_485, %parallel_loop3A_492 : vector<16xf32>
      %parallel_loop3A_495 = arith.constant 40 : i32
      %parallel_loop3A_496 = arith.muli %parallel_loop3A_479, %parallel_loop3A_495 : i32
      %parallel_loop3A_497 = arith.index_cast %parallel_loop3A_496 : i32 to index
      %parallel_loop3A_498 = tpu.vector_load %arg15[%parallel_loop3A_497] {strides = array<i32>} : memref<20480xf32, #tpu.memory_space<vmem>>, vector<16xf32>,
      tpu.vector_store %arg15[%parallel_loop3A_497], %parallel_loop3A_493 {strides = array<i32>} : memref<20480xf32, #tpu.memory_space<vmem>>, vector<16xf32>,
      %parallel_loop3A_499 = arith.constant 40 : i32
      %parallel_loop3A_500 = arith.muli %parallel_loop3A_479, %parallel_loop3A_499 : i32
      %parallel_loop3A_501 = arith.constant 16 : i32
      %parallel_loop3A_502 = arith.addi %parallel_loop3A_500, %parallel_loop3A_501 : i32
      %parallel_loop3A_503 = arith.index_cast %parallel_loop3A_502 : i32 to index
      %parallel_loop3A_504 = tpu.vector_load %arg15[%parallel_loop3A_503] {strides = array<i32>} : memref<20480xf32, #tpu.memory_space<vmem>>, vector<16xf32>,
      tpu.vector_store %arg15[%parallel_loop3A_503], %parallel_loop3A_494 {strides = array<i32>} : memref<20480xf32, #tpu.memory_space<vmem>>, vector<16xf32>,
      %parallel_loop3A_505 = arith.constant 16 : i32
      %parallel_loop3A_506 = arith.muli %parallel_loop3A_243, %parallel_loop3A_505 : i32
      %parallel_loop3A_507 = arith.constant 9 : i32
      %parallel_loop3A_508 = arith.addi %parallel_loop3A_506, %parallel_loop3A_507 : i32
      %parallel_loop3A_509 = arith.index_cast %parallel_loop3A_508 : i32 to index
      %parallel_loop3A_510 = arith.constant 0 : index
      %parallel_loop3A_511 = tpu.vector_load %arg14[%parallel_loop3A_509, %parallel_loop3A_510] {strides = array<i32>} : memref<512x32xf32, #tpu.memory_space<vmem>>, vector<16xf32>,
      %parallel_loop3A_512 = arith.index_cast %parallel_loop3A_508 : i32 to index
      %parallel_loop3A_513 = arith.constant 16 : index
      %parallel_loop3A_514 = tpu.vector_load %arg14[%parallel_loop3A_512, %parallel_loop3A_513] {strides = array<i32>} : memref<512x32xf32, #tpu.memory_space<vmem>>, vector<16xf32>,
      %parallel_loop3A_515 = vector.extract_strided_slice %parallel_loop3A_514 {offsets = [4], sizes = [1], strides = [1]} : vector<16xf32> to vector<1xf32>
      %parallel_loop3A_516 = vector.extract %parallel_loop3A_515[0] : f32 from vector<1xf32>
      %parallel_loop3A_517 = vector.broadcast %parallel_loop3A_516 : f32 to vector<16xf32>
      %parallel_loop3A_518 = vector.broadcast %parallel_loop3A_240 : f32 to vector<16xf32>
      %parallel_loop3A_519 = arith.maximumf %parallel_loop3A_517, %parallel_loop3A_518 : vector<16xf32>
      %parallel_loop3A_520 = vector.broadcast %parallel_loop3A_240 : f32 to vector<16xf32>
      %parallel_loop3A_521 = arith.divf %parallel_loop3A_520, %parallel_loop3A_519 : vector<16xf32>
      %parallel_loop3A_522 = arith.mulf %parallel_loop3A_511, %parallel_loop3A_521 : vector<16xf32>
      %parallel_loop3A_523 = arith.mulf %parallel_loop3A_514, %parallel_loop3A_521 : vector<16xf32>
      %parallel_loop3A_524 = arith.constant 40 : i32
      %parallel_loop3A_525 = arith.muli %parallel_loop3A_508, %parallel_loop3A_524 : i32
      %parallel_loop3A_526 = arith.index_cast %parallel_loop3A_525 : i32 to index
      %parallel_loop3A_527 = tpu.vector_load %arg15[%parallel_loop3A_526] {strides = array<i32>} : memref<20480xf32, #tpu.memory_space<vmem>>, vector<16xf32>,
      tpu.vector_store %arg15[%parallel_loop3A_526], %parallel_loop3A_522 {strides = array<i32>} : memref<20480xf32, #tpu.memory_space<vmem>>, vector<16xf32>,
      %parallel_loop3A_528 = arith.constant 40 : i32
      %parallel_loop3A_529 = arith.muli %parallel_loop3A_508, %parallel_loop3A_528 : i32
      %parallel_loop3A_530 = arith.constant 16 : i32
      %parallel_loop3A_531 = arith.addi %parallel_loop3A_529, %parallel_loop3A_530 : i32
      %parallel_loop3A_532 = arith.index_cast %parallel_loop3A_531 : i32 to index
      %parallel_loop3A_533 = tpu.vector_load %arg15[%parallel_loop3A_532] {strides = array<i32>} : memref<20480xf32, #tpu.memory_space<vmem>>, vector<16xf32>,
      tpu.vector_store %arg15[%parallel_loop3A_532], %parallel_loop3A_523 {strides = array<i32>} : memref<20480xf32, #tpu.memory_space<vmem>>, vector<16xf32>,
      %parallel_loop3A_534 = arith.constant 16 : i32
      %parallel_loop3A_535 = arith.muli %parallel_loop3A_243, %parallel_loop3A_534 : i32
      %parallel_loop3A_536 = arith.constant 10 : i32
      %parallel_loop3A_537 = arith.addi %parallel_loop3A_535, %parallel_loop3A_536 : i32
      %parallel_loop3A_538 = arith.index_cast %parallel_loop3A_537 : i32 to index
      %parallel_loop3A_539 = arith.constant 0 : index
      %parallel_loop3A_540 = tpu.vector_load %arg14[%parallel_loop3A_538, %parallel_loop3A_539] {strides = array<i32>} : memref<512x32xf32, #tpu.memory_space<vmem>>, vector<16xf32>,
      %parallel_loop3A_541 = arith.index_cast %parallel_loop3A_537 : i32 to index
      %parallel_loop3A_542 = arith.constant 16 : index
      %parallel_loop3A_543 = tpu.vector_load %arg14[%parallel_loop3A_541, %parallel_loop3A_542] {strides = array<i32>} : memref<512x32xf32, #tpu.memory_space<vmem>>, vector<16xf32>,
      %parallel_loop3A_544 = vector.extract_strided_slice %parallel_loop3A_543 {offsets = [4], sizes = [1], strides = [1]} : vector<16xf32> to vector<1xf32>
      %parallel_loop3A_545 = vector.extract %parallel_loop3A_544[0] : f32 from vector<1xf32>
      %parallel_loop3A_546 = vector.broadcast %parallel_loop3A_545 : f32 to vector<16xf32>
      %parallel_loop3A_547 = vector.broadcast %parallel_loop3A_240 : f32 to vector<16xf32>
      %parallel_loop3A_548 = arith.maximumf %parallel_loop3A_546, %parallel_loop3A_547 : vector<16xf32>
      %parallel_loop3A_549 = vector.broadcast %parallel_loop3A_240 : f32 to vector<16xf32>
      %parallel_loop3A_550 = arith.divf %parallel_loop3A_549, %parallel_loop3A_548 : vector<16xf32>
      %parallel_loop3A_551 = arith.mulf %parallel_loop3A_540, %parallel_loop3A_550 : vector<16xf32>
      %parallel_loop3A_552 = arith.mulf %parallel_loop3A_543, %parallel_loop3A_550 : vector<16xf32>
      %parallel_loop3A_553 = arith.constant 40 : i32
      %parallel_loop3A_554 = arith.muli %parallel_loop3A_537, %parallel_loop3A_553 : i32
      %parallel_loop3A_555 = arith.index_cast %parallel_loop3A_554 : i32 to index
      %parallel_loop3A_556 = tpu.vector_load %arg15[%parallel_loop3A_555] {strides = array<i32>} : memref<20480xf32, #tpu.memory_space<vmem>>, vector<16xf32>,
      tpu.vector_store %arg15[%parallel_loop3A_555], %parallel_loop3A_551 {strides = array<i32>} : memref<20480xf32, #tpu.memory_space<vmem>>, vector<16xf32>,
      %parallel_loop3A_557 = arith.constant 40 : i32
      %parallel_loop3A_558 = arith.muli %parallel_loop3A_537, %parallel_loop3A_557 : i32
      %parallel_loop3A_559 = arith.constant 16 : i32
      %parallel_loop3A_560 = arith.addi %parallel_loop3A_558, %parallel_loop3A_559 : i32
      %parallel_loop3A_561 = arith.index_cast %parallel_loop3A_560 : i32 to index
      %parallel_loop3A_562 = tpu.vector_load %arg15[%parallel_loop3A_561] {strides = array<i32>} : memref<20480xf32, #tpu.memory_space<vmem>>, vector<16xf32>,
      tpu.vector_store %arg15[%parallel_loop3A_561], %parallel_loop3A_552 {strides = array<i32>} : memref<20480xf32, #tpu.memory_space<vmem>>, vector<16xf32>,
      %parallel_loop3A_563 = arith.constant 16 : i32
      %parallel_loop3A_564 = arith.muli %parallel_loop3A_243, %parallel_loop3A_563 : i32
      %parallel_loop3A_565 = arith.constant 11 : i32
      %parallel_loop3A_566 = arith.addi %parallel_loop3A_564, %parallel_loop3A_565 : i32
      %parallel_loop3A_567 = arith.index_cast %parallel_loop3A_566 : i32 to index
      %parallel_loop3A_568 = arith.constant 0 : index
      %parallel_loop3A_569 = tpu.vector_load %arg14[%parallel_loop3A_567, %parallel_loop3A_568] {strides = array<i32>} : memref<512x32xf32, #tpu.memory_space<vmem>>, vector<16xf32>,
      %parallel_loop3A_570 = arith.index_cast %parallel_loop3A_566 : i32 to index
      %parallel_loop3A_571 = arith.constant 16 : index
      %parallel_loop3A_572 = tpu.vector_load %arg14[%parallel_loop3A_570, %parallel_loop3A_571] {strides = array<i32>} : memref<512x32xf32, #tpu.memory_space<vmem>>, vector<16xf32>,
      %parallel_loop3A_573 = vector.extract_strided_slice %parallel_loop3A_572 {offsets = [4], sizes = [1], strides = [1]} : vector<16xf32> to vector<1xf32>
      %parallel_loop3A_574 = vector.extract %parallel_loop3A_573[0] : f32 from vector<1xf32>
      %parallel_loop3A_575 = vector.broadcast %parallel_loop3A_574 : f32 to vector<16xf32>
      %parallel_loop3A_576 = vector.broadcast %parallel_loop3A_240 : f32 to vector<16xf32>
      %parallel_loop3A_577 = arith.maximumf %parallel_loop3A_575, %parallel_loop3A_576 : vector<16xf32>
      %parallel_loop3A_578 = vector.broadcast %parallel_loop3A_240 : f32 to vector<16xf32>
      %parallel_loop3A_579 = arith.divf %parallel_loop3A_578, %parallel_loop3A_577 : vector<16xf32>
      %parallel_loop3A_580 = arith.mulf %parallel_loop3A_569, %parallel_loop3A_579 : vector<16xf32>
      %parallel_loop3A_581 = arith.mulf %parallel_loop3A_572, %parallel_loop3A_579 : vector<16xf32>
      %parallel_loop3A_582 = arith.constant 40 : i32
      %parallel_loop3A_583 = arith.muli %parallel_loop3A_566, %parallel_loop3A_582 : i32
      %parallel_loop3A_584 = arith.index_cast %parallel_loop3A_583 : i32 to index
      %parallel_loop3A_585 = tpu.vector_load %arg15[%parallel_loop3A_584] {strides = array<i32>} : memref<20480xf32, #tpu.memory_space<vmem>>, vector<16xf32>,
      tpu.vector_store %arg15[%parallel_loop3A_584], %parallel_loop3A_580 {strides = array<i32>} : memref<20480xf32, #tpu.memory_space<vmem>>, vector<16xf32>,
      %parallel_loop3A_586 = arith.constant 40 : i32
      %parallel_loop3A_587 = arith.muli %parallel_loop3A_566, %parallel_loop3A_586 : i32
      %parallel_loop3A_588 = arith.constant 16 : i32
      %parallel_loop3A_589 = arith.addi %parallel_loop3A_587, %parallel_loop3A_588 : i32
      %parallel_loop3A_590 = arith.index_cast %parallel_loop3A_589 : i32 to index
      %parallel_loop3A_591 = tpu.vector_load %arg15[%parallel_loop3A_590] {strides = array<i32>} : memref<20480xf32, #tpu.memory_space<vmem>>, vector<16xf32>,
      tpu.vector_store %arg15[%parallel_loop3A_590], %parallel_loop3A_581 {strides = array<i32>} : memref<20480xf32, #tpu.memory_space<vmem>>, vector<16xf32>,
      %parallel_loop3A_592 = arith.constant 16 : i32
      %parallel_loop3A_593 = arith.muli %parallel_loop3A_243, %parallel_loop3A_592 : i32
      %parallel_loop3A_594 = arith.constant 12 : i32
      %parallel_loop3A_595 = arith.addi %parallel_loop3A_593, %parallel_loop3A_594 : i32
      %parallel_loop3A_596 = arith.index_cast %parallel_loop3A_595 : i32 to index
      %parallel_loop3A_597 = arith.constant 0 : index
      %parallel_loop3A_598 = tpu.vector_load %arg14[%parallel_loop3A_596, %parallel_loop3A_597] {strides = array<i32>} : memref<512x32xf32, #tpu.memory_space<vmem>>, vector<16xf32>,
      %parallel_loop3A_599 = arith.index_cast %parallel_loop3A_595 : i32 to index
      %parallel_loop3A_600 = arith.constant 16 : index
      %parallel_loop3A_601 = tpu.vector_load %arg14[%parallel_loop3A_599, %parallel_loop3A_600] {strides = array<i32>} : memref<512x32xf32, #tpu.memory_space<vmem>>, vector<16xf32>,
      %parallel_loop3A_602 = vector.extract_strided_slice %parallel_loop3A_601 {offsets = [4], sizes = [1], strides = [1]} : vector<16xf32> to vector<1xf32>
      %parallel_loop3A_603 = vector.extract %parallel_loop3A_602[0] : f32 from vector<1xf32>
      %parallel_loop3A_604 = vector.broadcast %parallel_loop3A_603 : f32 to vector<16xf32>
      %parallel_loop3A_605 = vector.broadcast %parallel_loop3A_240 : f32 to vector<16xf32>
      %parallel_loop3A_606 = arith.maximumf %parallel_loop3A_604, %parallel_loop3A_605 : vector<16xf32>
      %parallel_loop3A_607 = vector.broadcast %parallel_loop3A_240 : f32 to vector<16xf32>
      %parallel_loop3A_608 = arith.divf %parallel_loop3A_607, %parallel_loop3A_606 : vector<16xf32>
      %parallel_loop3A_609 = arith.mulf %parallel_loop3A_598, %parallel_loop3A_608 : vector<16xf32>
      %parallel_loop3A_610 = arith.mulf %parallel_loop3A_601, %parallel_loop3A_608 : vector<16xf32>
      %parallel_loop3A_611 = arith.constant 40 : i32
      %parallel_loop3A_612 = arith.muli %parallel_loop3A_595, %parallel_loop3A_611 : i32
      %parallel_loop3A_613 = arith.index_cast %parallel_loop3A_612 : i32 to index
      %parallel_loop3A_614 = tpu.vector_load %arg15[%parallel_loop3A_613] {strides = array<i32>} : memref<20480xf32, #tpu.memory_space<vmem>>, vector<16xf32>,
      tpu.vector_store %arg15[%parallel_loop3A_613], %parallel_loop3A_609 {strides = array<i32>} : memref<20480xf32, #tpu.memory_space<vmem>>, vector<16xf32>,
      %parallel_loop3A_615 = arith.constant 40 : i32
      %parallel_loop3A_616 = arith.muli %parallel_loop3A_595, %parallel_loop3A_615 : i32
      %parallel_loop3A_617 = arith.constant 16 : i32
      %parallel_loop3A_618 = arith.addi %parallel_loop3A_616, %parallel_loop3A_617 : i32
      %parallel_loop3A_619 = arith.index_cast %parallel_loop3A_618 : i32 to index
      %parallel_loop3A_620 = tpu.vector_load %arg15[%parallel_loop3A_619] {strides = array<i32>} : memref<20480xf32, #tpu.memory_space<vmem>>, vector<16xf32>,
      tpu.vector_store %arg15[%parallel_loop3A_619], %parallel_loop3A_610 {strides = array<i32>} : memref<20480xf32, #tpu.memory_space<vmem>>, vector<16xf32>,
      %parallel_loop3A_621 = arith.constant 16 : i32
      %parallel_loop3A_622 = arith.muli %parallel_loop3A_243, %parallel_loop3A_621 : i32
      %parallel_loop3A_623 = arith.constant 13 : i32
      %parallel_loop3A_624 = arith.addi %parallel_loop3A_622, %parallel_loop3A_623 : i32
      %parallel_loop3A_625 = arith.index_cast %parallel_loop3A_624 : i32 to index
      %parallel_loop3A_626 = arith.constant 0 : index
      %parallel_loop3A_627 = tpu.vector_load %arg14[%parallel_loop3A_625, %parallel_loop3A_626] {strides = array<i32>} : memref<512x32xf32, #tpu.memory_space<vmem>>, vector<16xf32>,
      %parallel_loop3A_628 = arith.index_cast %parallel_loop3A_624 : i32 to index
      %parallel_loop3A_629 = arith.constant 16 : index
      %parallel_loop3A_630 = tpu.vector_load %arg14[%parallel_loop3A_628, %parallel_loop3A_629] {strides = array<i32>} : memref<512x32xf32, #tpu.memory_space<vmem>>, vector<16xf32>,
      %parallel_loop3A_631 = vector.extract_strided_slice %parallel_loop3A_630 {offsets = [4], sizes = [1], strides = [1]} : vector<16xf32> to vector<1xf32>
      %parallel_loop3A_632 = vector.extract %parallel_loop3A_631[0] : f32 from vector<1xf32>
      %parallel_loop3A_633 = vector.broadcast %parallel_loop3A_632 : f32 to vector<16xf32>
      %parallel_loop3A_634 = vector.broadcast %parallel_loop3A_240 : f32 to vector<16xf32>
      %parallel_loop3A_635 = arith.maximumf %parallel_loop3A_633, %parallel_loop3A_634 : vector<16xf32>
      %parallel_loop3A_636 = vector.broadcast %parallel_loop3A_240 : f32 to vector<16xf32>
      %parallel_loop3A_637 = arith.divf %parallel_loop3A_636, %parallel_loop3A_635 : vector<16xf32>
      %parallel_loop3A_638 = arith.mulf %parallel_loop3A_627, %parallel_loop3A_637 : vector<16xf32>
      %parallel_loop3A_639 = arith.mulf %parallel_loop3A_630, %parallel_loop3A_637 : vector<16xf32>
      %parallel_loop3A_640 = arith.constant 40 : i32
      %parallel_loop3A_641 = arith.muli %parallel_loop3A_624, %parallel_loop3A_640 : i32
      %parallel_loop3A_642 = arith.index_cast %parallel_loop3A_641 : i32 to index
      %parallel_loop3A_643 = tpu.vector_load %arg15[%parallel_loop3A_642] {strides = array<i32>} : memref<20480xf32, #tpu.memory_space<vmem>>, vector<16xf32>,
      tpu.vector_store %arg15[%parallel_loop3A_642], %parallel_loop3A_638 {strides = array<i32>} : memref<20480xf32, #tpu.memory_space<vmem>>, vector<16xf32>,
      %parallel_loop3A_644 = arith.constant 40 : i32
      %parallel_loop3A_645 = arith.muli %parallel_loop3A_624, %parallel_loop3A_644 : i32
      %parallel_loop3A_646 = arith.constant 16 : i32
      %parallel_loop3A_647 = arith.addi %parallel_loop3A_645, %parallel_loop3A_646 : i32
      %parallel_loop3A_648 = arith.index_cast %parallel_loop3A_647 : i32 to index
      %parallel_loop3A_649 = tpu.vector_load %arg15[%parallel_loop3A_648] {strides = array<i32>} : memref<20480xf32, #tpu.memory_space<vmem>>, vector<16xf32>,
      tpu.vector_store %arg15[%parallel_loop3A_648], %parallel_loop3A_639 {strides = array<i32>} : memref<20480xf32, #tpu.memory_space<vmem>>, vector<16xf32>,
      %parallel_loop3A_650 = arith.constant 16 : i32
      %parallel_loop3A_651 = arith.muli %parallel_loop3A_243, %parallel_loop3A_650 : i32
      %parallel_loop3A_652 = arith.constant 14 : i32
      %parallel_loop3A_653 = arith.addi %parallel_loop3A_651, %parallel_loop3A_652 : i32
      %parallel_loop3A_654 = arith.index_cast %parallel_loop3A_653 : i32 to index
      %parallel_loop3A_655 = arith.constant 0 : index
      %parallel_loop3A_656 = tpu.vector_load %arg14[%parallel_loop3A_654, %parallel_loop3A_655] {strides = array<i32>} : memref<512x32xf32, #tpu.memory_space<vmem>>, vector<16xf32>,
      %parallel_loop3A_657 = arith.index_cast %parallel_loop3A_653 : i32 to index
      %parallel_loop3A_658 = arith.constant 16 : index
      %parallel_loop3A_659 = tpu.vector_load %arg14[%parallel_loop3A_657, %parallel_loop3A_658] {strides = array<i32>} : memref<512x32xf32, #tpu.memory_space<vmem>>, vector<16xf32>,
      %parallel_loop3A_660 = vector.extract_strided_slice %parallel_loop3A_659 {offsets = [4], sizes = [1], strides = [1]} : vector<16xf32> to vector<1xf32>
      %parallel_loop3A_661 = vector.extract %parallel_loop3A_660[0] : f32 from vector<1xf32>
      %parallel_loop3A_662 = vector.broadcast %parallel_loop3A_661 : f32 to vector<16xf32>
      %parallel_loop3A_663 = vector.broadcast %parallel_loop3A_240 : f32 to vector<16xf32>
      %parallel_loop3A_664 = arith.maximumf %parallel_loop3A_662, %parallel_loop3A_663 : vector<16xf32>
      %parallel_loop3A_665 = vector.broadcast %parallel_loop3A_240 : f32 to vector<16xf32>
      %parallel_loop3A_666 = arith.divf %parallel_loop3A_665, %parallel_loop3A_664 : vector<16xf32>
      %parallel_loop3A_667 = arith.mulf %parallel_loop3A_656, %parallel_loop3A_666 : vector<16xf32>
      %parallel_loop3A_668 = arith.mulf %parallel_loop3A_659, %parallel_loop3A_666 : vector<16xf32>
      %parallel_loop3A_669 = arith.constant 40 : i32
      %parallel_loop3A_670 = arith.muli %parallel_loop3A_653, %parallel_loop3A_669 : i32
      %parallel_loop3A_671 = arith.index_cast %parallel_loop3A_670 : i32 to index
      %parallel_loop3A_672 = tpu.vector_load %arg15[%parallel_loop3A_671] {strides = array<i32>} : memref<20480xf32, #tpu.memory_space<vmem>>, vector<16xf32>,
      tpu.vector_store %arg15[%parallel_loop3A_671], %parallel_loop3A_667 {strides = array<i32>} : memref<20480xf32, #tpu.memory_space<vmem>>, vector<16xf32>,
      %parallel_loop3A_673 = arith.constant 40 : i32
      %parallel_loop3A_674 = arith.muli %parallel_loop3A_653, %parallel_loop3A_673 : i32
      %parallel_loop3A_675 = arith.constant 16 : i32
      %parallel_loop3A_676 = arith.addi %parallel_loop3A_674, %parallel_loop3A_675 : i32
      %parallel_loop3A_677 = arith.index_cast %parallel_loop3A_676 : i32 to index
      %parallel_loop3A_678 = tpu.vector_load %arg15[%parallel_loop3A_677] {strides = array<i32>} : memref<20480xf32, #tpu.memory_space<vmem>>, vector<16xf32>,
      tpu.vector_store %arg15[%parallel_loop3A_677], %parallel_loop3A_668 {strides = array<i32>} : memref<20480xf32, #tpu.memory_space<vmem>>, vector<16xf32>,
      %parallel_loop3A_679 = arith.constant 16 : i32
      %parallel_loop3A_680 = arith.muli %parallel_loop3A_243, %parallel_loop3A_679 : i32
      %parallel_loop3A_681 = arith.constant 15 : i32
      %parallel_loop3A_682 = arith.addi %parallel_loop3A_680, %parallel_loop3A_681 : i32
      %parallel_loop3A_683 = arith.index_cast %parallel_loop3A_682 : i32 to index
      %parallel_loop3A_684 = arith.constant 0 : index
      %parallel_loop3A_685 = tpu.vector_load %arg14[%parallel_loop3A_683, %parallel_loop3A_684] {strides = array<i32>} : memref<512x32xf32, #tpu.memory_space<vmem>>, vector<16xf32>,
      %parallel_loop3A_686 = arith.index_cast %parallel_loop3A_682 : i32 to index
      %parallel_loop3A_687 = arith.constant 16 : index
      %parallel_loop3A_688 = tpu.vector_load %arg14[%parallel_loop3A_686, %parallel_loop3A_687] {strides = array<i32>} : memref<512x32xf32, #tpu.memory_space<vmem>>, vector<16xf32>,
      %parallel_loop3A_689 = vector.extract_strided_slice %parallel_loop3A_688 {offsets = [4], sizes = [1], strides = [1]} : vector<16xf32> to vector<1xf32>
      %parallel_loop3A_690 = vector.extract %parallel_loop3A_689[0] : f32 from vector<1xf32>
      %parallel_loop3A_691 = vector.broadcast %parallel_loop3A_690 : f32 to vector<16xf32>
      %parallel_loop3A_692 = vector.broadcast %parallel_loop3A_240 : f32 to vector<16xf32>
      %parallel_loop3A_693 = arith.maximumf %parallel_loop3A_691, %parallel_loop3A_692 : vector<16xf32>
      %parallel_loop3A_694 = vector.broadcast %parallel_loop3A_240 : f32 to vector<16xf32>
      %parallel_loop3A_695 = arith.divf %parallel_loop3A_694, %parallel_loop3A_693 : vector<16xf32>
      %parallel_loop3A_696 = arith.mulf %parallel_loop3A_685, %parallel_loop3A_695 : vector<16xf32>
      %parallel_loop3A_697 = arith.mulf %parallel_loop3A_688, %parallel_loop3A_695 : vector<16xf32>
      %parallel_loop3A_698 = arith.constant 40 : i32
      %parallel_loop3A_699 = arith.muli %parallel_loop3A_682, %parallel_loop3A_698 : i32
      %parallel_loop3A_700 = arith.index_cast %parallel_loop3A_699 : i32 to index
      %parallel_loop3A_701 = tpu.vector_load %arg15[%parallel_loop3A_700] {strides = array<i32>} : memref<20480xf32, #tpu.memory_space<vmem>>, vector<16xf32>,
      tpu.vector_store %arg15[%parallel_loop3A_700], %parallel_loop3A_696 {strides = array<i32>} : memref<20480xf32, #tpu.memory_space<vmem>>, vector<16xf32>,
      %parallel_loop3A_702 = arith.constant 40 : i32
      %parallel_loop3A_703 = arith.muli %parallel_loop3A_682, %parallel_loop3A_702 : i32
      %parallel_loop3A_704 = arith.constant 16 : i32
      %parallel_loop3A_705 = arith.addi %parallel_loop3A_703, %parallel_loop3A_704 : i32
      %parallel_loop3A_706 = arith.index_cast %parallel_loop3A_705 : i32 to index
      %parallel_loop3A_707 = tpu.vector_load %arg15[%parallel_loop3A_706] {strides = array<i32>} : memref<20480xf32, #tpu.memory_space<vmem>>, vector<16xf32>,
      tpu.vector_store %arg15[%parallel_loop3A_706], %parallel_loop3A_697 {strides = array<i32>} : memref<20480xf32, #tpu.memory_space<vmem>>, vector<16xf32>,
      %parallel_loop3A_708 = arith.constant 16 : i32
      %parallel_loop3A_709 = arith.muli %parallel_loop3A_243, %parallel_loop3A_708 : i32
      %parallel_loop3A_710 = vector.broadcast %parallel_loop3A_709 : i32 to vector<16xi32>
      %parallel_loop3A_711 = arith.addi %parallel_loop3A_710, %iota3A : vector<16xi32>
      %parallel_loop3A_712 = arith.constant 40 : i32
      %parallel_loop3A_713 = vector.broadcast %parallel_loop3A_712 : i32 to vector<16xi32>
      %parallel_loop3A_714 = arith.muli %parallel_loop3A_711, %parallel_loop3A_713 : vector<16xi32>
      %parallel_loop3A_715 = arith.constant 16 : i32
      %parallel_loop3A_716 = arith.muli %parallel_loop3A_243, %parallel_loop3A_715 : i32
      %parallel_loop3A_717 = arith.index_cast %parallel_loop3A_716 : i32 to index
      %parallel_loop3A_718 = tpu.vector_load %arg16[%parallel_loop3A_717] {strides = array<i32>} : memref<512xf32, #tpu.memory_space<vmem>>, vector<16xf32>,
      %parallel_loop3A_719 = arith.constant 9.990000e+02 : f32
      %parallel_loop3A_720 = vector.broadcast %parallel_loop3A_719 : f32 to vector<16xf32>
      %parallel_loop3A_721 = arith.mulf %parallel_loop3A_718, %parallel_loop3A_720 : vector<16xf32>
      %parallel_loop3A_722 = arith.fptosi %parallel_loop3A_721 : vector<16xf32> to vector<16xi32>
      %parallel_loop3A_723 = arith.constant 0 : i32
      %parallel_loop3A_724 = arith.constant 998 : i32
      %parallel_loop3A_725 = vector.broadcast %parallel_loop3A_723 : i32 to vector<16xi32>
      %parallel_loop3A_726 = arith.maxsi %parallel_loop3A_725, %parallel_loop3A_722 : vector<16xi32>
      %parallel_loop3A_727 = vector.broadcast %parallel_loop3A_724 : i32 to vector<16xi32>
      %parallel_loop3A_728 = arith.minsi %parallel_loop3A_727, %parallel_loop3A_726 : vector<16xi32>
      %parallel_loop3A_729 = tpu.vector_load_idx %arg22[%parallel_loop3A_728] : memref<1000xf32, #tpu.memory_space<vmem>>[vector<16xi32>], vector<16xf32>,
      %parallel_loop3A_730 = arith.constant 1 : i32
      %parallel_loop3A_731 = vector.broadcast %parallel_loop3A_730 : i32 to vector<16xi32>
      %parallel_loop3A_732 = arith.addi %parallel_loop3A_728, %parallel_loop3A_731 : vector<16xi32>
      %parallel_loop3A_733 = tpu.vector_load_idx %arg22[%parallel_loop3A_732] : memref<1000xf32, #tpu.memory_space<vmem>>[vector<16xi32>], vector<16xf32>,
      %parallel_loop3A_734 = arith.constant 1 : i32
      %parallel_loop3A_735 = vector.broadcast %parallel_loop3A_734 : i32 to vector<16xi32>
      %parallel_loop3A_736 = arith.addi %parallel_loop3A_728, %parallel_loop3A_735 : vector<16xi32>
      %parallel_loop3A_737 = arith.cmpf ogt, %parallel_loop3A_729, %parallel_loop3A_718 : vector<16xf32>
      %parallel_loop3A_738 = arith.extui %parallel_loop3A_737 : vector<16xi1> to vector<16xi32>
      %parallel_loop3A_739 = arith.subi %parallel_loop3A_736, %parallel_loop3A_738 : vector<16xi32>
      %parallel_loop3A_740 = arith.cmpf ole, %parallel_loop3A_733, %parallel_loop3A_718 : vector<16xf32>
      %parallel_loop3A_741 = arith.extui %parallel_loop3A_740 : vector<16xi1> to vector<16xi32>
      %parallel_loop3A_742 = arith.addi %parallel_loop3A_739, %parallel_loop3A_741 : vector<16xi32>
      %parallel_loop3A_743 = arith.constant 10 : i32
      %parallel_loop3A_744 = vector.broadcast %parallel_loop3A_743 : i32 to vector<16xi32>
      %parallel_loop3A_745 = arith.muli %parallel_loop3A_742, %parallel_loop3A_744 : vector<16xi32>
      %parallel_loop3A_746 = arith.constant 0 : i32
      %parallel_loop3A_747 = vector.broadcast %parallel_loop3A_746 : i32 to vector<16xi32>
      %parallel_loop3A_748 = arith.addi %parallel_loop3A_745, %parallel_loop3A_747 : vector<16xi32>
      %parallel_loop3A_749 = tpu.vector_load_idx %arg19[%parallel_loop3A_748] : memref<10010xf32, #tpu.memory_space<vmem>>[vector<16xi32>], vector<16xf32>,
      %parallel_loop3A_750 = arith.constant 20 : i32
      %parallel_loop3A_751 = vector.broadcast %parallel_loop3A_750 : i32 to vector<16xi32>
      %parallel_loop3A_752 = arith.addi %parallel_loop3A_714, %parallel_loop3A_751 : vector<16xi32>
      tpu.vector_store_idx %arg15[%parallel_loop3A_752], %parallel_loop3A_749 : memref<20480xf32, #tpu.memory_space<vmem>>[vector<16xi32>], vector<16xf32>,
      %parallel_loop3A_753 = arith.constant 1 : i32
      %parallel_loop3A_754 = vector.broadcast %parallel_loop3A_753 : i32 to vector<16xi32>
      %parallel_loop3A_755 = arith.addi %parallel_loop3A_745, %parallel_loop3A_754 : vector<16xi32>
      %parallel_loop3A_756 = tpu.vector_load_idx %arg19[%parallel_loop3A_755] : memref<10010xf32, #tpu.memory_space<vmem>>[vector<16xi32>], vector<16xf32>,
      %parallel_loop3A_757 = arith.constant 21 : i32
      %parallel_loop3A_758 = vector.broadcast %parallel_loop3A_757 : i32 to vector<16xi32>
      %parallel_loop3A_759 = arith.addi %parallel_loop3A_714, %parallel_loop3A_758 : vector<16xi32>
      tpu.vector_store_idx %arg15[%parallel_loop3A_759], %parallel_loop3A_756 : memref<20480xf32, #tpu.memory_space<vmem>>[vector<16xi32>], vector<16xf32>,
      %parallel_loop3A_760 = arith.constant 2 : i32
      %parallel_loop3A_761 = vector.broadcast %parallel_loop3A_760 : i32 to vector<16xi32>
      %parallel_loop3A_762 = arith.addi %parallel_loop3A_745, %parallel_loop3A_761 : vector<16xi32>
      %parallel_loop3A_763 = tpu.vector_load_idx %arg19[%parallel_loop3A_762] : memref<10010xf32, #tpu.memory_space<vmem>>[vector<16xi32>], vector<16xf32>,
      %parallel_loop3A_764 = arith.constant 22 : i32
      %parallel_loop3A_765 = vector.broadcast %parallel_loop3A_764 : i32 to vector<16xi32>
      %parallel_loop3A_766 = arith.addi %parallel_loop3A_714, %parallel_loop3A_765 : vector<16xi32>
      tpu.vector_store_idx %arg15[%parallel_loop3A_766], %parallel_loop3A_763 : memref<20480xf32, #tpu.memory_space<vmem>>[vector<16xi32>], vector<16xf32>,
      %parallel_loop3A_767 = arith.constant 3 : i32
      %parallel_loop3A_768 = vector.broadcast %parallel_loop3A_767 : i32 to vector<16xi32>
      %parallel_loop3A_769 = arith.addi %parallel_loop3A_745, %parallel_loop3A_768 : vector<16xi32>
      %parallel_loop3A_770 = tpu.vector_load_idx %arg19[%parallel_loop3A_769] : memref<10010xf32, #tpu.memory_space<vmem>>[vector<16xi32>], vector<16xf32>,
      %parallel_loop3A_771 = arith.constant 23 : i32
      %parallel_loop3A_772 = vector.broadcast %parallel_loop3A_771 : i32 to vector<16xi32>
      %parallel_loop3A_773 = arith.addi %parallel_loop3A_714, %parallel_loop3A_772 : vector<16xi32>
      tpu.vector_store_idx %arg15[%parallel_loop3A_773], %parallel_loop3A_770 : memref<20480xf32, #tpu.memory_space<vmem>>[vector<16xi32>], vector<16xf32>,
      %parallel_loop3A_774 = arith.constant 4 : i32
      %parallel_loop3A_775 = vector.broadcast %parallel_loop3A_774 : i32 to vector<16xi32>
      %parallel_loop3A_776 = arith.addi %parallel_loop3A_745, %parallel_loop3A_775 : vector<16xi32>
      %parallel_loop3A_777 = tpu.vector_load_idx %arg19[%parallel_loop3A_776] : memref<10010xf32, #tpu.memory_space<vmem>>[vector<16xi32>], vector<16xf32>,
      %parallel_loop3A_778 = arith.constant 24 : i32
      %parallel_loop3A_779 = vector.broadcast %parallel_loop3A_778 : i32 to vector<16xi32>
      %parallel_loop3A_780 = arith.addi %parallel_loop3A_714, %parallel_loop3A_779 : vector<16xi32>
      tpu.vector_store_idx %arg15[%parallel_loop3A_780], %parallel_loop3A_777 : memref<20480xf32, #tpu.memory_space<vmem>>[vector<16xi32>], vector<16xf32>,
      %parallel_loop3A_781 = arith.constant 5 : i32
      %parallel_loop3A_782 = vector.broadcast %parallel_loop3A_781 : i32 to vector<16xi32>
      %parallel_loop3A_783 = arith.addi %parallel_loop3A_745, %parallel_loop3A_782 : vector<16xi32>
      %parallel_loop3A_784 = tpu.vector_load_idx %arg19[%parallel_loop3A_783] : memref<10010xf32, #tpu.memory_space<vmem>>[vector<16xi32>], vector<16xf32>,
      %parallel_loop3A_785 = arith.constant 25 : i32
      %parallel_loop3A_786 = vector.broadcast %parallel_loop3A_785 : i32 to vector<16xi32>
      %parallel_loop3A_787 = arith.addi %parallel_loop3A_714, %parallel_loop3A_786 : vector<16xi32>
      tpu.vector_store_idx %arg15[%parallel_loop3A_787], %parallel_loop3A_784 : memref<20480xf32, #tpu.memory_space<vmem>>[vector<16xi32>], vector<16xf32>,
      %parallel_loop3A_788 = arith.constant 6 : i32
      %parallel_loop3A_789 = vector.broadcast %parallel_loop3A_788 : i32 to vector<16xi32>
      %parallel_loop3A_790 = arith.addi %parallel_loop3A_745, %parallel_loop3A_789 : vector<16xi32>
      %parallel_loop3A_791 = tpu.vector_load_idx %arg19[%parallel_loop3A_790] : memref<10010xf32, #tpu.memory_space<vmem>>[vector<16xi32>], vector<16xf32>,
      %parallel_loop3A_792 = arith.constant 26 : i32
      %parallel_loop3A_793 = vector.broadcast %parallel_loop3A_792 : i32 to vector<16xi32>
      %parallel_loop3A_794 = arith.addi %parallel_loop3A_714, %parallel_loop3A_793 : vector<16xi32>
      tpu.vector_store_idx %arg15[%parallel_loop3A_794], %parallel_loop3A_791 : memref<20480xf32, #tpu.memory_space<vmem>>[vector<16xi32>], vector<16xf32>,
      %parallel_loop3A_795 = arith.constant 7 : i32
      %parallel_loop3A_796 = vector.broadcast %parallel_loop3A_795 : i32 to vector<16xi32>
      %parallel_loop3A_797 = arith.addi %parallel_loop3A_745, %parallel_loop3A_796 : vector<16xi32>
      %parallel_loop3A_798 = tpu.vector_load_idx %arg19[%parallel_loop3A_797] : memref<10010xf32, #tpu.memory_space<vmem>>[vector<16xi32>], vector<16xf32>,
      %parallel_loop3A_799 = arith.constant 27 : i32
      %parallel_loop3A_800 = vector.broadcast %parallel_loop3A_799 : i32 to vector<16xi32>
      %parallel_loop3A_801 = arith.addi %parallel_loop3A_714, %parallel_loop3A_800 : vector<16xi32>
      tpu.vector_store_idx %arg15[%parallel_loop3A_801], %parallel_loop3A_798 : memref<20480xf32, #tpu.memory_space<vmem>>[vector<16xi32>], vector<16xf32>,
      %parallel_loop3A_802 = arith.constant 8 : i32
      %parallel_loop3A_803 = vector.broadcast %parallel_loop3A_802 : i32 to vector<16xi32>
      %parallel_loop3A_804 = arith.addi %parallel_loop3A_745, %parallel_loop3A_803 : vector<16xi32>
      %parallel_loop3A_805 = tpu.vector_load_idx %arg19[%parallel_loop3A_804] : memref<10010xf32, #tpu.memory_space<vmem>>[vector<16xi32>], vector<16xf32>,
      %parallel_loop3A_806 = arith.constant 28 : i32
      %parallel_loop3A_807 = vector.broadcast %parallel_loop3A_806 : i32 to vector<16xi32>
      %parallel_loop3A_808 = arith.addi %parallel_loop3A_714, %parallel_loop3A_807 : vector<16xi32>
      tpu.vector_store_idx %arg15[%parallel_loop3A_808], %parallel_loop3A_805 : memref<20480xf32, #tpu.memory_space<vmem>>[vector<16xi32>], vector<16xf32>,
      %parallel_loop3A_809 = arith.constant 9 : i32
      %parallel_loop3A_810 = vector.broadcast %parallel_loop3A_809 : i32 to vector<16xi32>
      %parallel_loop3A_811 = arith.addi %parallel_loop3A_745, %parallel_loop3A_810 : vector<16xi32>
      %parallel_loop3A_812 = tpu.vector_load_idx %arg19[%parallel_loop3A_811] : memref<10010xf32, #tpu.memory_space<vmem>>[vector<16xi32>], vector<16xf32>,
      %parallel_loop3A_813 = arith.constant 29 : i32
      %parallel_loop3A_814 = vector.broadcast %parallel_loop3A_813 : i32 to vector<16xi32>
      %parallel_loop3A_815 = arith.addi %parallel_loop3A_714, %parallel_loop3A_814 : vector<16xi32>
      tpu.vector_store_idx %arg15[%parallel_loop3A_815], %parallel_loop3A_812 : memref<20480xf32, #tpu.memory_space<vmem>>[vector<16xi32>], vector<16xf32>,
      %parallel_loop3A_816 = arith.constant 16 : i32
      %parallel_loop3A_817 = arith.muli %parallel_loop3A_243, %parallel_loop3A_816 : i32
      %parallel_loop3A_818 = arith.index_cast %parallel_loop3A_817 : i32 to index
      %parallel_loop3A_819 = tpu.vector_load %arg17[%parallel_loop3A_818] {strides = array<i32>} : memref<512xf32, #tpu.memory_space<vmem>>, vector<16xf32>,
      %parallel_loop3A_820 = arith.constant 9.990000e+02 : f32
      %parallel_loop3A_821 = vector.broadcast %parallel_loop3A_820 : f32 to vector<16xf32>
      %parallel_loop3A_822 = arith.mulf %parallel_loop3A_819, %parallel_loop3A_821 : vector<16xf32>
      %parallel_loop3A_823 = arith.fptosi %parallel_loop3A_822 : vector<16xf32> to vector<16xi32>
      %parallel_loop3A_824 = arith.constant 0 : i32
      %parallel_loop3A_825 = arith.constant 998 : i32
      %parallel_loop3A_826 = vector.broadcast %parallel_loop3A_824 : i32 to vector<16xi32>
      %parallel_loop3A_827 = arith.maxsi %parallel_loop3A_826, %parallel_loop3A_823 : vector<16xi32>
      %parallel_loop3A_828 = vector.broadcast %parallel_loop3A_825 : i32 to vector<16xi32>
      %parallel_loop3A_829 = arith.minsi %parallel_loop3A_828, %parallel_loop3A_827 : vector<16xi32>
      %parallel_loop3A_830 = tpu.vector_load_idx %arg22[%parallel_loop3A_829] : memref<1000xf32, #tpu.memory_space<vmem>>[vector<16xi32>], vector<16xf32>,
      %parallel_loop3A_831 = arith.constant 1 : i32
      %parallel_loop3A_832 = vector.broadcast %parallel_loop3A_831 : i32 to vector<16xi32>
      %parallel_loop3A_833 = arith.addi %parallel_loop3A_829, %parallel_loop3A_832 : vector<16xi32>
      %parallel_loop3A_834 = tpu.vector_load_idx %arg22[%parallel_loop3A_833] : memref<1000xf32, #tpu.memory_space<vmem>>[vector<16xi32>], vector<16xf32>,
      %parallel_loop3A_835 = arith.constant 1 : i32
      %parallel_loop3A_836 = vector.broadcast %parallel_loop3A_835 : i32 to vector<16xi32>
      %parallel_loop3A_837 = arith.addi %parallel_loop3A_829, %parallel_loop3A_836 : vector<16xi32>
      %parallel_loop3A_838 = arith.cmpf ogt, %parallel_loop3A_830, %parallel_loop3A_819 : vector<16xf32>
      %parallel_loop3A_839 = arith.extui %parallel_loop3A_838 : vector<16xi1> to vector<16xi32>
      %parallel_loop3A_840 = arith.subi %parallel_loop3A_837, %parallel_loop3A_839 : vector<16xi32>
      %parallel_loop3A_841 = arith.cmpf ole, %parallel_loop3A_834, %parallel_loop3A_819 : vector<16xf32>
      %parallel_loop3A_842 = arith.extui %parallel_loop3A_841 : vector<16xi1> to vector<16xi32>
      %parallel_loop3A_843 = arith.addi %parallel_loop3A_840, %parallel_loop3A_842 : vector<16xi32>
      %parallel_loop3A_844 = arith.constant 5 : i32
      %parallel_loop3A_845 = vector.broadcast %parallel_loop3A_844 : i32 to vector<16xi32>
      %parallel_loop3A_846 = arith.muli %parallel_loop3A_843, %parallel_loop3A_845 : vector<16xi32>
      %parallel_loop3A_847 = arith.constant 0 : i32
      %parallel_loop3A_848 = vector.broadcast %parallel_loop3A_847 : i32 to vector<16xi32>
      %parallel_loop3A_849 = arith.addi %parallel_loop3A_846, %parallel_loop3A_848 : vector<16xi32>
      %parallel_loop3A_850 = tpu.vector_load_idx %arg20[%parallel_loop3A_849] : memref<5005xf32, #tpu.memory_space<vmem>>[vector<16xi32>], vector<16xf32>,
      %parallel_loop3A_851 = arith.constant 30 : i32
      %parallel_loop3A_852 = vector.broadcast %parallel_loop3A_851 : i32 to vector<16xi32>
      %parallel_loop3A_853 = arith.addi %parallel_loop3A_714, %parallel_loop3A_852 : vector<16xi32>
      tpu.vector_store_idx %arg15[%parallel_loop3A_853], %parallel_loop3A_850 : memref<20480xf32, #tpu.memory_space<vmem>>[vector<16xi32>], vector<16xf32>,
      %parallel_loop3A_854 = arith.constant 1 : i32
      %parallel_loop3A_855 = vector.broadcast %parallel_loop3A_854 : i32 to vector<16xi32>
      %parallel_loop3A_856 = arith.addi %parallel_loop3A_846, %parallel_loop3A_855 : vector<16xi32>
      %parallel_loop3A_857 = tpu.vector_load_idx %arg20[%parallel_loop3A_856] : memref<5005xf32, #tpu.memory_space<vmem>>[vector<16xi32>], vector<16xf32>,
      %parallel_loop3A_858 = arith.constant 31 : i32
      %parallel_loop3A_859 = vector.broadcast %parallel_loop3A_858 : i32 to vector<16xi32>
      %parallel_loop3A_860 = arith.addi %parallel_loop3A_714, %parallel_loop3A_859 : vector<16xi32>
      tpu.vector_store_idx %arg15[%parallel_loop3A_860], %parallel_loop3A_857 : memref<20480xf32, #tpu.memory_space<vmem>>[vector<16xi32>], vector<16xf32>,
      %parallel_loop3A_861 = arith.constant 2 : i32
      %parallel_loop3A_862 = vector.broadcast %parallel_loop3A_861 : i32 to vector<16xi32>
      %parallel_loop3A_863 = arith.addi %parallel_loop3A_846, %parallel_loop3A_862 : vector<16xi32>
      %parallel_loop3A_864 = tpu.vector_load_idx %arg20[%parallel_loop3A_863] : memref<5005xf32, #tpu.memory_space<vmem>>[vector<16xi32>], vector<16xf32>,
      %parallel_loop3A_865 = arith.constant 32 : i32
      %parallel_loop3A_866 = vector.broadcast %parallel_loop3A_865 : i32 to vector<16xi32>
      %parallel_loop3A_867 = arith.addi %parallel_loop3A_714, %parallel_loop3A_866 : vector<16xi32>
      tpu.vector_store_idx %arg15[%parallel_loop3A_867], %parallel_loop3A_864 : memref<20480xf32, #tpu.memory_space<vmem>>[vector<16xi32>], vector<16xf32>,
      %parallel_loop3A_868 = arith.constant 3 : i32
      %parallel_loop3A_869 = vector.broadcast %parallel_loop3A_868 : i32 to vector<16xi32>
      %parallel_loop3A_870 = arith.addi %parallel_loop3A_846, %parallel_loop3A_869 : vector<16xi32>
      %parallel_loop3A_871 = tpu.vector_load_idx %arg20[%parallel_loop3A_870] : memref<5005xf32, #tpu.memory_space<vmem>>[vector<16xi32>], vector<16xf32>,
      %parallel_loop3A_872 = arith.constant 33 : i32
      %parallel_loop3A_873 = vector.broadcast %parallel_loop3A_872 : i32 to vector<16xi32>
      %parallel_loop3A_874 = arith.addi %parallel_loop3A_714, %parallel_loop3A_873 : vector<16xi32>
      tpu.vector_store_idx %arg15[%parallel_loop3A_874], %parallel_loop3A_871 : memref<20480xf32, #tpu.memory_space<vmem>>[vector<16xi32>], vector<16xf32>,
      %parallel_loop3A_875 = arith.constant 4 : i32
      %parallel_loop3A_876 = vector.broadcast %parallel_loop3A_875 : i32 to vector<16xi32>
      %parallel_loop3A_877 = arith.addi %parallel_loop3A_846, %parallel_loop3A_876 : vector<16xi32>
      %parallel_loop3A_878 = tpu.vector_load_idx %arg20[%parallel_loop3A_877] : memref<5005xf32, #tpu.memory_space<vmem>>[vector<16xi32>], vector<16xf32>,
      %parallel_loop3A_879 = arith.constant 34 : i32
      %parallel_loop3A_880 = vector.broadcast %parallel_loop3A_879 : i32 to vector<16xi32>
      %parallel_loop3A_881 = arith.addi %parallel_loop3A_714, %parallel_loop3A_880 : vector<16xi32>
      tpu.vector_store_idx %arg15[%parallel_loop3A_881], %parallel_loop3A_878 : memref<20480xf32, #tpu.memory_space<vmem>>[vector<16xi32>], vector<16xf32>,
      %parallel_loop3A_882 = arith.constant 16 : i32
      %parallel_loop3A_883 = arith.muli %parallel_loop3A_243, %parallel_loop3A_882 : i32
      %parallel_loop3A_884 = arith.index_cast %parallel_loop3A_883 : i32 to index
      %parallel_loop3A_885 = tpu.vector_load %arg18[%parallel_loop3A_884] {strides = array<i32>} : memref<512xf32, #tpu.memory_space<vmem>>, vector<16xf32>,
      %parallel_loop3A_886 = arith.constant 9.990000e+02 : f32
      %parallel_loop3A_887 = vector.broadcast %parallel_loop3A_886 : f32 to vector<16xf32>
      %parallel_loop3A_888 = arith.mulf %parallel_loop3A_885, %parallel_loop3A_887 : vector<16xf32>
      %parallel_loop3A_889 = arith.fptosi %parallel_loop3A_888 : vector<16xf32> to vector<16xi32>
      %parallel_loop3A_890 = arith.constant 0 : i32
      %parallel_loop3A_891 = arith.constant 998 : i32
      %parallel_loop3A_892 = vector.broadcast %parallel_loop3A_890 : i32 to vector<16xi32>
      %parallel_loop3A_893 = arith.maxsi %parallel_loop3A_892, %parallel_loop3A_889 : vector<16xi32>
      %parallel_loop3A_894 = vector.broadcast %parallel_loop3A_891 : i32 to vector<16xi32>
      %parallel_loop3A_895 = arith.minsi %parallel_loop3A_894, %parallel_loop3A_893 : vector<16xi32>
      %parallel_loop3A_896 = tpu.vector_load_idx %arg22[%parallel_loop3A_895] : memref<1000xf32, #tpu.memory_space<vmem>>[vector<16xi32>], vector<16xf32>,
      %parallel_loop3A_897 = arith.constant 1 : i32
      %parallel_loop3A_898 = vector.broadcast %parallel_loop3A_897 : i32 to vector<16xi32>
      %parallel_loop3A_899 = arith.addi %parallel_loop3A_895, %parallel_loop3A_898 : vector<16xi32>
      %parallel_loop3A_900 = tpu.vector_load_idx %arg22[%parallel_loop3A_899] : memref<1000xf32, #tpu.memory_space<vmem>>[vector<16xi32>], vector<16xf32>,
      %parallel_loop3A_901 = arith.constant 1 : i32
      %parallel_loop3A_902 = vector.broadcast %parallel_loop3A_901 : i32 to vector<16xi32>
      %parallel_loop3A_903 = arith.addi %parallel_loop3A_895, %parallel_loop3A_902 : vector<16xi32>
      %parallel_loop3A_904 = arith.cmpf ogt, %parallel_loop3A_896, %parallel_loop3A_885 : vector<16xf32>
      %parallel_loop3A_905 = arith.extui %parallel_loop3A_904 : vector<16xi1> to vector<16xi32>
      %parallel_loop3A_906 = arith.subi %parallel_loop3A_903, %parallel_loop3A_905 : vector<16xi32>
      %parallel_loop3A_907 = arith.cmpf ole, %parallel_loop3A_900, %parallel_loop3A_885 : vector<16xf32>
      %parallel_loop3A_908 = arith.extui %parallel_loop3A_907 : vector<16xi1> to vector<16xi32>
      %parallel_loop3A_909 = arith.addi %parallel_loop3A_906, %parallel_loop3A_908 : vector<16xi32>
      %parallel_loop3A_910 = arith.constant 5 : i32
      %parallel_loop3A_911 = vector.broadcast %parallel_loop3A_910 : i32 to vector<16xi32>
      %parallel_loop3A_912 = arith.muli %parallel_loop3A_909, %parallel_loop3A_911 : vector<16xi32>
      %parallel_loop3A_913 = arith.constant 0 : i32
      %parallel_loop3A_914 = vector.broadcast %parallel_loop3A_913 : i32 to vector<16xi32>
      %parallel_loop3A_915 = arith.addi %parallel_loop3A_912, %parallel_loop3A_914 : vector<16xi32>
      %parallel_loop3A_916 = tpu.vector_load_idx %arg21[%parallel_loop3A_915] : memref<5005xf32, #tpu.memory_space<vmem>>[vector<16xi32>], vector<16xf32>,
      %parallel_loop3A_917 = arith.constant 35 : i32
      %parallel_loop3A_918 = vector.broadcast %parallel_loop3A_917 : i32 to vector<16xi32>
      %parallel_loop3A_919 = arith.addi %parallel_loop3A_714, %parallel_loop3A_918 : vector<16xi32>
      tpu.vector_store_idx %arg15[%parallel_loop3A_919], %parallel_loop3A_916 : memref<20480xf32, #tpu.memory_space<vmem>>[vector<16xi32>], vector<16xf32>,
      %parallel_loop3A_920 = arith.constant 1 : i32
      %parallel_loop3A_921 = vector.broadcast %parallel_loop3A_920 : i32 to vector<16xi32>
      %parallel_loop3A_922 = arith.addi %parallel_loop3A_912, %parallel_loop3A_921 : vector<16xi32>
      %parallel_loop3A_923 = tpu.vector_load_idx %arg21[%parallel_loop3A_922] : memref<5005xf32, #tpu.memory_space<vmem>>[vector<16xi32>], vector<16xf32>,
      %parallel_loop3A_924 = arith.constant 36 : i32
      %parallel_loop3A_925 = vector.broadcast %parallel_loop3A_924 : i32 to vector<16xi32>
      %parallel_loop3A_926 = arith.addi %parallel_loop3A_714, %parallel_loop3A_925 : vector<16xi32>
      tpu.vector_store_idx %arg15[%parallel_loop3A_926], %parallel_loop3A_923 : memref<20480xf32, #tpu.memory_space<vmem>>[vector<16xi32>], vector<16xf32>,
      %parallel_loop3A_927 = arith.constant 2 : i32
      %parallel_loop3A_928 = vector.broadcast %parallel_loop3A_927 : i32 to vector<16xi32>
      %parallel_loop3A_929 = arith.addi %parallel_loop3A_912, %parallel_loop3A_928 : vector<16xi32>
      %parallel_loop3A_930 = tpu.vector_load_idx %arg21[%parallel_loop3A_929] : memref<5005xf32, #tpu.memory_space<vmem>>[vector<16xi32>], vector<16xf32>,
      %parallel_loop3A_931 = arith.constant 37 : i32
      %parallel_loop3A_932 = vector.broadcast %parallel_loop3A_931 : i32 to vector<16xi32>
      %parallel_loop3A_933 = arith.addi %parallel_loop3A_714, %parallel_loop3A_932 : vector<16xi32>
      tpu.vector_store_idx %arg15[%parallel_loop3A_933], %parallel_loop3A_930 : memref<20480xf32, #tpu.memory_space<vmem>>[vector<16xi32>], vector<16xf32>,
      %parallel_loop3A_934 = arith.constant 3 : i32
      %parallel_loop3A_935 = vector.broadcast %parallel_loop3A_934 : i32 to vector<16xi32>
      %parallel_loop3A_936 = arith.addi %parallel_loop3A_912, %parallel_loop3A_935 : vector<16xi32>
      %parallel_loop3A_937 = tpu.vector_load_idx %arg21[%parallel_loop3A_936] : memref<5005xf32, #tpu.memory_space<vmem>>[vector<16xi32>], vector<16xf32>,
      %parallel_loop3A_938 = arith.constant 38 : i32
      %parallel_loop3A_939 = vector.broadcast %parallel_loop3A_938 : i32 to vector<16xi32>
      %parallel_loop3A_940 = arith.addi %parallel_loop3A_714, %parallel_loop3A_939 : vector<16xi32>
      tpu.vector_store_idx %arg15[%parallel_loop3A_940], %parallel_loop3A_937 : memref<20480xf32, #tpu.memory_space<vmem>>[vector<16xi32>], vector<16xf32>,
      %parallel_loop3A_941 = arith.constant 4 : i32
      %parallel_loop3A_942 = vector.broadcast %parallel_loop3A_941 : i32 to vector<16xi32>
      %parallel_loop3A_943 = arith.addi %parallel_loop3A_912, %parallel_loop3A_942 : vector<16xi32>
      %parallel_loop3A_944 = tpu.vector_load_idx %arg21[%parallel_loop3A_943] : memref<5005xf32, #tpu.memory_space<vmem>>[vector<16xi32>], vector<16xf32>,
      %parallel_loop3A_945 = arith.constant 39 : i32
      %parallel_loop3A_946 = vector.broadcast %parallel_loop3A_945 : i32 to vector<16xi32>
      %parallel_loop3A_947 = arith.addi %parallel_loop3A_714, %parallel_loop3A_946 : vector<16xi32>
      tpu.vector_store_idx %arg15[%parallel_loop3A_947], %parallel_loop3A_944 : memref<20480xf32, #tpu.memory_space<vmem>>[vector<16xi32>], vector<16xf32>,
    } {sc.loop_unroll_factor = 1 : i64, sc.parallel_access}
    %mul3A_241 = arith.constant 40 : i32
    %mul3A_242 = arith.muli %mul3A_2, %mul3A_241 : i32
    "tpu.region"() ({
      %run_scoped3A = tpu.sem_alloc : memref<!tpu.dma_semaphore, #tpu.memory_space<semaphore_mem>>
      %dma_start3A_243 = tpu.memref_slice %arg11[%mul3A_242] : memref<655360xf32, #tpu.memory_space<hbm>> -> memref<20480xf32, #tpu.memory_space<hbm>>
      %dma_start3A_244 = tpu.memref_slice %arg11[%mul3A_242] : memref<655360xf32, #tpu.memory_space<hbm>> -> memref<20480xf32, #tpu.memory_space<hbm>>
      tpu.enqueue_dma source(%arg15 : memref<20480xf32, #tpu.memory_space<vmem>>) target(%dma_start3A_244 : memref<20480xf32, #tpu.memory_space<hbm>>) target_semaphore(%run_scoped3A : memref<!tpu.dma_semaphore, #tpu.memory_space<semaphore_mem>>)
      %dma_wait3A_245 = tpu.memref_slice %arg11[%mul3A_242] : memref<655360xf32, #tpu.memory_space<hbm>> -> memref<20480xf32, #tpu.memory_space<hbm>>
      %dma_wait3A_246 = tpu.memref_slice %arg11[%mul3A_242] : memref<655360xf32, #tpu.memory_space<hbm>> -> memref<20480xf32, #tpu.memory_space<hbm>>
      tpu.wait_dma2 semaphore(%run_scoped3A : memref<!tpu.dma_semaphore, #tpu.memory_space<semaphore_mem>>) src(%arg15 : memref<20480xf32, #tpu.memory_space<vmem>>) dst(%dma_wait3A_246 : memref<20480xf32, #tpu.memory_space<hbm>>)
      tpu.yield
    }) : () -> ()
    return
  }
}

</mosaic_0001>

<sc_bundles>
// kernel: _run.3.cloned.1.call-start
scs
__scs_entry_jumppad:
0x0: {  	(pc) =	sbr.rel $0x88, $3  }
0x1: {  	(tag) =	ssettag $0x0;
	lr =	simm.s32 $0x1  }
0x2: {  	[smem:$0x3F98] =	sst lr;
	_ =	strace $0xD0000000  }
0x3: {  	_ = 	snop  }
0x4: {  	_ = 	snop  }
0x5: {  	_ = 	snop  }
0x6: {  	_ = 	snop  }
0x7: {  	_ = 	snop  }
__scs_overlays_trampoline_lowered:
0x8: {  	[smem:$0x3FA7] =	sst s0  }
0x9: {  	[smem:$0x3FA8] =	sst s1  }
0xa: {  	[smem:$0x3FA9] =	sst s2  }
0xb: {  	[smem:$0x3FAA] =	sst s3  }
0xc: {  	[smem:$0x3FAB] =	sst s4  }
0xd: {  	[smem:$0x3FAC] =	sst s5  }
0xe: {  	[smem:$0x3FAD] =	sst s6  }
0xf: {  	[smem:$0x3FAE] =	sst s7  }
0x10: {  	[smem:$0x3FAF] =	sst s8  }
0x11: {  	[smem:$0x3FB0] =	sst s9;
	s0 =	simm.s32 @!p0 $0x0  }
0x12: {  	s1 =	sld [smem:$0x3F96];
	s0 =	simm.s32 @p0 $0x1  }
0x13: {  	[smem:$0x3FB1] =	sst s0;
	s0 =	simm.s32 @!p1 $0x0  }
0x14: {  	s2 =	sld [smem:$0x3F95];
	s0 =	simm.s32 @p1 $0x1  }
0x15: {  	[smem:$0x3FB2] =	sst s0;
	s0 =	simm.s32 @!p2 $0x0  }
0x16: {  	s3 =	sld [smem:$0x3FDB];
	s0 =	simm.s32 @p2 $0x1  }
0x17: {  	s4 =	simm.s32 $0x1BF5;
	[smem:$0x3FB4] =	sst s0  }
0x18: {  	s0 =	sld [smem:$0x3F97];
	_ =	swait.ge [sflag:s4], $0x0  }
0x19: {  	s7 =	sld [smem:$0x3F98]  }
0x1a: {  	s8 =	sadd.s32 $0xFFFFE003, lr  }
0x1b: {  	s9 =	sadd.s32 $0xFFFFFEF7, lr;
	s5 =	simm.s32 $0xFFFFFFFF;
	p2 =	slt.u32 s8, $0xFFFFF086  }
0x1c: {  	p1 =	slt.u32 s9, $0xF7A;
	s5 =	simm.s32 @!p2 $0x0  }
0x1d: {  	s5 =	simm.s32 @p1 $0x1;
	p0 =	seq.s32 s7, s2  }
0x1e: {  	s7 =	smul.u32 @!p0 $0xF7A, s2;
	p2 =	seq.s32 @!p0 s5, $0x0  }
0x1f: {  	s9 =	smul.u32 $0xF7A, s1;
	s8 =	simm.s32 @!p0 $0x1BF5;
	p2 =	por !p2, p0  }
0x20: {  	[sflag:s8] =	ssyncset.s32 @!p0 $0xFFFFF086;
	s6 =	sadd.s32 @!p0 s3, s7;
	s7 =	simm.s32 @!p0 $0x108  }
0x21: {  	s3 =	sadd.s32 s3, s9;
	s6 =	sadd.s32 @!p0 $0x88, s6;
	s7 =	simm.s32 @p2 $0x1082  }
0x22: {  	[simem:s7], [sflag:s8] =	dma.local @!p0 [hbm:s6], $0xF7A  }
0x23: {  	s9 =	sor.u32 $0xD0000000, s2;
	s6 =	simm.s32 $0x108;
	_ =	swait.ge @!p0 [sflag:s8], $0x0  }
0x24: {  	s3 =	sadd.s32 $0x88, s3;
	s6 =	simm.s32 @!p1 $0x1082;
	[sflag:s4] =	ssyncset.s32 $0xFFFFF086  }
0x25: {  	[simem:s6], [sflag:s4] =	dma.local [hbm:s3], $0xF7A  }
0x26: {  	[smem:$0x3F98] =	sst s1;
	(tag) =	ssettag s2;
	_ =	strace s9  }
0x27: {  	s1 =	sld [smem:$0x3FA8]  }
0x28: {  	s2 =	sld [smem:$0x3FA9]  }
0x29: {  	s4 =	sld [smem:$0x3FAB]  }
0x2a: {  	p0 =	seq.s32 s5, $0x0;
	s5 =	sld [smem:$0x3FAC]  }
0x2b: {  	s6 =	sld [smem:$0x3FAD]  }
0x2c: {  	s7 =	sld [smem:$0x3FAE]  }
0x2d: {  	s3 =	simm.s32 $0x108;
	s8 =	sld [smem:$0x3FAF]  }
0x2e: {  	s3 =	simm.s32 @!p0 $0x1082;
	s9 =	sld [smem:$0x3FB0]  }
0x2f: {  	lr =	sadd.s32 s0, s3;
	s0 =	sld [smem:$0x3FA7]  }
0x30: {  	s3 =	sld [smem:$0x3FAA]  }
0x31: {  	[smem:$0x3FB3] =	sst s10  }
0x32: {  	s10 =	sld [smem:$0x3FB1];
	_ =	sdelay $0x3  }
0x33: {  	p0 =	seq.s32 s10, $0x1;
	s10 =	sld [smem:$0x3FB3];
	_ =	sdelay $0x3  }
0x34: {  	[smem:$0x3FB3] =	sst s10  }
0x35: {  	s10 =	sld [smem:$0x3FB2];
	_ =	sdelay $0x3  }
0x36: {  	p1 =	seq.s32 s10, $0x1;
	s10 =	sld [smem:$0x3FB3];
	_ =	sdelay $0x3  }
0x37: {  	[smem:$0x3FB3] =	sst s10  }
0x38: {  	s10 =	sld [smem:$0x3FB4]  }
0x39: {  	_ = 	snop;
	(pc) =	sbr.ind lr, $3  }
0x3a: {  	_ = 	snop  }
0x3b: {  	_ = 	snop  }
0x3c: {  	p2 =	seq.s32 s10, $0x1;
	s10 =	sld [smem:$0x3FB3]  }
0x3d: {  	_ =	shalt  }
0x3e: {  	_ =	shalt  }
0x3f: {  	_ =	shalt  }
0x40: {  	_ =	shalt  }
0x41: {  	_ =	shalt  }
0x42: {  	_ =	shalt  }
0x43: {  	_ =	shalt  }
0x44: {  	_ =	shalt  }
0x45: {  	_ =	shalt  }
0x46: {  	_ =	shalt  }
0x47: {  	_ =	shalt  }
0x48: {  	_ =	shalt  }
0x49: {  	_ =	shalt  }
0x4a: {  	_ =	shalt  }
0x4b: {  	_ =	shalt  }
0x4c: {  	_ =	shalt  }
0x4d: {  	_ =	shalt  }
0x4e: {  	_ =	shalt  }
0x4f: {  	_ =	shalt  }
0x50: {  	_ =	shalt  }
0x51: {  	_ =	shalt  }
0x52: {  	_ =	shalt  }
0x53: {  	_ =	shalt  }
0x54: {  	_ =	shalt  }
0x55: {  	_ =	shalt  }
0x56: {  	_ =	shalt  }
0x57: {  	_ =	shalt  }
0x58: {  	_ =	shalt  }
0x59: {  	_ =	shalt  }
0x5a: {  	_ =	shalt  }
0x5b: {  	_ =	shalt  }
0x5c: {  	_ =	shalt  }
0x5d: {  	_ =	shalt  }
0x5e: {  	_ =	shalt  }
0x5f: {  	_ =	shalt  }
0x60: {  	_ =	shalt  }
0x61: {  	_ =	shalt  }
0x62: {  	_ =	shalt  }
0x63: {  	_ =	shalt  }
0x64: {  	_ =	shalt  }
0x65: {  	_ =	shalt  }
0x66: {  	_ =	shalt  }
0x67: {  	_ =	shalt  }
0x68: {  	_ =	shalt  }
0x69: {  	_ =	shalt  }
0x6a: {  	_ =	shalt  }
0x6b: {  	_ =	shalt  }
0x6c: {  	_ =	shalt  }
0x6d: {  	_ =	shalt  }
0x6e: {  	_ =	shalt  }
0x6f: {  	_ =	shalt  }
0x70: {  	_ =	shalt  }
0x71: {  	_ =	shalt  }
0x72: {  	_ =	shalt  }
0x73: {  	_ =	shalt  }
0x74: {  	_ =	shalt  }
0x75: {  	_ =	shalt  }
0x76: {  	_ =	shalt  }
0x77: {  	_ =	shalt  }
0x78: {  	_ =	shalt  }
0x79: {  	_ =	shalt  }
0x7a: {  	_ =	shalt  }
0x7b: {  	_ =	shalt  }
0x7c: {  	_ =	shalt  }
0x7d: {  	_ =	shalt  }
0x7e: {  	_ =	shalt  }
0x7f: {  	_ =	shalt  }
0x80: {  	_ =	shalt  }
0x81: {  	_ =	shalt  }
0x82: {  	_ =	shalt  }
0x83: {  	_ =	shalt  }
0x84: {  	_ =	shalt  }
0x85: {  	_ =	shalt  }
0x86: {  	_ =	shalt  }
0x87: {  	_ =	shalt  }
.Lfunc_end0:
.L_simem_size_0:
called_computation_lowered:
.L_overlay_start_0:
0x88: {  	s2 =	sld [smem:$0x3FD9]  }
0x89: {  	s3 =	sld [smem:$0x3FFE];
	_ =	sdelay $0x1  }
0x8a: {  	s1 =	srdreg.scid  }
0x8b: {  	s0 =	sand.u32 $0x1, s1  }
0x8c: {  	s17 =	sshll.u32 s0, $0xA;
	s2 =	sadd.s32 s3, s2  }
0x8d: {  	s2 =	sadd.s32 s2, s17  }
0x8e: {  	[smem:$0x3FBF] =	sst s2  }
0x8f: {  	_ = 	snop  }
0x90: {  	s2 =	sld [smem:$0x3FC8]  }
0x91: {  	s18 =	sld [smem:$0x3FC7]  }
0x92: {  	s4 =	sld [smem:$0x3FC6]  }
0x93: {  	s5 =	sld [smem:$0x3FC5]  }
0x94: {  	s6 =	sld [smem:$0x3FC4]  }
0x95: {  	s7 =	sld [smem:$0x3FC3]  }
0x96: {  	s8 =	sld [smem:$0x3FC2]  }
0x97: {  	s9 =	sld [smem:$0x3FC1]  }
0x98: {  	s10 =	sld [smem:$0x3FD0];
	(tm) =	ssettm $0x1  }
0x99: {  	s11 =	sld [smem:$0x3FFB];
	_ =	sdelay $0x3  }
0x9a: {  	_ =	strace s11  }
0x9b: {  	s11 =	sld [smem:$0x3FFC];
	_ =	sdelay $0x3  }
0x9c: {  	_ =	strace s11  }
0x9d: {  	s11 =	sld [smem:$0x3FFD];
	_ =	sdelay $0x3  }
0x9e: {  	_ =	strace s11  }
0x9f: {  	_ =	strace $0x8FFFFFFF  }
0xa0: {  	s19 =	sld [smem:$0x3FDB];
	_ =	sdelay $0x1  }
0xa1: {  	s12 =	simm.s32 $_scs_section_size  }
0xa2: {  	s13 =	simm.s32 $_size__tile_overlayer_lowered;
	s14 =	simm.s32 $_tile_overlayer_lowered  }
0xa3: {  	s22 =	simm.s32 $0x1BFF;
	s21 =	sshll.u32 s14, $0x1;
	s11 =	sadd.s32 s12, s19  }
0xa4: {  	s15 =	simm.s32 $0x0;
	s20 =	sshll.u32 s13, $0x1;
	s13 =	sadd.s32 s21, s11  }
0xa5: {  	[timem:s15], [sflag:s22] =	dma.local [hbm:s13], s20  }
0xa6: {  	_ =	swait.ge [sflag:s22], s20  }
0xa7: {  	s12 =	ssub.s32 $0x0, s20;
	[sflag:s22] =	ssyncset.done $0x0  }
0xa8: {  	[sflag:s22] =	ssyncadd.s32 s12;
	_ =	sdelay $0x1  }
0xa9: {  	s23 =	simm.s32 $0x1B8B  }
0xaa: {  	_ =	swait.ge [sflag:s23], $0x1  }
0xab: {  	[sflag:s23] =	ssyncset.done $0x0  }
0xac: {  	s25 =	simm.s32 $0x1B8E;
	s24 =	sld [smem:$0x3FFE];
	[sflag:s23] =	ssyncadd.s32 $0xFFFFFFFF  }
0xad: {  	s26 =	simm.s32 $execute0_lowered;
	[smem:$0x3FD2] =	sst s25  }
0xae: {  	s13 =	sshll.u32 s26, $0x1;
	_ =	strace $0x80000046;
	[dreg:$0x1] =	wrdreg $0xFFFFFFFF  }
0xaf: {  	s28 =	simm.s32 $_size_execute0_lowered;
	s11 =	sadd.s32 s11, s13;
	[dreg:$0x0] =	wrdreg $0x0  }
0xb0: {  	s13 =	sshll.u32 s28, $0x1;
	[dreg:$0x2] =	wrdreg s11  }
0xb1: {  	[dreg:$0x3] =	wrdreg s13  }
0xb2: {  	[dreg:$0x4] =	wrdreg $0xC0  }
0xb3: {  	_ =	task [dreg:s15], $0x5FFFF  }
0xb4: {  	[dreg:$0x1] =	wrdreg $0xFFFFFFFF  }
0xb5: {  	[dreg:$0x0] =	wrdreg $0x60  }
0xb6: {  	[dreg:$0x2] =	wrdreg s24  }
0xb7: {  	[dreg:$0x3] =	wrdreg s2  }
0xb8: {  	[dreg:$0x4] =	wrdreg s18  }
0xb9: {  	[dreg:$0x5] =	wrdreg s4  }
0xba: {  	[dreg:$0x6] =	wrdreg s5  }
0xbb: {  	[dreg:$0x7] =	wrdreg s6  }
0xbc: {  	[dreg:$0x8] =	wrdreg s7  }
0xbd: {  	[dreg:$0x9] =	wrdreg s8  }
0xbe: {  	[dreg:$0xa] =	wrdreg s9  }
0xbf: {  	[dreg:$0xb] =	wrdreg s10  }
0xc0: {  	[dreg:$0xc] =	wrdreg $0x9  }
0xc1: {  	_ =	task.clear_ibuf [dreg:s15], $0xDFFFF;
	_ =	strace $0x90000046  }
0xc2: {  	s29 =	simm.s32 $0x9;
	_ =	strace $0x80000048  }
0xc3: {  	_ =	swait.ge [sflag:s29], $0x1  }
0xc4: {  	[sflag:s29] =	ssyncadd.s32 $0xFFFFFFFF  }
0xc5: {  	_ =	strace $0x90000048  }
0xc6: {  	_ =	sfence  }
0xc7: {  	s30 =	sld [smem:$0x0];
	_ =	sdelay $0x2  }
0xc8: {  	s31 =	sshll.u32 s1, $0xD;
	s1 =	sshrl.u32 s1, $0x2  }
0xc9: {  	s3 =	sand.u32 $0x4000, s31;
	s1 =	sadd.s32 s1, s30  }
0xca: {  	s0 =	sor.u32 s3, s0;
	s1 =	sshll.u32 s1, $0x11  }
0xcb: {  	s0 =	sor.u32 s1, s0  }
0xcc: {  	s0 =	sadd.s32 $0x8F2B, s0  }
0xcd: {  	[sflag:s0] =	ssyncadd.remote.s32 $0x1  }
0xce: {  	_ =	sfence.sel $0xFFFF  }
0xcf: {  	[dreg:$0x0] =	wrdreg $0xFFFFFFFF;
	(pc) =	sbr.abs _section_cstart, $3  }
0xd0: {  	[dreg:$0x1] =	wrdreg $0xFFFFFFFF  }
0xd1: {  	_ =	task.clear_ibuf [dreg:s15], $0x2FFFF;
	_ =	strace $0x9FFFFFFF  }
0xd2: {  	(tm) =	ssettm $0x7FFFFFFF  }
0xd3: {  	_ =	shalt  }
tec
execute0_lowered:
.L_overlay_start_1:
0x0: {  	(tag) =	ssettag $0x1  }
0x1: {  	s0 =	rddreg [dreg:$0x0]  }
0x2: {  	s1 =	rddreg [dreg:$0x1]  }
0x3: {  	s2 =	rddreg [dreg:$0x2]  }
0x4: {  	s3 =	rddreg [dreg:$0x3]  }
0x5: {  	s4 =	rddreg [dreg:$0x4]  }
0x6: {  	s5 =	rddreg [dreg:$0x9]  }
0x7: {  	s11 =	simm.s32 $0x0;
	s6 =	srdreg.scid;
	s7 =	stileid.u32  }
0x8: {  	s15 =	simm.s32 $0x17A00;
	s16 =	simm.s32 $0x1A120;
	s17 =	simm.s32 $0x1B4B0  }
0x9: {  	s18 =	simm.s32 $0x1C840;
	s22 =	simm.s32 $0x80;
	s30 =	simm.s32 $0x1  }
0xa: {  	s12 =	simm.s32 $0x7400;
	s13 =	simm.s32 $0x8400;
	s14 =	simm.s32 $0x9400  }
0xb: {  	[smem:$0x7FF] =	sst s11;
	s6 =	sand.u32 $0x1, s6;
	s7 =	sshll.u32 s7, $0x1  }
0xc: {  	v0 =	vlaneseq.u32;
	s28 =	simm.s32 $0x12400;
	_ =	strace $0x80000047;
	s8 =	sor.u32 s6, s7  }
0xd: {  	v20 =	vmul.u32 $0x28, v0;
	s7 =	sadd.s32 $0x186E00, s0;
	s23 =	ssub.s32 $0x2, s6;
	s6 =	simm.s32 $0xB400  }
0xe: {  	s24 =	smul.u32 $0xC80, s8;
	s9 =	sshrl.u32 s23, $0x1;
	s10 =	sshll.u32 s8, $0x6  }
0xf: {  	v0 =	vimm.s32 $0x0;
	s8 =	smul.u32 $0xA00, s8;
	v1 =	vadd.s32 $0x14, v20;
	v2 =	vadd.s32 $0x15, v20;
	s0 =	ssub.s32 s23, s9;
	s25 =	sadd.s32 s2, s10  }
0x10: {  	v3 =	vadd.s32 $0x16, v20;
	v4 =	vadd.s32 $0x17, v20;
	v5 =	vadd.s32 $0x18, v20;
	s26 =	sadd.s32 s3, s10;
	s29 =	sadd.s32 s4, s10;
	[dreg:$0xc] =	wrdreg s25  }
0x11: {  	v6 =	vadd.s32 $0x19, v20;
	v7 =	vadd.s32 $0x1A, v20;
	v8 =	vadd.s32 $0x1B, v20;
	s9 =	simm.s32 $0xD400;
	s10 =	simm.s32 $0x6400;
	[dreg:$0xd] =	wrdreg s26  }
0x12: {  	v9 =	vadd.s32 $0x1C, v20;
	v10 =	vadd.s32 $0x1D, v20;
	v11 =	vadd.s32 $0x1E, v20;
	s2 =	simm.s32 $0x0;
	s1 =	sadd.s32 s1, s24;
	[dreg:$0xe] =	wrdreg s29  }
0x13: {  	v12 =	vadd.s32 $0x1F, v20;
	v13 =	vadd.s32 $0x20, v20;
	v14 =	vadd.s32 $0x21, v20;
	s31 =	sadd.s32 s5, s8;
	s0 =	smax.u32 s0, $0x1;
	[dreg:$0xb] =	wrdreg s1  }
0x14: {  	v15 =	vadd.s32 $0x22, v20;
	v16 =	vadd.s32 $0x23, v20;
	v17 =	vadd.s32 $0x24, v20;
	s5 =	simm.s32 $0xA400;
	s8 =	simm.s32 $0xC400;
	[dreg:$0xf] =	wrdreg s31  }
0x15: {  	v18 =	vadd.s32 $0x25, v20;
	v19 =	vadd.s32 $0x26, v20;
	v20 =	vadd.s32 $0x27, v20;
	s25 =	simm.s32 $0x2;
	[dreg:$0x10] =	wrdreg s0;
	s1 =	simm.s32 $0x4  }
.LBB2_1:
0x16: {  	[dreg:$0x11] =	wrdreg s2  }
0x17: {  	s0 =	rddreg [dreg:$0xb]  }
0x18: {  	[tilespmem:s11], [sflag:$0x4] =	stream.linear.gather [hbm4b:s0+s11], $0x6400, $0x38;
	[tilespmem:$0x1CC28] =	vst v63  }
0x19: {  	_ =	swait.ge [sflag:s1], $0x6400  }
0x1a: {  	[sflag:s1] =	ssyncset.done $0x0  }
0x1b: {  	[sflag:s1] =	ssyncadd.s32 $0xFFFF9C00  }
0x1c: {  	s19 =	rddreg [dreg:$0x5]  }
0x1d: {  	[tilespmem:s15], [sflag:$0x3] =	stream.linear.gather [hbm4b:s19+s11], $0x2720, $0x38;
	[tilespmem:$0x1CC28] =	vst v63  }
0x1e: {  	s20 =	rddreg [dreg:$0x6]  }
0x1f: {  	[tilespmem:s16], [sflag:$0x3] =	stream.linear.gather [hbm4b:s20+s11], $0x1390, $0x38;
	[tilespmem:$0x1CC28] =	vst v63  }
0x20: {  	s21 =	rddreg [dreg:$0x7]  }
0x21: {  	[tilespmem:s17], [sflag:$0x3] =	stream.linear.gather [hbm4b:s21+s11], $0x1390, $0x38;
	[tilespmem:$0x1CC28] =	vst v63  }
0x22: {  	s23 =	rddreg [dreg:$0x8]  }
0x23: {  	[tilespmem:s18], [sflag:$0x3] =	stream.linear.gather [hbm4b:s23+s11], $0x3E8, $0x38;
	[tilespmem:$0x1CC28] =	vst v63  }
0x24: {  	s26 =	simm.s32 $0x17400;
	s24 =	rddreg [dreg:$0xc]  }
0x25: {  	[tilespmem:s26], [sflag:$0x3] =	stream.linear.gather [hbm4b:s24+s11], $0x200, $0x38;
	[tilespmem:$0x1CC28] =	vst v63  }
0x26: {  	s31 =	simm.s32 $0x17600;
	s29 =	rddreg [dreg:$0xd]  }
0x27: {  	[tilespmem:s31], [sflag:$0x3] =	stream.linear.gather [hbm4b:s29+s11], $0x200, $0x38;
	[tilespmem:$0x1CC28] =	vst v63  }
0x28: {  	s3 =	simm.s32 $0x17800;
	s2 =	rddreg [dreg:$0xe]  }
0x29: {  	[tilespmem:s3], [sflag:$0x3] =	stream.linear.gather [hbm4b:s2+s11], $0x200, $0x38;
	[tilespmem:$0x1CC28] =	vst v63  }
0x2a: {  	s4 =	simm.s32 $0xE400  }
0x2b: {  	[tilespmem:s4], [sflag:$0x1] =	stream.indirect.gather [hbm4b:s7+s22], $0x20, s11, s22, $0xb8;
	[tilespmem:$0x1CC28] =	vst v63  }
0x2c: {  	s11 =	simm.s32 $0xF400  }
0x2d: {  	[tilespmem:s11], [sflag:$0x1] =	stream.indirect.gather [hbm4b:s7+s22], $0x20, s22, s22, $0xb8;
	[tilespmem:$0x1CC28] =	vst v63  }
0x2e: {  	s19 =	simm.s32 $0x100;
	s20 =	simm.s32 $0x10400  }
0x2f: {  	[tilespmem:s20], [sflag:$0x1] =	stream.indirect.gather [hbm4b:s7+s22], $0x20, s19, s22, $0xb8;
	[tilespmem:$0x1CC28] =	vst v63  }
0x30: {  	s21 =	simm.s32 $0x180;
	s23 =	simm.s32 $0x11400  }
0x31: {  	[tilespmem:s23], [sflag:$0x1] =	stream.indirect.gather [hbm4b:s7+s22], $0x20, s21, s22, $0xb8;
	[tilespmem:$0x1CC28] =	vst v63  }
0x32: {  	_ =	swait.ge [sflag:s30], $0x1000  }
0x33: {  	[sflag:s30] =	ssyncset.done $0x0  }
0x34: {  	[sflag:s30] =	ssyncadd.s32 $0xFFFFF000  }
0x35: {  	_ =	swait.ge [sflag:s30], $0x1000  }
0x36: {  	[sflag:s30] =	ssyncset.done $0x0  }
0x37: {  	[sflag:s30] =	ssyncadd.s32 $0xFFFFF000  }
0x38: {  	_ =	swait.ge [sflag:s30], $0x1000  }
0x39: {  	[sflag:s30] =	ssyncset.done $0x0  }
0x3a: {  	[sflag:s30] =	ssyncadd.s32 $0xFFFFF000  }
0x3b: {  	_ =	swait.ge [sflag:s30], $0x1000  }
0x3c: {  	[sflag:s30] =	ssyncset.done $0x0  }
0x3d: {  	s24 =	simm.s32 $0x200;
	[sflag:s30] =	ssyncadd.s32 $0xFFFFF000  }
0x3e: {  	[tilespmem:s5], [sflag:$0x2] =	stream.indirect.gather [hbm4b:s7+s22], $0x20, s24, s22, $0xb8;
	[tilespmem:$0x1CC28] =	vst v63  }
0x3f: {  	s26 =	simm.s32 $0x280  }
0x40: {  	[tilespmem:s6], [sflag:$0x2] =	stream.indirect.gather [hbm4b:s7+s22], $0x20, s26, s22, $0xb8;
	[tilespmem:$0x1CC28] =	vst v63  }
0x41: {  	s29 =	simm.s32 $0x300  }
0x42: {  	[tilespmem:s8], [sflag:$0x2] =	stream.indirect.gather [hbm4b:s7+s22], $0x20, s29, s22, $0xb8;
	[tilespmem:$0x1CC28] =	vst v63  }
0x43: {  	s0 =	simm.s32 $0x0;
	s31 =	simm.s32 $0x380  }
0x44: {  	[tilespmem:s9], [sflag:$0x2] =	stream.indirect.gather [hbm4b:s7+s22], $0x20, s31, s22, $0xb8;
	[tilespmem:$0x1CC28] =	vst v63  }
.LBB2_2:
0x45: {  	s1 =	sshll.u32 s0, $0xA  }
0x46: {  	s1 =	sand.u32 $0x3FFFFC00, s1  }
0x47: {  	s2 =	sadd.s32 $0x400, s1  }
0x48: {  	[tilespmem:s10], [sflag:$0x1] =	stream.indirect.gather [hbm4b:s7+s22], $0x20, s2, s22, $0xb8;
	[tilespmem:$0x1CC28] =	vst v63  }
0x49: {  	s26 =	sadd.s32 $0x480, s1  }
0x4a: {  	[tilespmem:s12], [sflag:$0x1] =	stream.indirect.gather [hbm4b:s7+s22], $0x20, s26, s22, $0xb8;
	[tilespmem:$0x1CC28] =	vst v63  }
0x4b: {  	s29 =	sadd.s32 $0x500, s1  }
0x4c: {  	[tilespmem:s13], [sflag:$0x1] =	stream.indirect.gather [hbm4b:s7+s22], $0x20, s29, s22, $0xb8;
	[tilespmem:$0x1CC28] =	vst v63  }
0x4d: {  	s31 =	sadd.s32 $0x580, s1  }
0x4e: {  	[tilespmem:s14], [sflag:$0x1] =	stream.indirect.gather [hbm4b:s7+s22], $0x20, s31, s22, $0xb8;
	[tilespmem:$0x1CC28] =	vst v63  }
0x4f: {  	_ =	swait.ge [sflag:s25], $0x1000  }
0x50: {  	[sflag:s25] =	ssyncset.done $0x0  }
0x51: {  	[sflag:s25] =	ssyncadd.s32 $0xFFFFF000  }
0x52: {  	_ =	swait.ge [sflag:s25], $0x1000  }
0x53: {  	[sflag:s25] =	ssyncset.done $0x0  }
0x54: {  	[sflag:s25] =	ssyncadd.s32 $0xFFFFF000  }
0x55: {  	_ =	swait.ge [sflag:s25], $0x1000  }
0x56: {  	[sflag:s25] =	ssyncset.done $0x0  }
0x57: {  	[sflag:s25] =	ssyncadd.s32 $0xFFFFF000  }
0x58: {  	_ =	swait.ge [sflag:s25], $0x1000  }
0x59: {  	[sflag:s25] =	ssyncset.done $0x0  }
0x5a: {  	s2 =	simm.s32 $0x0;
	[sflag:s25] =	ssyncadd.s32 $0xFFFFF000  }
0x5b: {  	v21 =	vld [tilespmem:s2+$0xA5F0]  }
0x5c: {  	v22 =	vld [tilespmem:s2+$0xA400]  }
0x5d: {  	v23 =	vld [tilespmem:s2+$0xA410]  }
0x5e: {  	v24 =	vld [tilespmem:s2+$0xA420]  }
0x5f: {  	v25 =	vld [tilespmem:s2+$0xA430]  }
0x60: {  	v26 =	vld [tilespmem:s2+$0xA440]  }
0x61: {  	v27 =	vld [tilespmem:s2+$0xA450]  }
0x62: {  	v28 =	vld [tilespmem:s2+$0xA460]  }
0x63: {  	v29 =	vld [tilespmem:s2+$0xA470]  }
0x64: {  	v30 =	vld [tilespmem:s2+$0xA480]  }
0x65: {  	v31 =	vld [tilespmem:s2+$0xA490]  }
0x66: {  	v32 =	vld [tilespmem:s2+$0xA4A0]  }
0x67: {  	v33 =	vld [tilespmem:s2+$0xA4B0]  }
0x68: {  	v34 =	vld [tilespmem:s2+$0xA4C0]  }
0x69: {  	v35 =	vld [tilespmem:s2+$0xA4D0]  }
0x6a: {  	v36 =	vld [tilespmem:s2+$0xA4E0]  }
0x6b: {  	v37 =	vld [tilespmem:s2+$0xA4F0]  }
0x6c: {  	v38 =	vld [tilespmem:s2+$0xA500]  }
0x6d: {  	v39 =	vld [tilespmem:s2+$0xA510]  }
0x6e: {  	v40 =	vld [tilespmem:s2+$0xA520]  }
0x6f: {  	v41 =	vld [tilespmem:s2+$0xA530]  }
0x70: {  	v42 =	vld [tilespmem:s2+$0xA540]  }
0x71: {  	v43 =	vld [tilespmem:s2+$0xA550]  }
0x72: {  	v44 =	vld [tilespmem:s2+$0xA560]  }
0x73: {  	v45 =	vld [tilespmem:s2+$0xA570]  }
0x74: {  	v46 =	vld [tilespmem:s2+$0xA580]  }
0x75: {  	v47 =	vld [tilespmem:s2+$0xA590]  }
0x76: {  	v48 =	vld [tilespmem:s2+$0xA5A0]  }
0x77: {  	v49 =	vld [tilespmem:s2+$0xA5B0]  }
0x78: {  	v50 =	vld [tilespmem:s2+$0xA5C0]  }
0x79: {  	v51 =	vld [tilespmem:s2+$0xA5D0]  }
0x7a: {  	[tilespmem:s2+$0xE5F0] =	vst.add.f32.msk $0xffff, v21  }
0x7b: {  	v21 =	vld [tilespmem:s2+$0xA5E0]  }
0x7c: {  	[tilespmem:s2+$0xE400] =	vst.add.f32.msk $0xffff, v22  }
0x7d: {  	[tilespmem:s2+$0xE410] =	vst.add.f32.msk $0xffff, v23  }
0x7e: {  	[tilespmem:s2+$0xE420] =	vst.add.f32.msk $0xffff, v24  }
0x7f: {  	[tilespmem:s2+$0xE430] =	vst.add.f32.msk $0xffff, v25  }
0x80: {  	[tilespmem:s2+$0xE440] =	vst.add.f32.msk $0xffff, v26  }
0x81: {  	[tilespmem:s2+$0xE450] =	vst.add.f32.msk $0xffff, v27  }
0x82: {  	[tilespmem:s2+$0xE460] =	vst.add.f32.msk $0xffff, v28  }
0x83: {  	[tilespmem:s2+$0xE470] =	vst.add.f32.msk $0xffff, v29  }
0x84: {  	[tilespmem:s2+$0xE480] =	vst.add.f32.msk $0xffff, v30  }
0x85: {  	[tilespmem:s2+$0xE490] =	vst.add.f32.msk $0xffff, v31  }
0x86: {  	[tilespmem:s2+$0xE4A0] =	vst.add.f32.msk $0xffff, v32  }
0x87: {  	[tilespmem:s2+$0xE4B0] =	vst.add.f32.msk $0xffff, v33  }
0x88: {  	[tilespmem:s2+$0xE4C0] =	vst.add.f32.msk $0xffff, v34  }
0x89: {  	[tilespmem:s2+$0xE4D0] =	vst.add.f32.msk $0xffff, v35  }
0x8a: {  	[tilespmem:s2+$0xE4E0] =	vst.add.f32.msk $0xffff, v36  }
0x8b: {  	[tilespmem:s2+$0xE4F0] =	vst.add.f32.msk $0xffff, v37  }
0x8c: {  	[tilespmem:s2+$0xE500] =	vst.add.f32.msk $0xffff, v38  }
0x8d: {  	[tilespmem:s2+$0xE510] =	vst.add.f32.msk $0xffff, v39  }
0x8e: {  	[tilespmem:s2+$0xE520] =	vst.add.f32.msk $0xffff, v40  }
0x8f: {  	[tilespmem:s2+$0xE530] =	vst.add.f32.msk $0xffff, v41  }
0x90: {  	[tilespmem:s2+$0xE540] =	vst.add.f32.msk $0xffff, v42  }
0x91: {  	[tilespmem:s2+$0xE550] =	vst.add.f32.msk $0xffff, v43  }
0x92: {  	[tilespmem:s2+$0xE560] =	vst.add.f32.msk $0xffff, v44  }
0x93: {  	[tilespmem:s2+$0xE570] =	vst.add.f32.msk $0xffff, v45  }
0x94: {  	[tilespmem:s2+$0xE580] =	vst.add.f32.msk $0xffff, v46  }
0x95: {  	[tilespmem:s2+$0xE590] =	vst.add.f32.msk $0xffff, v47  }
0x96: {  	[tilespmem:s2+$0xE5A0] =	vst.add.f32.msk $0xffff, v48  }
0x97: {  	[tilespmem:s2+$0xE5B0] =	vst.add.f32.msk $0xffff, v49  }
0x98: {  	[tilespmem:s2+$0xE5C0] =	vst.add.f32.msk $0xffff, v50  }
0x99: {  	s3 =	simm.s32 $0x0;
	s4 =	simm.s32 $0x800;
	[tilespmem:s2+$0xE5D0] =	vst.add.f32.msk $0xffff, v51  }
.LBB2_3:
0x9a: {  	s3 =	sadd.s32 $0x10, s3;
	[tilespmem:s2+$0xE5E0] =	vst.add.f32.msk $0xffff, v21;
	s2 =	sshra.s32 s4, $0x2  }
0x9b: {  	v21 =	vld [tilespmem:s2+$0xA5F0];
	p0 =	slt.u32 s3, $0x1F0  }
0x9c: {  	v22 =	vld [tilespmem:s2+$0xA400]  }
0x9d: {  	v23 =	vld [tilespmem:s2+$0xA410]  }
0x9e: {  	v24 =	vld [tilespmem:s2+$0xA420]  }
0x9f: {  	v25 =	vld [tilespmem:s2+$0xA430]  }
0xa0: {  	[tilespmem:s2+$0xE5F0] =	vst.add.f32.msk $0xffff, v21  }
0xa1: {  	v26 =	vld [tilespmem:s2+$0xA440]  }
0xa2: {  	v27 =	vld [tilespmem:s2+$0xA450]  }
0xa3: {  	v28 =	vld [tilespmem:s2+$0xA460]  }
0xa4: {  	v29 =	vld [tilespmem:s2+$0xA470]  }
0xa5: {  	v30 =	vld [tilespmem:s2+$0xA480]  }
0xa6: {  	v31 =	vld [tilespmem:s2+$0xA490]  }
0xa7: {  	v32 =	vld [tilespmem:s2+$0xA4A0]  }
0xa8: {  	v33 =	vld [tilespmem:s2+$0xA4B0]  }
0xa9: {  	v34 =	vld [tilespmem:s2+$0xA4C0]  }
0xaa: {  	v35 =	vld [tilespmem:s2+$0xA4D0]  }
0xab: {  	v36 =	vld [tilespmem:s2+$0xA4E0]  }
0xac: {  	v37 =	vld [tilespmem:s2+$0xA4F0]  }
0xad: {  	v38 =	vld [tilespmem:s2+$0xA500]  }
0xae: {  	v39 =	vld [tilespmem:s2+$0xA510]  }
0xaf: {  	v40 =	vld [tilespmem:s2+$0xA520]  }
0xb0: {  	v41 =	vld [tilespmem:s2+$0xA530]  }
0xb1: {  	v42 =	vld [tilespmem:s2+$0xA540]  }
0xb2: {  	v43 =	vld [tilespmem:s2+$0xA550]  }
0xb3: {  	v44 =	vld [tilespmem:s2+$0xA560]  }
0xb4: {  	v45 =	vld [tilespmem:s2+$0xA570]  }
0xb5: {  	v46 =	vld [tilespmem:s2+$0xA580]  }
0xb6: {  	v47 =	vld [tilespmem:s2+$0xA590]  }
0xb7: {  	v48 =	vld [tilespmem:s2+$0xA5A0]  }
0xb8: {  	v49 =	vld [tilespmem:s2+$0xA5B0]  }
0xb9: {  	v50 =	vld [tilespmem:s2+$0xA5C0]  }
0xba: {  	v51 =	vld [tilespmem:s2+$0xA5D0]  }
0xbb: {  	v21 =	vld [tilespmem:s2+$0xA5E0]  }
0xbc: {  	[tilespmem:s2+$0xE400] =	vst.add.f32.msk $0xffff, v22  }
0xbd: {  	[tilespmem:s2+$0xE410] =	vst.add.f32.msk $0xffff, v23  }
0xbe: {  	[tilespmem:s2+$0xE420] =	vst.add.f32.msk $0xffff, v24  }
0xbf: {  	[tilespmem:s2+$0xE430] =	vst.add.f32.msk $0xffff, v25  }
0xc0: {  	[tilespmem:s2+$0xE440] =	vst.add.f32.msk $0xffff, v26  }
0xc1: {  	[tilespmem:s2+$0xE450] =	vst.add.f32.msk $0xffff, v27  }
0xc2: {  	[tilespmem:s2+$0xE460] =	vst.add.f32.msk $0xffff, v28  }
0xc3: {  	[tilespmem:s2+$0xE470] =	vst.add.f32.msk $0xffff, v29  }
0xc4: {  	[tilespmem:s2+$0xE480] =	vst.add.f32.msk $0xffff, v30  }
0xc5: {  	[tilespmem:s2+$0xE490] =	vst.add.f32.msk $0xffff, v31  }
0xc6: {  	[tilespmem:s2+$0xE4A0] =	vst.add.f32.msk $0xffff, v32  }
0xc7: {  	[tilespmem:s2+$0xE4B0] =	vst.add.f32.msk $0xffff, v33  }
0xc8: {  	[tilespmem:s2+$0xE4C0] =	vst.add.f32.msk $0xffff, v34  }
0xc9: {  	[tilespmem:s2+$0xE4D0] =	vst.add.f32.msk $0xffff, v35  }
0xca: {  	[tilespmem:s2+$0xE4E0] =	vst.add.f32.msk $0xffff, v36  }
0xcb: {  	[tilespmem:s2+$0xE4F0] =	vst.add.f32.msk $0xffff, v37  }
0xcc: {  	[tilespmem:s2+$0xE500] =	vst.add.f32.msk $0xffff, v38  }
0xcd: {  	[tilespmem:s2+$0xE510] =	vst.add.f32.msk $0xffff, v39  }
0xce: {  	[tilespmem:s2+$0xE520] =	vst.add.f32.msk $0xffff, v40  }
0xcf: {  	[tilespmem:s2+$0xE530] =	vst.add.f32.msk $0xffff, v41  }
0xd0: {  	[tilespmem:s2+$0xE540] =	vst.add.f32.msk $0xffff, v42  }
0xd1: {  	[tilespmem:s2+$0xE550] =	vst.add.f32.msk $0xffff, v43  }
0xd2: {  	[tilespmem:s2+$0xE560] =	vst.add.f32.msk $0xffff, v44  }
0xd3: {  	[tilespmem:s2+$0xE570] =	vst.add.f32.msk $0xffff, v45  }
0xd4: {  	[tilespmem:s2+$0xE580] =	vst.add.f32.msk $0xffff, v46  }
.Ltmp0:
0xd5: {  	[tilespmem:s2+$0xE590] =	vst.add.f32.msk $0xffff, v47;
	(pc) =	sbr.rel @p0 .LBB2_3-.Ltmp0, $4  }
0xd6: {  	[tilespmem:s2+$0xE5A0] =	vst.add.f32.msk $0xffff, v48  }
0xd7: {  	[tilespmem:s2+$0xE5B0] =	vst.add.f32.msk $0xffff, v49  }
0xd8: {  	[tilespmem:s2+$0xE5C0] =	vst.add.f32.msk $0xffff, v50  }
0xd9: {  	s4 =	sadd.s32 $0x800, s4;
	[tilespmem:s2+$0xE5D0] =	vst.add.f32.msk $0xffff, v51  }
0xda: {  	[tilespmem:s2+$0xE5E0] =	vst.add.f32.msk $0xffff, v21;
	s24 =	sadd.s32 $0x600, s1  }
0xdb: {  	[tilespmem:s5], [sflag:$0x2] =	stream.indirect.gather [hbm4b:s7+s22], $0x20, s24, s22, $0xb8;
	[tilespmem:$0x1CC28] =	vst v63  }
0xdc: {  	s26 =	sadd.s32 $0x680, s1  }
0xdd: {  	[tilespmem:s6], [sflag:$0x2] =	stream.indirect.gather [hbm4b:s7+s22], $0x20, s26, s22, $0xb8;
	[tilespmem:$0x1CC28] =	vst v63  }
0xde: {  	s29 =	sadd.s32 $0x700, s1  }
0xdf: {  	[tilespmem:s8], [sflag:$0x2] =	stream.indirect.gather [hbm4b:s7+s22], $0x20, s29, s22, $0xb8;
	[tilespmem:$0x1CC28] =	vst v63  }
0xe0: {  	s31 =	sadd.s32 $0x780, s1  }
0xe1: {  	[tilespmem:s9], [sflag:$0x2] =	stream.indirect.gather [hbm4b:s7+s22], $0x20, s31, s22, $0xb8;
	[tilespmem:$0x1CC28] =	vst v63  }
0xe2: {  	_ =	swait.ge [sflag:s30], $0x1000  }
0xe3: {  	[sflag:s30] =	ssyncset.done $0x0  }
0xe4: {  	[sflag:s30] =	ssyncadd.s32 $0xFFFFF000  }
0xe5: {  	_ =	swait.ge [sflag:s30], $0x1000  }
0xe6: {  	[sflag:s30] =	ssyncset.done $0x0  }
0xe7: {  	[sflag:s30] =	ssyncadd.s32 $0xFFFFF000  }
0xe8: {  	_ =	swait.ge [sflag:s30], $0x1000  }
0xe9: {  	[sflag:s30] =	ssyncset.done $0x0  }
0xea: {  	[sflag:s30] =	ssyncadd.s32 $0xFFFFF000  }
0xeb: {  	_ =	swait.ge [sflag:s30], $0x1000  }
0xec: {  	[sflag:s30] =	ssyncset.done $0x0  }
0xed: {  	s1 =	simm.s32 $0x0;
	[sflag:s30] =	ssyncadd.s32 $0xFFFFF000  }
0xee: {  	v21 =	vld [tilespmem:s1+$0x65F0]  }
0xef: {  	v22 =	vld [tilespmem:s1+$0x6400]  }
0xf0: {  	v23 =	vld [tilespmem:s1+$0x6410]  }
0xf1: {  	v24 =	vld [tilespmem:s1+$0x6420]  }
0xf2: {  	v25 =	vld [tilespmem:s1+$0x6430]  }
0xf3: {  	v26 =	vld [tilespmem:s1+$0x6440]  }
0xf4: {  	v27 =	vld [tilespmem:s1+$0x6450]  }
0xf5: {  	v28 =	vld [tilespmem:s1+$0x6460]  }
0xf6: {  	v29 =	vld [tilespmem:s1+$0x6470]  }
0xf7: {  	v30 =	vld [tilespmem:s1+$0x6480]  }
0xf8: {  	v31 =	vld [tilespmem:s1+$0x6490]  }
0xf9: {  	v32 =	vld [tilespmem:s1+$0x64A0]  }
0xfa: {  	v33 =	vld [tilespmem:s1+$0x64B0]  }
0xfb: {  	v34 =	vld [tilespmem:s1+$0x64C0]  }
0xfc: {  	v35 =	vld [tilespmem:s1+$0x64D0]  }
0xfd: {  	v36 =	vld [tilespmem:s1+$0x64E0]  }
0xfe: {  	v37 =	vld [tilespmem:s1+$0x64F0]  }
0xff: {  	v38 =	vld [tilespmem:s1+$0x6500]  }
0x100: {  	v39 =	vld [tilespmem:s1+$0x6510]  }
0x101: {  	v40 =	vld [tilespmem:s1+$0x6520]  }
0x102: {  	v41 =	vld [tilespmem:s1+$0x6530]  }
0x103: {  	v42 =	vld [tilespmem:s1+$0x6540]  }
0x104: {  	v43 =	vld [tilespmem:s1+$0x6550]  }
0x105: {  	v44 =	vld [tilespmem:s1+$0x6560]  }
0x106: {  	v45 =	vld [tilespmem:s1+$0x6570]  }
0x107: {  	v46 =	vld [tilespmem:s1+$0x6580]  }
0x108: {  	v47 =	vld [tilespmem:s1+$0x6590]  }
0x109: {  	v48 =	vld [tilespmem:s1+$0x65A0]  }
0x10a: {  	v49 =	vld [tilespmem:s1+$0x65B0]  }
0x10b: {  	v50 =	vld [tilespmem:s1+$0x65C0]  }
0x10c: {  	v51 =	vld [tilespmem:s1+$0x65D0]  }
0x10d: {  	[tilespmem:s1+$0xE5F0] =	vst.add.f32.msk $0xffff, v21  }
0x10e: {  	v21 =	vld [tilespmem:s1+$0x65E0]  }
0x10f: {  	[tilespmem:s1+$0xE400] =	vst.add.f32.msk $0xffff, v22  }
0x110: {  	[tilespmem:s1+$0xE410] =	vst.add.f32.msk $0xffff, v23  }
0x111: {  	[tilespmem:s1+$0xE420] =	vst.add.f32.msk $0xffff, v24  }
0x112: {  	[tilespmem:s1+$0xE430] =	vst.add.f32.msk $0xffff, v25  }
0x113: {  	[tilespmem:s1+$0xE440] =	vst.add.f32.msk $0xffff, v26  }
0x114: {  	[tilespmem:s1+$0xE450] =	vst.add.f32.msk $0xffff, v27  }
0x115: {  	[tilespmem:s1+$0xE460] =	vst.add.f32.msk $0xffff, v28  }
0x116: {  	[tilespmem:s1+$0xE470] =	vst.add.f32.msk $0xffff, v29  }
0x117: {  	[tilespmem:s1+$0xE480] =	vst.add.f32.msk $0xffff, v30  }
0x118: {  	[tilespmem:s1+$0xE490] =	vst.add.f32.msk $0xffff, v31  }
0x119: {  	[tilespmem:s1+$0xE4A0] =	vst.add.f32.msk $0xffff, v32  }
0x11a: {  	[tilespmem:s1+$0xE4B0] =	vst.add.f32.msk $0xffff, v33  }
0x11b: {  	[tilespmem:s1+$0xE4C0] =	vst.add.f32.msk $0xffff, v34  }
0x11c: {  	[tilespmem:s1+$0xE4D0] =	vst.add.f32.msk $0xffff, v35  }
0x11d: {  	[tilespmem:s1+$0xE4E0] =	vst.add.f32.msk $0xffff, v36  }
0x11e: {  	[tilespmem:s1+$0xE4F0] =	vst.add.f32.msk $0xffff, v37  }
0x11f: {  	[tilespmem:s1+$0xE500] =	vst.add.f32.msk $0xffff, v38  }
0x120: {  	[tilespmem:s1+$0xE510] =	vst.add.f32.msk $0xffff, v39  }
0x121: {  	[tilespmem:s1+$0xE520] =	vst.add.f32.msk $0xffff, v40  }
0x122: {  	[tilespmem:s1+$0xE530] =	vst.add.f32.msk $0xffff, v41  }
0x123: {  	[tilespmem:s1+$0xE540] =	vst.add.f32.msk $0xffff, v42  }
0x124: {  	[tilespmem:s1+$0xE550] =	vst.add.f32.msk $0xffff, v43  }
0x125: {  	[tilespmem:s1+$0xE560] =	vst.add.f32.msk $0xffff, v44  }
0x126: {  	[tilespmem:s1+$0xE570] =	vst.add.f32.msk $0xffff, v45  }
0x127: {  	[tilespmem:s1+$0xE580] =	vst.add.f32.msk $0xffff, v46  }
0x128: {  	[tilespmem:s1+$0xE590] =	vst.add.f32.msk $0xffff, v47  }
0x129: {  	[tilespmem:s1+$0xE5A0] =	vst.add.f32.msk $0xffff, v48  }
0x12a: {  	[tilespmem:s1+$0xE5B0] =	vst.add.f32.msk $0xffff, v49  }
0x12b: {  	[tilespmem:s1+$0xE5C0] =	vst.add.f32.msk $0xffff, v50  }
0x12c: {  	s2 =	simm.s32 $0x0;
	s3 =	simm.s32 $0x800;
	[tilespmem:s1+$0xE5D0] =	vst.add.f32.msk $0xffff, v51  }
.LBB2_5:
0x12d: {  	s2 =	sadd.s32 $0x10, s2;
	[tilespmem:s1+$0xE5E0] =	vst.add.f32.msk $0xffff, v21;
	s1 =	sshra.s32 s3, $0x2  }
0x12e: {  	v21 =	vld [tilespmem:s1+$0x65F0];
	p0 =	slt.u32 s2, $0x1F0  }
0x12f: {  	v22 =	vld [tilespmem:s1+$0x6400]  }
0x130: {  	v23 =	vld [tilespmem:s1+$0x6410]  }
0x131: {  	v24 =	vld [tilespmem:s1+$0x6420]  }
0x132: {  	v25 =	vld [tilespmem:s1+$0x6430]  }
0x133: {  	[tilespmem:s1+$0xE5F0] =	vst.add.f32.msk $0xffff, v21  }
0x134: {  	v26 =	vld [tilespmem:s1+$0x6440]  }
0x135: {  	v27 =	vld [tilespmem:s1+$0x6450]  }
0x136: {  	v28 =	vld [tilespmem:s1+$0x6460]  }
0x137: {  	v29 =	vld [tilespmem:s1+$0x6470]  }
0x138: {  	v30 =	vld [tilespmem:s1+$0x6480]  }
0x139: {  	v31 =	vld [tilespmem:s1+$0x6490]  }
0x13a: {  	v32 =	vld [tilespmem:s1+$0x64A0]  }
0x13b: {  	v33 =	vld [tilespmem:s1+$0x64B0]  }
0x13c: {  	v34 =	vld [tilespmem:s1+$0x64C0]  }
0x13d: {  	v35 =	vld [tilespmem:s1+$0x64D0]  }
0x13e: {  	v36 =	vld [tilespmem:s1+$0x64E0]  }
0x13f: {  	v37 =	vld [tilespmem:s1+$0x64F0]  }
0x140: {  	v38 =	vld [tilespmem:s1+$0x6500]  }
0x141: {  	v39 =	vld [tilespmem:s1+$0x6510]  }
0x142: {  	v40 =	vld [tilespmem:s1+$0x6520]  }
0x143: {  	v41 =	vld [tilespmem:s1+$0x6530]  }
0x144: {  	v42 =	vld [tilespmem:s1+$0x6540]  }
0x145: {  	v43 =	vld [tilespmem:s1+$0x6550]  }
0x146: {  	v44 =	vld [tilespmem:s1+$0x6560]  }
0x147: {  	v45 =	vld [tilespmem:s1+$0x6570]  }
0x148: {  	v46 =	vld [tilespmem:s1+$0x6580]  }
0x149: {  	v47 =	vld [tilespmem:s1+$0x6590]  }
0x14a: {  	v48 =	vld [tilespmem:s1+$0x65A0]  }
0x14b: {  	v49 =	vld [tilespmem:s1+$0x65B0]  }
0x14c: {  	v50 =	vld [tilespmem:s1+$0x65C0]  }
0x14d: {  	v51 =	vld [tilespmem:s1+$0x65D0]  }
0x14e: {  	v21 =	vld [tilespmem:s1+$0x65E0]  }
0x14f: {  	[tilespmem:s1+$0xE400] =	vst.add.f32.msk $0xffff, v22  }
0x150: {  	[tilespmem:s1+$0xE410] =	vst.add.f32.msk $0xffff, v23  }
0x151: {  	[tilespmem:s1+$0xE420] =	vst.add.f32.msk $0xffff, v24  }
0x152: {  	[tilespmem:s1+$0xE430] =	vst.add.f32.msk $0xffff, v25  }
0x153: {  	[tilespmem:s1+$0xE440] =	vst.add.f32.msk $0xffff, v26  }
0x154: {  	[tilespmem:s1+$0xE450] =	vst.add.f32.msk $0xffff, v27  }
0x155: {  	[tilespmem:s1+$0xE460] =	vst.add.f32.msk $0xffff, v28  }
0x156: {  	[tilespmem:s1+$0xE470] =	vst.add.f32.msk $0xffff, v29  }
0x157: {  	[tilespmem:s1+$0xE480] =	vst.add.f32.msk $0xffff, v30  }
0x158: {  	[tilespmem:s1+$0xE490] =	vst.add.f32.msk $0xffff, v31  }
0x159: {  	[tilespmem:s1+$0xE4A0] =	vst.add.f32.msk $0xffff, v32  }
0x15a: {  	[tilespmem:s1+$0xE4B0] =	vst.add.f32.msk $0xffff, v33  }
0x15b: {  	[tilespmem:s1+$0xE4C0] =	vst.add.f32.msk $0xffff, v34  }
0x15c: {  	[tilespmem:s1+$0xE4D0] =	vst.add.f32.msk $0xffff, v35  }
0x15d: {  	[tilespmem:s1+$0xE4E0] =	vst.add.f32.msk $0xffff, v36  }
0x15e: {  	[tilespmem:s1+$0xE4F0] =	vst.add.f32.msk $0xffff, v37  }
0x15f: {  	[tilespmem:s1+$0xE500] =	vst.add.f32.msk $0xffff, v38  }
0x160: {  	[tilespmem:s1+$0xE510] =	vst.add.f32.msk $0xffff, v39  }
0x161: {  	[tilespmem:s1+$0xE520] =	vst.add.f32.msk $0xffff, v40  }
0x162: {  	[tilespmem:s1+$0xE530] =	vst.add.f32.msk $0xffff, v41  }
0x163: {  	[tilespmem:s1+$0xE540] =	vst.add.f32.msk $0xffff, v42  }
0x164: {  	[tilespmem:s1+$0xE550] =	vst.add.f32.msk $0xffff, v43  }
0x165: {  	[tilespmem:s1+$0xE560] =	vst.add.f32.msk $0xffff, v44  }
0x166: {  	[tilespmem:s1+$0xE570] =	vst.add.f32.msk $0xffff, v45  }
0x167: {  	[tilespmem:s1+$0xE580] =	vst.add.f32.msk $0xffff, v46  }
.Ltmp1:
0x168: {  	[tilespmem:s1+$0xE590] =	vst.add.f32.msk $0xffff, v47;
	(pc) =	sbr.rel @p0 .LBB2_5-.Ltmp1, $4  }
0x169: {  	[tilespmem:s1+$0xE5A0] =	vst.add.f32.msk $0xffff, v48  }
0x16a: {  	[tilespmem:s1+$0xE5B0] =	vst.add.f32.msk $0xffff, v49  }
0x16b: {  	[tilespmem:s1+$0xE5C0] =	vst.add.f32.msk $0xffff, v50  }
0x16c: {  	s3 =	sadd.s32 $0x800, s3;
	[tilespmem:s1+$0xE5D0] =	vst.add.f32.msk $0xffff, v51  }
0x16d: {  	s0 =	sadd.s32 $0x1, s0  }
0x16e: {  	p0 =	sne.s32 s0, $0x18  }
.Ltmp2:
0x16f: {  	_ = 	snop;
	(pc) =	sbr.rel @p0 .LBB2_2-.Ltmp2, $2  }
0x170: {  	_ =	sdelay $0x2  }
0x171: {  	[tilespmem:s1+$0xE5E0] =	vst.add.f32.msk $0xffff, v21  }
0x172: {  	_ =	swait.ge [sflag:s25], $0x1000  }
0x173: {  	[sflag:s25] =	ssyncset.done $0x0  }
0x174: {  	[sflag:s25] =	ssyncadd.s32 $0xFFFFF000  }
0x175: {  	_ =	swait.ge [sflag:s25], $0x1000  }
0x176: {  	[sflag:s25] =	ssyncset.done $0x0  }
0x177: {  	[sflag:s25] =	ssyncadd.s32 $0xFFFFF000  }
0x178: {  	_ =	swait.ge [sflag:s25], $0x1000  }
0x179: {  	[sflag:s25] =	ssyncset.done $0x0  }
0x17a: {  	[sflag:s25] =	ssyncadd.s32 $0xFFFFF000  }
0x17b: {  	_ =	swait.ge [sflag:s25], $0x1000  }
0x17c: {  	[sflag:s25] =	ssyncset.done $0x0  }
0x17d: {  	s0 =	simm.s32 $0x0;
	[sflag:s25] =	ssyncadd.s32 $0xFFFFF000  }
0x17e: {  	v21 =	vld [tilespmem:s0+$0xA5F0]  }
0x17f: {  	v22 =	vld [tilespmem:s0+$0xA400]  }
0x180: {  	v23 =	vld [tilespmem:s0+$0xA410]  }
0x181: {  	v24 =	vld [tilespmem:s0+$0xA420]  }
0x182: {  	v25 =	vld [tilespmem:s0+$0xA430]  }
0x183: {  	v26 =	vld [tilespmem:s0+$0xA440]  }
0x184: {  	v27 =	vld [tilespmem:s0+$0xA450]  }
0x185: {  	v28 =	vld [tilespmem:s0+$0xA460]  }
0x186: {  	v29 =	vld [tilespmem:s0+$0xA470]  }
0x187: {  	v30 =	vld [tilespmem:s0+$0xA480]  }
0x188: {  	v31 =	vld [tilespmem:s0+$0xA490]  }
0x189: {  	v32 =	vld [tilespmem:s0+$0xA4A0]  }
0x18a: {  	v33 =	vld [tilespmem:s0+$0xA4B0]  }
0x18b: {  	v34 =	vld [tilespmem:s0+$0xA4C0]  }
0x18c: {  	v35 =	vld [tilespmem:s0+$0xA4D0]  }
0x18d: {  	v36 =	vld [tilespmem:s0+$0xA4E0]  }
0x18e: {  	v37 =	vld [tilespmem:s0+$0xA4F0]  }
0x18f: {  	v38 =	vld [tilespmem:s0+$0xA500]  }
0x190: {  	v39 =	vld [tilespmem:s0+$0xA510]  }
0x191: {  	v40 =	vld [tilespmem:s0+$0xA520]  }
0x192: {  	v41 =	vld [tilespmem:s0+$0xA530]  }
0x193: {  	v42 =	vld [tilespmem:s0+$0xA540]  }
0x194: {  	v43 =	vld [tilespmem:s0+$0xA550]  }
0x195: {  	v44 =	vld [tilespmem:s0+$0xA560]  }
0x196: {  	v45 =	vld [tilespmem:s0+$0xA570]  }
0x197: {  	v46 =	vld [tilespmem:s0+$0xA580]  }
0x198: {  	v47 =	vld [tilespmem:s0+$0xA590]  }
0x199: {  	v48 =	vld [tilespmem:s0+$0xA5A0]  }
0x19a: {  	v49 =	vld [tilespmem:s0+$0xA5B0]  }
0x19b: {  	v50 =	vld [tilespmem:s0+$0xA5C0]  }
0x19c: {  	v51 =	vld [tilespmem:s0+$0xA5D0]  }
0x19d: {  	[tilespmem:s0+$0xE5F0] =	vst.add.f32.msk $0xffff, v21  }
0x19e: {  	v21 =	vld [tilespmem:s0+$0xA5E0]  }
0x19f: {  	[tilespmem:s0+$0xE400] =	vst.add.f32.msk $0xffff, v22  }
0x1a0: {  	[tilespmem:s0+$0xE410] =	vst.add.f32.msk $0xffff, v23  }
0x1a1: {  	[tilespmem:s0+$0xE420] =	vst.add.f32.msk $0xffff, v24  }
0x1a2: {  	[tilespmem:s0+$0xE430] =	vst.add.f32.msk $0xffff, v25  }
0x1a3: {  	[tilespmem:s0+$0xE440] =	vst.add.f32.msk $0xffff, v26  }
0x1a4: {  	[tilespmem:s0+$0xE450] =	vst.add.f32.msk $0xffff, v27  }
0x1a5: {  	[tilespmem:s0+$0xE460] =	vst.add.f32.msk $0xffff, v28  }
0x1a6: {  	[tilespmem:s0+$0xE470] =	vst.add.f32.msk $0xffff, v29  }
0x1a7: {  	[tilespmem:s0+$0xE480] =	vst.add.f32.msk $0xffff, v30  }
0x1a8: {  	[tilespmem:s0+$0xE490] =	vst.add.f32.msk $0xffff, v31  }
0x1a9: {  	[tilespmem:s0+$0xE4A0] =	vst.add.f32.msk $0xffff, v32  }
0x1aa: {  	[tilespmem:s0+$0xE4B0] =	vst.add.f32.msk $0xffff, v33  }
0x1ab: {  	[tilespmem:s0+$0xE4C0] =	vst.add.f32.msk $0xffff, v34  }
0x1ac: {  	[tilespmem:s0+$0xE4D0] =	vst.add.f32.msk $0xffff, v35  }
0x1ad: {  	[tilespmem:s0+$0xE4E0] =	vst.add.f32.msk $0xffff, v36  }
0x1ae: {  	[tilespmem:s0+$0xE4F0] =	vst.add.f32.msk $0xffff, v37  }
0x1af: {  	[tilespmem:s0+$0xE500] =	vst.add.f32.msk $0xffff, v38  }
0x1b0: {  	[tilespmem:s0+$0xE510] =	vst.add.f32.msk $0xffff, v39  }
0x1b1: {  	[tilespmem:s0+$0xE520] =	vst.add.f32.msk $0xffff, v40  }
0x1b2: {  	[tilespmem:s0+$0xE530] =	vst.add.f32.msk $0xffff, v41  }
0x1b3: {  	[tilespmem:s0+$0xE540] =	vst.add.f32.msk $0xffff, v42  }
0x1b4: {  	[tilespmem:s0+$0xE550] =	vst.add.f32.msk $0xffff, v43  }
0x1b5: {  	[tilespmem:s0+$0xE560] =	vst.add.f32.msk $0xffff, v44  }
0x1b6: {  	[tilespmem:s0+$0xE570] =	vst.add.f32.msk $0xffff, v45  }
0x1b7: {  	[tilespmem:s0+$0xE580] =	vst.add.f32.msk $0xffff, v46  }
0x1b8: {  	[tilespmem:s0+$0xE590] =	vst.add.f32.msk $0xffff, v47  }
0x1b9: {  	[tilespmem:s0+$0xE5A0] =	vst.add.f32.msk $0xffff, v48  }
0x1ba: {  	[tilespmem:s0+$0xE5B0] =	vst.add.f32.msk $0xffff, v49  }
0x1bb: {  	[tilespmem:s0+$0xE5C0] =	vst.add.f32.msk $0xffff, v50  }
0x1bc: {  	s1 =	simm.s32 $0x0;
	s2 =	simm.s32 $0x800;
	[tilespmem:s0+$0xE5D0] =	vst.add.f32.msk $0xffff, v51  }
.LBB2_8:
0x1bd: {  	s1 =	sadd.s32 $0x10, s1;
	[tilespmem:s0+$0xE5E0] =	vst.add.f32.msk $0xffff, v21;
	s0 =	sshra.s32 s2, $0x2  }
0x1be: {  	v21 =	vld [tilespmem:s0+$0xA5F0];
	p0 =	slt.u32 s1, $0x1F0  }
0x1bf: {  	v22 =	vld [tilespmem:s0+$0xA400]  }
0x1c0: {  	v23 =	vld [tilespmem:s0+$0xA410]  }
0x1c1: {  	v24 =	vld [tilespmem:s0+$0xA420]  }
0x1c2: {  	v25 =	vld [tilespmem:s0+$0xA430]  }
0x1c3: {  	[tilespmem:s0+$0xE5F0] =	vst.add.f32.msk $0xffff, v21  }
0x1c4: {  	v26 =	vld [tilespmem:s0+$0xA440]  }
0x1c5: {  	v27 =	vld [tilespmem:s0+$0xA450]  }
0x1c6: {  	v28 =	vld [tilespmem:s0+$0xA460]  }
0x1c7: {  	v29 =	vld [tilespmem:s0+$0xA470]  }
0x1c8: {  	v30 =	vld [tilespmem:s0+$0xA480]  }
0x1c9: {  	v31 =	vld [tilespmem:s0+$0xA490]  }
0x1ca: {  	v32 =	vld [tilespmem:s0+$0xA4A0]  }
0x1cb: {  	v33 =	vld [tilespmem:s0+$0xA4B0]  }
0x1cc: {  	v34 =	vld [tilespmem:s0+$0xA4C0]  }
0x1cd: {  	v35 =	vld [tilespmem:s0+$0xA4D0]  }
0x1ce: {  	v36 =	vld [tilespmem:s0+$0xA4E0]  }
0x1cf: {  	v37 =	vld [tilespmem:s0+$0xA4F0]  }
0x1d0: {  	v38 =	vld [tilespmem:s0+$0xA500]  }
0x1d1: {  	v39 =	vld [tilespmem:s0+$0xA510]  }
0x1d2: {  	v40 =	vld [tilespmem:s0+$0xA520]  }
0x1d3: {  	v41 =	vld [tilespmem:s0+$0xA530]  }
0x1d4: {  	v42 =	vld [tilespmem:s0+$0xA540]  }
0x1d5: {  	v43 =	vld [tilespmem:s0+$0xA550]  }
0x1d6: {  	v44 =	vld [tilespmem:s0+$0xA560]  }
0x1d7: {  	v45 =	vld [tilespmem:s0+$0xA570]  }
0x1d8: {  	v46 =	vld [tilespmem:s0+$0xA580]  }
0x1d9: {  	v47 =	vld [tilespmem:s0+$0xA590]  }
0x1da: {  	v48 =	vld [tilespmem:s0+$0xA5A0]  }
0x1db: {  	v49 =	vld [tilespmem:s0+$0xA5B0]  }
0x1dc: {  	v50 =	vld [tilespmem:s0+$0xA5C0]  }
0x1dd: {  	v51 =	vld [tilespmem:s0+$0xA5D0]  }
0x1de: {  	v21 =	vld [tilespmem:s0+$0xA5E0]  }
0x1df: {  	[tilespmem:s0+$0xE400] =	vst.add.f32.msk $0xffff, v22  }
0x1e0: {  	[tilespmem:s0+$0xE410] =	vst.add.f32.msk $0xffff, v23  }
0x1e1: {  	[tilespmem:s0+$0xE420] =	vst.add.f32.msk $0xffff, v24  }
0x1e2: {  	[tilespmem:s0+$0xE430] =	vst.add.f32.msk $0xffff, v25  }
0x1e3: {  	[tilespmem:s0+$0xE440] =	vst.add.f32.msk $0xffff, v26  }
0x1e4: {  	[tilespmem:s0+$0xE450] =	vst.add.f32.msk $0xffff, v27  }
0x1e5: {  	[tilespmem:s0+$0xE460] =	vst.add.f32.msk $0xffff, v28  }
0x1e6: {  	[tilespmem:s0+$0xE470] =	vst.add.f32.msk $0xffff, v29  }
0x1e7: {  	[tilespmem:s0+$0xE480] =	vst.add.f32.msk $0xffff, v30  }
0x1e8: {  	[tilespmem:s0+$0xE490] =	vst.add.f32.msk $0xffff, v31  }
0x1e9: {  	[tilespmem:s0+$0xE4A0] =	vst.add.f32.msk $0xffff, v32  }
0x1ea: {  	[tilespmem:s0+$0xE4B0] =	vst.add.f32.msk $0xffff, v33  }
0x1eb: {  	[tilespmem:s0+$0xE4C0] =	vst.add.f32.msk $0xffff, v34  }
0x1ec: {  	[tilespmem:s0+$0xE4D0] =	vst.add.f32.msk $0xffff, v35  }
0x1ed: {  	[tilespmem:s0+$0xE4E0] =	vst.add.f32.msk $0xffff, v36  }
0x1ee: {  	[tilespmem:s0+$0xE4F0] =	vst.add.f32.msk $0xffff, v37  }
0x1ef: {  	[tilespmem:s0+$0xE500] =	vst.add.f32.msk $0xffff, v38  }
0x1f0: {  	[tilespmem:s0+$0xE510] =	vst.add.f32.msk $0xffff, v39  }
0x1f1: {  	[tilespmem:s0+$0xE520] =	vst.add.f32.msk $0xffff, v40  }
0x1f2: {  	[tilespmem:s0+$0xE530] =	vst.add.f32.msk $0xffff, v41  }
0x1f3: {  	[tilespmem:s0+$0xE540] =	vst.add.f32.msk $0xffff, v42  }
0x1f4: {  	[tilespmem:s0+$0xE550] =	vst.add.f32.msk $0xffff, v43  }
0x1f5: {  	[tilespmem:s0+$0xE560] =	vst.add.f32.msk $0xffff, v44  }
0x1f6: {  	[tilespmem:s0+$0xE570] =	vst.add.f32.msk $0xffff, v45  }
0x1f7: {  	[tilespmem:s0+$0xE580] =	vst.add.f32.msk $0xffff, v46  }
.Ltmp3:
0x1f8: {  	[tilespmem:s0+$0xE590] =	vst.add.f32.msk $0xffff, v47;
	(pc) =	sbr.rel @p0 .LBB2_8-.Ltmp3, $4  }
0x1f9: {  	[tilespmem:s0+$0xE5A0] =	vst.add.f32.msk $0xffff, v48  }
0x1fa: {  	[tilespmem:s0+$0xE5B0] =	vst.add.f32.msk $0xffff, v49  }
0x1fb: {  	[tilespmem:s0+$0xE5C0] =	vst.add.f32.msk $0xffff, v50  }
0x1fc: {  	s2 =	sadd.s32 $0x800, s2;
	[tilespmem:s0+$0xE5D0] =	vst.add.f32.msk $0xffff, v51  }
0x1fd: {  	[tilespmem:s0+$0xE5E0] =	vst.add.f32.msk $0xffff, v21;
	s10 =	simm.s32 $0x3  }
0x1fe: {  	_ =	swait.ge [sflag:s10], $0x2720  }
0x1ff: {  	[sflag:s10] =	ssyncset.done $0x0  }
0x200: {  	[sflag:s10] =	ssyncadd.s32 $0xFFFFD8E0  }
0x201: {  	_ =	swait.ge [sflag:s10], $0x1390  }
0x202: {  	[sflag:s10] =	ssyncset.done $0x0  }
0x203: {  	[sflag:s10] =	ssyncadd.s32 $0xFFFFEC70  }
0x204: {  	_ =	swait.ge [sflag:s10], $0x1390  }
0x205: {  	[sflag:s10] =	ssyncset.done $0x0  }
0x206: {  	[sflag:s10] =	ssyncadd.s32 $0xFFFFEC70  }
0x207: {  	_ =	swait.ge [sflag:s10], $0x3E8  }
0x208: {  	[sflag:s10] =	ssyncset.done $0x0  }
0x209: {  	[sflag:s10] =	ssyncadd.s32 $0xFFFFFC18  }
0x20a: {  	_ =	swait.ge [sflag:s10], $0x200  }
0x20b: {  	[sflag:s10] =	ssyncset.done $0x0  }
0x20c: {  	[sflag:s10] =	ssyncadd.s32 $0xFFFFFE00  }
0x20d: {  	_ =	swait.ge [sflag:s10], $0x200  }
0x20e: {  	[sflag:s10] =	ssyncset.done $0x0  }
0x20f: {  	[sflag:s10] =	ssyncadd.s32 $0xFFFFFE00  }
0x210: {  	_ =	swait.ge [sflag:s10], $0x200  }
0x211: {  	[sflag:s10] =	ssyncset.done $0x0  }
0x212: {  	s4 =	simm.s32 $0xE500;
	[sflag:s10] =	ssyncadd.s32 $0xFFFFFE00  }
0x213: {  	v21 =	vld [tilespmem:s4+$0xFFFFFF10];
	_ =	sdelay $0x4  }
0x214: {  	v22 =	vmax.f32 v21, $1.000000000e+00  }
0x215: {  	v22 =	vbroadcast v22, $0x4;
	_ =	sdelay $0x1  }
0x216: {  	(erf) = vrcp.f32 v22;
	_ =	sdelay $0x4  }
0x217: {  	v22 =	vld [tilespmem:s4+$0xFFFFFF00];
	_ =	sdelay $0x3  }
0x218: {  	v23 =	vpop (erf)  }
0x219: {  	v22 =	vmul.f32 v23, v22  }
0x21a: {  	s1 =	simm.s32 $0x12540;
	v21 =	vmul.f32 v23, v21  }
0x21b: {  	[tilespmem:s1+$0xFFFFFEC0] =	vst v22  }
0x21c: {  	[tilespmem:s1+$0xFFFFFED0] =	vst v21  }
0x21d: {  	v21 =	vld [tilespmem:s4+$0xFFFFFF30];
	_ =	sdelay $0x4  }
0x21e: {  	v22 =	vmax.f32 v21, $1.000000000e+00  }
0x21f: {  	v22 =	vbroadcast v22, $0x4;
	_ =	sdelay $0x1  }
0x220: {  	(erf) = vrcp.f32 v22;
	_ =	sdelay $0x4  }
0x221: {  	v22 =	vld [tilespmem:s4+$0xFFFFFF20];
	_ =	sdelay $0x3  }
0x222: {  	v23 =	vpop (erf)  }
0x223: {  	v22 =	vmul.f32 v23, v22  }
0x224: {  	v21 =	vmul.f32 v23, v21  }
0x225: {  	[tilespmem:s1+$0xFFFFFEE8] =	vst v22  }
0x226: {  	[tilespmem:s1+$0xFFFFFEF8] =	vst v21  }
0x227: {  	v21 =	vld [tilespmem:s4+$0xFFFFFF50];
	_ =	sdelay $0x4  }
0x228: {  	v22 =	vmax.f32 v21, $1.000000000e+00  }
0x229: {  	v22 =	vbroadcast v22, $0x4;
	_ =	sdelay $0x1  }
0x22a: {  	(erf) = vrcp.f32 v22;
	_ =	sdelay $0x4  }
0x22b: {  	v22 =	vld [tilespmem:s4+$0xFFFFFF40];
	_ =	sdelay $0x2  }
0x22c: {  	s10 =	simm.s32 $0xE700  }
0x22d: {  	v24 =	vld [tilespmem:s10+$0xFFFFFF10];
	v23 =	vpop (erf)  }
0x22e: {  	v22 =	vmul.f32 v23, v22  }
0x22f: {  	v21 =	vmul.f32 v23, v21  }
0x230: {  	[tilespmem:s1+$0xFFFFFF10] =	vst v22  }
0x231: {  	[tilespmem:s1+$0xFFFFFF20] =	vst v21  }
0x232: {  	v22 =	vmax.f32 v24, $1.000000000e+00;
	v21 =	vld [tilespmem:s4+$0xFFFFFF70]  }
0x233: {  	v22 =	vbroadcast v22, $0x4;
	_ =	sdelay $0x1  }
0x234: {  	(erf) = vrcp.f32 v22;
	_ =	sdelay $0x1  }
0x235: {  	v22 =	vmax.f32 v21, $1.000000000e+00  }
0x236: {  	v22 =	vbroadcast v22, $0x4;
	_ =	sdelay $0x1  }
0x237: {  	v23 =	vld [tilespmem:s10+$0xFFFFFF00];
	(erf) = vrcp.f32 v22;
	_ =	sdelay $0x3  }
0x238: {  	v22 =	vpop (erf)  }
0x239: {  	v25 =	vld [tilespmem:s4+$0xFFFFFF60];
	v23 =	vmul.f32 v22, v23;
	v22 =	vmul.f32 v22, v24  }
0x23a: {  	s11 =	simm.s32 $0x127C0  }
0x23b: {  	[tilespmem:s11+$0xFFFFFEC0] =	vst v23  }
0x23c: {  	[tilespmem:s11+$0xFFFFFED0] =	vst v22  }
0x23d: {  	v23 =	vld [tilespmem:s10+$0xFFFFFF30];
	v22 =	vpop (erf)  }
0x23e: {  	v24 =	vmul.f32 v22, v25  }
0x23f: {  	v21 =	vmul.f32 v22, v21  }
0x240: {  	[tilespmem:s1+$0xFFFFFF38] =	vst v24  }
0x241: {  	[tilespmem:s1+$0xFFFFFF48] =	vst v21  }
0x242: {  	v22 =	vmax.f32 v23, $1.000000000e+00;
	v21 =	vld [tilespmem:s4+$0xFFFFFF90]  }
0x243: {  	v22 =	vbroadcast v22, $0x4;
	_ =	sdelay $0x1  }
0x244: {  	(erf) = vrcp.f32 v22;
	_ =	sdelay $0x1  }
0x245: {  	v22 =	vmax.f32 v21, $1.000000000e+00  }
0x246: {  	v22 =	vbroadcast v22, $0x4;
	_ =	sdelay $0x1  }
0x247: {  	v24 =	vld [tilespmem:s10+$0xFFFFFF20];
	(erf) = vrcp.f32 v22;
	_ =	sdelay $0x3  }
0x248: {  	v22 =	vpop (erf)  }
0x249: {  	v25 =	vld [tilespmem:s4+$0xFFFFFF80];
	v24 =	vmul.f32 v22, v24;
	v22 =	vmul.f32 v22, v23;
	_ =	sdelay $0x1  }
0x24a: {  	[tilespmem:s11+$0xFFFFFEE8] =	vst v24  }
0x24b: {  	[tilespmem:s11+$0xFFFFFEF8] =	vst v22  }
0x24c: {  	v23 =	vld [tilespmem:s10+$0xFFFFFF50];
	v22 =	vpop (erf)  }
0x24d: {  	v24 =	vmul.f32 v22, v25  }
0x24e: {  	v21 =	vmul.f32 v22, v21  }
0x24f: {  	[tilespmem:s1+$0xFFFFFF60] =	vst v24  }
0x250: {  	[tilespmem:s1+$0xFFFFFF70] =	vst v21  }
0x251: {  	v22 =	vmax.f32 v23, $1.000000000e+00;
	v21 =	vld [tilespmem:s4+$0xFFFFFFB0]  }
0x252: {  	v22 =	vbroadcast v22, $0x4;
	_ =	sdelay $0x1  }
0x253: {  	(erf) = vrcp.f32 v22;
	_ =	sdelay $0x1  }
0x254: {  	v22 =	vmax.f32 v21, $1.000000000e+00  }
0x255: {  	v22 =	vbroadcast v22, $0x4;
	_ =	sdelay $0x1  }
0x256: {  	v24 =	vld [tilespmem:s10+$0xFFFFFF40];
	(erf) = vrcp.f32 v22;
	_ =	sdelay $0x3  }
0x257: {  	v22 =	vpop (erf)  }
0x258: {  	v25 =	vld [tilespmem:s4+$0xFFFFFFA0];
	v24 =	vmul.f32 v22, v24  }
0x259: {  	s14 =	simm.s32 $0xE900;
	v22 =	vmul.f32 v22, v23  }
0x25a: {  	v23 =	vld [tilespmem:s14+$0xFFFFFF10];
	[tilespmem:s11+$0xFFFFFF10] =	vst v24  }
0x25b: {  	[tilespmem:s11+$0xFFFFFF20] =	vst v22  }
0x25c: {  	v22 =	vld [tilespmem:s10+$0xFFFFFF70];
	v24 =	vpop (erf)  }
0x25d: {  	v25 =	vmul.f32 v24, v25  }
0x25e: {  	v21 =	vmul.f32 v24, v21  }
0x25f: {  	v24 =	vmax.f32 v23, $1.000000000e+00;
	[tilespmem:s1+$0xFFFFFF88] =	vst v25  }
0x260: {  	v24 =	vbroadcast v24, $0x4;
	[tilespmem:s1+$0xFFFFFF98] =	vst v21  }
0x261: {  	v21 =	vmax.f32 v22, $1.000000000e+00;
	v25 =	vld [tilespmem:s4+$0xFFFFFFD0]  }
0x262: {  	(erf) = vrcp.f32 v24;
	v21 =	vbroadcast v21, $0x4;
	_ =	sdelay $0x1  }
0x263: {  	(erf) = vrcp.f32 v21;
	_ =	sdelay $0x1  }
0x264: {  	v21 =	vmax.f32 v25, $1.000000000e+00  }
0x265: {  	v24 =	vld [tilespmem:s14+$0xFFFFFF00];
	v21 =	vbroadcast v21, $0x4;
	_ =	sdelay $0x1  }
0x266: {  	v26 =	vld [tilespmem:s10+$0xFFFFFF60];
	(erf) = vrcp.f32 v21;
	_ =	sdelay $0x1  }
0x267: {  	v21 =	vpop (erf)  }
0x268: {  	v24 =	vmul.f32 v21, v24  }
0x269: {  	s6 =	simm.s32 $0x12A40;
	v21 =	vmul.f32 v21, v23;
	v23 =	vpop (erf)  }
0x26a: {  	v22 =	vmul.f32 v23, v22;
	[tilespmem:s6+$0xFFFFFEC0] =	vst v24;
	v24 =	vmul.f32 v23, v26;
	v26 =	vld [tilespmem:s4+$0xFFFFFFC0]  }
0x26b: {  	[tilespmem:s6+$0xFFFFFED0] =	vst v21  }
0x26c: {  	v21 =	vld [tilespmem:s14+$0xFFFFFF30];
	[tilespmem:s11+$0xFFFFFF48] =	vst v22  }
0x26d: {  	[tilespmem:s11+$0xFFFFFF38] =	vst v24  }
0x26e: {  	v22 =	vld [tilespmem:s10+$0xFFFFFF90];
	v23 =	vpop (erf)  }
0x26f: {  	v24 =	vmul.f32 v23, v26  }
0x270: {  	v23 =	vmul.f32 v23, v25  }
0x271: {  	v25 =	vmax.f32 v21, $1.000000000e+00;
	[tilespmem:s1+$0xFFFFFFB0] =	vst v24  }
0x272: {  	v24 =	vbroadcast v25, $0x4;
	[tilespmem:s1+$0xFFFFFFC0] =	vst v23  }
0x273: {  	v23 =	vmax.f32 v22, $1.000000000e+00;
	v25 =	vld [tilespmem:s4+$0xFFFFFFF0]  }
0x274: {  	(erf) = vrcp.f32 v24;
	v23 =	vbroadcast v23, $0x4;
	_ =	sdelay $0x1  }
0x275: {  	(erf) = vrcp.f32 v23;
	_ =	sdelay $0x1  }
0x276: {  	v23 =	vmax.f32 v25, $1.000000000e+00  }
0x277: {  	v23 =	vbroadcast v23, $0x4  }
0x278: {  	v24 =	vld [tilespmem:s14+$0xFFFFFF20]  }
0x279: {  	(erf) = vrcp.f32 v23  }
0x27a: {  	v26 =	vld [tilespmem:s10+$0xFFFFFF80]  }
0x27b: {  	v23 =	vpop (erf)  }
0x27c: {  	v21 =	vmul.f32 v23, v21  }
0x27d: {  	v24 =	vmul.f32 v23, v24;
	v23 =	vpop (erf)  }
0x27e: {  	v27 =	vld [tilespmem:s4+$0xFFFFFFE0];
	[tilespmem:s6+$0xFFFFFEF8] =	vst v21;
	v21 =	vmul.f32 v23, v22  }
0x27f: {  	[tilespmem:s6+$0xFFFFFEE8] =	vst v24;
	v24 =	vmul.f32 v23, v26  }
0x280: {  	v22 =	vld [tilespmem:s14+$0xFFFFFF50]  }
0x281: {  	[tilespmem:s11+$0xFFFFFF60] =	vst v24  }
0x282: {  	[tilespmem:s11+$0xFFFFFF70] =	vst v21;
	v21 =	vpop (erf)  }
0x283: {  	v23 =	vld [tilespmem:s10+$0xFFFFFFB0];
	v24 =	vmul.f32 v21, v27  }
0x284: {  	v21 =	vmul.f32 v21, v25  }
0x285: {  	[tilespmem:s1+$0xFFFFFFD8] =	vst v24;
	v24 =	vmax.f32 v22, $1.000000000e+00  }
0x286: {  	[tilespmem:s1+$0xFFFFFFE8] =	vst v21;
	v21 =	vbroadcast v24, $0x4;
	_ =	sdelay $0x1  }
0x287: {  	v24 =	vld [tilespmem:s4+$0x10];
	v25 =	vmax.f32 v23, $1.000000000e+00;
	(erf) = vrcp.f32 v21  }
0x288: {  	v21 =	vbroadcast v25, $0x4;
	_ =	sdelay $0x1  }
0x289: {  	(erf) = vrcp.f32 v21;
	_ =	sdelay $0x1  }
0x28a: {  	v25 =	vld [tilespmem:s14+$0xFFFFFF40];
	v21 =	vmax.f32 v24, $1.000000000e+00  }
0x28b: {  	v21 =	vbroadcast v21, $0x4;
	_ =	sdelay $0x1  }
0x28c: {  	(erf) = vrcp.f32 v21;
	v21 =	vld [tilespmem:s10+$0xFFFFFFA0]  }
0x28d: {  	v26 =	vpop (erf)  }
0x28e: {  	s13 =	simm.s32 $0xEB00;
	v25 =	vmul.f32 v26, v25  }
0x28f: {  	v27 =	vld [tilespmem:s13+$0xFFFFFF10];
	v22 =	vmul.f32 v26, v22  }
0x290: {  	v26 =	vpop (erf);
	[tilespmem:s6+$0xFFFFFF10] =	vst v25  }
0x291: {  	v25 =	vld [tilespmem:s4+$0x0];
	v21 =	vmul.f32 v26, v21;
	[tilespmem:s6+$0xFFFFFF20] =	vst v22;
	v22 =	vmul.f32 v26, v23  }
0x292: {  	v23 =	vld [tilespmem:s14+$0xFFFFFF70]  }
0x293: {  	[tilespmem:s11+$0xFFFFFF88] =	vst v21  }
0x294: {  	[tilespmem:s11+$0xFFFFFF98] =	vst v22;
	v21 =	vmax.f32 v27, $1.000000000e+00  }
0x295: {  	v26 =	vld [tilespmem:s10+$0xFFFFFFD0];
	v21 =	vbroadcast v21, $0x4;
	v22 =	vpop (erf)  }
0x296: {  	v25 =	vmul.f32 v22, v25  }
0x297: {  	v22 =	vmul.f32 v22, v24;
	(erf) = vrcp.f32 v21;
	v24 =	vmax.f32 v23, $1.000000000e+00  }
0x298: {  	[tilespmem:s1+$0x0] =	vst v25;
	v21 =	vbroadcast v24, $0x4  }
0x299: {  	[tilespmem:s1+$0x10] =	vst v22  }
0x29a: {  	v22 =	vld [tilespmem:s4+$0x30];
	v24 =	vmax.f32 v26, $1.000000000e+00;
	(erf) = vrcp.f32 v21  }
0x29b: {  	v21 =	vbroadcast v24, $0x4  }
0x29c: {  	v24 =	vld [tilespmem:s13+$0xFFFFFF00]  }
0x29d: {  	(erf) = vrcp.f32 v21;
	_ =	sdelay $0x1  }
0x29e: {  	v25 =	vld [tilespmem:s14+$0xFFFFFF60];
	v21 =	vmax.f32 v22, $1.000000000e+00  }
0x29f: {  	v21 =	vbroadcast v21, $0x4;
	v28 =	vpop (erf)  }
0x2a0: {  	v24 =	vmul.f32 v28, v24  }
0x2a1: {  	s12 =	simm.s32 $0x12CC0;
	v27 =	vmul.f32 v28, v27;
	(erf) = vrcp.f32 v21  }
0x2a2: {  	v21 =	vld [tilespmem:s10+$0xFFFFFFC0];
	[tilespmem:s12+$0xFFFFFEC0] =	vst v24;
	v28 =	vpop (erf)  }
0x2a3: {  	[tilespmem:s12+$0xFFFFFED0] =	vst v27;
	v24 =	vmul.f32 v28, v25  }
0x2a4: {  	v23 =	vmul.f32 v28, v23;
	v25 =	vld [tilespmem:s13+$0xFFFFFF30]  }
0x2a5: {  	v27 =	vpop (erf);
	[tilespmem:s6+$0xFFFFFF38] =	vst v24  }
0x2a6: {  	v24 =	vld [tilespmem:s4+$0x20];
	[tilespmem:s6+$0xFFFFFF48] =	vst v23;
	v23 =	vmul.f32 v27, v26  }
0x2a7: {  	v21 =	vmul.f32 v27, v21  }
0x2a8: {  	v26 =	vld [tilespmem:s14+$0xFFFFFF90]  }
0x2a9: {  	[tilespmem:s11+$0xFFFFFFB0] =	vst v21;
	v21 =	vmax.f32 v25, $1.000000000e+00  }
0x2aa: {  	[tilespmem:s11+$0xFFFFFFC0] =	vst v23;
	v23 =	vpop (erf);
	v21 =	vbroadcast v21, $0x4  }
0x2ab: {  	v27 =	vld [tilespmem:s10+$0xFFFFFFF0];
	v24 =	vmul.f32 v23, v24  }
0x2ac: {  	v22 =	vmul.f32 v23, v22;
	(erf) = vrcp.f32 v21  }
0x2ad: {  	v21 =	vmax.f32 v26, $1.000000000e+00;
	[tilespmem:s1+$0x28] =	vst v24  }
0x2ae: {  	v21 =	vbroadcast v21, $0x4;
	[tilespmem:s1+$0x38] =	vst v22  }
0x2af: {  	v22 =	vld [tilespmem:s4+$0x50]  }
0x2b0: {  	v23 =	vmax.f32 v27, $1.000000000e+00;
	(erf) = vrcp.f32 v21  }
0x2b1: {  	v21 =	vbroadcast v23, $0x4;
	v23 =	vld [tilespmem:s13+$0xFFFFFF20];
	_ =	sdelay $0x1  }
0x2b2: {  	(erf) = vrcp.f32 v21  }
0x2b3: {  	v21 =	vmax.f32 v22, $1.000000000e+00  }
0x2b4: {  	v24 =	vld [tilespmem:s14+$0xFFFFFF80];
	v21 =	vbroadcast v21, $0x4;
	v28 =	vpop (erf)  }
0x2b5: {  	v23 =	vmul.f32 v28, v23  }
0x2b6: {  	(erf) = vrcp.f32 v21;
	v21 =	vmul.f32 v28, v25  }
0x2b7: {  	v29 =	vld [tilespmem:s10+$0xFFFFFFE0];
	[tilespmem:s12+$0xFFFFFEE8] =	vst v23  }
0x2b8: {  	v25 =	vpop (erf);
	[tilespmem:s12+$0xFFFFFEF8] =	vst v21  }
0x2b9: {  	v23 =	vmul.f32 v25, v24;
	v21 =	vld [tilespmem:s13+$0xFFFFFF50]  }
0x2ba: {  	v24 =	vmul.f32 v25, v26  }
0x2bb: {  	v25 =	vpop (erf);
	[tilespmem:s6+$0xFFFFFF60] =	vst v23  }
0x2bc: {  	v23 =	vld [tilespmem:s4+$0x40];
	v26 =	vmul.f32 v25, v29;
	[tilespmem:s6+$0xFFFFFF70] =	vst v24;
	v24 =	vmul.f32 v25, v27;
	_ =	sdelay $0x1  }
0x2bd: {  	v25 =	vld [tilespmem:s14+$0xFFFFFFB0];
	[tilespmem:s11+$0xFFFFFFD8] =	vst v26;
	v26 =	vmax.f32 v21, $1.000000000e+00  }
0x2be: {  	[tilespmem:s11+$0xFFFFFFE8] =	vst v24;
	v26 =	vbroadcast v26, $0x4  }
0x2bf: {  	v27 =	vld [tilespmem:s10+$0x10];
	v24 =	vpop (erf)  }
0x2c0: {  	v23 =	vmul.f32 v24, v23;
	(erf) = vrcp.f32 v26  }
0x2c1: {  	v22 =	vmul.f32 v24, v22  }
0x2c2: {  	[tilespmem:s1+$0x50] =	vst v23;
	v23 =	vmax.f32 v25, $1.000000000e+00  }
0x2c3: {  	[tilespmem:s1+$0x60] =	vst v22;
	v22 =	vbroadcast v23, $0x4  }
0x2c4: {  	v23 =	vld [tilespmem:s4+$0x70];
	v24 =	vmax.f32 v27, $1.000000000e+00  }
0x2c5: {  	v24 =	vbroadcast v24, $0x4;
	(erf) = vrcp.f32 v22;
	v22 =	vld [tilespmem:s13+$0xFFFFFF40];
	_ =	sdelay $0x1  }
0x2c6: {  	(erf) = vrcp.f32 v24;
	_ =	sdelay $0x1  }
0x2c7: {  	v24 =	vmax.f32 v23, $1.000000000e+00;
	v28 =	vpop (erf)  }
0x2c8: {  	s8 =	simm.s32 $0xED00;
	v26 =	vld [tilespmem:s14+$0xFFFFFFA0];
	v24 =	vbroadcast v24, $0x4;
	v22 =	vmul.f32 v28, v22  }
0x2c9: {  	v29 =	vld [tilespmem:s8+$0xFFFFFF10]  }
0x2ca: {  	(erf) = vrcp.f32 v24;
	v24 =	vld [tilespmem:s10+$0x0]  }
0x2cb: {  	v21 =	vmul.f32 v28, v21  }
0x2cc: {  	[tilespmem:s12+$0xFFFFFF10] =	vst v22;
	v22 =	vpop (erf)  }
0x2cd: {  	[tilespmem:s12+$0xFFFFFF20] =	vst v21;
	v21 =	vmul.f32 v22, v26  }
0x2ce: {  	v26 =	vld [tilespmem:s13+$0xFFFFFF70];
	v30 =	vpop (erf);
	v22 =	vmul.f32 v22, v25  }
0x2cf: {  	v28 =	vmax.f32 v29, $1.000000000e+00;
	v24 =	vmul.f32 v30, v24;
	[tilespmem:s6+$0xFFFFFF88] =	vst v21  }
0x2d0: {  	v25 =	vbroadcast v28, $0x4;
	v28 =	vld [tilespmem:s4+$0x60];
	v21 =	vmul.f32 v30, v27;
	[tilespmem:s6+$0xFFFFFF98] =	vst v22  }
0x2d1: {  	[tilespmem:s11+$0x0] =	vst v24;
	v22 =	vld [tilespmem:s14+$0xFFFFFFD0]  }
0x2d2: {  	(erf) = vrcp.f32 v25;
	[tilespmem:s11+$0x10] =	vst v21  }
0x2d3: {  	v21 =	vmax.f32 v26, $1.000000000e+00;
	v25 =	vld [tilespmem:s10+$0x30]  }
0x2d4: {  	v24 =	vpop (erf);
	v21 =	vbroadcast v21, $0x4  }
0x2d5: {  	v27 =	vmul.f32 v24, v28  }
0x2d6: {  	v23 =	vmul.f32 v24, v23;
	(erf) = vrcp.f32 v21;
	v21 =	vmax.f32 v22, $1.000000000e+00  }
0x2d7: {  	v24 =	vld [tilespmem:s8+$0xFFFFFF00];
	[tilespmem:s1+$0x78] =	vst v27;
	v21 =	vbroadcast v21, $0x4  }
0x2d8: {  	[tilespmem:s1+$0x88] =	vst v23;
	v27 =	vmax.f32 v25, $1.000000000e+00  }
0x2d9: {  	v23 =	vld [tilespmem:s4+$0x90];
	(erf) = vrcp.f32 v21;
	v21 =	vbroadcast v27, $0x4;
	_ =	sdelay $0x1  }
0x2da: {  	v27 =	vpop (erf);
	(erf) = vrcp.f32 v21  }
0x2db: {  	v28 =	vld [tilespmem:s13+$0xFFFFFF60];
	v24 =	vmul.f32 v27, v24  }
0x2dc: {  	s31 =	simm.s32 $0x12F40;
	v21 =	vmul.f32 v27, v29  }
0x2dd: {  	[tilespmem:s31+$0xFFFFFEC0] =	vst v24;
	v24 =	vmax.f32 v23, $1.000000000e+00  }
0x2de: {  	[tilespmem:s31+$0xFFFFFED0] =	vst v21;
	v21 =	vbroadcast v24, $0x4;
	v24 =	vld [tilespmem:s14+$0xFFFFFFC0]  }
0x2df: {  	v27 =	vpop (erf);
	v29 =	vld [tilespmem:s8+$0xFFFFFF30]  }
0x2e0: {  	v28 =	vmul.f32 v27, v28;
	(erf) = vrcp.f32 v21;
	v21 =	vld [tilespmem:s10+$0x20]  }
0x2e1: {  	v26 =	vmul.f32 v27, v26;
	v27 =	vpop (erf)  }
0x2e2: {  	[tilespmem:s12+$0xFFFFFF38] =	vst v28;
	v22 =	vmul.f32 v27, v22  }
0x2e3: {  	[tilespmem:s12+$0xFFFFFF48] =	vst v26;
	v24 =	vmul.f32 v27, v24;
	v27 =	vpop (erf)  }
0x2e4: {  	v26 =	vld [tilespmem:s13+$0xFFFFFF90];
	v28 =	vmax.f32 v29, $1.000000000e+00;
	[tilespmem:s6+$0xFFFFFFC0] =	vst v22;
	v22 =	vmul.f32 v27, v25  }
0x2e5: {  	v30 =	vld [tilespmem:s4+$0x80];
	v28 =	vbroadcast v28, $0x4;
	[tilespmem:s6+$0xFFFFFFB0] =	vst v24;
	v21 =	vmul.f32 v27, v21  }
0x2e6: {  	[tilespmem:s11+$0x38] =	vst v22  }
0x2e7: {  	(erf) = vrcp.f32 v28;
	v24 =	vld [tilespmem:s14+$0xFFFFFFF0];
	[tilespmem:s11+$0x28] =	vst v21  }
0x2e8: {  	v22 =	vld [tilespmem:s10+$0x50]  }
0x2e9: {  	v25 =	vmax.f32 v26, $1.000000000e+00;
	v21 =	vpop (erf)  }
0x2ea: {  	v25 =	vbroadcast v25, $0x4;
	v27 =	vmul.f32 v21, v30  }
0x2eb: {  	v21 =	vmul.f32 v21, v23  }
0x2ec: {  	v23 =	vld [tilespmem:s8+$0xFFFFFF20];
	(erf) = vrcp.f32 v25;
	[tilespmem:s1+$0xA0] =	vst v27;
	v27 =	vmax.f32 v24, $1.000000000e+00  }
0x2ed: {  	[tilespmem:s1+$0xB0] =	vst v21;
	v25 =	vbroadcast v27, $0x4;
	v27 =	vmax.f32 v22, $1.000000000e+00  }
0x2ee: {  	v21 =	vld [tilespmem:s4+$0xB0]  }
0x2ef: {  	(erf) = vrcp.f32 v25;
	v25 =	vbroadcast v27, $0x4  }
0x2f0: {  	v27 =	vpop (erf)  }
0x2f1: {  	v23 =	vmul.f32 v27, v23;
	(erf) = vrcp.f32 v25  }
0x2f2: {  	v25 =	vld [tilespmem:s13+$0xFFFFFF80];
	v27 =	vmul.f32 v27, v29  }
0x2f3: {  	[tilespmem:s31+$0xFFFFFEE8] =	vst v23;
	v23 =	vmax.f32 v21, $1.000000000e+00  }
0x2f4: {  	v28 =	vld [tilespmem:s14+$0xFFFFFFE0];
	[tilespmem:s31+$0xFFFFFEF8] =	vst v27;
	v23 =	vbroadcast v23, $0x4  }
0x2f5: {  	v29 =	vpop (erf);
	v27 =	vld [tilespmem:s8+$0xFFFFFF50]  }
0x2f6: {  	v26 =	vmul.f32 v29, v26;
	(erf) = vrcp.f32 v23;
	v23 =	vld [tilespmem:s10+$0x40]  }
0x2f7: {  	v25 =	vmul.f32 v29, v25  }
0x2f8: {  	v29 =	vpop (erf)  }
0x2f9: {  	[tilespmem:s12+$0xFFFFFF60] =	vst v25;
	v25 =	vmul.f32 v29, v28  }
0x2fa: {  	[tilespmem:s12+$0xFFFFFF70] =	vst v26;
	v24 =	vmul.f32 v29, v24;
	v26 =	vpop (erf)  }
0x2fb: {  	v28 =	vmax.f32 v27, $1.000000000e+00;
	[tilespmem:s6+$0xFFFFFFD8] =	vst v25;
	v25 =	vld [tilespmem:s4+$0xA0];
	v23 =	vmul.f32 v26, v23  }
0x2fc: {  	[tilespmem:s6+$0xFFFFFFE8] =	vst v24;
	v24 =	vbroadcast v28, $0x4  }
0x2fd: {  	v29 =	vld [tilespmem:s13+$0xFFFFFFB0];
	[tilespmem:s11+$0x50] =	vst v23  }
0x2fe: {  	v28 =	vld [tilespmem:s14+$0x10];
	(erf) = vrcp.f32 v24  }
0x2ff: {  	v22 =	vmul.f32 v26, v22;
	v23 =	vpop (erf)  }
0x300: {  	v24 =	vmul.f32 v23, v25  }
0x301: {  	[tilespmem:s11+$0x60] =	vst v22;
	v21 =	vmul.f32 v23, v21  }
0x302: {  	v22 =	vld [tilespmem:s10+$0x70];
	[tilespmem:s1+$0xC8] =	vst v24  }
0x303: {  	v23 =	vmax.f32 v29, $1.000000000e+00;
	[tilespmem:s1+$0xD8] =	vst v21  }
0x304: {  	v21 =	vbroadcast v23, $0x4;
	v23 =	vld [tilespmem:s4+$0xD0];
	_ =	sdelay $0x1  }
0x305: {  	v24 =	vmax.f32 v28, $1.000000000e+00  }
0x306: {  	v24 =	vbroadcast v24, $0x4;
	(erf) = vrcp.f32 v21;
	v21 =	vmax.f32 v22, $1.000000000e+00  }
0x307: {  	v21 =	vbroadcast v21, $0x4  }
0x308: {  	(erf) = vrcp.f32 v24;
	v25 =	vmax.f32 v23, $1.000000000e+00  }
0x309: {  	v24 =	vld [tilespmem:s8+$0xFFFFFF40];
	(erf) = vrcp.f32 v21;
	v21 =	vbroadcast v25, $0x4;
	_ =	sdelay $0x1  }
0x30a: {  	v25 =	vld [tilespmem:s13+$0xFFFFFFA0];
	_ =	sdelay $0x1  }
0x30b: {  	(erf) = vrcp.f32 v21;
	v21 =	vpop (erf)  }
0x30c: {  	v26 =	vld [tilespmem:s14+$0x0];
	v24 =	vmul.f32 v21, v24;
	v21 =	vmul.f32 v21, v27  }
0x30d: {  	v27 =	vpop (erf)  }
0x30e: {  	s5 =	simm.s32 $0xEF00;
	v31 =	vld [tilespmem:s10+$0x60];
	[tilespmem:s31+$0xFFFFFF10] =	vst v24;
	v24 =	vmul.f32 v27, v25  }
0x30f: {  	v30 =	vld [tilespmem:s5+$0xFFFFFF10]  }
0x310: {  	[tilespmem:s31+$0xFFFFFF20] =	vst v21;
	v25 =	vmul.f32 v27, v29;
	v27 =	vld [tilespmem:s4+$0xC0];
	v21 =	vpop (erf)  }
0x311: {  	v29 =	vld [tilespmem:s8+$0xFFFFFF70];
	[tilespmem:s12+$0xFFFFFF88] =	vst v24;
	v26 =	vmul.f32 v21, v26  }
0x312: {  	[tilespmem:s12+$0xFFFFFF98] =	vst v25;
	v21 =	vmul.f32 v21, v28;
	v24 =	vpop (erf)  }
0x313: {  	[tilespmem:s6+$0x0] =	vst v26;
	v26 =	vmul.f32 v24, v31  }
0x314: {  	v25 =	vmax.f32 v30, $1.000000000e+00;
	v28 =	vld [tilespmem:s13+$0xFFFFFFD0];
	[tilespmem:s6+$0x10] =	vst v21;
	v21 =	vmul.f32 v24, v22;
	v22 =	vpop (erf)  }
0x315: {  	v25 =	vbroadcast v25, $0x4;
	v24 =	vmul.f32 v22, v27;
	[tilespmem:s11+$0x78] =	vst v26  }
0x316: {  	v26 =	vmax.f32 v29, $1.000000000e+00;
	[tilespmem:s11+$0x88] =	vst v21;
	v21 =	vmul.f32 v22, v23;
	v22 =	vld [tilespmem:s14+$0x30]  }
0x317: {  	(erf) = vrcp.f32 v25;
	v23 =	vbroadcast v26, $0x4;
	[tilespmem:s1+$0xF0] =	vst v24  }
0x318: {  	v24 =	vld [tilespmem:s10+$0x90];
	[tilespmem:s1+$0x100] =	vst v21  }
0x319: {  	v21 =	vmax.f32 v28, $1.000000000e+00;
	(erf) = vrcp.f32 v23;
	v23 =	vld [tilespmem:s4+$0xF0]  }
0x31a: {  	v21 =	vbroadcast v21, $0x4  }
0x31b: {  	v26 =	vmax.f32 v22, $1.000000000e+00  }
0x31c: {  	v25 =	vld [tilespmem:s5+$0xFFFFFF00];
	(erf) = vrcp.f32 v21;
	v21 =	vbroadcast v26, $0x4  }
0x31d: {  	v26 =	vmax.f32 v24, $1.000000000e+00  }
0x31e: {  	(erf) = vrcp.f32 v21;
	v21 =	vbroadcast v26, $0x4;
	v26 =	vmax.f32 v23, $1.000000000e+00  }
0x31f: {  	v27 =	vld [tilespmem:s8+$0xFFFFFF60];
	v26 =	vbroadcast v26, $0x4  }
0x320: {  	v31 =	vpop (erf)  }
0x321: {  	v32 =	vld [tilespmem:s13+$0xFFFFFFC0];
	v25 =	vmul.f32 v31, v25;
	(erf) = vrcp.f32 v21  }
0x322: {  	s2 =	simm.s32 $0x131C0;
	v21 =	vmul.f32 v31, v30;
	(erf) = vrcp.f32 v26  }
0x323: {  	[tilespmem:s2+$0xFFFFFEC0] =	vst v25;
	v26 =	vpop (erf)  }
0x324: {  	[tilespmem:s2+$0xFFFFFED0] =	vst v21;
	v21 =	vld [tilespmem:s14+$0x20];
	v25 =	vmul.f32 v26, v27  }
0x325: {  	v26 =	vmul.f32 v26, v29;
	v27 =	vld [tilespmem:s5+$0xFFFFFF30];
	v29 =	vpop (erf)  }
0x326: {  	v30 =	vmul.f32 v29, v32;
	[tilespmem:s31+$0xFFFFFF38] =	vst v25;
	v25 =	vld [tilespmem:s10+$0x80]  }
0x327: {  	v28 =	vmul.f32 v29, v28;
	[tilespmem:s31+$0xFFFFFF48] =	vst v26;
	v26 =	vld [tilespmem:s4+$0xE0]  }
0x328: {  	v29 =	vld [tilespmem:s8+$0xFFFFFF90];
	v31 =	vpop (erf);
	[tilespmem:s12+$0xFFFFFFB0] =	vst v30  }
0x329: {  	[tilespmem:s12+$0xFFFFFFC0] =	vst v28;
	v21 =	vmul.f32 v31, v21  }
0x32a: {  	v22 =	vmul.f32 v31, v22;
	v31 =	vld [tilespmem:s13+$0xFFFFFFF0];
	v28 =	vmax.f32 v27, $1.000000000e+00;
	v30 =	vpop (erf)  }
0x32b: {  	v28 =	vbroadcast v28, $0x4;
	[tilespmem:s6+$0x28] =	vst v21;
	v21 =	vmul.f32 v30, v25;
	v25 =	vpop (erf)  }
0x32c: {  	[tilespmem:s6+$0x38] =	vst v22;
	v22 =	vmul.f32 v25, v26  }
0x32d: {  	v24 =	vmul.f32 v30, v24;
	(erf) = vrcp.f32 v28;
	v26 =	vmax.f32 v29, $1.000000000e+00;
	[tilespmem:s11+$0xA0] =	vst v21;
	v21 =	vld [tilespmem:s14+$0x50]  }
0x32e: {  	v26 =	vbroadcast v26, $0x4;
	[tilespmem:s1+$0x118] =	vst v22;
	v22 =	vmul.f32 v25, v23  }
0x32f: {  	[tilespmem:s11+$0xB0] =	vst v24;
	v23 =	vmax.f32 v31, $1.000000000e+00  }
0x330: {  	(erf) = vrcp.f32 v26;
	v23 =	vbroadcast v23, $0x4;
	[tilespmem:s1+$0x128] =	vst v22;
	v22 =	vld [tilespmem:s10+$0xB0]  }
0x331: {  	s3 =	simm.s32 $0x17400  }
0x332: {  	v24 =	vld [tilespmem:s3+$0x0];
	(erf) = vrcp.f32 v23;
	v23 =	vmax.f32 v21, $1.000000000e+00  }
0x333: {  	v23 =	vbroadcast v23, $0x4  }
0x334: {  	v25 =	vld [tilespmem:s5+$0xFFFFFF20]  }
0x335: {  	(erf) = vrcp.f32 v23;
	v23 =	vmax.f32 v22, $1.000000000e+00  }
0x336: {  	v26 =	vld [tilespmem:s8+$0xFFFFFF80];
	v23 =	vbroadcast v23, $0x4  }
0x337: {  	v28 =	vpop (erf);
	v30 =	vmul.f32 $9.990000000e+02, v24  }
0x338: {  	v58 =	vld [tilespmem:s13+$0xFFFFFFE0];
	(erf) = vrcp.f32 v23;
	v23 =	vmul.f32 v28, v27  }
0x339: {  	v25 =	vmul.f32 v28, v25;
	v30 =	vtrunc.f32 v30;
	v27 =	vpop (erf)  }
0x33a: {  	v28 =	vcvt.f32.s32 v30;
	[tilespmem:s2+$0xFFFFFEF8] =	vst v23;
	v23 =	vmul.f32 v27, v29  }
0x33b: {  	[tilespmem:s2+$0xFFFFFEE8] =	vst v25;
	v25 =	vmul.f32 v27, v26;
	v26 =	vpop (erf)  }
0x33c: {  	v27 =	vld [tilespmem:s14+$0x40];
	vm0 =	vgt.s32 v28, $0x0;
	[tilespmem:s31+$0xFFFFFF70] =	vst v23;
	v23 =	vmul.f32 v26, v31  }
0x33d: {  	v29 =	vld [tilespmem:s5+$0xFFFFFF50];
	[tilespmem:s31+$0xFFFFFF60] =	vst v25;
	v25 =	vmul.f32 v26, v58;
	v28 =	vnsel vm0, $0x0, v28  }
0x33e: {  	v26 =	vmin.u32 v28, $0x3E6;
	v28 =	vld [tilespmem:s10+$0xA0]  }
0x33f: {  	[tilespmem:s12+$0xFFFFFFD8] =	vst v25;
	v25 =	vadd.s32 $0x1, v26  }
0x340: {  	v30 =	vld [tilespmem:s8+$0xFFFFFFB0];
	[tilespmem:s12+$0xFFFFFFE8] =	vst v23;
	v23 =	vpop (erf)  }
0x341: {  	v31 =	vld [tilespmem:s13+$0x10];
	v27 =	vmul.f32 v23, v27  }
0x342: {  	v21 =	vmul.f32 v23, v21;
	v23 =	vpop (erf)  }
0x343: {  	v59 =	vmax.f32 v29, $1.000000000e+00;
	v26 =	vld.idx.msk [tilespmem:v26+s18+$0x0], $0xffff;
	[tilespmem:s6+$0x50] =	vst v27;
	v27 =	vmul.f32 v23, v28  }
0x344: {  	v28 =	vbroadcast v59, $0x4;
	v60 =	vld.idx.msk [tilespmem:v25+s18+$0x0], $0xffff;
	[tilespmem:s6+$0x60] =	vst v21;
	v21 =	vmul.f32 v23, v22  }
0x345: {  	v22 =	vmax.f32 v30, $1.000000000e+00;
	[tilespmem:s11+$0xC8] =	vst v27;
	v27 =	vld [tilespmem:s14+$0x70]  }
0x346: {  	v22 =	vbroadcast v22, $0x4;
	v23 =	vmax.f32 v31, $1.000000000e+00;
	(erf) = vrcp.f32 v28;
	[tilespmem:s11+$0xD8] =	vst v21  }
0x347: {  	v21 =	vbroadcast v23, $0x4;
	v28 =	vld [tilespmem:s10+$0xD0]  }
0x348: {  	(erf) = vrcp.f32 v22  }
0x349: {  	vm0 =	vgt.f32 v26, v24;
	(erf) = vrcp.f32 v21;
	vm1 =	vle.f32 v60, v24  }
0x34a: {  	v21 =	vsel vm0, $0xFFFFFFFF, v0;
	v22 =	vsel vm1, $0x1, v0;
	v23 =	vmax.f32 v27, $1.000000000e+00  }
0x34b: {  	s4 =	simm.s32 $0xF100;
	v24 =	vld [tilespmem:s5+$0xFFFFFF40];
	v21 =	vadd.s32 v21, v22;
	v22 =	vbroadcast v23, $0x4  }
0x34c: {  	v26 =	vld [tilespmem:s4+$0xFFFFFF10];
	v21 =	vadd.s32 v25, v21;
	v23 =	vmax.f32 v28, $1.000000000e+00  }
0x34d: {  	v25 =	vld [tilespmem:s8+$0xFFFFFFA0];
	v21 =	vmul.u32 $0xA, v21;
	(erf) = vrcp.f32 v22;
	v22 =	vbroadcast v23, $0x4  }
0x34e: {  	s19 =	simm.s32 $0x0  }
0x34f: {  	v23 =	vmov s19;
	v61 =	vpop (erf);
	(erf) = vrcp.f32 v22  }
0x350: {  	v33 =	vld [tilespmem:s13+$0x0];
	v22 =	vmul.u32 $0x28, v23;
	v24 =	vmul.f32 v61, v24;
	v29 =	vmul.f32 v61, v29  }
0x351: {  	v62 =	vpop (erf)  }
0x352: {  	v25 =	vmul.f32 v62, v25;
	v23 =	vbroadcast v22, $0x0;
	[tilespmem:s2+$0xFFFFFF10] =	vst v24;
	v22 =	vmax.f32 v26, $1.000000000e+00;
	v24 =	vld [tilespmem:s14+$0x60]  }
0x353: {  	[tilespmem:s2+$0xFFFFFF20] =	vst v29;
	v22 =	vbroadcast v22, $0x4;
	v34 =	vld.idx.msk [tilespmem:v21+s15+$0x0], $0xffff  }
0x354: {  	v30 =	vmul.f32 v62, v30;
	[tilespmem:s31+$0xFFFFFF88] =	vst v25;
	v25 =	vld [tilespmem:s10+$0xC0];
	v29 =	vpop (erf);
	v63 =	vadd.s32 v1, v23  }
0x355: {  	v35 =	vor.u32 $0x1, v21;
	v36 =	vld [tilespmem:s5+$0xFFFFFF70];
	v33 =	vmul.f32 v29, v33  }
0x356: {  	[tilespmem:s31+$0xFFFFFF98] =	vst v30;
	v29 =	vmul.f32 v29, v31;
	(erf) = vrcp.f32 v22  }
0x357: {  	[tilespmem:s12+$0x0] =	vst v33;
	v22 =	vpop (erf)  }
0x358: {  	[tilespmem:s12+$0x10] =	vst v29;
	v29 =	vld [tilespmem:s8+$0xFFFFFFD0];
	v24 =	vmul.f32 v22, v24  }
0x359: {  	v30 =	vld [tilespmem:s4+$0xFFFFFF00];
	v22 =	vmul.f32 v22, v27;
	v27 =	vpop (erf);
	[tilespmem:v63+s28+$0x0] =	vst.idx.msk $0xffff, v34  }
0x35a: {  	v31 =	vmax.f32 v36, $1.000000000e+00;
	[tilespmem:s6+$0x78] =	vst v24;
	v24 =	vmul.f32 v27, v25;
	v25 =	vld.idx.msk [tilespmem:v35+s15+$0x0], $0xffff  }
0x35b: {  	v37 =	vadd.s32 v2, v23;
	[tilespmem:s6+$0x88] =	vst v22;
	v22 =	vmul.f32 v27, v28;
	v27 =	vld [tilespmem:s13+$0x30];
	v28 =	vbroadcast v31, $0x4  }
0x35c: {  	[tilespmem:s11+$0xF0] =	vst v24;
	v24 =	vadd.s32 $0x2, v21  }
0x35d: {  	v31 =	vld [tilespmem:s14+$0x90];
	(erf) = vrcp.f32 v28;
	v28 =	vmax.f32 v29, $1.000000000e+00  }
0x35e: {  	[tilespmem:s11+$0x100] =	vst v22;
	v28 =	vbroadcast v28, $0x4  }
0x35f: {  	v22 =	vld [tilespmem:s10+$0xF0];
	v38 =	vpop (erf)  }
0x360: {  	[tilespmem:v37+s28+$0x0] =	vst.idx.msk $0xffff, v25;
	v25 =	vmul.f32 v38, v30;
	v30 =	vmax.f32 v27, $1.000000000e+00;
	(erf) = vrcp.f32 v28  }
0x361: {  	v39 =	vadd.s32 v3, v23;
	v28 =	vbroadcast v30, $0x4;
	v24 =	vld.idx.msk [tilespmem:v24+s15+$0x0], $0xffff  }
0x362: {  	s9 =	simm.s32 $0x13440;
	v26 =	vmul.f32 v38, v26;
	v30 =	vadd.s32 $0x3, v21;
	v40 =	vmax.f32 v31, $1.000000000e+00  }
0x363: {  	v41 =	vld [tilespmem:s5+$0xFFFFFF60];
	[tilespmem:s9+$0xFFFFFEC0] =	vst v25;
	v25 =	vbroadcast v40, $0x4;
	(erf) = vrcp.f32 v28  }
0x364: {  	[tilespmem:s9+$0xFFFFFED0] =	vst v26;
	v28 =	vmax.f32 v22, $1.000000000e+00  }
0x365: {  	v26 =	vbroadcast v28, $0x4;
	v28 =	vld [tilespmem:s4+$0xFFFFFF30];
	(erf) = vrcp.f32 v25  }
0x366: {  	v25 =	vld [tilespmem:s8+$0xFFFFFFC0];
	[tilespmem:v39+s28+$0x0] =	vst.idx.msk $0xffff, v24  }
0x367: {  	(erf) = vrcp.f32 v26;
	v26 =	vadd.s32 v4, v23;
	v24 =	vpop (erf);
	v30 =	vld.idx.msk [tilespmem:v30+s15+$0x0], $0xffff  }
0x368: {  	v43 =	vld [tilespmem:s13+$0x20];
	v42 =	vmul.f32 v24, v41  }
0x369: {  	v24 =	vmul.f32 v24, v36;
	v45 =	vpop (erf)  }
0x36a: {  	v46 =	vld [tilespmem:s14+$0x80];
	[tilespmem:s2+$0xFFFFFF38] =	vst v42;
	v29 =	vmul.f32 v45, v29  }
0x36b: {  	v44 =	vadd.s32 $0x4, v21;
	[tilespmem:s2+$0xFFFFFF48] =	vst v24;
	v24 =	vmul.f32 v45, v25  }
0x36c: {  	v25 =	vld [tilespmem:s10+$0xE0];
	v47 =	vpop (erf);
	[tilespmem:v26+s28+$0x0] =	vst.idx.msk $0xffff, v30;
	v30 =	vmax.f32 v28, $1.000000000e+00  }
0x36d: {  	[tilespmem:s31+$0xFFFFFFB0] =	vst v24;
	v24 =	vmul.f32 v47, v43;
	v30 =	vbroadcast v30, $0x4  }
0x36e: {  	[tilespmem:s31+$0xFFFFFFC0] =	vst v29;
	v26 =	vld [tilespmem:s5+$0xFFFFFF90];
	v27 =	vmul.f32 v47, v27;
	v29 =	vpop (erf)  }
0x36f: {  	[tilespmem:s12+$0x28] =	vst v24;
	v24 =	vmul.f32 v29, v46;
	(erf) = vrcp.f32 v30;
	v30 =	vld [tilespmem:s8+$0xFFFFFFF0]  }
0x370: {  	v49 =	vadd.s32 v5, v23;
	v48 =	vld.idx.msk [tilespmem:v44+s15+$0x0], $0xffff;
	v50 =	vpop (erf);
	[tilespmem:s12+$0x38] =	vst v27;
	v29 =	vmul.f32 v29, v31  }
0x371: {  	v51 =	vadd.s32 $0x5, v21;
	v25 =	vmul.f32 v50, v25;
	[tilespmem:s6+$0xA0] =	vst v24  }
0x372: {  	v22 =	vmul.f32 v50, v22;
	v27 =	vld [tilespmem:s13+$0x50];
	[tilespmem:s6+$0xB0] =	vst v29  }
0x373: {  	[tilespmem:s11+$0x118] =	vst v25;
	v25 =	vmax.f32 v26, $1.000000000e+00  }
0x374: {  	v24 =	vld [tilespmem:s4+$0xFFFFFF20];
	[tilespmem:s11+$0x128] =	vst v22;
	v25 =	vbroadcast v25, $0x4;
	v22 =	vmax.f32 v30, $1.000000000e+00  }
0x375: {  	v52 =	vld [tilespmem:s14+$0xB0];
	[tilespmem:v49+s28+$0x0] =	vst.idx.msk $0xffff, v48;
	v22 =	vbroadcast v22, $0x4  }
0x376: {  	v31 =	vld.idx.msk [tilespmem:v51+s15+$0x0], $0xffff;
	(erf) = vrcp.f32 v25;
	v25 =	vadd.s32 v6, v23  }
0x377: {  	s20 =	simm.s32 $0x17410;
	v53 =	vadd.s32 $0x6, v21;
	(erf) = vrcp.f32 v22;
	v22 =	vmax.f32 v27, $1.000000000e+00  }
0x378: {  	v29 =	vld [tilespmem:s20+$0x0];
	v22 =	vbroadcast v22, $0x4  }
0x379: {  	v54 =	vpop (erf)  }
0x37a: {  	v56 =	vld [tilespmem:s5+$0xFFFFFF80];
	v24 =	vmul.f32 v54, v24;
	(erf) = vrcp.f32 v22;
	v22 =	vmax.f32 v52, $1.000000000e+00  }
0x37b: {  	v57 =	vld [tilespmem:s8+$0xFFFFFFE0];
	[tilespmem:v25+s28+$0x0] =	vst.idx.msk $0xffff, v31;
	v22 =	vbroadcast v22, $0x4  }
0x37c: {  	v25 =	vld.idx.msk [tilespmem:v53+s15+$0x0], $0xffff;
	[tilespmem:s9+$0xFFFFFEE8] =	vst v24;
	v24 =	vadd.s32 v7, v23  }
0x37d: {  	v55 =	vmul.f32 $9.990000000e+02, v29  }
0x37e: {  	v28 =	vmul.f32 v54, v28  }
0x37f: {  	v31 =	vtrunc.f32 v55;
	(erf) = vrcp.f32 v22;
	v22 =	vpop (erf)  }
0x380: {  	v60 =	vld [tilespmem:s13+$0x40];
	[tilespmem:s9+$0xFFFFFEF8] =	vst v28;
	v59 =	vmul.f32 v22, v56;
	v22 =	vmul.f32 v22, v26;
	v26 =	vpop (erf)  }
0x381: {  	v31 =	vcvt.f32.s32 v31;
	v28 =	vadd.s32 $0x7, v21;
	v58 =	vld [tilespmem:s4+$0xFFFFFF50];
	[tilespmem:v24+s28+$0x0] =	vst.idx.msk $0xffff, v25;
	v25 =	vmul.f32 v26, v57;
	_ =	sdelay $0x1  }
0x382: {  	vm0 =	vgt.s32 v31, $0x0  }
0x383: {  	v31 =	vnsel vm0, $0x0, v31;
	v26 =	vmul.f32 v26, v30;
	[tilespmem:s2+$0xFFFFFF70] =	vst v22  }
0x384: {  	v61 =	vld [tilespmem:s14+$0xA0];
	v24 =	vmin.u32 v31, $0x3E6;
	[tilespmem:s31+$0xFFFFFFD8] =	vst v25;
	v25 =	vpop (erf)  }
0x385: {  	v28 =	vld.idx.msk [tilespmem:v28+s15+$0x0], $0xffff;
	v62 =	vmax.f32 v58, $1.000000000e+00;
	v22 =	vadd.s32 v8, v23;
	[tilespmem:s31+$0xFFFFFFE8] =	vst v26;
	v26 =	vmul.f32 v25, v60  }
0x386: {  	v31 =	vand.u32 $0x7FFFFFFE, v21;
	v30 =	vadd.s32 $0x1, v24;
	[tilespmem:s2+$0xFFFFFF60] =	vst v59;
	v35 =	vbroadcast v62, $0x4  }
0x387: {  	v31 =	vadd.s32 $0x8, v31;
	v37 =	vld [tilespmem:s5+$0xFFFFFFB0]  }
0x388: {  	v63 =	vld [tilespmem:s8+$0x10];
	(erf) = vrcp.f32 v35  }
0x389: {  	v40 =	vld [tilespmem:s4+$0xFFFFFF40];
	v25 =	vmul.f32 v25, v27;
	[tilespmem:s12+$0x50] =	vst v26;
	v26 =	vpop (erf)  }
0x38a: {  	v24 =	vld.idx.msk [tilespmem:v24+s18+$0x0], $0xffff;
	[tilespmem:v22+s28+$0x0] =	vst.idx.msk $0xffff, v28;
	v22 =	vmul.f32 v26, v61  }
0x38b: {  	v27 =	vld.idx.msk [tilespmem:v30+s18+$0x0], $0xffff;
	[tilespmem:s12+$0x60] =	vst v25  }
0x38c: {  	v28 =	vld.idx.msk [tilespmem:v31+s15+$0x0], $0xffff;
	v25 =	vadd.s32 v9, v23;
	v26 =	vmul.f32 v26, v52;
	[tilespmem:s6+$0xC8] =	vst v22;
	v22 =	vmax.f32 v37, $1.000000000e+00  }
0x38d: {  	v21 =	vadd.s32 $0x9, v21;
	v31 =	vld [tilespmem:s13+$0x70];
	v41 =	vmax.f32 v63, $1.000000000e+00;
	v22 =	vbroadcast v22, $0x4  }
0x38e: {  	[tilespmem:s6+$0xD8] =	vst v26;
	v26 =	vbroadcast v41, $0x4  }
0x38f: {  	v42 =	vld [tilespmem:s14+$0xD0];
	(erf) = vrcp.f32 v22  }
0x390: {  	vm0 =	vgt.f32 v24, v29;
	vm1 =	vle.f32 v27, v29;
	(erf) = vrcp.f32 v26  }
0x391: {  	v27 =	vadd.s32 v10, v23;
	v24 =	vsel vm1, $0x1, v0;
	[tilespmem:v25+s28+$0x0] =	vst.idx.msk $0xffff, v28;
	v25 =	vpop (erf);
	v22 =	vsel vm0, $0xFFFFFFFF, v0  }
0x392: {  	v21 =	vld.idx.msk [tilespmem:v21+s15+$0x0], $0xffff;
	v26 =	vmax.f32 v31, $1.000000000e+00;
	v22 =	vadd.s32 v22, v24;
	v24 =	vmul.f32 v25, v40  }
0x393: {  	v25 =	vmul.f32 v25, v58;
	v26 =	vbroadcast v26, $0x4  }
0x394: {  	v22 =	vadd.s32 v30, v22;
	v30 =	vld [tilespmem:s5+$0xFFFFFFA0];
	v29 =	vmax.f32 v42, $1.000000000e+00;
	[tilespmem:s9+$0xFFFFFF10] =	vst v24  }
0x395: {  	s21 =	simm.s32 $0x10;
	s10 =	simm.s32 $0xF300;
	v22 =	vmul.u32 $0xA, v22;
	[tilespmem:s9+$0xFFFFFF20] =	vst v25;
	v25 =	vld [tilespmem:s8+$0x0];
	(erf) = vrcp.f32 v26;
	v24 =	vbroadcast v29, $0x4  }
0x396: {  	v28 =	vld [tilespmem:s10+$0xFFFFFF10];
	v26 =	vmov s21  }
0x397: {  	s23 =	simm.s32 $0x17600;
	[tilespmem:v27+s28+$0x0] =	vst.idx.msk $0xffff, v21;
	v29 =	vld [tilespmem:s4+$0xFFFFFF70];
	(erf) = vrcp.f32 v24;
	v24 =	vmul.u32 $0x28, v26  }
0x398: {  	v26 =	vld [tilespmem:s23+$0x0];
	v27 =	vpop (erf)  }
0x399: {  	v21 =	vbroadcast v24, $0x0;
	v44 =	vpop (erf)  }
0x39a: {  	v43 =	vld [tilespmem:s13+$0x60];
	v30 =	vmul.f32 v27, v30;
	v25 =	vmul.f32 v44, v25  }
0x39b: {  	v24 =	vmax.f32 v28, $1.000000000e+00;
	v45 =	vld.idx.msk [tilespmem:v22+s15+$0x0], $0xffff;
	v27 =	vmul.f32 v27, v37;
	v46 =	vadd.s32 v1, v21  }
0x39c: {  	v47 =	vld [tilespmem:s14+$0xC0];
	v48 =	vor.u32 $0x1, v22;
	v24 =	vbroadcast v24, $0x4;
	[tilespmem:s2+$0xFFFFFF88] =	vst v30  }
0x39d: {  	v38 =	vmax.f32 v29, $1.000000000e+00;
	v30 =	vmul.f32 v44, v63;
	[tilespmem:s2+$0xFFFFFF98] =	vst v27;
	v27 =	vmul.f32 $9.990000000e+02, v26  }
0x39e: {  	(erf) = vrcp.f32 v24;
	v24 =	vbroadcast v38, $0x4;
	[tilespmem:s31+$0x0] =	vst v25;
	v25 =	vpop (erf)  }
0x39f: {  	[tilespmem:s31+$0x10] =	vst v30;
	v27 =	vtrunc.f32 v27;
	v30 =	vmul.f32 v25, v43  }
0x3a0: {  	v32 =	vld [tilespmem:s5+$0xFFFFFFD0];
	[tilespmem:v46+s28+$0x0] =	vst.idx.msk $0xffff, v45;
	v27 =	vcvt.f32.s32 v27;
	v25 =	vmul.f32 v25, v31;
	v31 =	vpop (erf)  }
0x3a1: {  	v50 =	vadd.s32 v2, v21;
	v51 =	vld.idx.msk [tilespmem:v48+s15+$0x0], $0xffff;
	[tilespmem:s12+$0x78] =	vst v30;
	v30 =	vmul.f32 v31, v47  }
0x3a2: {  	(erf) = vrcp.f32 v24;
	v24 =	vmul.f32 v31, v42;
	vm0 =	vgt.s32 v27, $0x0;
	[tilespmem:s12+$0x88] =	vst v25;
	v25 =	vld [tilespmem:s8+$0x30]  }
0x3a3: {  	v49 =	vld [tilespmem:s10+$0xFFFFFF00];
	v27 =	vnsel vm0, $0x0, v27;
	[tilespmem:s6+$0xF0] =	vst v30;
	v30 =	vadd.s32 $0x2, v22  }
0x3a4: {  	v31 =	vld [tilespmem:s13+$0x90];
	[tilespmem:s6+$0x100] =	vst v24;
	v24 =	vmin.u32 v27, $0x3E6  }
0x3a5: {  	v53 =	vmax.f32 v32, $1.000000000e+00;
	v52 =	vadd.s32 $0x1, v24;
	v27 =	vld [tilespmem:s14+$0xF0]  }
0x3a6: {  	v36 =	vbroadcast v53, $0x4  }
0x3a7: {  	v39 =	vld [tilespmem:s4+$0xFFFFFF60];
	v58 =	vadd.s32 $0x3, v22;
	[tilespmem:v50+s28+$0x0] =	vst.idx.msk $0xffff, v51;
	v56 =	vmax.f32 v25, $1.000000000e+00  }
0x3a8: {  	v57 =	vadd.s32 v3, v21;
	v54 =	vpop (erf);
	(erf) = vrcp.f32 v36;
	v35 =	vbroadcast v56, $0x4;
	v30 =	vld.idx.msk [tilespmem:v30+s15+$0x0], $0xffff  }
0x3a9: {  	v55 =	vmul.f32 v54, v49;
	v28 =	vmul.f32 v54, v28;
	v24 =	vld.idx.msk [tilespmem:v24+s18+$0x0], $0xffff;
	v59 =	vmax.f32 v31, $1.000000000e+00  }
0x3aa: {  	s11 =	simm.s32 $0x136C0;
	v40 =	vld.idx.msk [tilespmem:v52+s18+$0x0], $0xffff;
	v60 =	vbroadcast v59, $0x4;
	(erf) = vrcp.f32 v35;
	v61 =	vmax.f32 v27, $1.000000000e+00  }
0x3ab: {  	[tilespmem:s11+$0xFFFFFED0] =	vst v28;
	v28 =	vbroadcast v61, $0x4  }
0x3ac: {  	v43 =	vld [tilespmem:s5+$0xFFFFFFC0];
	[tilespmem:s11+$0xFFFFFEC0] =	vst v55;
	v62 =	vpop (erf);
	(erf) = vrcp.f32 v60  }
0x3ad: {  	v42 =	vld [tilespmem:s10+$0xFFFFFF30];
	v63 =	vmul.f32 v62, v39;
	(erf) = vrcp.f32 v28;
	[tilespmem:v57+s28+$0x0] =	vst.idx.msk $0xffff, v30  }
0x3ae: {  	v29 =	vmul.f32 v62, v29;
	v28 =	vadd.s32 v4, v21;
	v30 =	vld.idx.msk [tilespmem:v58+s15+$0x0], $0xffff  }
0x3af: {  	[tilespmem:s9+$0xFFFFFF38] =	vst v63;
	vm0 =	vgt.f32 v24, v26;
	v24 =	vld [tilespmem:s8+$0x20];
	vm1 =	vle.f32 v40, v26  }
0x3b0: {  	v47 =	vld [tilespmem:s13+$0x80];
	[tilespmem:s9+$0xFFFFFF48] =	vst v29;
	v26 =	vadd.s32 $0x4, v22;
	v29 =	vsel vm0, $0xFFFFFFFF, v0;
	v44 =	vsel vm1, $0x1, v0  }
0x3b1: {  	v45 =	vld [tilespmem:s4+$0xFFFFFF90];
	v46 =	vpop (erf);
	v29 =	vadd.s32 v29, v44  }
0x3b2: {  	v49 =	vld [tilespmem:s14+$0xE0];
	v48 =	vmul.f32 v46, v43;
	v29 =	vadd.s32 v52, v29  }
0x3b3: {  	v32 =	vmul.f32 v46, v32;
	v29 =	vmul.u32 $0x5, v29;
	v50 =	vpop (erf);
	[tilespmem:v28+s28+$0x0] =	vst.idx.msk $0xffff, v30;
	v28 =	vmax.f32 v42, $1.000000000e+00  }
0x3b4: {  	[tilespmem:s2+$0xFFFFFFB0] =	vst v48;
	v24 =	vmul.f32 v50, v24;
	v28 =	vbroadcast v28, $0x4  }
0x3b5: {  	v53 =	vadd.s32 $0x5, v22;
	v51 =	vadd.s32 v5, v21;
	[tilespmem:s2+$0xFFFFFFC0] =	vst v32;
	v25 =	vmul.f32 v50, v25;
	v30 =	vpop (erf);
	v26 =	vld.idx.msk [tilespmem:v26+s15+$0x0], $0xffff  }
0x3b6: {  	v33 =	vld [tilespmem:s5+$0xFFFFFFF0];
	[tilespmem:s31+$0x28] =	vst v24;
	v24 =	vmul.f32 v30, v47;
	v52 =	vpop (erf);
	(erf) = vrcp.f32 v28;
	v28 =	vmax.f32 v45, $1.000000000e+00  }
0x3b7: {  	[tilespmem:s31+$0x38] =	vst v25;
	v25 =	vmul.f32 v52, v49;
	v28 =	vbroadcast v28, $0x4  }
0x3b8: {  	v54 =	vld [tilespmem:s10+$0xFFFFFF20];
	[tilespmem:s12+$0xA0] =	vst v24  }
0x3b9: {  	v24 =	vld.idx.msk [tilespmem:v29+s16+$0x0], $0xffff;
	[tilespmem:s6+$0x118] =	vst v25;
	v25 =	vmul.f32 v52, v27;
	v27 =	vadd.s32 v11, v23;
	(erf) = vrcp.f32 v28  }
0x3ba: {  	v28 =	vld [tilespmem:s8+$0x50];
	[tilespmem:v51+s28+$0x0] =	vst.idx.msk $0xffff, v26;
	v26 =	vmul.f32 v30, v31;
	v30 =	vadd.s32 $0x1, v29  }
0x3bb: {  	s24 =	simm.s32 $0x17420;
	v31 =	vmax.f32 v33, $1.000000000e+00;
	v32 =	vld.idx.msk [tilespmem:v53+s15+$0x0], $0xffff;
	[tilespmem:s6+$0x128] =	vst v25  }
0x3bc: {  	v25 =	vbroadcast v31, $0x4;
	[tilespmem:s12+$0xB0] =	vst v26;
	v26 =	vld [tilespmem:s24+$0x0]  }
0x3bd: {  	v31 =	vadd.s32 v6, v21;
	v55 =	vld [tilespmem:s13+$0xB0]  }
0x3be: {  	v56 =	vadd.s32 $0x6, v22;
	(erf) = vrcp.f32 v25;
	v25 =	vld [tilespmem:s4+$0xFFFFFF80];
	[tilespmem:v27+s28+$0x0] =	vst.idx.msk $0xffff, v24  }
0x3bf: {  	v57 =	vadd.s32 v12, v23;
	v24 =	vmax.f32 v28, $1.000000000e+00;
	v30 =	vld.idx.msk [tilespmem:v30+s16+$0x0], $0xffff  }
0x3c0: {  	v58 =	vadd.s32 $0x2, v29;
	v27 =	vpop (erf);
	v24 =	vbroadcast v24, $0x4  }
0x3c1: {  	v34 =	vmul.f32 v27, v54;
	v27 =	vmul.f32 v27, v42  }
0x3c2: {  	v59 =	vld [tilespmem:s5+$0xFFFFFFE0];
	[tilespmem:v31+s28+$0x0] =	vst.idx.msk $0xffff, v32;
	(erf) = vrcp.f32 v24;
	v24 =	vmul.f32 $9.990000000e+02, v26;
	v60 =	vpop (erf)  }
0x3c3: {  	v61 =	vadd.s32 v7, v21;
	v37 =	vld.idx.msk [tilespmem:v56+s15+$0x0], $0xffff;
	v31 =	vmax.f32 v55, $1.000000000e+00;
	[tilespmem:s11+$0xFFFFFEF8] =	vst v27;
	v25 =	vmul.f32 v60, v25  }
0x3c4: {  	v31 =	vbroadcast v31, $0x4;
	v27 =	vadd.s32 $0x7, v22;
	v24 =	vtrunc.f32 v24;
	[tilespmem:v57+s28+$0x0] =	vst.idx.msk $0xffff, v30  }
0x3c5: {  	v63 =	vadd.s32 v13, v23;
	v24 =	vcvt.f32.s32 v24;
	v30 =	vld.idx.msk [tilespmem:v58+s16+$0x0], $0xffff  }
0x3c6: {  	[tilespmem:s11+$0xFFFFFEE8] =	vst v34;
	(erf) = vrcp.f32 v31  }
0x3c7: {  	v46 =	vadd.s32 $0x3, v29;
	v41 =	vld [tilespmem:s10+$0xFFFFFF50];
	v31 =	vmul.f32 v60, v45;
	[tilespmem:s9+$0xFFFFFF60] =	vst v25;
	vm0 =	vgt.s32 v24, $0x0;
	v25 =	vpop (erf)  }
0x3c8: {  	v62 =	vld [tilespmem:s8+$0x40];
	[tilespmem:v61+s28+$0x0] =	vst.idx.msk $0xffff, v37;
	v24 =	vnsel vm0, $0x0, v24;
	v45 =	vmul.f32 v25, v59;
	v25 =	vmul.f32 v25, v33  }
0x3c9: {  	v48 =	vand.u32 $0x7FFFFFFE, v22;
	v47 =	vadd.s32 v8, v21;
	[tilespmem:s9+$0xFFFFFF70] =	vst v31;
	v27 =	vld.idx.msk [tilespmem:v27+s15+$0x0], $0xffff;
	v24 =	vmin.u32 v24, $0x3E6  }
0x3ca: {  	v49 =	vld [tilespmem:s13+$0xA0];
	v37 =	vadd.s32 $0x8, v48;
	[tilespmem:v63+s28+$0x0] =	vst.idx.msk $0xffff, v30  }
0x3cb: {  	v50 =	vld [tilespmem:s4+$0xFFFFFFB0];
	v31 =	vadd.s32 $0x1, v24;
	[tilespmem:s2+$0xFFFFFFD8] =	vst v45  }
0x3cc: {  	v52 =	vadd.s32 v14, v23;
	v51 =	vmax.f32 v41, $1.000000000e+00;
	[tilespmem:s2+$0xFFFFFFE8] =	vst v25;
	v34 =	vld.idx.msk [tilespmem:v46+s16+$0x0], $0xffff;
	v25 =	vpop (erf)  }
0x3cd: {  	v30 =	vbroadcast v51, $0x4;
	v42 =	vld [tilespmem:s5+$0x10];
	v32 =	vmul.f32 v25, v62  }
0x3ce: {  	v29 =	vadd.s32 $0x4, v29;
	[tilespmem:v47+s28+$0x0] =	vst.idx.msk $0xffff, v27;
	v24 =	vld.idx.msk [tilespmem:v24+s18+$0x0], $0xffff;
	v25 =	vmul.f32 v25, v28  }
0x3cf: {  	(erf) = vrcp.f32 v30;
	v28 =	vpop (erf);
	v53 =	vld.idx.msk [tilespmem:v37+s15+$0x0], $0xffff;
	[tilespmem:s31+$0x50] =	vst v32  }
0x3d0: {  	v30 =	vld.idx.msk [tilespmem:v31+s18+$0x0], $0xffff;
	v27 =	vmul.f32 v28, v49;
	[tilespmem:s31+$0x60] =	vst v25  }
0x3d1: {  	v28 =	vmul.f32 v28, v55;
	v55 =	vld [tilespmem:s10+$0xFFFFFF40];
	v25 =	vadd.s32 v9, v21;
	[tilespmem:v52+s28+$0x0] =	vst.idx.msk $0xffff, v34  }
0x3d2: {  	v22 =	vadd.s32 $0x9, v22;
	[tilespmem:s12+$0xC8] =	vst v27;
	v54 =	vld [tilespmem:s8+$0x70]  }
0x3d3: {  	v27 =	vmax.f32 v50, $1.000000000e+00;
	v56 =	vmax.f32 v42, $1.000000000e+00;
	[tilespmem:s12+$0xD8] =	vst v28;
	v28 =	vld.idx.msk [tilespmem:v29+s16+$0x0], $0xffff  }
0x3d4: {  	v27 =	vbroadcast v27, $0x4;
	v29 =	vbroadcast v56, $0x4;
	v57 =	vld [tilespmem:s13+$0xD0]  }
0x3d5: {  	v58 =	vadd.s32 v15, v23;
	vm0 =	vgt.f32 v24, v26  }
0x3d6: {  	(erf) = vrcp.f32 v27;
	vm1 =	vle.f32 v30, v26;
	v24 =	vsel vm0, $0xFFFFFFFF, v0;
	[tilespmem:v25+s28+$0x0] =	vst.idx.msk $0xffff, v53  }
0x3d7: {  	v27 =	vadd.s32 v10, v21;
	(erf) = vrcp.f32 v29;
	v25 =	vsel vm1, $0x1, v0;
	v22 =	vld.idx.msk [tilespmem:v22+s15+$0x0], $0xffff  }
0x3d8: {  	s0 =	simm.s32 $0xF500;
	v26 =	vmax.f32 v54, $1.000000000e+00;
	v29 =	vpop (erf);
	v24 =	vadd.s32 v24, v25  }
0x3d9: {  	v25 =	vbroadcast v26, $0x4;
	v26 =	vld [tilespmem:s0+$0xFFFFFF10];
	v30 =	vmul.f32 v29, v55;
	v59 =	vmax.f32 v57, $1.000000000e+00  }
0x3da: {  	s23 =	simm.s32 $0x17800;
	[tilespmem:v58+s28+$0x0] =	vst.idx.msk $0xffff, v28;
	v24 =	vadd.s32 v31, v24;
	v31 =	vld [tilespmem:s4+$0xFFFFFFA0];
	v28 =	vbroadcast v59, $0x4  }
0x3db: {  	s26 =	simm.s32 $0x20;
	v24 =	vmul.u32 $0xA, v24;
	(erf) = vrcp.f32 v25;
	v25 =	vmul.f32 v29, v41;
	[tilespmem:s11+$0xFFFFFF10] =	vst v30;
	v29 =	vld [tilespmem:s23+$0x0]  }
0x3dc: {  	s24 =	simm.s32 $0x17610;
	v60 =	vld [tilespmem:s5+$0x0];
	v30 =	vmov s26;
	[tilespmem:v27+s28+$0x0] =	vst.idx.msk $0xffff, v22  }
0x3dd: {  	v30 =	vmul.u32 $0x28, v30;
	(erf) = vrcp.f32 v28;
	[tilespmem:s11+$0xFFFFFF20] =	vst v25;
	v25 =	vld [tilespmem:s24+$0x0]  }
0x3de: {  	v27 =	vld [tilespmem:s10+$0xFFFFFF70];
	v28 =	vmax.f32 v26, $1.000000000e+00  }
0x3df: {  	v22 =	vbroadcast v30, $0x0;
	v61 =	vpop (erf);
	v28 =	vbroadcast v28, $0x4  }
0x3e0: {  	v30 =	vld [tilespmem:s8+$0x60];
	v31 =	vmul.f32 v61, v31;
	v62 =	vpop (erf);
	v44 =	vmul.f32 $9.990000000e+02, v29  }
0x3e1: {  	v63 =	vld.idx.msk [tilespmem:v24+s15+$0x0], $0xffff;
	v35 =	vmul.f32 v61, v50;
	v45 =	vadd.s32 v1, v22;
	v32 =	vmul.f32 v62, v60  }
0x3e2: {  	v36 =	vmul.f32 v62, v42;
	(erf) = vrcp.f32 v28;
	[tilespmem:s9+$0xFFFFFF88] =	vst v31;
	v31 =	vld [tilespmem:s13+$0xC0]  }
0x3e3: {  	v38 =	vtrunc.f32 v44;
	[tilespmem:s9+$0xFFFFFF98] =	vst v35;
	v47 =	vmul.f32 $9.990000000e+02, v25;
	v48 =	vmax.f32 v27, $1.000000000e+00  }
0x3e4: {  	v46 =	vor.u32 $0x1, v24;
	v49 =	vcvt.f32.s32 v38;
	[tilespmem:s2+$0x0] =	vst v32;
	v28 =	vpop (erf);
	v50 =	vbroadcast v48, $0x4  }
0x3e5: {  	[tilespmem:s2+$0x10] =	vst v36;
	v30 =	vmul.f32 v28, v30;
	v41 =	vtrunc.f32 v47  }
0x3e6: {  	v51 =	vld [tilespmem:s0+$0xFFFFFF00];
	vm0 =	vgt.s32 v49, $0x0;
	v28 =	vmul.f32 v28, v54;
	[tilespmem:v45+s28+$0x0] =	vst.idx.msk $0xffff, v63;
	v52 =	vpop (erf);
	v53 =	vcvt.f32.s32 v41  }
0x3e7: {  	v55 =	vld [tilespmem:s10+$0xFFFFFF60];
	v35 =	vnsel vm0, $0x0, v49;
	(erf) = vrcp.f32 v50;
	[tilespmem:s31+$0x78] =	vst v30;
	v30 =	vmul.f32 v52, v31  }
0x3e8: {  	v31 =	vmin.u32 v35, $0x3E6;
	v35 =	vld [tilespmem:s4+$0xFFFFFFD0];
	[tilespmem:s31+$0x88] =	vst v28;
	v28 =	vmul.f32 v52, v57;
	vm0 =	vgt.s32 v53, $0x0  }
0x3e9: {  	v54 =	vadd.s32 v2, v22;
	v37 =	vld.idx.msk [tilespmem:v46+s15+$0x0], $0xffff;
	v56 =	vadd.s32 $0x1, v31;
	[tilespmem:s12+$0xF0] =	vst v30;
	v36 =	vnsel vm0, $0x0, v53  }
0x3ea: {  	v57 =	vld [tilespmem:s5+$0x30];
	v30 =	vadd.s32 $0x2, v24;
	[tilespmem:s12+$0x100] =	vst v28;
	v28 =	vmin.u32 v36, $0x3E6  }
0x3eb: {  	v40 =	vld [tilespmem:s8+$0x90];
	v58 =	vadd.s32 $0x1, v28  }
0x3ec: {  	v36 =	vld [tilespmem:s13+$0xF0]  }
0x3ed: {  	v31 =	vld.idx.msk [tilespmem:v31+s18+$0x0], $0xffff;
	v59 =	vmax.f32 v35, $1.000000000e+00  }
0x3ee: {  	v60 =	vpop (erf);
	[tilespmem:v54+s28+$0x0] =	vst.idx.msk $0xffff, v37;
	v61 =	vld.idx.msk [tilespmem:v56+s18+$0x0], $0xffff;
	v42 =	vbroadcast v59, $0x4  }
0x3ef: {  	v43 =	vadd.s32 v3, v22;
	v32 =	vmul.f32 v60, v51;
	v26 =	vmul.f32 v60, v26;
	v30 =	vld.idx.msk [tilespmem:v30+s15+$0x0], $0xffff  }
0x3f0: {  	s1 =	simm.s32 $0x13940;
	v62 =	vmax.f32 v57, $1.000000000e+00;
	v49 =	vmax.f32 v40, $1.000000000e+00;
	(erf) = vrcp.f32 v42;
	v46 =	vld.idx.msk [tilespmem:v58+s18+$0x0], $0xffff  }
0x3f1: {  	v63 =	vadd.s32 $0x3, v24;
	v37 =	vbroadcast v62, $0x4;
	[tilespmem:s1+$0xFFFFFED0] =	vst v26;
	v26 =	vbroadcast v49, $0x4;
	v28 =	vld.idx.msk [tilespmem:v28+s18+$0x0], $0xffff;
	v45 =	vpop (erf)  }
0x3f2: {  	v50 =	vmax.f32 v36, $1.000000000e+00;
	v48 =	vmul.f32 v45, v55;
	v27 =	vmul.f32 v45, v27  }
0x3f3: {  	(erf) = vrcp.f32 v37;
	v37 =	vbroadcast v50, $0x4  }
0x3f4: {  	[tilespmem:s1+$0xFFFFFEC0] =	vst v32;
	vm0 =	vgt.f32 v31, v29;
	(erf) = vrcp.f32 v26;
	vm1 =	vle.f32 v61, v29  }
0x3f5: {  	v29 =	vld [tilespmem:s4+$0xFFFFFFC0];
	v26 =	vsel vm0, $0xFFFFFFFF, v0;
	[tilespmem:v43+s28+$0x0] =	vst.idx.msk $0xffff, v30;
	v30 =	vsel vm1, $0x1, v0;
	vm1 =	vle.f32 v46, v25  }
0x3f6: {  	v39 =	vld [tilespmem:s0+$0xFFFFFF30];
	v26 =	vadd.s32 v26, v30;
	vm0 =	vgt.f32 v28, v25;
	v28 =	vsel vm1, $0x1, v0  }
0x3f7: {  	v44 =	vadd.s32 v4, v22;
	(erf) = vrcp.f32 v37;
	[tilespmem:s11+$0xFFFFFF38] =	vst v48;
	v31 =	vld.idx.msk [tilespmem:v63+s15+$0x0], $0xffff;
	v25 =	vadd.s32 v56, v26  }
0x3f8: {  	v51 =	vadd.s32 $0x4, v24;
	[tilespmem:s11+$0xFFFFFF48] =	vst v27;
	v26 =	vld [tilespmem:s5+$0x20];
	v27 =	vsel vm0, $0xFFFFFFFF, v0;
	v30 =	vmul.u32 $0x5, v25  }
0x3f9: {  	v25 =	vld [tilespmem:s10+$0xFFFFFF90];
	v27 =	vadd.s32 v27, v28;
	v28 =	vpop (erf)  }
0x3fa: {  	v52 =	vld [tilespmem:s8+$0x80];
	v29 =	vmul.f32 v28, v29;
	v28 =	vmul.f32 v28, v35  }
0x3fb: {  	v53 =	vmax.f32 v39, $1.000000000e+00;
	v27 =	vadd.s32 v58, v27  }
0x3fc: {  	v54 =	vld [tilespmem:s13+$0xE0];
	v41 =	vmul.u32 $0x5, v27;
	v27 =	vbroadcast v53, $0x4;
	[tilespmem:v44+s28+$0x0] =	vst.idx.msk $0xffff, v31;
	v55 =	vpop (erf)  }
0x3fd: {  	v60 =	vadd.s32 $0x5, v24;
	v56 =	vadd.s32 v5, v22;
	v26 =	vmul.f32 v55, v26;
	[tilespmem:s9+$0xFFFFFFB0] =	vst v29;
	v29 =	vld.idx.msk [tilespmem:v51+s15+$0x0], $0xffff  }
0x3fe: {  	(erf) = vrcp.f32 v27;
	v27 =	vmul.f32 v55, v57;
	v58 =	vmax.f32 v25, $1.000000000e+00;
	[tilespmem:s9+$0xFFFFFFC0] =	vst v28;
	v57 =	vld.idx.msk [tilespmem:v30+s17+$0x0], $0xffff;
	v28 =	vpop (erf)  }
0x3ff: {  	v31 =	vadd.s32 v16, v23;
	v35 =	vbroadcast v58, $0x4;
	v37 =	vld [tilespmem:s4+$0xFFFFFFF0];
	[tilespmem:s2+$0x28] =	vst v26;
	v26 =	vmul.f32 v28, v52  }
0x400: {  	v61 =	vld [tilespmem:s0+$0xFFFFFF20];
	v62 =	vadd.s32 $0x1, v30;
	[tilespmem:s2+$0x38] =	vst v27;
	v59 =	vpop (erf)  }
0x401: {  	v63 =	vld [tilespmem:s10+$0xFFFFFF80];
	(erf) = vrcp.f32 v35;
	v27 =	vmul.f32 v59, v54;
	[tilespmem:s31+$0xA0] =	vst v26  }
0x402: {  	v35 =	vld [tilespmem:s5+$0x50];
	[tilespmem:v56+s28+$0x0] =	vst.idx.msk $0xffff, v29  }
0x403: {  	v28 =	vmul.f32 v28, v40;
	v26 =	vld.idx.msk [tilespmem:v41+s16+$0x0], $0xffff;
	[tilespmem:s12+$0x118] =	vst v27;
	v27 =	vadd.s32 v11, v21  }
0x404: {  	v32 =	vmul.f32 v59, v36;
	[tilespmem:v31+s28+$0x0] =	vst.idx.msk $0xffff, v57;
	v48 =	vmax.f32 v37, $1.000000000e+00;
	v49 =	vld.idx.msk [tilespmem:v60+s15+$0x0], $0xffff  }
0x405: {  	v50 =	vadd.s32 v6, v22;
	v29 =	vadd.s32 $0x1, v41;
	[tilespmem:s31+$0xB0] =	vst v28;
	v51 =	vld.idx.msk [tilespmem:v62+s17+$0x0], $0xffff;
	v31 =	vbroadcast v48, $0x4  }
0x406: {  	s14 =	simm.s32 $0x17430;
	v28 =	vadd.s32 v17, v23;
	[tilespmem:s12+$0x128] =	vst v32;
	v40 =	vld [tilespmem:s8+$0xB0]  }
0x407: {  	v52 =	vadd.s32 $0x6, v24;
	v38 =	vld [tilespmem:s14+$0x0];
	(erf) = vrcp.f32 v31  }
0x408: {  	[tilespmem:v27+s28+$0x0] =	vst.idx.msk $0xffff, v26;
	v26 =	vadd.s32 $0x2, v30;
	v27 =	vmax.f32 v35, $1.000000000e+00  }
0x409: {  	v53 =	vadd.s32 v12, v21;
	v54 =	vadd.s32 $0x2, v41;
	v31 =	vpop (erf);
	v27 =	vbroadcast v27, $0x4  }
0x40a: {  	[tilespmem:v50+s28+$0x0] =	vst.idx.msk $0xffff, v49;
	v29 =	vld.idx.msk [tilespmem:v29+s16+$0x0], $0xffff;
	v43 =	vmul.f32 v31, v61;
	v31 =	vmul.f32 v31, v39;
	v56 =	vpop (erf)  }
0x40b: {  	v55 =	vld [tilespmem:s4+$0xFFFFFFE0];
	[tilespmem:v28+s28+$0x0] =	vst.idx.msk $0xffff, v51;
	v59 =	vmax.f32 v40, $1.000000000e+00;
	v58 =	vmul.f32 v56, v63;
	(erf) = vrcp.f32 v27  }
0x40c: {  	v60 =	vadd.s32 v7, v22;
	v57 =	vld.idx.msk [tilespmem:v52+s15+$0x0], $0xffff;
	v27 =	vmul.f32 $9.990000000e+02, v38;
	[tilespmem:s1+$0xFFFFFEF8] =	vst v31;
	v31 =	vbroadcast v59, $0x4  }
0x40d: {  	v28 =	vadd.s32 v18, v23;
	v25 =	vmul.f32 v56, v25;
	[tilespmem:s1+$0xFFFFFEE8] =	vst v43;
	v61 =	vld.idx.msk [tilespmem:v26+s17+$0x0], $0xffff  }
0x40e: {  	v62 =	vadd.s32 $0x7, v24;
	v63 =	vld [tilespmem:s5+$0x40];
	[tilespmem:s11+$0xFFFFFF60] =	vst v58;
	v27 =	vtrunc.f32 v27;
	(erf) = vrcp.f32 v31  }
0x40f: {  	v26 =	vld [tilespmem:s0+$0xFFFFFF50];
	v27 =	vcvt.f32.s32 v27;
	[tilespmem:v53+s28+$0x0] =	vst.idx.msk $0xffff, v29;
	v29 =	vadd.s32 $0x3, v30  }
0x410: {  	v48 =	vadd.s32 v13, v21;
	[tilespmem:s11+$0xFFFFFF70] =	vst v25;
	v32 =	vld.idx.msk [tilespmem:v54+s16+$0x0], $0xffff;
	v31 =	vpop (erf)  }
0x411: {  	v49 =	vadd.s32 $0x3, v41;
	v52 =	vld [tilespmem:s8+$0xA0];
	[tilespmem:v60+s28+$0x0] =	vst.idx.msk $0xffff, v57;
	vm0 =	vgt.s32 v27, $0x0;
	v36 =	vmul.f32 v31, v55  }
0x412: {  	v25 =	vld [tilespmem:s10+$0xFFFFFFB0];
	v37 =	vmul.f32 v31, v37;
	v27 =	vnsel vm0, $0x0, v27;
	[tilespmem:v28+s28+$0x0] =	vst.idx.msk $0xffff, v61  }
0x413: {  	v43 =	vld.idx.msk [tilespmem:v62+s15+$0x0], $0xffff;
	v54 =	vadd.s32 v19, v23;
	v50 =	vmin.u32 v27, $0x3E6;
	[tilespmem:s9+$0xFFFFFFD8] =	vst v36;
	v28 =	vadd.s32 v8, v22  }
0x414: {  	v27 =	vand.u32 $0x7FFFFFFE, v24;
	[tilespmem:s9+$0xFFFFFFE8] =	vst v37;
	v55 =	vmax.f32 v26, $1.000000000e+00;
	v31 =	vadd.s32 $0x1, v50;
	v29 =	vld.idx.msk [tilespmem:v29+s17+$0x0], $0xffff;
	v51 =	vpop (erf)  }
0x415: {  	v53 =	vadd.s32 $0x8, v27;
	v27 =	vld [tilespmem:s4+$0x10];
	v33 =	vbroadcast v55, $0x4;
	[tilespmem:v48+s28+$0x0] =	vst.idx.msk $0xffff, v32;
	v34 =	vmul.f32 v51, v63  }
0x416: {  	v30 =	vadd.s32 $0x4, v30;
	v32 =	vld.idx.msk [tilespmem:v49+s16+$0x0], $0xffff  }
0x417: {  	v57 =	vadd.s32 v14, v21;
	v35 =	vmul.f32 v51, v35;
	v58 =	vpop (erf);
	(erf) = vrcp.f32 v33;
	v33 =	vld [tilespmem:s0+$0xFFFFFF40];
	[tilespmem:s2+$0x50] =	vst v34  }
0x418: {  	v41 =	vadd.s32 $0x4, v41;
	v56 =	vld.idx.msk [tilespmem:v50+s18+$0x0], $0xffff;
	[tilespmem:v28+s28+$0x0] =	vst.idx.msk $0xffff, v43  }
0x419: {  	v37 =	vmul.f32 v58, v52;
	[tilespmem:s2+$0x60] =	vst v35;
	v59 =	vld.idx.msk [tilespmem:v31+s18+$0x0], $0xffff  }
0x41a: {  	v60 =	vadd.s32 v9, v22;
	v43 =	vld.idx.msk [tilespmem:v53+s15+$0x0], $0xffff;
	[tilespmem:v54+s28+$0x0] =	vst.idx.msk $0xffff, v29  }
0x41b: {  	v35 =	vadd.s32 $0x9, v24;
	v34 =	vadd.s32 v20, v23;
	v29 =	vmul.f32 v58, v40;
	v28 =	vld.idx.msk [tilespmem:v30+s17+$0x0], $0xffff;
	[tilespmem:s31+$0xC8] =	vst v37  }
0x41c: {  	v61 =	vmax.f32 v25, $1.000000000e+00;
	v30 =	vld [tilespmem:s5+$0x70];
	[tilespmem:v57+s28+$0x0] =	vst.idx.msk $0xffff, v32  }
0x41d: {  	s29 =	simm.s32 $0x40;
	s3 =	simm.s32 $0x30;
	s19 =	simm.s32 $0x90;
	v62 =	vbroadcast v61, $0x4;
	v63 =	vmax.f32 v27, $1.000000000e+00;
	[tilespmem:s31+$0xD8] =	vst v29;
	v24 =	vld.idx.msk [tilespmem:v41+s16+$0x0], $0xffff  }
0x41e: {  	s20 =	simm.s32 $0x13940;
	s21 =	simm.s32 $0xF500;
	s6 =	simm.s32 $0x50;
	v36 =	vadd.s32 v15, v21;
	v23 =	vbroadcast v63, $0x4;
	v29 =	vld [tilespmem:s8+$0xD0]  }
0x41f: {  	s26 =	simm.s32 $0x60;
	s13 =	simm.s32 $0x70;
	s12 =	simm.s32 $0x80;
	(erf) = vrcp.f32 v62;
	vm0 =	vgt.f32 v56, v38;
	vm1 =	vle.f32 v59, v38;
	[tilespmem:v60+s28+$0x0] =	vst.idx.msk $0xffff, v43  }
.LBB2_10:
0x420: {  	p0 =	sne.s32 s19, $0x1F0;
	(erf) = vrcp.f32 v23;
	v23 =	vsel vm0, $0xFFFFFFFF, v0;
	v32 =	vsel vm1, $0x1, v0;
	v35 =	vld.idx.msk [tilespmem:v35+s15+$0x0], $0xffff;
	[tilespmem:v34+s28+$0x0] =	vst.idx.msk $0xffff, v28  }
0x421: {  	s0 =	sadd.s32 $0x200, s0;
	v28 =	vpop (erf);
	v34 =	vmax.f32 v30, $1.000000000e+00;
	v23 =	vadd.s32 v23, v32;
	v32 =	vadd.s32 v10, v22  }
0x422: {  	v37 =	vld [tilespmem:s0+$0xFFFFFF10];
	v33 =	vmul.f32 v28, v33;
	v34 =	vbroadcast v34, $0x4;
	v23 =	vadd.s32 v31, v23  }
0x423: {  	s23 =	sadd.s32 $0x10, s23;
	v26 =	vmul.f32 v28, v26;
	v28 =	vld [tilespmem:s10+$0xFFFFFFA0];
	v31 =	vmax.f32 v29, $1.000000000e+00;
	v23 =	vmul.u32 $0xA, v23;
	[tilespmem:v36+s28+$0x0] =	vst.idx.msk $0xffff, v24  }
0x424: {  	[tilespmem:s1+$0xFFFFFF10] =	vst v33;
	(erf) = vrcp.f32 v34;
	v24 =	vbroadcast v31, $0x4;
	v31 =	vld [tilespmem:s23+$0x0]  }
0x425: {  	v33 =	vmov s3;
	s3 =	smov.u32 s29;
	s29 =	smov.u32 s6;
	s6 =	smov.u32 s26;
	[tilespmem:s1+$0xFFFFFF20] =	vst v26;
	v26 =	vld [tilespmem:s4+$0x0]  }
0x426: {  	s24 =	sadd.s32 $0x10, s24;
	s26 =	smov.u32 s13;
	s13 =	smov.u32 s12;
	v34 =	vld [tilespmem:s21+$0xFFFFFF70];
	(erf) = vrcp.f32 v24;
	v24 =	vmul.u32 $0x28, v33;
	[tilespmem:v32+s28+$0x0] =	vst.idx.msk $0xffff, v35  }
0x427: {  	s12 =	smov.u32 s19;
	v32 =	vmax.f32 v37, $1.000000000e+00;
	v33 =	vld [tilespmem:s24+$0x0]  }
0x428: {  	v32 =	vbroadcast v32, $0x4;
	v35 =	vpop (erf);
	v36 =	vld [tilespmem:s5+$0x60];
	v24 =	vbroadcast v24, $0x0  }
0x429: {  	v28 =	vmul.f32 v35, v28;
	v38 =	vpop (erf);
	v39 =	vld.idx.msk [tilespmem:v23+s15+$0x0], $0xffff;
	v40 =	vmul.f32 $9.990000000e+02, v31  }
0x42a: {  	v25 =	vmul.f32 v35, v25;
	v42 =	vmul.f32 v38, v26;
	v35 =	vadd.s32 v1, v24  }
0x42b: {  	v27 =	vmul.f32 v38, v27;
	v38 =	vor.u32 $0x1, v23;
	[tilespmem:s11+$0xFFFFFF88] =	vst v28;
	v28 =	vld [tilespmem:s8+$0xC0];
	v40 =	vtrunc.f32 v40  }
0x42c: {  	v41 =	vmax.f32 v34, $1.000000000e+00;
	[tilespmem:s11+$0xFFFFFF98] =	vst v25;
	v25 =	vmul.f32 $9.990000000e+02, v33;
	v40 =	vcvt.f32.s32 v40  }
0x42d: {  	(erf) = vrcp.f32 v32;
	v32 =	vbroadcast v41, $0x4;
	[tilespmem:s9+$0x0] =	vst v42;
	v26 =	vpop (erf);
	v41 =	vadd.s32 v2, v24  }
0x42e: {  	v42 =	vld [tilespmem:s0+$0xFFFFFF00];
	[tilespmem:s9+$0x10] =	vst v27;
	v27 =	vmul.f32 v26, v36;
	v25 =	vtrunc.f32 v25;
	vm0 =	vgt.s32 v40, $0x0  }
0x42f: {  	v26 =	vmul.f32 v26, v30;
	v36 =	vld [tilespmem:s21+$0xFFFFFF60];
	v30 =	vpop (erf);
	[tilespmem:v35+s28+$0x0] =	vst.idx.msk $0xffff, v39;
	v25 =	vcvt.f32.s32 v25;
	v35 =	vnsel vm0, $0x0, v40  }
0x430: {  	(erf) = vrcp.f32 v32;
	[tilespmem:s2+$0x78] =	vst v27;
	v27 =	vmul.f32 v30, v28;
	v28 =	vld.idx.msk [tilespmem:v38+s15+$0x0], $0xffff;
	v32 =	vmin.u32 v35, $0x3E6  }
0x431: {  	v35 =	vld [tilespmem:s10+$0xFFFFFFD0];
	[tilespmem:s2+$0x88] =	vst v26;
	v26 =	vmul.f32 v30, v29;
	vm0 =	vgt.s32 v25, $0x0;
	v29 =	vadd.s32 $0x1, v32  }
0x432: {  	v30 =	vld [tilespmem:s4+$0x30];
	[tilespmem:s31+$0xF0] =	vst v27;
	v27 =	vadd.s32 $0x2, v23;
	v38 =	vnsel vm0, $0x0, v25  }
0x433: {  	v25 =	vld [tilespmem:s5+$0x90];
	[tilespmem:s31+$0x100] =	vst v26;
	v26 =	vmin.u32 v38, $0x3E6  }
0x434: {  	v38 =	vld [tilespmem:s8+$0xF0];
	v39 =	vadd.s32 $0x1, v26  }
0x435: {  	v32 =	vld.idx.msk [tilespmem:v32+s18+$0x0], $0xffff  }
0x436: {  	v40 =	vpop (erf);
	v43 =	vmax.f32 v35, $1.000000000e+00;
	[tilespmem:v41+s28+$0x0] =	vst.idx.msk $0xffff, v28;
	v28 =	vld.idx.msk [tilespmem:v29+s18+$0x0], $0xffff  }
0x437: {  	v44 =	vadd.s32 v4, v24;
	v41 =	vbroadcast v43, $0x4;
	v27 =	vld.idx.msk [tilespmem:v27+s15+$0x0], $0xffff;
	v43 =	vadd.s32 v3, v24  }
0x438: {  	v42 =	vmul.f32 v40, v42;
	v37 =	vmul.f32 v40, v37;
	v40 =	vmax.f32 v30, $1.000000000e+00;
	v26 =	vld.idx.msk [tilespmem:v26+s18+$0x0], $0xffff  }
0x439: {  	s1 =	sadd.s32 $0x280, s1;
	v40 =	vbroadcast v40, $0x4;
	v45 =	vpop (erf);
	(erf) = vrcp.f32 v41;
	v41 =	vadd.s32 $0x3, v23;
	v46 =	vld.idx.msk [tilespmem:v39+s18+$0x0], $0xffff  }
0x43a: {  	[tilespmem:s1+$0xFFFFFEC0] =	vst v42;
	v36 =	vmul.f32 v45, v36;
	v34 =	vmul.f32 v45, v34;
	v42 =	vmax.f32 v25, $1.000000000e+00  }
0x43b: {  	[tilespmem:s1+$0xFFFFFED0] =	vst v37;
	(erf) = vrcp.f32 v40;
	v37 =	vbroadcast v42, $0x4;
	v40 =	vmax.f32 v38, $1.000000000e+00  }
0x43c: {  	vm0 =	vgt.f32 v32, v31;
	vm1 =	vle.f32 v28, v31;
	v42 =	vld [tilespmem:s0+$0xFFFFFF30];
	v40 =	vbroadcast v40, $0x4  }
0x43d: {  	v31 =	vsel vm1, $0x1, v0;
	v28 =	vld [tilespmem:s10+$0xFFFFFFC0];
	(erf) = vrcp.f32 v37;
	[tilespmem:v43+s28+$0x0] =	vst.idx.msk $0xffff, v27;
	v27 =	vsel vm0, $0xFFFFFFFF, v0  }
0x43e: {  	v37 =	vadd.s32 $0x4, v23;
	(erf) = vrcp.f32 v40;
	v32 =	vld.idx.msk [tilespmem:v41+s15+$0x0], $0xffff;
	v27 =	vadd.s32 v27, v31  }
0x43f: {  	vm0 =	vgt.f32 v26, v33;
	vm1 =	vle.f32 v46, v33;
	[tilespmem:s20+$0xFFFFFF38] =	vst v36;
	v26 =	vadd.s32 v29, v27  }
0x440: {  	v36 =	vsel vm0, $0xFFFFFFFF, v0;
	v33 =	vsel vm1, $0x1, v0;
	[tilespmem:s20+$0xFFFFFF48] =	vst v34;
	v27 =	vld [tilespmem:s4+$0x20];
	v29 =	vmul.u32 $0x5, v26  }
0x441: {  	v26 =	vadd.s32 v36, v33;
	v34 =	vld [tilespmem:s21+$0xFFFFFF90]  }
0x442: {  	v26 =	vadd.s32 v39, v26;
	v31 =	vpop (erf);
	v33 =	vld [tilespmem:s5+$0x80]  }
0x443: {  	v36 =	vmax.f32 v42, $1.000000000e+00;
	v39 =	vmul.f32 v31, v28;
	v40 =	vld [tilespmem:s8+$0xE0];
	v28 =	vmul.u32 $0x5, v26;
	s8 =	smov.u32 s5;
	s5 =	smov.u32 s4;
	s4 =	smov.u32 s10  }
0x444: {  	v26 =	vbroadcast v36, $0x4;
	v31 =	vmul.f32 v31, v35;
	s10 =	smov.u32 s21;
	s21 =	smov.u32 s0;
	v35 =	vpop (erf);
	[tilespmem:v44+s28+$0x0] =	vst.idx.msk $0xffff, v32  }
0x445: {  	v36 =	vadd.s32 v16, v21;
	[tilespmem:s11+$0xFFFFFFB0] =	vst v39;
	v27 =	vmul.f32 v35, v27;
	v32 =	vld.idx.msk [tilespmem:v37+s15+$0x0], $0xffff  }
0x446: {  	(erf) = vrcp.f32 v26;
	[tilespmem:s11+$0xFFFFFFC0] =	vst v31;
	v26 =	vmul.f32 v35, v30;
	v30 =	vpop (erf);
	v31 =	vadd.s32 v5, v24;
	v35 =	vld.idx.msk [tilespmem:v29+s17+$0x0], $0xffff  }
0x447: {  	v41 =	vadd.s32 $0x5, v23;
	v37 =	vmax.f32 v34, $1.000000000e+00;
	v39 =	vld [tilespmem:s4+$0xFFFFFFF0];
	[tilespmem:s9+$0x28] =	vst v27;
	v27 =	vmul.f32 v30, v33;
	v33 =	vpop (erf)  }
0x448: {  	v37 =	vbroadcast v37, $0x4;
	v43 =	vld [tilespmem:s0+$0xFFFFFF20];
	[tilespmem:s9+$0x38] =	vst v26;
	v26 =	vmul.f32 v33, v40;
	v40 =	vadd.s32 $0x1, v29  }
0x449: {  	[tilespmem:s2+$0xA0] =	vst v27;
	v27 =	vld.idx.msk [tilespmem:v28+s16+$0x0], $0xffff  }
0x44a: {  	v44 =	vld [tilespmem:s10+$0xFFFFFF80];
	(erf) = vrcp.f32 v37;
	[tilespmem:s31+$0x118] =	vst v26;
	v26 =	vadd.s32 v11, v22  }
0x44b: {  	v33 =	vmul.f32 v33, v38;
	v37 =	vld [tilespmem:s5+$0x50];
	[tilespmem:v31+s28+$0x0] =	vst.idx.msk $0xffff, v32;
	v31 =	vadd.s32 $0x1, v28  }
0x44c: {  	v25 =	vmul.f32 v30, v25;
	v32 =	vmax.f32 v39, $1.000000000e+00;
	v30 =	vld.idx.msk [tilespmem:v41+s15+$0x0], $0xffff;
	[tilespmem:v36+s28+$0x0] =	vst.idx.msk $0xffff, v35  }
0x44d: {  	s14 =	sadd.s32 $0x10, s14;
	v35 =	vbroadcast v32, $0x4;
	[tilespmem:s31+$0x128] =	vst v33;
	v33 =	vadd.s32 v6, v24;
	v36 =	vld.idx.msk [tilespmem:v40+s17+$0x0], $0xffff;
	s31 =	smov.u32 s2;
	s2 =	smov.u32 s9  }
0x44e: {  	v38 =	vadd.s32 v17, v21;
	s9 =	smov.u32 s11;
	s11 =	smov.u32 s20;
	s20 =	smov.u32 s1;
	[tilespmem:s31+$0xB0] =	vst v25;
	v32 =	vld [tilespmem:s14+$0x0];
	v25 =	vadd.s32 $0x6, v23  }
0x44f: {  	v40 =	vpop (erf);
	(erf) = vrcp.f32 v35;
	v35 =	vld [tilespmem:s8+$0xB0];
	[tilespmem:v26+s28+$0x0] =	vst.idx.msk $0xffff, v27;
	v26 =	vadd.s32 $0x2, v29  }
0x450: {  	v27 =	vmax.f32 v37, $1.000000000e+00;
	v31 =	vld.idx.msk [tilespmem:v31+s16+$0x0], $0xffff  }
0x451: {  	v41 =	vadd.s32 v12, v22;
	v27 =	vbroadcast v27, $0x4  }
0x452: {  	v43 =	vmul.f32 v40, v43;
	v40 =	vmul.f32 v40, v42;
	v42 =	vld [tilespmem:s4+$0xFFFFFFE0];
	[tilespmem:v33+s28+$0x0] =	vst.idx.msk $0xffff, v30;
	v30 =	vadd.s32 $0x2, v28  }
0x453: {  	v33 =	vpop (erf);
	(erf) = vrcp.f32 v27;
	v27 =	vmul.f32 $9.990000000e+02, v32;
	v45 =	vld.idx.msk [tilespmem:v25+s15+$0x0], $0xffff;
	[tilespmem:v38+s28+$0x0] =	vst.idx.msk $0xffff, v36;
	v36 =	vadd.s32 v18, v21  }
0x454: {  	[tilespmem:s1+$0xFFFFFEE8] =	vst v43;
	v25 =	vmul.f32 v33, v44;
	v38 =	vmax.f32 v35, $1.000000000e+00;
	v43 =	vadd.s32 v7, v24;
	v44 =	vld.idx.msk [tilespmem:v26+s17+$0x0], $0xffff  }
0x455: {  	[tilespmem:s1+$0xFFFFFEF8] =	vst v40;
	v38 =	vbroadcast v38, $0x4;
	v27 =	vtrunc.f32 v27;
	v40 =	vadd.s32 $0x7, v23  }
0x456: {  	v33 =	vmul.f32 v33, v34;
	v34 =	vadd.s32 $0x3, v29;
	v26 =	vld [tilespmem:s0+$0xFFFFFF50];
	v27 =	vcvt.f32.s32 v27;
	[tilespmem:v41+s28+$0x0] =	vst.idx.msk $0xffff, v31  }
0x457: {  	[tilespmem:s11+$0xFFFFFF60] =	vst v25;
	(erf) = vrcp.f32 v38;
	v30 =	vld.idx.msk [tilespmem:v30+s16+$0x0], $0xffff  }
0x458: {  	v38 =	vadd.s32 v13, v22;
	[tilespmem:s11+$0xFFFFFF70] =	vst v33;
	v31 =	vpop (erf);
	v33 =	vld [tilespmem:s5+$0x40];
	vm0 =	vgt.s32 v27, $0x0  }
0x459: {  	v25 =	vld [tilespmem:s10+$0xFFFFFFB0];
	v41 =	vmul.f32 v31, v42;
	v27 =	vnsel vm0, $0x0, v27;
	[tilespmem:v43+s28+$0x0] =	vst.idx.msk $0xffff, v45;
	v42 =	vadd.s32 $0x3, v28  }
0x45a: {  	v45 =	vmul.f32 v31, v39;
	v43 =	vmin.u32 v27, $0x3E6;
	v40 =	vld.idx.msk [tilespmem:v40+s15+$0x0], $0xffff;
	[tilespmem:v36+s28+$0x0] =	vst.idx.msk $0xffff, v44  }
0x45b: {  	v36 =	vadd.s32 v8, v24;
	v27 =	vand.u32 $0x7FFFFFFE, v23;
	[tilespmem:s9+$0xFFFFFFD8] =	vst v41;
	v31 =	vadd.s32 $0x1, v43;
	v34 =	vld.idx.msk [tilespmem:v34+s17+$0x0], $0xffff  }
0x45c: {  	v44 =	vadd.s32 $0x8, v27;
	[tilespmem:s9+$0xFFFFFFE8] =	vst v45;
	v39 =	vpop (erf);
	v41 =	vld [tilespmem:s8+$0xA0];
	v45 =	vadd.s32 v19, v21  }
0x45d: {  	v29 =	vadd.s32 $0x4, v29;
	v46 =	vmax.f32 v26, $1.000000000e+00;
	v27 =	vld [tilespmem:s4+$0x10];
	v33 =	vmul.f32 v39, v33;
	[tilespmem:v38+s28+$0x0] =	vst.idx.msk $0xffff, v30  }
0x45e: {  	v30 =	vbroadcast v46, $0x4;
	v38 =	vld.idx.msk [tilespmem:v42+s16+$0x0], $0xffff  }
0x45f: {  	[tilespmem:s2+$0x50] =	vst v33;
	v42 =	vld.idx.msk [tilespmem:v43+s18+$0x0], $0xffff;
	v43 =	vadd.s32 v14, v22  }
0x460: {  	(erf) = vrcp.f32 v30;
	v30 =	vmul.f32 v39, v37;
	v37 =	vpop (erf);
	v39 =	vld.idx.msk [tilespmem:v31+s18+$0x0], $0xffff;
	[tilespmem:v36+s28+$0x0] =	vst.idx.msk $0xffff, v40;
	v36 =	vadd.s32 $0x4, v28  }
0x461: {  	v40 =	vmul.f32 v37, v41;
	v41 =	vld.idx.msk [tilespmem:v44+s15+$0x0], $0xffff;
	[tilespmem:v45+s28+$0x0] =	vst.idx.msk $0xffff, v34  }
0x462: {  	v44 =	vadd.s32 v9, v24;
	[tilespmem:s2+$0x60] =	vst v30;
	v28 =	vld.idx.msk [tilespmem:v29+s17+$0x0], $0xffff  }
.Ltmp4:
0x463: {  	v34 =	vadd.s32 v20, v21;
	v21 =	vmovc v22;
	v29 =	vmul.f32 v37, v35;
	v35 =	vadd.s32 $0x9, v23;
	v33 =	vld [tilespmem:s0+$0xFFFFFF40];
	[tilespmem:s31+$0xC8] =	vst v40;
	(pc) =	sbr.rel @p0 .LBB2_10-.Ltmp4, $4  }
0x464: {  	v22 =	vmov v24;
	v23 =	vmax.f32 v25, $1.000000000e+00;
	v30 =	vld [tilespmem:s5+$0x70];
	[tilespmem:v43+s28+$0x0] =	vst.idx.msk $0xffff, v38  }
0x465: {  	v37 =	vbroadcast v23, $0x4;
	v23 =	vmax.f32 v27, $1.000000000e+00;
	[tilespmem:s31+$0xD8] =	vst v29;
	v24 =	vld.idx.msk [tilespmem:v36+s16+$0x0], $0xffff  }
0x466: {  	v23 =	vbroadcast v23, $0x4;
	v36 =	vadd.s32 v15, v21;
	v29 =	vld [tilespmem:s8+$0xD0]  }
0x467: {  	s19 =	sadd.s32 $0x10, s19;
	vm0 =	vgt.f32 v42, v32;
	vm1 =	vle.f32 v39, v32;
	(erf) = vrcp.f32 v37;
	[tilespmem:v44+s28+$0x0] =	vst.idx.msk $0xffff, v41  }
0x468: {  	_ = 	snop  }
0x469: {  	(erf) = vrcp.f32 v23  }
0x46a: {  	v23 =	vsel vm0, $0xFFFFFFFF, v0;
	v32 =	vsel vm1, $0x1, v0;
	v37 =	vpop (erf);
	v38 =	vmax.f32 v30, $1.000000000e+00  }
0x46b: {  	v23 =	vadd.s32 v23, v32;
	v33 =	vmul.f32 v37, v33;
	v38 =	vbroadcast v38, $0x4  }
0x46c: {  	v44 =	vld.idx.msk [tilespmem:v35+s15+$0x0], $0xffff;
	v23 =	vadd.s32 v31, v23;
	v26 =	vmul.f32 v37, v26;
	v39 =	vmax.f32 v29, $1.000000000e+00  }
0x46d: {  	v46 =	vld [tilespmem:s10+$0xFFFFFFA0];
	v31 =	vmul.u32 $0xA, v23;
	(erf) = vrcp.f32 v38;
	v23 =	vbroadcast v39, $0x4;
	[tilespmem:s1+$0xFFFFFF10] =	vst v33  }
0x46e: {  	v45 =	vadd.s32 v10, v22;
	v47 =	vmov s3;
	v48 =	vld [tilespmem:s4+$0x0];
	[tilespmem:s1+$0xFFFFFF20] =	vst v26  }
0x46f: {  	[tilespmem:v36+s28+$0x0] =	vst.idx.msk $0xffff, v24;
	v36 =	vld [tilespmem:s21+$0xFFFFFF70];
	(erf) = vrcp.f32 v23;
	v23 =	vmul.u32 $0x28, v47;
	_ =	sdelay $0x1  }
0x470: {  	s19 =	sadd.s32 $0x10, s23;
	v50 =	vld [tilespmem:s5+$0x60];
	v49 =	vpop (erf);
	v23 =	vbroadcast v23, $0x0  }
0x471: {  	v24 =	vld [tilespmem:s19+$0x0];
	v37 =	vmul.f32 v49, v46  }
0x472: {  	[tilespmem:v45+s28+$0x0] =	vst.idx.msk $0xffff, v44;
	v51 =	vpop (erf);
	v40 =	vld.idx.msk [tilespmem:v31+s15+$0x0], $0xffff;
	v25 =	vmul.f32 v49, v25;
	v54 =	vadd.s32 v1, v23  }
0x473: {  	v55 =	vld [tilespmem:s8+$0xC0];
	v53 =	vmul.f32 v51, v48;
	v41 =	vmax.f32 v36, $1.000000000e+00;
	[tilespmem:s11+$0xFFFFFF88] =	vst v37  }
0x474: {  	s3 =	sadd.s32 $0x10, s24;
	v27 =	vmul.f32 v51, v27;
	[tilespmem:s11+$0xFFFFFF98] =	vst v25;
	v59 =	vbroadcast v41, $0x4  }
0x475: {  	v57 =	vor.u32 $0x1, v31;
	v26 =	vld [tilespmem:s3+$0x0];
	[tilespmem:s9+$0x0] =	vst v53;
	v60 =	vpop (erf)  }
0x476: {  	[tilespmem:s9+$0x10] =	vst v27;
	(erf) = vrcp.f32 v59;
	v62 =	vmul.f32 v60, v50  }
0x477: {  	v63 =	vld [tilespmem:s21+$0xFFFFFF60];
	v52 =	vmul.f32 $9.990000000e+02, v24;
	v48 =	vmul.f32 v60, v30;
	v49 =	vpop (erf);
	[tilespmem:v54+s28+$0x0] =	vst.idx.msk $0xffff, v40  }
0x478: {  	v37 =	vld [tilespmem:s10+$0xFFFFFFD0];
	[tilespmem:s2+$0x78] =	vst v62;
	v50 =	vmul.f32 v49, v55  }
0x479: {  	v56 =	vtrunc.f32 v52;
	v40 =	vld [tilespmem:s4+$0x30];
	[tilespmem:s2+$0x88] =	vst v48;
	v53 =	vmul.f32 v49, v29  }
0x47a: {  	v58 =	vcvt.f32.s32 v56;
	v61 =	vmul.f32 $9.990000000e+02, v26;
	v54 =	vadd.s32 v2, v23;
	v52 =	vld.idx.msk [tilespmem:v57+s15+$0x0], $0xffff;
	[tilespmem:s31+$0xF0] =	vst v50  }
0x47b: {  	v55 =	vadd.s32 $0x2, v31;
	v42 =	vld [tilespmem:s5+$0x90];
	[tilespmem:s31+$0x100] =	vst v53  }
0x47c: {  	vm4 =	vgt.s32 v58, $0x0;
	v51 =	vtrunc.f32 v61;
	v32 =	vld [tilespmem:s8+$0xF0]  }
0x47d: {  	v25 =	vnsel vm4, $0x0, v58;
	v33 =	vcvt.f32.s32 v51;
	v57 =	vmax.f32 v37, $1.000000000e+00  }
0x47e: {  	v60 =	vadd.s32 v3, v23;
	v29 =	vbroadcast v57, $0x4;
	v59 =	vmax.f32 v40, $1.000000000e+00  }
0x47f: {  	v25 =	vmin.u32 v25, $0x3E6;
	v62 =	vadd.s32 $0x3, v31;
	[tilespmem:v54+s28+$0x0] =	vst.idx.msk $0xffff, v52;
	v61 =	vbroadcast v59, $0x4;
	v44 =	vpop (erf)  }
0x480: {  	(erf) = vrcp.f32 v29;
	v39 =	vld.idx.msk [tilespmem:v55+s15+$0x0], $0xffff;
	v45 =	vmax.f32 v42, $1.000000000e+00;
	v35 =	vmul.f32 v44, v63  }
0x481: {  	(erf) = vrcp.f32 v61;
	v63 =	vbroadcast v45, $0x4;
	v48 =	vmax.f32 v32, $1.000000000e+00  }
0x482: {  	v30 =	vadd.s32 $0x1, v25;
	v51 =	vmul.f32 v44, v36;
	v45 =	vbroadcast v48, $0x4  }
0x483: {  	vm5 =	vgt.s32 v33, $0x0;
	(erf) = vrcp.f32 v63;
	[tilespmem:s20+$0xFFFFFF38] =	vst v35  }
0x484: {  	v56 =	vnsel vm5, $0x0, v33;
	v25 =	vld.idx.msk [tilespmem:v25+s18+$0x0], $0xffff;
	[tilespmem:s20+$0xFFFFFF48] =	vst v51;
	(erf) = vrcp.f32 v45  }
0x485: {  	v43 =	vmin.u32 v56, $0x3E6;
	v56 =	vld [tilespmem:s21+$0xFFFFFF90];
	[tilespmem:v60+s28+$0x0] =	vst.idx.msk $0xffff, v39  }
0x486: {  	v53 =	vadd.s32 v4, v23;
	v38 =	vld.idx.msk [tilespmem:v62+s15+$0x0], $0xffff  }
0x487: {  	v58 =	vld.idx.msk [tilespmem:v30+s18+$0x0], $0xffff;
	_ =	sdelay $0x2  }
0x488: {  	v57 =	vpop (erf);
	v44 =	vmax.f32 v56, $1.000000000e+00  }
0x489: {  	v52 =	vld [tilespmem:s10+$0xFFFFFFC0];
	v60 =	vpop (erf);
	[tilespmem:v53+s28+$0x0] =	vst.idx.msk $0xffff, v38;
	v38 =	vbroadcast v44, $0x4  }
0x48a: {  	v27 =	vadd.s32 $0x1, v43;
	vm6 =	vgt.f32 v25, v24;
	vm7 =	vle.f32 v58, v24;
	v63 =	vpop (erf)  }
0x48b: {  	[tilespmem:v34+s28+$0x0] =	vst.idx.msk $0xffff, v28;
	v55 =	vld [tilespmem:s4+$0x20];
	v49 =	vsel vm6, $0xFFFFFFFF, v0;
	v50 =	vsel vm7, $0x1, v0;
	v34 =	vpop (erf);
	(erf) = vrcp.f32 v38  }
0x48c: {  	v24 =	vadd.s32 v49, v50  }
0x48d: {  	v33 =	vld [tilespmem:s8+$0xE0];
	v24 =	vadd.s32 v30, v24  }
0x48e: {  	v54 =	vadd.s32 $0x4, v31;
	v59 =	vld [tilespmem:s5+$0x80];
	v24 =	vmul.u32 $0x5, v24;
	v58 =	vmul.f32 v57, v52  }
0x48f: {  	v28 =	vld.idx.msk [tilespmem:v27+s18+$0x0], $0xffff;
	v37 =	vmul.f32 v57, v37  }
0x490: {  	v46 =	vld [tilespmem:s21+$0xFFFFFF80];
	[tilespmem:s11+$0xFFFFFFB0] =	vst v58;
	v61 =	vmul.f32 v60, v55  }
0x491: {  	v30 =	vld.idx.msk [tilespmem:v43+s18+$0x0], $0xffff;
	[tilespmem:s11+$0xFFFFFFC0] =	vst v37;
	v62 =	vmul.f32 v60, v40  }
0x492: {  	v45 =	vld [tilespmem:s10+$0xFFFFFFF0];
	[tilespmem:s9+$0x28] =	vst v61  }
0x493: {  	v29 =	vld.idx.msk [tilespmem:v54+s15+$0x0], $0xffff;
	[tilespmem:s9+$0x38] =	vst v62;
	v36 =	vmul.f32 v63, v59  }
0x494: {  	v37 =	vmul.f32 v63, v42;
	v25 =	vld.idx.msk [tilespmem:v24+s17+$0x0], $0xffff;
	v38 =	vpop (erf)  }
0x495: {  	[tilespmem:s2+$0xA0] =	vst v36;
	v47 =	vld [tilespmem:s4+$0x50];
	v35 =	vmul.f32 v38, v46  }
0x496: {  	[tilespmem:s2+$0xB0] =	vst v37;
	v48 =	vmul.f32 v38, v56  }
0x497: {  	v49 =	vld [tilespmem:s5+$0xB0];
	[tilespmem:s20+$0xFFFFFF60] =	vst v35  }
0x498: {  	v50 =	vmax.f32 v45, $1.000000000e+00;
	[tilespmem:s20+$0xFFFFFF70] =	vst v48  }
0x499: {  	v35 =	vbroadcast v50, $0x4;
	v37 =	vld [tilespmem:s21+$0xFFFFFFB0]  }
0x49a: {  	v51 =	vmax.f32 v47, $1.000000000e+00  }
0x49b: {  	(erf) = vrcp.f32 v35;
	v52 =	vbroadcast v51, $0x4  }
0x49c: {  	v53 =	vmax.f32 v49, $1.000000000e+00  }
0x49d: {  	v54 =	vbroadcast v53, $0x4;
	(erf) = vrcp.f32 v52  }
0x49e: {  	v55 =	vmax.f32 v37, $1.000000000e+00  }
0x49f: {  	(erf) = vrcp.f32 v54;
	v56 =	vbroadcast v55, $0x4  }
0x4a0: {  	v57 =	vld [tilespmem:s10+$0xFFFFFFE0]  }
0x4a1: {  	(erf) = vrcp.f32 v56  }
0x4a2: {  	v58 =	vld [tilespmem:s4+$0x40];
	_ =	sdelay $0x1  }
0x4a3: {  	v60 =	vld [tilespmem:s5+$0xA0];
	v59 =	vpop (erf)  }
0x4a4: {  	v39 =	vmul.f32 v59, v57  }
0x4a5: {  	v62 =	vld [tilespmem:s21+$0xFFFFFFA0];
	v40 =	vmul.f32 v59, v45;
	v61 =	vpop (erf)  }
0x4a6: {  	[tilespmem:s11+$0xFFFFFFD8] =	vst v39;
	v35 =	vmul.f32 v61, v58  }
0x4a7: {  	[tilespmem:s11+$0xFFFFFFE8] =	vst v40;
	v36 =	vmul.f32 v61, v47;
	v63 =	vpop (erf)  }
0x4a8: {  	v40 =	vld [tilespmem:s10+$0x10];
	v44 =	vmul.f32 v63, v60;
	[tilespmem:s9+$0x50] =	vst v35  }
0x4a9: {  	v45 =	vmul.f32 v63, v49;
	[tilespmem:s9+$0x60] =	vst v36;
	v46 =	vpop (erf)  }
0x4aa: {  	[tilespmem:s2+$0xC8] =	vst v44;
	v47 =	vld [tilespmem:s4+$0x70];
	v48 =	vmul.f32 v46, v62  }
0x4ab: {  	[tilespmem:s2+$0xD8] =	vst v45;
	v49 =	vmul.f32 v46, v37  }
0x4ac: {  	v50 =	vld [tilespmem:s5+$0xD0];
	[tilespmem:s20+$0xFFFFFF88] =	vst v48  }
0x4ad: {  	v51 =	vmax.f32 v40, $1.000000000e+00;
	[tilespmem:s20+$0xFFFFFF98] =	vst v49  }
0x4ae: {  	v52 =	vbroadcast v51, $0x4;
	v53 =	vld [tilespmem:s21+$0xFFFFFFD0]  }
0x4af: {  	v54 =	vmax.f32 v47, $1.000000000e+00  }
0x4b0: {  	(erf) = vrcp.f32 v52;
	v55 =	vbroadcast v54, $0x4  }
0x4b1: {  	v56 =	vmax.f32 v50, $1.000000000e+00  }
0x4b2: {  	v57 =	vbroadcast v56, $0x4;
	(erf) = vrcp.f32 v55  }
0x4b3: {  	v58 =	vmax.f32 v53, $1.000000000e+00  }
0x4b4: {  	(erf) = vrcp.f32 v57;
	v59 =	vbroadcast v58, $0x4  }
0x4b5: {  	v60 =	vld [tilespmem:s10+$0x0]  }
0x4b6: {  	(erf) = vrcp.f32 v59  }
0x4b7: {  	v61 =	vld [tilespmem:s4+$0x60];
	_ =	sdelay $0x1  }
0x4b8: {  	v63 =	vld [tilespmem:s5+$0xC0];
	v62 =	vpop (erf)  }
0x4b9: {  	v39 =	vmul.f32 v62, v60  }
0x4ba: {  	v46 =	vld [tilespmem:s21+$0xFFFFFFC0];
	v40 =	vmul.f32 v62, v40;
	v45 =	vpop (erf)  }
0x4bb: {  	[tilespmem:s11+$0x0] =	vst v39;
	v36 =	vmul.f32 v45, v61  }
0x4bc: {  	[tilespmem:s11+$0x10] =	vst v40;
	v35 =	vmul.f32 v45, v47;
	v47 =	vpop (erf)  }
0x4bd: {  	v51 =	vld [tilespmem:s10+$0x30];
	v48 =	vmul.f32 v47, v63;
	[tilespmem:s9+$0x78] =	vst v36  }
0x4be: {  	v49 =	vmul.f32 v47, v50;
	[tilespmem:s9+$0x88] =	vst v35;
	v50 =	vpop (erf)  }
0x4bf: {  	[tilespmem:s2+$0xF0] =	vst v48;
	v52 =	vmul.f32 v50, v46  }
0x4c0: {  	[tilespmem:s2+$0x100] =	vst v49;
	v37 =	vmul.f32 v50, v53  }
0x4c1: {  	v53 =	vld [tilespmem:s4+$0x90];
	[tilespmem:s20+$0xFFFFFFB0] =	vst v52  }
0x4c2: {  	v35 =	vld [tilespmem:s5+$0xF0];
	v54 =	vmax.f32 v51, $1.000000000e+00;
	[tilespmem:s20+$0xFFFFFFC0] =	vst v37  }
0x4c3: {  	v36 =	vbroadcast v54, $0x4;
	v37 =	vld [tilespmem:s21+$0xFFFFFFF0];
	_ =	sdelay $0x1  }
0x4c4: {  	(erf) = vrcp.f32 v36  }
0x4c5: {  	v55 =	vmax.f32 v53, $1.000000000e+00  }
0x4c6: {  	v56 =	vbroadcast v55, $0x4;
	v57 =	vmax.f32 v35, $1.000000000e+00  }
0x4c7: {  	v40 =	vbroadcast v57, $0x4;
	v58 =	vmax.f32 v37, $1.000000000e+00  }
0x4c8: {  	(erf) = vrcp.f32 v56;
	v59 =	vbroadcast v58, $0x4  }
0x4c9: {  	v60 =	vld [tilespmem:s10+$0x20];
	(erf) = vrcp.f32 v40  }
0x4ca: {  	(erf) = vrcp.f32 v59;
	_ =	sdelay $0x2  }
0x4cb: {  	v61 =	vld [tilespmem:s4+$0x80];
	v62 =	vpop (erf)  }
0x4cc: {  	v36 =	vmul.f32 v62, v60  }
0x4cd: {  	v63 =	vld [tilespmem:s21+$0xFFFFFFE0];
	_ =	sdelay $0x1  }
0x4ce: {  	v39 =	vmul.f32 v62, v51;
	v45 =	vpop (erf)  }
0x4cf: {  	[tilespmem:s11+$0x28] =	vst v36;
	v40 =	vmul.f32 v45, v61;
	v36 =	vpop (erf)  }
0x4d0: {  	[tilespmem:s11+$0x38] =	vst v39;
	v38 =	vmul.f32 v45, v53;
	v46 =	vpop (erf)  }
0x4d1: {  	v47 =	vld [tilespmem:s10+$0x50];
	[tilespmem:s9+$0xA0] =	vst v40;
	v48 =	vmul.f32 v46, v63  }
0x4d2: {  	[tilespmem:s9+$0xB0] =	vst v38;
	v37 =	vmul.f32 v46, v37  }
0x4d3: {  	v38 =	vld [tilespmem:s4+$0xB0];
	[tilespmem:s20+$0xFFFFFFD8] =	vst v48  }
0x4d4: {  	[tilespmem:s20+$0xFFFFFFE8] =	vst v37  }
0x4d5: {  	v37 =	vld [tilespmem:s21+$0x10]  }
0x4d6: {  	v49 =	vmax.f32 v47, $1.000000000e+00  }
0x4d7: {  	v39 =	vbroadcast v49, $0x4  }
0x4d8: {  	v50 =	vmax.f32 v38, $1.000000000e+00  }
0x4d9: {  	(erf) = vrcp.f32 v39;
	v51 =	vbroadcast v50, $0x4  }
0x4da: {  	v52 =	vmax.f32 v37, $1.000000000e+00  }
0x4db: {  	(erf) = vrcp.f32 v51;
	v53 =	vbroadcast v52, $0x4;
	_ =	sdelay $0x1  }
0x4dc: {  	(erf) = vrcp.f32 v53  }
0x4dd: {  	v54 =	vld [tilespmem:s10+$0x40];
	_ =	sdelay $0x1  }
0x4de: {  	v55 =	vld [tilespmem:s4+$0xA0];
	_ =	sdelay $0x1  }
0x4df: {  	v57 =	vld [tilespmem:s21+$0x0];
	v56 =	vpop (erf)  }
0x4e0: {  	v39 =	vmul.f32 v56, v54  }
0x4e1: {  	v40 =	vmul.f32 v56, v47;
	v58 =	vpop (erf)  }
0x4e2: {  	[tilespmem:s11+$0x50] =	vst v39;
	v59 =	vmul.f32 v58, v55  }
0x4e3: {  	[tilespmem:s11+$0x60] =	vst v40;
	v38 =	vmul.f32 v58, v38;
	v60 =	vpop (erf)  }
0x4e4: {  	v61 =	vld [tilespmem:s10+$0x70];
	[tilespmem:s9+$0xC8] =	vst v59;
	v62 =	vmul.f32 v60, v57  }
0x4e5: {  	[tilespmem:s9+$0xD8] =	vst v38;
	v37 =	vmul.f32 v60, v37  }
0x4e6: {  	v38 =	vld [tilespmem:s4+$0xD0];
	[tilespmem:s20+$0x0] =	vst v62  }
0x4e7: {  	[tilespmem:s20+$0x10] =	vst v37  }
0x4e8: {  	v37 =	vld [tilespmem:s21+$0x30]  }
0x4e9: {  	v63 =	vmax.f32 v61, $1.000000000e+00  }
0x4ea: {  	v40 =	vbroadcast v63, $0x4  }
0x4eb: {  	v44 =	vmax.f32 v38, $1.000000000e+00  }
0x4ec: {  	(erf) = vrcp.f32 v40;
	v45 =	vbroadcast v44, $0x4  }
0x4ed: {  	v46 =	vmax.f32 v37, $1.000000000e+00  }
0x4ee: {  	(erf) = vrcp.f32 v45;
	v47 =	vbroadcast v46, $0x4;
	_ =	sdelay $0x1  }
0x4ef: {  	(erf) = vrcp.f32 v47  }
0x4f0: {  	v48 =	vld [tilespmem:s10+$0x60];
	_ =	sdelay $0x1  }
0x4f1: {  	v49 =	vld [tilespmem:s4+$0xC0];
	_ =	sdelay $0x1  }
0x4f2: {  	v51 =	vld [tilespmem:s21+$0x20];
	v50 =	vpop (erf)  }
0x4f3: {  	v40 =	vmul.f32 v50, v48  }
0x4f4: {  	v39 =	vmul.f32 v50, v61;
	v52 =	vpop (erf)  }
0x4f5: {  	[tilespmem:s11+$0x78] =	vst v40;
	v53 =	vmul.f32 v52, v49  }
0x4f6: {  	[tilespmem:s11+$0x88] =	vst v39;
	v38 =	vmul.f32 v52, v38;
	v54 =	vpop (erf)  }
0x4f7: {  	[tilespmem:s9+$0xF0] =	vst v53;
	v55 =	vmul.f32 v54, v51  }
0x4f8: {  	[tilespmem:s9+$0x100] =	vst v38;
	v37 =	vmul.f32 v54, v37  }
0x4f9: {  	v56 =	vld [tilespmem:s10+$0x90];
	[tilespmem:s20+$0x28] =	vst v55  }
0x4fa: {  	v39 =	vld [tilespmem:s4+$0xF0];
	[tilespmem:s20+$0x38] =	vst v37  }
0x4fb: {  	v37 =	vld [tilespmem:s21+$0x50];
	_ =	sdelay $0x2  }
0x4fc: {  	v57 =	vmax.f32 v56, $1.000000000e+00  }
0x4fd: {  	v40 =	vbroadcast v57, $0x4;
	v58 =	vmax.f32 v39, $1.000000000e+00  }
0x4fe: {  	v41 =	vbroadcast v58, $0x4;
	v59 =	vmax.f32 v37, $1.000000000e+00  }
0x4ff: {  	(erf) = vrcp.f32 v40;
	v60 =	vbroadcast v59, $0x4  }
0x500: {  	(erf) = vrcp.f32 v41  }
0x501: {  	(erf) = vrcp.f32 v60;
	_ =	sdelay $0x2  }
0x502: {  	v61 =	vld [tilespmem:s10+$0x80];
	_ =	sdelay $0x1  }
0x503: {  	v62 =	vld [tilespmem:s21+$0x40];
	_ =	sdelay $0x1  }
0x504: {  	v63 =	vpop (erf)  }
0x505: {  	v40 =	vmul.f32 v63, v61;
	v43 =	vpop (erf)  }
0x506: {  	v38 =	vmul.f32 v63, v56;
	v45 =	vpop (erf)  }
0x507: {  	[tilespmem:s11+$0xA0] =	vst v40;
	v46 =	vmul.f32 v45, v62  }
0x508: {  	[tilespmem:s11+$0xB0] =	vst v38;
	v37 =	vmul.f32 v45, v37  }
0x509: {  	v38 =	vld [tilespmem:s10+$0xB0];
	[tilespmem:s20+$0x50] =	vst v46  }
0x50a: {  	[tilespmem:s20+$0x60] =	vst v37  }
0x50b: {  	v37 =	vld [tilespmem:s21+$0x70];
	_ =	sdelay $0x2  }
0x50c: {  	v47 =	vmax.f32 v38, $1.000000000e+00  }
0x50d: {  	v40 =	vbroadcast v47, $0x4  }
0x50e: {  	v48 =	vmax.f32 v37, $1.000000000e+00  }
0x50f: {  	(erf) = vrcp.f32 v40;
	v49 =	vbroadcast v48, $0x4;
	_ =	sdelay $0x1  }
0x510: {  	(erf) = vrcp.f32 v49;
	_ =	sdelay $0x2  }
0x511: {  	v50 =	vld [tilespmem:s10+$0xA0];
	_ =	sdelay $0x1  }
0x512: {  	v51 =	vld [tilespmem:s21+$0x60];
	_ =	sdelay $0x1  }
0x513: {  	v52 =	vpop (erf)  }
0x514: {  	v40 =	vmul.f32 v52, v50  }
0x515: {  	v38 =	vmul.f32 v52, v38;
	v53 =	vpop (erf)  }
0x516: {  	[tilespmem:s11+$0xC8] =	vst v40;
	v54 =	vmul.f32 v53, v51  }
0x517: {  	[tilespmem:s11+$0xD8] =	vst v38;
	v37 =	vmul.f32 v53, v37  }
0x518: {  	v38 =	vld [tilespmem:s10+$0xD0];
	[tilespmem:s20+$0x78] =	vst v54  }
0x519: {  	[tilespmem:s20+$0x88] =	vst v37  }
0x51a: {  	v37 =	vld [tilespmem:s21+$0x90];
	_ =	sdelay $0x2  }
0x51b: {  	v55 =	vmax.f32 v38, $1.000000000e+00  }
0x51c: {  	v40 =	vbroadcast v55, $0x4  }
0x51d: {  	v56 =	vmax.f32 v37, $1.000000000e+00  }
0x51e: {  	(erf) = vrcp.f32 v40;
	v57 =	vbroadcast v56, $0x4;
	_ =	sdelay $0x1  }
0x51f: {  	(erf) = vrcp.f32 v57;
	_ =	sdelay $0x2  }
0x520: {  	v58 =	vld [tilespmem:s10+$0xC0];
	_ =	sdelay $0x1  }
0x521: {  	v59 =	vld [tilespmem:s21+$0x80];
	_ =	sdelay $0x1  }
0x522: {  	v60 =	vpop (erf)  }
0x523: {  	v40 =	vmul.f32 v60, v58  }
0x524: {  	v38 =	vmul.f32 v60, v38;
	v61 =	vpop (erf)  }
0x525: {  	[tilespmem:s11+$0xF0] =	vst v40;
	v62 =	vmul.f32 v61, v59  }
0x526: {  	[tilespmem:s11+$0x100] =	vst v38;
	v37 =	vmul.f32 v61, v37  }
0x527: {  	[tilespmem:s20+$0xA0] =	vst v62  }
0x528: {  	v38 =	vld [tilespmem:s10+$0xF0];
	[tilespmem:s20+$0xB0] =	vst v37  }
0x529: {  	v37 =	vld [tilespmem:s21+$0xB0];
	_ =	sdelay $0x3  }
0x52a: {  	v63 =	vmax.f32 v38, $1.000000000e+00  }
0x52b: {  	v40 =	vbroadcast v63, $0x4;
	v44 =	vmax.f32 v37, $1.000000000e+00  }
0x52c: {  	v41 =	vbroadcast v44, $0x4  }
0x52d: {  	(erf) = vrcp.f32 v40  }
0x52e: {  	(erf) = vrcp.f32 v41;
	_ =	sdelay $0x4  }
0x52f: {  	v45 =	vld [tilespmem:s21+$0xA0];
	_ =	sdelay $0x2  }
0x530: {  	v46 =	vpop (erf)  }
0x531: {  	v47 =	vpop (erf)  }
0x532: {  	v40 =	vmul.f32 v47, v45  }
0x533: {  	v37 =	vmul.f32 v47, v37  }
0x534: {  	[tilespmem:s20+$0xC8] =	vst v40  }
0x535: {  	[tilespmem:s20+$0xD8] =	vst v37  }
0x536: {  	v37 =	vld [tilespmem:s21+$0xD0];
	_ =	sdelay $0x4  }
0x537: {  	v48 =	vmax.f32 v37, $1.000000000e+00  }
0x538: {  	v40 =	vbroadcast v48, $0x4;
	_ =	sdelay $0x1  }
0x539: {  	(erf) = vrcp.f32 v40;
	_ =	sdelay $0x4  }
0x53a: {  	v49 =	vld [tilespmem:s21+$0xC0];
	_ =	sdelay $0x2  }
0x53b: {  	v33 =	vmul.f32 v34, v33  }
0x53c: {  	v32 =	vmul.f32 v34, v32;
	v50 =	vpop (erf)  }
0x53d: {  	[tilespmem:s31+$0x118] =	vst v33;
	v51 =	vmul.f32 v50, v49  }
0x53e: {  	s0 =	sadd.s32 $0x10, s14;
	[tilespmem:s31+$0x128] =	vst v32;
	v53 =	vld [tilespmem:s5+$0xE0];
	v52 =	vmul.f32 v50, v37  }
0x53f: {  	v33 =	vld [tilespmem:s0+$0x0];
	[tilespmem:s20+$0xF0] =	vst v51  }
0x540: {  	v54 =	vld [tilespmem:s4+$0xE0];
	[tilespmem:s20+$0x100] =	vst v52  }
0x541: {  	v32 =	vld [tilespmem:s21+$0xF0]  }
0x542: {  	v35 =	vmul.f32 v36, v35  }
0x543: {  	v34 =	vmul.f32 v36, v53  }
0x544: {  	[tilespmem:s2+$0x128] =	vst v35;
	v55 =	vmul.f32 $9.990000000e+02, v33;
	v60 =	vmul.f32 v43, v39  }
0x545: {  	s0 =	sadd.s32 $0x10, s0;
	[tilespmem:s2+$0x118] =	vst v34;
	v59 =	vmul.f32 v43, v54  }
0x546: {  	v36 =	vld [tilespmem:s0+$0x0];
	v57 =	vtrunc.f32 v55;
	[tilespmem:s9+$0x128] =	vst v60;
	v56 =	vmax.f32 v32, $1.000000000e+00  }
0x547: {  	s0 =	sadd.s32 $0x10, s0;
	v58 =	vcvt.f32.s32 v57;
	v61 =	vld [tilespmem:s10+$0xE0];
	[tilespmem:s9+$0x118] =	vst v59;
	v42 =	vbroadcast v56, $0x4  }
0x548: {  	v37 =	vld [tilespmem:s0+$0x0]  }
0x549: {  	vm8 =	vgt.s32 v58, $0x0;
	(erf) = vrcp.f32 v42  }
0x54a: {  	v34 =	vnsel vm8, $0x0, v58  }
0x54b: {  	v34 =	vmin.u32 v34, $0x3E6;
	_ =	sdelay $0x1  }
0x54c: {  	v63 =	vadd.s32 $0x1, v34;
	v39 =	vmul.f32 v46, v61;
	v50 =	vmul.f32 $9.990000000e+02, v37  }
0x54d: {  	v38 =	vmul.f32 v46, v38;
	v62 =	vld [tilespmem:s21+$0xE0]  }
0x54e: {  	[tilespmem:s11+$0x118] =	vst v39;
	v48 =	vmul.f32 $9.990000000e+02, v36;
	v43 =	vtrunc.f32 v50  }
0x54f: {  	v34 =	vld.idx.msk [tilespmem:v34+s18+$0x0], $0xffff;
	[tilespmem:s11+$0x128] =	vst v38;
	s0 =	sadd.s32 $0x10, s0;
	v53 =	vcvt.f32.s32 v43  }
0x550: {  	v45 =	vld [tilespmem:s0+$0x0];
	v42 =	vtrunc.f32 v48  }
0x551: {  	v52 =	vld.idx.msk [tilespmem:v63+s18+$0x0], $0xffff;
	vm12 =	vgt.s32 v53, $0x0;
	v42 =	vcvt.f32.s32 v42;
	v49 =	vpop (erf)  }
0x552: {  	vm9 =	vgt.f32 v30, v26;
	v30 =	vnsel vm12, $0x0, v53;
	v35 =	vmul.f32 v49, v62  }
0x553: {  	v30 =	vmin.u32 v30, $0x3E6;
	vm10 =	vgt.s32 v42, $0x0;
	v32 =	vmul.f32 v49, v32  }
0x554: {  	v43 =	vadd.s32 $0x1, v30;
	v55 =	vnsel vm10, $0x0, v42;
	[tilespmem:s20+$0x118] =	vst v35  }
0x555: {  	vm11 =	vle.f32 v28, v26;
	s0 =	sadd.s32 $0x10, s0;
	v56 =	vmul.f32 $9.990000000e+02, v45;
	v26 =	vmin.u32 v55, $0x3E6;
	[tilespmem:s20+$0x128] =	vst v32  }
0x556: {  	vm13 =	vgt.f32 v34, v33;
	vm14 =	vle.f32 v52, v33;
	v34 =	vadd.s32 $0x1, v26;
	v35 =	vld [tilespmem:s0+$0x0]  }
0x557: {  	v57 =	vsel vm13, $0xFFFFFFFF, v0;
	v58 =	vsel vm14, $0x1, v0;
	v33 =	vtrunc.f32 v56  }
0x558: {  	v28 =	vsel vm11, $0x1, v0;
	v38 =	vadd.s32 v57, v58;
	v30 =	vld.idx.msk [tilespmem:v30+s18+$0x0], $0xffff;
	v62 =	vcvt.f32.s32 v33  }
0x559: {  	v54 =	vsel vm9, $0xFFFFFFFF, v0;
	v51 =	vmov s29;
	v60 =	vadd.s32 v63, v38;
	v52 =	vld.idx.msk [tilespmem:v43+s18+$0x0], $0xffff  }
0x55a: {  	v39 =	vmul.u32 $0x28, v51;
	v61 =	vld.idx.msk [tilespmem:v26+s18+$0x0], $0xffff;
	v33 =	vmul.u32 $0xA, v60;
	vm15 =	vgt.s32 v62, $0x0  }
0x55b: {  	v28 =	vadd.s32 v54, v28;
	v63 =	vld.idx.msk [tilespmem:v34+s18+$0x0], $0xffff;
	v46 =	vnsel vm15, $0x0, v62;
	v59 =	vmul.f32 $9.990000000e+02, v35  }
0x55c: {  	v27 =	vadd.s32 v27, v28;
	v26 =	vbroadcast v39, $0x0;
	v53 =	vmin.u32 v46, $0x3E6  }
0x55d: {  	v44 =	vmov s26;
	vm7 =	vgt.f32 v30, v37;
	v50 =	vtrunc.f32 v59  }
0x55e: {  	v32 =	vmul.u32 $0x5, v27;
	v48 =	vadd.s32 v1, v26;
	v51 =	vcvt.f32.s32 v50  }
0x55f: {  	vm8 =	vle.f32 v52, v37;
	v62 =	vor.u32 $0x1, v33;
	v47 =	vadd.s32 $0x1, v53  }
0x560: {  	vm5 =	vgt.f32 v61, v36;
	vm6 =	vle.f32 v63, v36;
	v49 =	vld.idx.msk [tilespmem:v33+s15+$0x0], $0xffff;
	vm4 =	vgt.s32 v51, $0x0  }
0x561: {  	v55 =	vsel vm5, $0xFFFFFFFF, v0;
	v36 =	vsel vm6, $0x1, v0;
	v59 =	vld.idx.msk [tilespmem:v53+s18+$0x0], $0xffff;
	v40 =	vnsel vm4, $0x0, v51  }
0x562: {  	v57 =	vsel vm7, $0xFFFFFFFF, v0;
	v56 =	vadd.s32 v55, v36;
	v54 =	vmin.u32 v40, $0x3E6  }
0x563: {  	v58 =	vsel vm8, $0x1, v0;
	v27 =	vadd.s32 v34, v56;
	v40 =	vadd.s32 $0x1, v54  }
0x564: {  	v41 =	vmov s6;
	v28 =	vadd.s32 v57, v58;
	v61 =	vld.idx.msk [tilespmem:v47+s18+$0x0], $0xffff;
	v36 =	vmul.u32 $0xA, v27  }
0x565: {  	v42 =	vadd.s32 v5, v23;
	v60 =	vmul.u32 $0x28, v41;
	v28 =	vadd.s32 v43, v28;
	[tilespmem:v48+s28+$0x0] =	vst.idx.msk $0xffff, v49  }
0x566: {  	v52 =	vadd.s32 $0x2, v33;
	v34 =	vmul.u32 $0xA, v28;
	vm9 =	vgt.f32 v59, v45;
	v59 =	vld.idx.msk [tilespmem:v62+s15+$0x0], $0xffff  }
0x567: {  	v46 =	vadd.s32 $0x5, v31;
	v57 =	vadd.s32 v11, v22;
	v63 =	vmul.u32 $0x28, v44;
	v38 =	vld.idx.msk [tilespmem:v54+s18+$0x0], $0xffff  }
0x568: {  	v58 =	vadd.s32 $0x1, v32;
	v27 =	vbroadcast v60, $0x0;
	v50 =	vadd.s32 v2, v26;
	v56 =	vld.idx.msk [tilespmem:v40+s18+$0x0], $0xffff  }
0x569: {  	v55 =	vadd.s32 v6, v23;
	v28 =	vbroadcast v63, $0x0;
	v51 =	vld.idx.msk [tilespmem:v32+s16+$0x0], $0xffff;
	vm10 =	vle.f32 v61, v45  }
0x56a: {  	v53 =	vadd.s32 v1, v27;
	v37 =	vsel vm9, $0xFFFFFFFF, v0;
	v45 =	vsel vm10, $0x1, v0;
	v49 =	vld.idx.msk [tilespmem:v36+s15+$0x0], $0xffff  }
0x56b: {  	[tilespmem:v42+s28+$0x0] =	vst.idx.msk $0xffff, v29;
	v63 =	vmov s13;
	v48 =	vor.u32 $0x1, v36;
	v37 =	vadd.s32 v37, v45  }
0x56c: {  	v39 =	vadd.s32 v1, v28;
	v60 =	vadd.s32 v47, v37;
	vm11 =	vgt.f32 v38, v35;
	v38 =	vld.idx.msk [tilespmem:v34+s15+$0x0], $0xffff  }
0x56d: {  	v42 =	vor.u32 $0x1, v34;
	v54 =	vld.idx.msk [tilespmem:v46+s15+$0x0], $0xffff;
	[tilespmem:v50+s28+$0x0] =	vst.idx.msk $0xffff, v59;
	vm12 =	vle.f32 v56, v35;
	v35 =	vmul.u32 $0xA, v60  }
0x56e: {  	[tilespmem:v57+s28+$0x0] =	vst.idx.msk $0xffff, v51;
	v57 =	vmul.u32 $0x28, v63;
	v59 =	vld.idx.msk [tilespmem:v52+s15+$0x0], $0xffff;
	v61 =	vsel vm11, $0xFFFFFFFF, v0;
	v41 =	vsel vm12, $0x1, v0  }
0x56f: {  	[tilespmem:v53+s28+$0x0] =	vst.idx.msk $0xffff, v49;
	v56 =	vadd.s32 $0x6, v31;
	v60 =	vadd.s32 v3, v26;
	v62 =	vadd.s32 v61, v41  }
0x570: {  	v50 =	vadd.s32 $0x3, v33;
	v49 =	vadd.s32 v2, v27;
	v48 =	vld.idx.msk [tilespmem:v48+s15+$0x0], $0xffff;
	v29 =	vadd.s32 v40, v62  }
0x571: {  	v43 =	vld.idx.msk [tilespmem:v58+s16+$0x0], $0xffff;
	v37 =	vmul.u32 $0xA, v29;
	[tilespmem:v39+s28+$0x0] =	vst.idx.msk $0xffff, v38;
	v29 =	vbroadcast v57, $0x0;
	v38 =	vadd.s32 $0x2, v36  }
0x572: {  	v58 =	vmov s12;
	v62 =	vadd.s32 v2, v28;
	v42 =	vld.idx.msk [tilespmem:v42+s15+$0x0], $0xffff  }
0x573: {  	v63 =	vadd.s32 $0x2, v34;
	[tilespmem:v55+s28+$0x0] =	vst.idx.msk $0xffff, v54;
	v61 =	vmul.u32 $0x28, v58;
	v44 =	vld.idx.msk [tilespmem:v35+s15+$0x0], $0xffff;
	v45 =	vadd.s32 v1, v29  }
0x574: {  	v51 =	vadd.s32 v12, v22;
	v57 =	vor.u32 $0x1, v35;
	v40 =	vld.idx.msk [tilespmem:v56+s15+$0x0], $0xffff;
	[tilespmem:v60+s28+$0x0] =	vst.idx.msk $0xffff, v59  }
0x575: {  	v54 =	vadd.s32 v4, v26;
	[tilespmem:v49+s28+$0x0] =	vst.idx.msk $0xffff, v48;
	v58 =	vadd.s32 $0x2, v32;
	v30 =	vbroadcast v61, $0x0;
	v50 =	vld.idx.msk [tilespmem:v50+s15+$0x0], $0xffff  }
0x576: {  	v55 =	vadd.s32 v3, v27;
	v61 =	vadd.s32 $0x4, v33;
	v38 =	vld.idx.msk [tilespmem:v38+s15+$0x0], $0xffff  }
0x577: {  	v60 =	vadd.s32 v1, v30;
	v59 =	vld.idx.msk [tilespmem:v37+s15+$0x0], $0xffff;
	[tilespmem:v62+s28+$0x0] =	vst.idx.msk $0xffff, v42  }
0x578: {  	v48 =	vor.u32 $0x1, v37;
	v41 =	vld.idx.msk [tilespmem:v63+s15+$0x0], $0xffff;
	v63 =	vadd.s32 v3, v28;
	[tilespmem:v45+s28+$0x0] =	vst.idx.msk $0xffff, v44  }
0x579: {  	[tilespmem:v51+s28+$0x0] =	vst.idx.msk $0xffff, v43;
	v62 =	vadd.s32 $0x3, v36;
	v44 =	vadd.s32 v2, v29;
	v45 =	vld.idx.msk [tilespmem:v57+s15+$0x0], $0xffff  }
0x57a: {  	v43 =	vadd.s32 $0x3, v34;
	v52 =	vld.idx.msk [tilespmem:v58+s16+$0x0], $0xffff;
	[tilespmem:v54+s28+$0x0] =	vst.idx.msk $0xffff, v50;
	v57 =	vadd.s32 v7, v23  }
0x57b: {  	v58 =	vadd.s32 $0x2, v35;
	v50 =	vadd.s32 v5, v26;
	v49 =	vld.idx.msk [tilespmem:v61+s15+$0x0], $0xffff;
	[tilespmem:v55+s28+$0x0] =	vst.idx.msk $0xffff, v38  }
0x57c: {  	v54 =	vadd.s32 $0x5, v33;
	[tilespmem:v60+s28+$0x0] =	vst.idx.msk $0xffff, v59  }
0x57d: {  	v59 =	vadd.s32 $0x7, v31;
	v60 =	vadd.s32 v2, v30;
	v48 =	vld.idx.msk [tilespmem:v48+s15+$0x0], $0xffff;
	[tilespmem:v63+s28+$0x0] =	vst.idx.msk $0xffff, v41  }
0x57e: {  	v61 =	vadd.s32 $0x2, v37;
	v55 =	vadd.s32 v4, v27;
	v39 =	vld.idx.msk [tilespmem:v62+s15+$0x0], $0xffff;
	[tilespmem:v44+s28+$0x0] =	vst.idx.msk $0xffff, v45  }
0x57f: {  	v62 =	vadd.s32 $0x4, v36;
	v63 =	vadd.s32 v4, v28;
	v43 =	vld.idx.msk [tilespmem:v43+s15+$0x0], $0xffff;
	[tilespmem:v57+s28+$0x0] =	vst.idx.msk $0xffff, v40  }
0x580: {  	v57 =	vadd.s32 v3, v29;
	[tilespmem:v50+s28+$0x0] =	vst.idx.msk $0xffff, v49;
	v44 =	vld.idx.msk [tilespmem:v58+s15+$0x0], $0xffff  }
0x581: {  	v40 =	vadd.s32 $0x4, v34;
	v58 =	vadd.s32 v13, v22;
	v49 =	vld.idx.msk [tilespmem:v54+s15+$0x0], $0xffff  }
0x582: {  	v50 =	vadd.s32 v6, v26;
	v46 =	vld.idx.msk [tilespmem:v59+s15+$0x0], $0xffff;
	v59 =	vadd.s32 $0x3, v35;
	[tilespmem:v60+s28+$0x0] =	vst.idx.msk $0xffff, v48  }
0x583: {  	[tilespmem:v55+s28+$0x0] =	vst.idx.msk $0xffff, v39;
	v60 =	vadd.s32 $0x3, v32;
	v38 =	vld.idx.msk [tilespmem:v61+s15+$0x0], $0xffff;
	v61 =	vadd.s32 v3, v30  }
0x584: {  	v39 =	vadd.s32 $0x3, v37;
	v41 =	vld.idx.msk [tilespmem:v62+s15+$0x0], $0xffff;
	v62 =	vadd.s32 v5, v27;
	[tilespmem:v63+s28+$0x0] =	vst.idx.msk $0xffff, v43  }
0x585: {  	v63 =	vadd.s32 $0x5, v36;
	[tilespmem:v57+s28+$0x0] =	vst.idx.msk $0xffff, v44  }
0x586: {  	v54 =	vadd.s32 $0x6, v33;
	v43 =	vadd.s32 v5, v28;
	v40 =	vld.idx.msk [tilespmem:v40+s15+$0x0], $0xffff;
	[tilespmem:v58+s28+$0x0] =	vst.idx.msk $0xffff, v52  }
0x587: {  	v45 =	vadd.s32 v4, v29;
	v57 =	vadd.s32 $0x5, v34;
	[tilespmem:v50+s28+$0x0] =	vst.idx.msk $0xffff, v49;
	v51 =	vld.idx.msk [tilespmem:v59+s15+$0x0], $0xffff  }
0x588: {  	v58 =	vadd.s32 v8, v23;
	v59 =	vand.u32 $0x7FFFFFFE, v31;
	v47 =	vld.idx.msk [tilespmem:v60+s16+$0x0], $0xffff;
	v60 =	vadd.s32 $0x4, v35;
	[tilespmem:v61+s28+$0x0] =	vst.idx.msk $0xffff, v38  }
0x589: {  	v49 =	vadd.s32 v4, v30;
	[tilespmem:v62+s28+$0x0] =	vst.idx.msk $0xffff, v41;
	v61 =	vadd.s32 $0x8, v59;
	v39 =	vld.idx.msk [tilespmem:v39+s15+$0x0], $0xffff  }
0x58a: {  	v41 =	vadd.s32 $0x4, v37;
	v42 =	vld.idx.msk [tilespmem:v63+s15+$0x0], $0xffff;
	v63 =	vadd.s32 v6, v27  }
0x58b: {  	v53 =	vadd.s32 v7, v26;
	v56 =	vadd.s32 $0x6, v36;
	v50 =	vld.idx.msk [tilespmem:v54+s15+$0x0], $0xffff;
	[tilespmem:v43+s28+$0x0] =	vst.idx.msk $0xffff, v40  }
0x58c: {  	v62 =	vadd.s32 $0x7, v33;
	v43 =	vld.idx.msk [tilespmem:v57+s15+$0x0], $0xffff;
	v57 =	vadd.s32 v6, v28;
	[tilespmem:v45+s28+$0x0] =	vst.idx.msk $0xffff, v51  }
0x58d: {  	v59 =	vadd.s32 v5, v29;
	[tilespmem:v58+s28+$0x0] =	vst.idx.msk $0xffff, v46;
	v58 =	vadd.s32 $0x6, v34;
	v38 =	vld.idx.msk [tilespmem:v60+s15+$0x0], $0xffff  }
0x58e: {  	v60 =	vadd.s32 v9, v23;
	v48 =	vld.idx.msk [tilespmem:v61+s15+$0x0], $0xffff;
	v61 =	vadd.s32 $0x5, v35;
	[tilespmem:v49+s28+$0x0] =	vst.idx.msk $0xffff, v39  }
0x58f: {  	v31 =	vadd.s32 $0x9, v31;
	[tilespmem:v63+s28+$0x0] =	vst.idx.msk $0xffff, v42;
	v39 =	vld.idx.msk [tilespmem:v41+s15+$0x0], $0xffff;
	v41 =	vadd.s32 v5, v30  }
0x590: {  	[tilespmem:v53+s28+$0x0] =	vst.idx.msk $0xffff, v50;
	v42 =	vadd.s32 $0x5, v37;
	v63 =	vadd.s32 v7, v27;
	v40 =	vld.idx.msk [tilespmem:v56+s15+$0x0], $0xffff  }
0x591: {  	v50 =	vadd.s32 v8, v26;
	v49 =	vld.idx.msk [tilespmem:v62+s15+$0x0], $0xffff;
	v62 =	vand.u32 $0x7FFFFFFE, v33;
	[tilespmem:v57+s28+$0x0] =	vst.idx.msk $0xffff, v43;
	v57 =	vadd.s32 $0x7, v36  }
0x592: {  	v53 =	vadd.s32 $0x8, v62;
	v44 =	vld.idx.msk [tilespmem:v58+s15+$0x0], $0xffff;
	v58 =	vadd.s32 v7, v28;
	[tilespmem:v59+s28+$0x0] =	vst.idx.msk $0xffff, v38  }
0x593: {  	v59 =	vadd.s32 $0x7, v34;
	[tilespmem:v60+s28+$0x0] =	vst.idx.msk $0xffff, v48;
	v46 =	vld.idx.msk [tilespmem:v61+s15+$0x0], $0xffff;
	v60 =	vadd.s32 v6, v29  }
0x594: {  	v62 =	vadd.s32 $0x6, v35;
	v61 =	vadd.s32 v10, v23;
	v31 =	vld.idx.msk [tilespmem:v31+s15+$0x0], $0xffff;
	[tilespmem:v41+s28+$0x0] =	vst.idx.msk $0xffff, v39  }
0x595: {  	[tilespmem:v63+s28+$0x0] =	vst.idx.msk $0xffff, v40;
	v41 =	vadd.s32 v6, v30;
	v39 =	vld.idx.msk [tilespmem:v42+s15+$0x0], $0xffff  }
0x596: {  	[tilespmem:v50+s28+$0x0] =	vst.idx.msk $0xffff, v49;
	v40 =	vadd.s32 $0x6, v37;
	v50 =	vadd.s32 v8, v27;
	v63 =	vand.u32 $0x7FFFFFFE, v36;
	v43 =	vld.idx.msk [tilespmem:v57+s15+$0x0], $0xffff  }
0x597: {  	v49 =	vadd.s32 v9, v26;
	v56 =	vadd.s32 $0x8, v63;
	v42 =	vld.idx.msk [tilespmem:v53+s15+$0x0], $0xffff;
	[tilespmem:v58+s28+$0x0] =	vst.idx.msk $0xffff, v44  }
0x598: {  	v33 =	vadd.s32 $0x9, v33;
	v57 =	vadd.s32 v8, v28;
	v58 =	vand.u32 $0x7FFFFFFE, v34;
	v38 =	vld.idx.msk [tilespmem:v59+s15+$0x0], $0xffff;
	[tilespmem:v60+s28+$0x0] =	vst.idx.msk $0xffff, v46  }
0x599: {  	s23 =	sadd.s32 $0x10, s3;
	v59 =	vadd.s32 $0x8, v58;
	v60 =	vadd.s32 v7, v29;
	[tilespmem:v61+s28+$0x0] =	vst.idx.msk $0xffff, v31;
	v46 =	vld.idx.msk [tilespmem:v62+s15+$0x0], $0xffff  }
0x59a: {  	v61 =	vadd.s32 v14, v22;
	v62 =	vadd.s32 $0x7, v35;
	v52 =	vld [tilespmem:s23+$0x0];
	[tilespmem:v41+s28+$0x0] =	vst.idx.msk $0xffff, v39  }
0x59b: {  	v63 =	vadd.s32 v7, v30;
	[tilespmem:v50+s28+$0x0] =	vst.idx.msk $0xffff, v43;
	v39 =	vld.idx.msk [tilespmem:v40+s15+$0x0], $0xffff  }
0x59c: {  	v55 =	vadd.s32 v9, v27;
	v54 =	vadd.s32 $0x7, v37;
	[tilespmem:v49+s28+$0x0] =	vst.idx.msk $0xffff, v42;
	v43 =	vld.idx.msk [tilespmem:v56+s15+$0x0], $0xffff  }
0x59d: {  	v36 =	vadd.s32 $0x9, v36;
	v49 =	vadd.s32 v10, v26;
	v33 =	vld.idx.msk [tilespmem:v33+s15+$0x0], $0xffff;
	[tilespmem:v57+s28+$0x0] =	vst.idx.msk $0xffff, v38  }
0x59e: {  	v56 =	vadd.s32 v9, v28;
	v31 =	vld.idx.msk [tilespmem:v59+s15+$0x0], $0xffff;
	[tilespmem:v60+s28+$0x0] =	vst.idx.msk $0xffff, v46  }
0x59f: {  	v34 =	vadd.s32 $0x9, v34;
	v58 =	vadd.s32 v8, v29;
	v59 =	vand.u32 $0x7FFFFFFE, v35;
	[tilespmem:v61+s28+$0x0] =	vst.idx.msk $0xffff, v47;
	v57 =	vld.idx.msk [tilespmem:v62+s15+$0x0], $0xffff  }
0x5a0: {  	v47 =	vadd.s32 $0x8, v59;
	[tilespmem:v63+s28+$0x0] =	vst.idx.msk $0xffff, v39  }
0x5a1: {  	v32 =	vadd.s32 $0x4, v32;
	v61 =	vadd.s32 v8, v30;
	v62 =	vand.u32 $0x7FFFFFFE, v37;
	[tilespmem:v55+s28+$0x0] =	vst.idx.msk $0xffff, v43;
	v60 =	vld.idx.msk [tilespmem:v54+s15+$0x0], $0xffff  }
0x5a2: {  	s1 =	sadd.s32 $0x10, s23;
	v40 =	vadd.s32 $0x8, v62;
	[tilespmem:v49+s28+$0x0] =	vst.idx.msk $0xffff, v33;
	v36 =	vld.idx.msk [tilespmem:v36+s15+$0x0], $0xffff  }
0x5a3: {  	v48 =	vmul.f32 $9.990000000e+02, v52;
	v49 =	vadd.s32 v10, v27;
	v42 =	vld [tilespmem:s1+$0x0];
	[tilespmem:v56+s28+$0x0] =	vst.idx.msk $0xffff, v31  }
0x5a4: {  	v50 =	vadd.s32 v10, v28;
	v34 =	vld.idx.msk [tilespmem:v34+s15+$0x0], $0xffff;
	[tilespmem:v58+s28+$0x0] =	vst.idx.msk $0xffff, v57  }
0x5a5: {  	v51 =	vtrunc.f32 v48;
	v54 =	vadd.s32 v9, v29;
	v53 =	vld.idx.msk [tilespmem:v47+s15+$0x0], $0xffff  }
0x5a6: {  	v35 =	vadd.s32 $0x9, v35;
	v32 =	vld.idx.msk [tilespmem:v32+s16+$0x0], $0xffff;
	v63 =	vadd.s32 v15, v22;
	v55 =	vcvt.f32.s32 v51;
	[tilespmem:v61+s28+$0x0] =	vst.idx.msk $0xffff, v60  }
0x5a7: {  	v57 =	vadd.s32 v9, v30;
	v56 =	vld.idx.msk [tilespmem:v40+s15+$0x0], $0xffff  }
0x5a8: {  	s1 =	sadd.s32 $0x10, s1;
	vm13 =	vgt.s32 v55, $0x0;
	v58 =	vadd.s32 $0x9, v37;
	[tilespmem:v49+s28+$0x0] =	vst.idx.msk $0xffff, v36  }
0x5a9: {  	v59 =	vnsel vm13, $0x0, v55;
	v39 =	vld [tilespmem:s1+$0x0];
	s1 =	sadd.s32 $0x10, s1;
	[tilespmem:v50+s28+$0x0] =	vst.idx.msk $0xffff, v34  }
0x5aa: {  	v60 =	vmin.u32 v59, $0x3E6;
	v61 =	vmul.f32 $9.990000000e+02, v42;
	v38 =	vld [tilespmem:s1+$0x0];
	[tilespmem:v54+s28+$0x0] =	vst.idx.msk $0xffff, v53  }
0x5ab: {  	s24 =	sadd.s32 $0x10, s19;
	v62 =	vadd.s32 v10, v29;
	[tilespmem:v63+s28+$0x0] =	vst.idx.msk $0xffff, v32;
	v40 =	vadd.s32 $0x1, v60;
	v35 =	vld.idx.msk [tilespmem:v35+s15+$0x0], $0xffff  }
0x5ac: {  	v31 =	vld [tilespmem:s24+$0x0];
	v37 =	vtrunc.f32 v61;
	[tilespmem:v57+s28+$0x0] =	vst.idx.msk $0xffff, v56  }
0x5ad: {  	v48 =	vadd.s32 v10, v30;
	v63 =	vcvt.f32.s32 v37;
	v33 =	vld.idx.msk [tilespmem:v58+s15+$0x0], $0xffff  }
0x5ae: {  	v49 =	vmul.f32 $9.990000000e+02, v39  }
0x5af: {  	v34 =	vld.idx.msk [tilespmem:v60+s18+$0x0], $0xffff;
	vm14 =	vgt.s32 v63, $0x0  }
0x5b0: {  	s1 =	sadd.s32 $0x10, s1;
	v53 =	vld.idx.msk [tilespmem:v40+s18+$0x0], $0xffff;
	v32 =	vnsel vm14, $0x0, v63;
	v50 =	vmul.f32 $9.990000000e+02, v38;
	v37 =	vtrunc.f32 v49;
	[tilespmem:v62+s28+$0x0] =	vst.idx.msk $0xffff, v35  }
0x5b1: {  	v51 =	vmul.f32 $9.990000000e+02, v31;
	v32 =	vmin.u32 v32, $0x3E6;
	v54 =	vcvt.f32.s32 v37;
	v41 =	vld [tilespmem:s1+$0x0]  }
0x5b2: {  	v43 =	vadd.s32 $0x1, v32;
	v55 =	vtrunc.f32 v50;
	s1 =	sadd.s32 $0x10, s1;
	[tilespmem:v48+s28+$0x0] =	vst.idx.msk $0xffff, v33  }
0x5b3: {  	v56 =	vtrunc.f32 v51;
	v37 =	vcvt.f32.s32 v55;
	vm15 =	vgt.s32 v54, $0x0;
	v33 =	vld [tilespmem:s1+$0x0]  }
0x5b4: {  	v36 =	vcvt.f32.s32 v56;
	vm5 =	vgt.f32 v34, v52;
	v35 =	vnsel vm15, $0x0, v54  }
0x5b5: {  	vm6 =	vle.f32 v53, v52;
	vm4 =	vgt.s32 v37, $0x0;
	v57 =	vmin.u32 v35, $0x3E6  }
0x5b6: {  	v32 =	vld.idx.msk [tilespmem:v32+s18+$0x0], $0xffff;
	v58 =	vnsel vm4, $0x0, v37;
	v37 =	vadd.s32 $0x1, v57;
	v59 =	vmul.f32 $9.990000000e+02, v41  }
0x5b7: {  	v60 =	vsel vm5, $0xFFFFFFFF, v0;
	v61 =	vsel vm6, $0x1, v0;
	v62 =	vld.idx.msk [tilespmem:v43+s18+$0x0], $0xffff;
	v35 =	vmin.u32 v58, $0x3E6  }
0x5b8: {  	v48 =	vadd.s32 $0x1, v35;
	v44 =	vtrunc.f32 v59;
	v63 =	vmul.f32 $9.990000000e+02, v33  }
0x5b9: {  	v45 =	vadd.s32 v60, v61;
	v44 =	vcvt.f32.s32 v44  }
0x5ba: {  	vm7 =	vgt.s32 v36, $0x0;
	v40 =	vadd.s32 v40, v45;
	v34 =	vld.idx.msk [tilespmem:v57+s18+$0x0], $0xffff;
	v51 =	vtrunc.f32 v63  }
0x5bb: {  	v40 =	vmul.u32 $0x5, v40;
	v52 =	vld.idx.msk [tilespmem:v37+s18+$0x0], $0xffff;
	vm8 =	vgt.s32 v44, $0x0;
	v45 =	vcvt.f32.s32 v51  }
0x5bc: {  	vm9 =	vgt.f32 v32, v42;
	vm10 =	vle.f32 v62, v42;
	v35 =	vld.idx.msk [tilespmem:v35+s18+$0x0], $0xffff;
	v53 =	vnsel vm8, $0x0, v44  }
0x5bd: {  	v54 =	vsel vm9, $0xFFFFFFFF, v0;
	v55 =	vld.idx.msk [tilespmem:v48+s18+$0x0], $0xffff;
	v32 =	vmin.u32 v53, $0x3E6;
	vm11 =	vgt.s32 v45, $0x0  }
0x5be: {  	v47 =	vsel vm10, $0x1, v0;
	v49 =	vadd.s32 $0x1, v32;
	v45 =	vnsel vm11, $0x0, v45  }
0x5bf: {  	v61 =	vadd.s32 v11, v23;
	v42 =	vadd.s32 v54, v47;
	v45 =	vmin.u32 v45, $0x3E6  }
0x5c0: {  	v42 =	vadd.s32 v43, v42;
	vm12 =	vgt.f32 v34, v39;
	v34 =	vadd.s32 $0x1, v45  }
0x5c1: {  	v43 =	vld.idx.msk [tilespmem:v40+s16+$0x0], $0xffff;
	v42 =	vmul.u32 $0x5, v42;
	vm13 =	vle.f32 v52, v39;
	v56 =	vsel vm12, $0xFFFFFFFF, v0  }
0x5c2: {  	v46 =	vsel vm13, $0x1, v0;
	vm14 =	vgt.f32 v35, v38;
	vm15 =	vle.f32 v55, v38;
	v35 =	vld.idx.msk [tilespmem:v32+s18+$0x0], $0xffff  }
0x5c3: {  	v57 =	vadd.s32 v56, v46;
	v58 =	vsel vm14, $0xFFFFFFFF, v0;
	v59 =	vsel vm15, $0x1, v0;
	v60 =	vld.idx.msk [tilespmem:v49+s18+$0x0], $0xffff  }
0x5c4: {  	v56 =	vadd.s32 $0x1, v40;
	v32 =	vadd.s32 v37, v57;
	v62 =	vadd.s32 v58, v59;
	v63 =	vld.idx.msk [tilespmem:v45+s18+$0x0], $0xffff  }
0x5c5: {  	v36 =	vnsel vm7, $0x0, v36;
	v37 =	vadd.s32 v48, v62;
	v45 =	vmul.u32 $0x5, v32;
	v57 =	vld.idx.msk [tilespmem:v34+s18+$0x0], $0xffff  }
0x5c6: {  	v36 =	vmin.u32 v36, $0x3E6;
	v50 =	vadd.s32 $0x2, v40;
	v37 =	vmul.u32 $0x5, v37  }
0x5c7: {  	v51 =	vadd.s32 v11, v26;
	v53 =	vadd.s32 v11, v27;
	[tilespmem:v61+s28+$0x0] =	vst.idx.msk $0xffff, v43;
	v58 =	vadd.s32 $0x1, v42  }
0x5c8: {  	v48 =	vadd.s32 v12, v23;
	v59 =	vld.idx.msk [tilespmem:v42+s16+$0x0], $0xffff;
	v32 =	vadd.s32 $0x1, v36;
	vm4 =	vgt.f32 v35, v41  }
0x5c9: {  	v39 =	vld.idx.msk [tilespmem:v56+s16+$0x0], $0xffff;
	v56 =	vadd.s32 v11, v28;
	vm5 =	vle.f32 v60, v41;
	v60 =	vsel vm4, $0xFFFFFFFF, v0  }
0x5ca: {  	v44 =	vsel vm5, $0x1, v0;
	vm6 =	vgt.f32 v63, v33;
	vm7 =	vle.f32 v57, v33  }
0x5cb: {  	v62 =	vadd.s32 v60, v44;
	v61 =	vld.idx.msk [tilespmem:v45+s16+$0x0], $0xffff;
	v63 =	vsel vm6, $0xFFFFFFFF, v0;
	v54 =	vsel vm7, $0x1, v0  }
0x5cc: {  	v43 =	vadd.s32 $0x1, v45;
	v55 =	vld.idx.msk [tilespmem:v37+s16+$0x0], $0xffff;
	v38 =	vadd.s32 v49, v62;
	v41 =	vadd.s32 v63, v54  }
0x5cd: {  	v36 =	vld.idx.msk [tilespmem:v36+s18+$0x0], $0xffff;
	[tilespmem:v51+s28+$0x0] =	vst.idx.msk $0xffff, v59;
	v57 =	vadd.s32 $0x1, v37;
	v38 =	vmul.u32 $0x5, v38;
	v34 =	vadd.s32 v34, v41  }
0x5ce: {  	v35 =	vld.idx.msk [tilespmem:v58+s16+$0x0], $0xffff;
	[tilespmem:v48+s28+$0x0] =	vst.idx.msk $0xffff, v39;
	v34 =	vmul.u32 $0x5, v34  }
0x5cf: {  	v58 =	vadd.s32 v12, v26;
	v48 =	vld.idx.msk [tilespmem:v50+s16+$0x0], $0xffff  }
0x5d0: {  	v59 =	vadd.s32 v13, v23;
	v60 =	vadd.s32 $0x2, v42;
	v41 =	vld.idx.msk [tilespmem:v32+s18+$0x0], $0xffff;
	[tilespmem:v53+s28+$0x0] =	vst.idx.msk $0xffff, v61  }
0x5d1: {  	v62 =	vadd.s32 v12, v27;
	[tilespmem:v56+s28+$0x0] =	vst.idx.msk $0xffff, v55;
	v61 =	vadd.s32 $0x3, v40;
	v43 =	vld.idx.msk [tilespmem:v43+s16+$0x0], $0xffff  }
0x5d2: {  	v46 =	vadd.s32 $0x2, v45;
	v63 =	vadd.s32 v12, v28;
	v44 =	vld.idx.msk [tilespmem:v57+s16+$0x0], $0xffff  }
0x5d3: {  	v52 =	vadd.s32 $0x2, v37;
	v54 =	vadd.s32 v11, v29;
	v53 =	vld.idx.msk [tilespmem:v38+s16+$0x0], $0xffff  }
0x5d4: {  	[tilespmem:v58+s28+$0x0] =	vst.idx.msk $0xffff, v35;
	v35 =	vadd.s32 $0x1, v38;
	v57 =	vadd.s32 v11, v30;
	v39 =	vld.idx.msk [tilespmem:v34+s16+$0x0], $0xffff  }
0x5d5: {  	v58 =	vld.idx.msk [tilespmem:v60+s16+$0x0], $0xffff;
	[tilespmem:v59+s28+$0x0] =	vst.idx.msk $0xffff, v48;
	v59 =	vadd.s32 v13, v26;
	v60 =	vadd.s32 $0x1, v34  }
0x5d6: {  	v33 =	vld.idx.msk [tilespmem:v61+s16+$0x0], $0xffff;
	v61 =	vadd.s32 v14, v23;
	[tilespmem:v62+s28+$0x0] =	vst.idx.msk $0xffff, v43;
	v62 =	vadd.s32 $0x3, v42  }
0x5d7: {  	v40 =	vadd.s32 $0x4, v40;
	[tilespmem:v63+s28+$0x0] =	vst.idx.msk $0xffff, v44;
	v63 =	vadd.s32 v13, v27;
	v44 =	vld.idx.msk [tilespmem:v46+s16+$0x0], $0xffff  }
0x5d8: {  	v47 =	vadd.s32 $0x3, v45;
	v52 =	vld.idx.msk [tilespmem:v52+s16+$0x0], $0xffff;
	[tilespmem:v54+s28+$0x0] =	vst.idx.msk $0xffff, v53;
	v53 =	vadd.s32 v13, v28  }
0x5d9: {  	v54 =	vadd.s32 v12, v29;
	v35 =	vld.idx.msk [tilespmem:v35+s16+$0x0], $0xffff;
	[tilespmem:v57+s28+$0x0] =	vst.idx.msk $0xffff, v39;
	v39 =	vadd.s32 $0x3, v37  }
0x5da: {  	[tilespmem:v59+s28+$0x0] =	vst.idx.msk $0xffff, v58;
	v59 =	vadd.s32 v12, v30;
	v57 =	vadd.s32 $0x2, v38;
	v58 =	vld.idx.msk [tilespmem:v60+s16+$0x0], $0xffff  }
0x5db: {  	[tilespmem:v61+s28+$0x0] =	vst.idx.msk $0xffff, v33;
	v61 =	vadd.s32 v14, v26;
	v60 =	vld.idx.msk [tilespmem:v62+s16+$0x0], $0xffff;
	v62 =	vadd.s32 $0x2, v34  }
0x5dc: {  	v42 =	vadd.s32 $0x4, v42;
	v40 =	vld.idx.msk [tilespmem:v40+s16+$0x0], $0xffff;
	[tilespmem:v63+s28+$0x0] =	vst.idx.msk $0xffff, v44;
	v63 =	vadd.s32 v15, v23  }
0x5dd: {  	[tilespmem:v53+s28+$0x0] =	vst.idx.msk $0xffff, v52;
	v46 =	vld.idx.msk [tilespmem:v47+s16+$0x0], $0xffff;
	v47 =	vadd.s32 v14, v27  }
0x5de: {  	v45 =	vadd.s32 $0x4, v45;
	v52 =	vadd.s32 v14, v28;
	[tilespmem:v54+s28+$0x0] =	vst.idx.msk $0xffff, v35;
	v39 =	vld.idx.msk [tilespmem:v39+s16+$0x0], $0xffff  }
0x5df: {  	v55 =	vadd.s32 $0x4, v37;
	v56 =	vld.idx.msk [tilespmem:v57+s16+$0x0], $0xffff;
	v57 =	vadd.s32 v13, v29;
	[tilespmem:v59+s28+$0x0] =	vst.idx.msk $0xffff, v58  }
0x5e0: {  	[tilespmem:v61+s28+$0x0] =	vst.idx.msk $0xffff, v60;
	v58 =	vadd.s32 $0x3, v38;
	v60 =	vadd.s32 v13, v30;
	v59 =	vld.idx.msk [tilespmem:v62+s16+$0x0], $0xffff  }
0x5e1: {  	s0 =	sadd.s32 $0x10, s24;
	[tilespmem:v63+s28+$0x0] =	vst.idx.msk $0xffff, v40;
	v61 =	vld.idx.msk [tilespmem:v42+s16+$0x0], $0xffff;
	v62 =	vadd.s32 v15, v26;
	v63 =	vadd.s32 $0x3, v34  }
0x5e2: {  	v48 =	vadd.s32 v16, v21;
	v50 =	vld [tilespmem:s0+$0x0];
	[tilespmem:v47+s28+$0x0] =	vst.idx.msk $0xffff, v46  }
0x5e3: {  	v51 =	vadd.s32 v15, v27;
	v45 =	vld.idx.msk [tilespmem:v45+s16+$0x0], $0xffff;
	[tilespmem:v52+s28+$0x0] =	vst.idx.msk $0xffff, v39  }
0x5e4: {  	v52 =	vadd.s32 v15, v28;
	[tilespmem:v57+s28+$0x0] =	vst.idx.msk $0xffff, v56;
	v35 =	vld.idx.msk [tilespmem:v55+s16+$0x0], $0xffff  }
0x5e5: {  	v54 =	vadd.s32 v14, v29;
	v53 =	vld.idx.msk [tilespmem:v58+s16+$0x0], $0xffff;
	[tilespmem:v60+s28+$0x0] =	vst.idx.msk $0xffff, v59  }
0x5e6: {  	vm8 =	vgt.f32 v36, v31;
	s0 =	sadd.s32 $0x10, s0;
	v55 =	vadd.s32 $0x4, v38;
	[tilespmem:v62+s28+$0x0] =	vst.idx.msk $0xffff, v61;
	v56 =	vld.idx.msk [tilespmem:v63+s16+$0x0], $0xffff  }
0x5e7: {  	v49 =	vadd.s32 $0x1, v24;
	vm9 =	vle.f32 v41, v31;
	[tilespmem:v48+s28+$0x0] =	vst.idx.msk $0xffff, v25;
	v57 =	vadd.s32 v14, v30;
	v42 =	vld [tilespmem:s0+$0x0]  }
0x5e8: {  	v41 =	vsel vm9, $0x1, v0;
	v34 =	vadd.s32 $0x4, v34;
	v58 =	vsel vm8, $0xFFFFFFFF, v0;
	s0 =	sadd.s32 $0x10, s0;
	[tilespmem:v51+s28+$0x0] =	vst.idx.msk $0xffff, v45  }
0x5e9: {  	v40 =	vadd.s32 v58, v41;
	v59 =	vmul.f32 $9.990000000e+02, v50;
	v41 =	vld [tilespmem:s0+$0x0];
	s0 =	sadd.s32 $0x10, s0;
	[tilespmem:v52+s28+$0x0] =	vst.idx.msk $0xffff, v35  }
0x5ea: {  	[tilespmem:v54+s28+$0x0] =	vst.idx.msk $0xffff, v53;
	v35 =	vld [tilespmem:s0+$0x0]  }
0x5eb: {  	v47 =	vadd.s32 v17, v21;
	v61 =	vadd.s32 v15, v29;
	v60 =	vtrunc.f32 v59;
	v33 =	vld.idx.msk [tilespmem:v55+s16+$0x0], $0xffff  }
0x5ec: {  	v39 =	vld.idx.msk [tilespmem:v49+s17+$0x0], $0xffff;
	v32 =	vadd.s32 v32, v40;
	v31 =	vcvt.f32.s32 v60;
	[tilespmem:v57+s28+$0x0] =	vst.idx.msk $0xffff, v56;
	v62 =	vmul.f32 $9.990000000e+02, v42  }
0x5ed: {  	v63 =	vadd.s32 v15, v30;
	v32 =	vmul.u32 $0x5, v32;
	v34 =	vld.idx.msk [tilespmem:v34+s16+$0x0], $0xffff  }
0x5ee: {  	vm10 =	vgt.s32 v31, $0x0;
	v37 =	vtrunc.f32 v62;
	v51 =	vmul.f32 $9.990000000e+02, v41  }
0x5ef: {  	v31 =	vnsel vm10, $0x0, v31;
	v37 =	vcvt.f32.s32 v37  }
0x5f0: {  	s0 =	sadd.s32 $0x10, s0;
	v31 =	vmin.u32 v31, $0x3E6;
	v43 =	vtrunc.f32 v51;
	v54 =	vmul.f32 $9.990000000e+02, v35;
	[tilespmem:v61+s28+$0x0] =	vst.idx.msk $0xffff, v33  }
0x5f1: {  	[tilespmem:v47+s28+$0x0] =	vst.idx.msk $0xffff, v39;
	v33 =	vadd.s32 $0x1, v31;
	vm11 =	vgt.s32 v37, $0x0;
	v55 =	vcvt.f32.s32 v43;
	v43 =	vld [tilespmem:s0+$0x0]  }
0x5f2: {  	v49 =	vadd.s32 $0x2, v24;
	v39 =	vadd.s32 v18, v21;
	s0 =	sadd.s32 $0x10, s0;
	[tilespmem:v63+s28+$0x0] =	vst.idx.msk $0xffff, v34;
	v37 =	vnsel vm11, $0x0, v37  }
0x5f3: {  	v52 =	vadd.s32 v16, v22;
	v46 =	vtrunc.f32 v54;
	v34 =	vld [tilespmem:s0+$0x0];
	v57 =	vmin.u32 v37, $0x3E6  }
0x5f4: {  	v53 =	vld.idx.msk [tilespmem:v32+s17+$0x0], $0xffff;
	vm12 =	vgt.s32 v55, $0x0;
	v58 =	vcvt.f32.s32 v46;
	v40 =	vadd.s32 $0x1, v57  }
0x5f5: {  	v56 =	vadd.s32 $0x1, v32;
	v62 =	vadd.s32 v17, v22;
	v31 =	vld.idx.msk [tilespmem:v31+s18+$0x0], $0xffff;
	v36 =	vnsel vm12, $0x0, v55  }
0x5f6: {  	v36 =	vmin.u32 v36, $0x3E6;
	vm13 =	vgt.s32 v58, $0x0;
	v59 =	vld.idx.msk [tilespmem:v33+s18+$0x0], $0xffff;
	v60 =	vmul.f32 $9.990000000e+02, v43  }
0x5f7: {  	v54 =	vadd.s32 $0x2, v32;
	v45 =	vadd.s32 $0x1, v36;
	v37 =	vnsel vm13, $0x0, v58  }
0x5f8: {  	v37 =	vmin.u32 v37, $0x3E6;
	v61 =	vmul.f32 $9.990000000e+02, v34;
	v25 =	vld.idx.msk [tilespmem:v57+s18+$0x0], $0xffff;
	v46 =	vtrunc.f32 v60  }
0x5f9: {  	[tilespmem:v52+s28+$0x0] =	vst.idx.msk $0xffff, v53;
	v52 =	vadd.s32 v19, v21;
	v51 =	vadd.s32 $0x1, v37;
	v63 =	vld.idx.msk [tilespmem:v40+s18+$0x0], $0xffff;
	v46 =	vcvt.f32.s32 v46  }
0x5fa: {  	v53 =	vadd.s32 v19, v22;
	vm14 =	vgt.f32 v31, v50;
	v48 =	vtrunc.f32 v61  }
0x5fb: {  	v38 =	vld.idx.msk [tilespmem:v56+s17+$0x0], $0xffff;
	vm15 =	vle.f32 v59, v50;
	v58 =	vcvt.f32.s32 v48;
	vm4 =	vgt.s32 v46, $0x0  }
0x5fc: {  	v44 =	vsel vm14, $0xFFFFFFFF, v0;
	v57 =	vld.idx.msk [tilespmem:v36+s18+$0x0], $0xffff;
	v50 =	vsel vm15, $0x1, v0;
	v46 =	vnsel vm4, $0x0, v46  }
0x5fd: {  	v59 =	vld.idx.msk [tilespmem:v45+s18+$0x0], $0xffff;
	vm5 =	vgt.s32 v58, $0x0;
	vm6 =	vgt.f32 v25, v42;
	v46 =	vmin.u32 v46, $0x3E6  }
0x5fe: {  	v61 =	vld.idx.msk [tilespmem:v51+s18+$0x0], $0xffff;
	v60 =	vnsel vm5, $0x0, v58;
	vm7 =	vle.f32 v63, v42;
	v42 =	vadd.s32 $0x1, v46  }
0x5ff: {  	v49 =	vld.idx.msk [tilespmem:v49+s17+$0x0], $0xffff;
	v21 =	vadd.s32 v20, v21;
	v44 =	vadd.s32 v44, v50;
	v25 =	vmin.u32 v60, $0x3E6  }
0x600: {  	[tilespmem:v62+s28+$0x0] =	vst.idx.msk $0xffff, v38;
	v37 =	vld.idx.msk [tilespmem:v37+s18+$0x0], $0xffff;
	v33 =	vadd.s32 v33, v44;
	v31 =	vadd.s32 $0x1, v25  }
0x601: {  	v56 =	vld.idx.msk [tilespmem:v54+s17+$0x0], $0xffff;
	v62 =	vsel vm6, $0xFFFFFFFF, v0;
	v63 =	vsel vm7, $0x1, v0;
	vm8 =	vgt.f32 v57, v41  }
0x602: {  	vm9 =	vle.f32 v59, v41;
	v41 =	vadd.s32 $0x3, v24;
	v59 =	vadd.s32 v18, v22;
	v60 =	vld.idx.msk [tilespmem:v46+s18+$0x0], $0xffff  }
0x603: {  	v38 =	vadd.s32 v62, v63;
	vm11 =	vle.f32 v61, v35;
	v61 =	vadd.s32 $0x3, v32;
	v62 =	vld.idx.msk [tilespmem:v42+s18+$0x0], $0xffff  }
0x604: {  	v33 =	vmul.u32 $0x5, v33;
	v57 =	vsel vm8, $0xFFFFFFFF, v0;
	v24 =	vadd.s32 $0x4, v24;
	v25 =	vld.idx.msk [tilespmem:v25+s18+$0x0], $0xffff  }
0x605: {  	vm10 =	vgt.f32 v37, v35;
	v58 =	vsel vm9, $0x1, v0;
	v38 =	vadd.s32 v40, v38;
	v50 =	vld.idx.msk [tilespmem:v31+s18+$0x0], $0xffff  }
0x606: {  	[tilespmem:v39+s28+$0x0] =	vst.idx.msk $0xffff, v49;
	v37 =	vadd.s32 v57, v58;
	v63 =	vsel vm10, $0xFFFFFFFF, v0;
	v32 =	vadd.s32 $0x4, v32  }
0x607: {  	v38 =	vmul.u32 $0x5, v38;
	v37 =	vadd.s32 v45, v37;
	v49 =	vsel vm11, $0x1, v0;
	v41 =	vld.idx.msk [tilespmem:v41+s17+$0x0], $0xffff;
	[tilespmem:v59+s28+$0x0] =	vst.idx.msk $0xffff, v56  }
0x608: {  	v39 =	vadd.s32 v63, v49;
	v37 =	vmul.u32 $0x5, v37;
	v54 =	vld.idx.msk [tilespmem:v61+s17+$0x0], $0xffff;
	vm12 =	vgt.f32 v60, v43  }
0x609: {  	v55 =	vadd.s32 v51, v39;
	vm13 =	vle.f32 v62, v43;
	v56 =	vsel vm12, $0xFFFFFFFF, v0  }
0x60a: {  	v43 =	vsel vm13, $0x1, v0;
	vm14 =	vgt.f32 v25, v34;
	vm15 =	vle.f32 v50, v34  }
0x60b: {  	v57 =	vadd.s32 v56, v43;
	v58 =	vsel vm14, $0xFFFFFFFF, v0;
	v59 =	vsel vm15, $0x1, v0  }
0x60c: {  	v36 =	vmul.u32 $0x5, v55;
	[tilespmem:v52+s28+$0x0] =	vst.idx.msk $0xffff, v41;
	v25 =	vadd.s32 v42, v57;
	v34 =	vadd.s32 v58, v59  }
0x60d: {  	v24 =	vld.idx.msk [tilespmem:v24+s17+$0x0], $0xffff;
	[tilespmem:v53+s28+$0x0] =	vst.idx.msk $0xffff, v54;
	v25 =	vmul.u32 $0x5, v25;
	v31 =	vadd.s32 v31, v34  }
0x60e: {  	v22 =	vadd.s32 v20, v22;
	v32 =	vld.idx.msk [tilespmem:v32+s17+$0x0], $0xffff;
	v31 =	vmul.u32 $0x5, v31  }
0x60f: {  	v60 =	vadd.s32 v16, v23;
	v61 =	vld.idx.msk [tilespmem:v33+s17+$0x0], $0xffff  }
0x610: {  	v63 =	vadd.s32 v16, v26;
	v62 =	vadd.s32 $0x1, v33;
	v48 =	vld.idx.msk [tilespmem:v38+s17+$0x0], $0xffff  }
0x611: {  	v49 =	vadd.s32 $0x1, v38;
	v50 =	vadd.s32 v16, v27;
	v51 =	vld.idx.msk [tilespmem:v37+s17+$0x0], $0xffff  }
0x612: {  	v52 =	vadd.s32 v16, v28;
	v53 =	vld.idx.msk [tilespmem:v36+s17+$0x0], $0xffff;
	[tilespmem:v21+s28+$0x0] =	vst.idx.msk $0xffff, v24;
	v21 =	vadd.s32 $0x1, v37  }
0x613: {  	v54 =	vadd.s32 v16, v29;
	[tilespmem:v22+s28+$0x0] =	vst.idx.msk $0xffff, v32;
	v22 =	vadd.s32 $0x1, v36;
	v55 =	vld.idx.msk [tilespmem:v25+s17+$0x0], $0xffff  }
0x614: {  	v57 =	vadd.s32 v16, v30;
	[tilespmem:v60+s28+$0x0] =	vst.idx.msk $0xffff, v61;
	v56 =	vadd.s32 $0x1, v25;
	v58 =	vld.idx.msk [tilespmem:v31+s17+$0x0], $0xffff  }
0x615: {  	v59 =	vadd.s32 v17, v23;
	v39 =	vld.idx.msk [tilespmem:v62+s17+$0x0], $0xffff;
	[tilespmem:v63+s28+$0x0] =	vst.idx.msk $0xffff, v48;
	v60 =	vadd.s32 $0x1, v31  }
0x616: {  	v61 =	vadd.s32 $0x2, v33;
	v62 =	vadd.s32 v17, v26;
	v42 =	vld.idx.msk [tilespmem:v49+s17+$0x0], $0xffff;
	[tilespmem:v50+s28+$0x0] =	vst.idx.msk $0xffff, v51  }
0x617: {  	v63 =	vadd.s32 $0x2, v38;
	v48 =	vadd.s32 v17, v27;
	[tilespmem:v52+s28+$0x0] =	vst.idx.msk $0xffff, v53;
	v21 =	vld.idx.msk [tilespmem:v21+s17+$0x0], $0xffff  }
0x618: {  	v49 =	vadd.s32 $0x2, v37;
	v50 =	vadd.s32 v17, v28;
	[tilespmem:v54+s28+$0x0] =	vst.idx.msk $0xffff, v55;
	v22 =	vld.idx.msk [tilespmem:v22+s17+$0x0], $0xffff  }
0x619: {  	v51 =	vadd.s32 $0x2, v36;
	v52 =	vadd.s32 v17, v29;
	v34 =	vld.idx.msk [tilespmem:v56+s17+$0x0], $0xffff;
	[tilespmem:v57+s28+$0x0] =	vst.idx.msk $0xffff, v58  }
0x61a: {  	v53 =	vadd.s32 $0x2, v25;
	[tilespmem:v59+s28+$0x0] =	vst.idx.msk $0xffff, v39;
	v55 =	vadd.s32 v17, v30;
	v54 =	vld.idx.msk [tilespmem:v60+s17+$0x0], $0xffff  }
0x61b: {  	[tilespmem:v62+s28+$0x0] =	vst.idx.msk $0xffff, v42;
	v43 =	vld.idx.msk [tilespmem:v61+s17+$0x0], $0xffff;
	v56 =	vadd.s32 v18, v23;
	v57 =	vadd.s32 $0x2, v31  }
0x61c: {  	v24 =	vld.idx.msk [tilespmem:v63+s17+$0x0], $0xffff;
	v58 =	vadd.s32 v18, v26;
	[tilespmem:v48+s28+$0x0] =	vst.idx.msk $0xffff, v21;
	v21 =	vadd.s32 $0x3, v33  }
0x61d: {  	v59 =	vadd.s32 v18, v27;
	v32 =	vld.idx.msk [tilespmem:v49+s17+$0x0], $0xffff;
	[tilespmem:v50+s28+$0x0] =	vst.idx.msk $0xffff, v22;
	v22 =	vadd.s32 $0x3, v38  }
0x61e: {  	v61 =	vadd.s32 v18, v28;
	v60 =	vadd.s32 $0x3, v37;
	[tilespmem:v52+s28+$0x0] =	vst.idx.msk $0xffff, v34;
	v35 =	vld.idx.msk [tilespmem:v51+s17+$0x0], $0xffff  }
0x61f: {  	v62 =	vadd.s32 $0x3, v36;
	v63 =	vadd.s32 v18, v29;
	v39 =	vld.idx.msk [tilespmem:v53+s17+$0x0], $0xffff;
	[tilespmem:v55+s28+$0x0] =	vst.idx.msk $0xffff, v54  }
0x620: {  	v48 =	vadd.s32 $0x3, v25;
	v49 =	vadd.s32 v18, v30;
	[tilespmem:v56+s28+$0x0] =	vst.idx.msk $0xffff, v43;
	v44 =	vld.idx.msk [tilespmem:v57+s17+$0x0], $0xffff  }
0x621: {  	v50 =	vadd.s32 v19, v23;
	v51 =	vadd.s32 $0x3, v31;
	[tilespmem:v58+s28+$0x0] =	vst.idx.msk $0xffff, v24;
	v21 =	vld.idx.msk [tilespmem:v21+s17+$0x0], $0xffff  }
0x622: {  	v52 =	vadd.s32 $0x4, v33;
	v53 =	vadd.s32 v19, v26;
	[tilespmem:v59+s28+$0x0] =	vst.idx.msk $0xffff, v32;
	v22 =	vld.idx.msk [tilespmem:v22+s17+$0x0], $0xffff  }
0x623: {  	v54 =	vadd.s32 $0x4, v38;
	v55 =	vadd.s32 v19, v27;
	v34 =	vld.idx.msk [tilespmem:v60+s17+$0x0], $0xffff;
	[tilespmem:v61+s28+$0x0] =	vst.idx.msk $0xffff, v35  }
0x624: {  	v37 =	vadd.s32 $0x4, v37;
	v57 =	vadd.s32 v19, v28;
	[tilespmem:v63+s28+$0x0] =	vst.idx.msk $0xffff, v39;
	v56 =	vld.idx.msk [tilespmem:v62+s17+$0x0], $0xffff  }
0x625: {  	v36 =	vadd.s32 $0x4, v36;
	v58 =	vadd.s32 v19, v29;
	v41 =	vld.idx.msk [tilespmem:v48+s17+$0x0], $0xffff;
	[tilespmem:v49+s28+$0x0] =	vst.idx.msk $0xffff, v44  }
0x626: {  	v60 =	vadd.s32 v19, v30;
	[tilespmem:v50+s28+$0x0] =	vst.idx.msk $0xffff, v21;
	v21 =	vadd.s32 $0x4, v25;
	v59 =	vld.idx.msk [tilespmem:v51+s17+$0x0], $0xffff  }
0x627: {  	v23 =	vadd.s32 v20, v23;
	v32 =	vld.idx.msk [tilespmem:v52+s17+$0x0], $0xffff;
	[tilespmem:v53+s28+$0x0] =	vst.idx.msk $0xffff, v22;
	v22 =	vadd.s32 $0x4, v31  }
0x628: {  	v26 =	vadd.s32 v20, v26;
	[tilespmem:v55+s28+$0x0] =	vst.idx.msk $0xffff, v34;
	v61 =	vld.idx.msk [tilespmem:v54+s17+$0x0], $0xffff  }
0x629: {  	v27 =	vadd.s32 v20, v27;
	v62 =	vld.idx.msk [tilespmem:v37+s17+$0x0], $0xffff;
	[tilespmem:v57+s28+$0x0] =	vst.idx.msk $0xffff, v56  }
0x62a: {  	v28 =	vadd.s32 v20, v28;
	v63 =	vld.idx.msk [tilespmem:v36+s17+$0x0], $0xffff;
	[tilespmem:v58+s28+$0x0] =	vst.idx.msk $0xffff, v41  }
0x62b: {  	v29 =	vadd.s32 v20, v29;
	v21 =	vld.idx.msk [tilespmem:v21+s17+$0x0], $0xffff;
	[tilespmem:v60+s28+$0x0] =	vst.idx.msk $0xffff, v59  }
0x62c: {  	[tilespmem:v23+s28+$0x0] =	vst.idx.msk $0xffff, v32;
	v23 =	vadd.s32 v20, v30;
	v22 =	vld.idx.msk [tilespmem:v22+s17+$0x0], $0xffff  }
0x62d: {  	[tilespmem:v26+s28+$0x0] =	vst.idx.msk $0xffff, v61  }
0x62e: {  	[tilespmem:v27+s28+$0x0] =	vst.idx.msk $0xffff, v62  }
0x62f: {  	[tilespmem:v28+s28+$0x0] =	vst.idx.msk $0xffff, v63  }
0x630: {  	[tilespmem:v29+s28+$0x0] =	vst.idx.msk $0xffff, v21  }
0x631: {  	[tilespmem:v23+s28+$0x0] =	vst.idx.msk $0xffff, v22  }
0x632: {  	s11 =	simm.s32 $0x0;
	s1 =	simm.s32 $0x4;
	s26 =	rddreg [dreg:$0xf]  }
0x633: {  	[hbm4b:s26+s11] =	stream.linear.scatter [tilespmem:s28], [sflag:$0x4], $0x5000, $0x38;
	[tilespmem:$0x1CC28] =	vst v63  }
0x634: {  	_ =	swait.ge [sflag:s1], $0x5000  }
0x635: {  	s29 =	rddreg [dreg:$0x11]  }
0x636: {  	s31 =	rddreg [dreg:$0x10];
	s2 =	sadd.s32 $0x1, s29  }
0x637: {  	p0 =	sne.s32 s2, s31  }
.Ltmp5:
0x638: {  	_ = 	snop;
	(pc) =	sbr.rel @p0 .LBB2_1-.Ltmp5, $4  }
0x639: {  	s14 =	simm.s32 $0x9400  }
0x63a: {  	s8 =	simm.s32 $0xC400;
	s5 =	simm.s32 $0xA400;
	s10 =	simm.s32 $0x6400  }
0x63b: {  	s9 =	simm.s32 $0xD400;
	s6 =	simm.s32 $0xB400;
	[sflag:s1] =	ssyncset.done $0x0  }
0x63c: {  	s13 =	simm.s32 $0x8400;
	s12 =	simm.s32 $0x7400;
	[sflag:s1] =	ssyncadd.s32 $0xFFFFB000  }
0x63d: {  	_ =	sfence.sel $0x180000  }
0x63e: {  	[bflag:$0x0] =	sbarrier.arrive $0xFFFF  }
0x63f: {  	_ =	strace $0x90000047  }
0x640: {  	s0 =	stileid.u32;
	[bflag:$0x2] =	sbarrier.arrive $0xFFFF  }
0x641: {  	p0 =	sne.s32 s0, $0x0;
	s0 =	rddreg [dreg:$0xa]  }
0x642: {  	s0 =	sadd.s32 @!p0 $0x100000, s0  }
0x643: {  	[sflag:s0] =	ssyncadd.tile.s32 @!p0 $0x1;
	_ =	shalt  }
.Lfunc_end2:
_tile_overlayer_lowered:
.L_overlay_start_2:
0x644: {  	(tag) =	ssettag $0x2  }
0x645: {  	s0 =	rddreg [dreg:$0x0];
	s2 =	stileid.u32  }
0x646: {  	s1 =	rddreg [dreg:$0x1];
	p0 =	sne.s32 s2, $0x0  }
0x647: {  	s3 =	rddreg [dreg:$0x2];
	[bflag:$0x3] =	sbarrier.arrive $0xFFFF;
	s2 =	simm.s32 @!p0 $0x1C04  }
0x648: {  	[timem:s3], [sflag:s2] =	dma.local @!p0 [hbm:s0], s1  }
0x649: {  	s0 =	simm.s32 @!p0 $0x4  }
0x64a: {  	_ =	swait.ge @!p0 [sflag:s0], s1  }
0x64b: {  	s1 =	ssub.s32 @!p0 $0x0, s1;
	[sflag:s0] =	ssyncset.done @!p0 $0x0  }
0x64c: {  	[sflag:s0] =	ssyncadd.s32 @!p0 s1  }
0x64d: {  	[bflag:$0x3] =	sbarrier.arrive $0xFFFF  }
0x64e: {  	_ =	shalt  }

</sc_bundles>
